<compile_context>
chip_gen: v7x
topology: tpu7x:2x2x1
jax: 0.10.2.dev20260603
libtpu: 0.0.44.dev20260713+nightly
codegen_flags: <defaults>
</compile_context>

<pallas_src>
import functools

import jax
import jax.numpy as jnp
from jax import lax
from jax.experimental import pallas as pl
from jax.experimental.pallas import tpu as pltpu
from jax.experimental.pallas import tpu_sc as plsc

MAX_DEG = 192
B = 192
NEG = -1e30
CH = 128
NW = 32


def _proj_body(x_ref, wl_ref, bl_ref, w0_ref, w1_ref, w2_ref, eb_ref, qkv_ref):
    x = x_ref[...]
    d = x.shape[1]
    h = jnp.dot(x, wl_ref[...], preferred_element_type=jnp.float32) + bl_ref[...]
    eb = eb_ref[...]
    qkv_ref[:, 0:d] = jnp.dot(h, w0_ref[...], preferred_element_type=jnp.float32) + eb[0:1, :]
    qkv_ref[:, d:2 * d] = jnp.dot(h, w1_ref[...], preferred_element_type=jnp.float32) + eb[1:2, :]
    qkv_ref[:, 2 * d:3 * d] = jnp.dot(h, w2_ref[...], preferred_element_type=jnp.float32) + eb[2:3, :]


def _gather_body(table_hbm, idx_hbm, out_hbm, idx_v, rows_v, sem):
    wid = lax.axis_index("s") * 2 + lax.axis_index("c")
    nchunks = idx_hbm.shape[0] // CH
    nmine = (nchunks - wid + NW - 1) // NW

    def body(i, _):
        base = (wid + i * NW) * CH
        pltpu.sync_copy(idx_hbm.at[pl.ds(base, CH)], idx_v)
        pltpu.async_copy(table_hbm.at[idx_v], rows_v, sem).wait()
        pltpu.sync_copy(rows_v, out_hbm.at[pl.ds(base, CH)])
        return 0

    lax.fori_loop(0, nmine, body, 0)


def _segreduce_body(split, np2, nacc, s_hbm, dst_hbm, pos_hbm, vps_hbm,
                    mvec_hbm, cb_hbm, out_hbm, idx_v, iw_v, tl_v, s_v, pos_v,
                    w_v, rows_v, scaled_v, wrow_v, mvec_v, cb_v, acc_sh):
    cid = lax.axis_index("c")
    sid = lax.axis_index("s")
    nchunks = s_hbm.shape[0] // CH
    stripe = nacc // 16
    tb = np2 + np2 // 8
    r0 = sid * stripe

    def zrow(r, _):
        for j in range(8):
            scaled_v[r, pl.ds(j * 16, 16)] = jnp.zeros((16,), jnp.float32)
        return 0
    lax.fori_loop(0, CH, zrow, 0)
    for kk in range(stripe // CH):
        pltpu.sync_copy(scaled_v, acc_sh.at[pl.ds(r0 + kk * CH, CH)])
    plsc.subcore_barrier()

    pltpu.sync_copy(mvec_hbm, mvec_v)
    pltpu.sync_copy(cb_hbm, cb_v)
    cb = cb_v[pl.ds(0, 1)][0]
    start = cid * jnp.maximum(cb - 1, 0)
    end = cb + cid * (nchunks - cb)
    nmine = (end - start - sid + 15) // 16
    base_v = lax.broadcast_in_dim(cid * split, (16,), ())
    lane = lax.iota(jnp.int32, 16)
    zero16 = jnp.zeros((16,), jnp.float32)

    def chunk(i, _):
        base = (start + sid + i * 16) * CH
        pltpu.sync_copy(dst_hbm.at[pl.ds(base, CH)], idx_v)
        pltpu.sync_copy(s_hbm.at[pl.ds(base, CH)], s_v)
        pltpu.sync_copy(pos_hbm.at[pl.ds(base, CH)], pos_v)
        pltpu.sync_copy(vps_hbm.at[pl.ds(base, CH)], rows_v)
        mv = mvec_v[...]
        for g in range(CH // 16):
            sg = s_v[pl.ds(g * 16, 16)]
            pg = pos_v[pl.ds(g * 16, 16)]
            dg = idx_v[pl.ds(g * 16, 16)]
            w_v[pl.ds(g * 16, 16)] = jnp.where(pg < MAX_DEG, jnp.exp(sg - mv), 0.0)
            rel = dg - base_v
            ok = (rel >= 0) & (rel < np2)
            trash = tb + (dg & 127)
            idx_v[pl.ds(g * 16, 16)] = jnp.where(ok, rel, trash)
            iw_v[pl.ds(g * 16, 16)] = jnp.where(
                ok, np2 + lax.shift_right_logical(rel, 3), trash)
            tl_v[pl.ds(g * 16, 16)] = (rel & 7) * 16

        def edge(ei, _):
            ws = w_v[pl.ds(ei, 1)][0]
            tl = tl_v[pl.ds(ei, 1)][0]
            wsb = lax.broadcast_in_dim(ws, (16,), ())
            tlb = lax.broadcast_in_dim(tl, (16,), ())
            for j in range(8):
                scaled_v[ei, pl.ds(j * 16, 16)] = rows_v[ei, pl.ds(j * 16, 16)] * wsb
                wrow_v[ei, pl.ds(j * 16, 16)] = jnp.where(
                    lane == tlb - 16 * j, wsb, zero16)
            return 0
        lax.fori_loop(0, CH, edge, 0)
        pltpu.sync_copy(scaled_v, acc_sh.at[idx_v], add=True)
        pltpu.sync_copy(wrow_v, acc_sh.at[iw_v], add=True)
        return 0

    lax.fori_loop(0, nmine, chunk, 0)
    plsc.subcore_barrier()
    for kk in range(stripe // CH):
        pltpu.sync_copy(acc_sh.at[pl.ds(r0 + kk * CH, CH)], scaled_v)
        pltpu.sync_copy(scaled_v, out_hbm.at[cid, pl.ds(r0 + kk * CH, CH)])


def _attn_body(nb2, gm1_ref, g0_ref, g1_ref, g2_ref, mq0_ref, mq1_ref,
               mkm1_ref, mk0_ref, mk1_ref, mk2_ref,
               w3_ref, wl_ref, w2_ref, bp_ref, vout_ref, sout_ref, mout_ref,
               msc_ref):
    b = pl.program_id(0)
    d = w3_ref.shape[0]
    g0 = g0_ref[...]
    g1 = g1_ref[...]
    q = jnp.concatenate([g0[:, 0:d], g1[:, 0:d]], axis=0)
    k = jnp.concatenate([gm1_ref[:, d:2 * d], g0[:, d:2 * d],
                         g1[:, d:2 * d], g2_ref[:, d:2 * d]], axis=0)
    v = jnp.concatenate([gm1_ref[:, 2 * d:], g0[:, 2 * d:],
                         g1[:, 2 * d:], g2_ref[:, 2 * d:]], axis=0)
    mq = jnp.concatenate([mq0_ref[0], mq1_ref[0]], axis=0)
    dq = mq[:, 0:1]
    pq = mq[:, 1:2]
    mk = jnp.concatenate([mkm1_ref[0], mk0_ref[0], mk1_ref[0], mk2_ref[0]],
                         axis=1)
    dk = mk[0:1, :]
    pk = mk[1:2, :]
    cols = lax.broadcasted_iota(jnp.int32, (1, 4 * B), 1)
    okl = (b > 0).astype(jnp.int32)
    okr = (b < nb2 - 1).astype(jnp.int32)
    band = jnp.where(cols < B, okl, jnp.where(cols >= 3 * B, okr, 1))
    mask = (dq == dk) & (pk < MAX_DEG) & (band > 0)
    scores = lax.dot_general(q, k, (((1,), (1,)), ((), ())),
                             preferred_element_type=jnp.float32)
    scores = scores * (1.0 / jnp.sqrt(jnp.float32(d)))
    scores = jnp.where(mask, scores, NEG)
    m = jnp.max(scores, axis=1, keepdims=True)
    ex = jnp.exp(scores - m)
    den = jnp.sum(ex, axis=1, keepdims=True)
    att = jnp.dot(ex, v, preferred_element_type=jnp.float32) / den
    out = q + att
    bp = bp_ref[...]
    xe = out + jax.nn.relu(
        jnp.dot(out, w3_ref[...], preferred_element_type=jnp.float32) + bp[0:1, :])
    kp = jax.nn.relu(
        jnp.dot(xe, wl_ref[...], preferred_element_type=jnp.float32) + bp[1:2, :])
    vout_ref[...] = jnp.dot(kp, w2_ref[...], preferred_element_type=jnp.float32) + bp[2:3, :]
    s = jnp.sum(kp * bp[3:4, :], axis=1, keepdims=True) + bp[4:5, 0:1]
    sout_ref[...] = s
    blk_m = jnp.max(jnp.where(pq < MAX_DEG, s, NEG))

    @pl.when(b == 0)
    def _():
        msc_ref[0, 0] = NEG
    msc_ref[0, 0] = jnp.maximum(msc_ref[0, 0], blk_m)

    @pl.when(b == nb2 - 1)
    def _():
        mout_ref[...] = jnp.broadcast_to(msc_ref[0, 0], (1, mout_ref.shape[1]))


def _tail_body(acc_ref, den_ref, qs_ref, w3_ref, wd_ref, wd3_ref, bp_ref, o_ref):
    bp = bp_ref[...]
    a = acc_ref[0]
    den = den_ref[:, 0:1]
    pooled = jnp.where(den > 0.0, a / jnp.maximum(den, 1e-30), bp[3:4, :])
    o = qs_ref[...] + pooled
    xp = o + jax.nn.relu(
        jnp.dot(o, w3_ref[...], preferred_element_type=jnp.float32) + bp[0:1, :])
    t = jnp.dot(xp, wd_ref[...], preferred_element_type=jnp.float32) + bp[1:2, :]
    xd = t + jax.nn.relu(
        jnp.dot(t, wd3_ref[...], preferred_element_type=jnp.float32) + bp[2:3, :])
    xd = jnp.where(jnp.isnan(xd), 0.0, xd)
    o_ref[...] = jnp.clip(xd, 0.0, 3.4028235e38)


def kernel(x, edge_index, W_lin, b_lin, enc_W, enc_b, pma_lin_W, pma_lin_b,
           pma_S, pma_W, pma_b, dec_W, dec_b):
    n, d = x.shape
    e = edge_index.shape[1]
    ep = -(-e // 384) * 384
    nb = ep // B

    src, dst = edge_index[0], edge_index[1]
    order = jnp.argsort(dst)
    dst_s = dst[order]
    src_s = src[order]
    counts = jnp.bincount(dst, length=n)
    starts = jnp.cumsum(counts) - counts
    pos = jnp.arange(e, dtype=jnp.int32) - starts[dst_s].astype(jnp.int32)
    pad = ep - e
    dst_p = jnp.concatenate([dst_s.astype(jnp.int32),
                             jnp.full((pad,), n, jnp.int32)])
    src_p = jnp.concatenate([src_s.astype(jnp.int32),
                             jnp.zeros((pad,), jnp.int32)])
    pos_p = jnp.concatenate([pos, jnp.full((pad,), MAX_DEG, jnp.int32)])

    qseed = (pma_S[0] @ pma_W[0] + pma_b[0])
    inv = 1.0 / jnp.sqrt(jnp.float32(d))
    u = (pma_W[1] @ qseed[0]) * inv
    c = (pma_b[1] @ qseed[0]) * inv
    bias_pack = jnp.zeros((8, d), jnp.float32)
    bias_pack = bias_pack.at[0].set(enc_b[3]).at[1].set(pma_lin_b)
    bias_pack = bias_pack.at[2].set(pma_b[2]).at[3].set(u).at[4, 0].set(c)
    tail_bias = jnp.zeros((8, d), jnp.float32)
    tail_bias = tail_bias.at[0].set(pma_b[3]).at[1].set(dec_b[0] + dec_b[2])
    tail_bias = tail_bias.at[2].set(dec_b[3])
    o0 = enc_b[0] + enc_b[2]
    xe0 = o0 + jax.nn.relu(o0 @ enc_W[3] + enc_b[3])
    kp0 = jax.nn.relu(xe0 @ pma_lin_W + pma_lin_b)
    tail_bias = tail_bias.at[3].set(kp0 @ pma_W[2] + pma_b[2])
    wd02 = dec_W[0] + dec_W[2]

    rb = 2000 if n % 2000 == 0 else n
    qkv = pl.pallas_call(
        _proj_body,
        grid=(n // rb,),
        in_specs=[
            pl.BlockSpec((rb, d), lambda i: (i, 0)),
            pl.BlockSpec((d, d), lambda i: (0, 0)),
            pl.BlockSpec((1, d), lambda i: (0, 0)),
            pl.BlockSpec((d, d), lambda i: (0, 0)),
            pl.BlockSpec((d, d), lambda i: (0, 0)),
            pl.BlockSpec((d, d), lambda i: (0, 0)),
            pl.BlockSpec((4, d), lambda i: (0, 0)),
        ],
        out_specs=pl.BlockSpec((rb, 3 * d), lambda i: (i, 0)),
        out_shape=jax.ShapeDtypeStruct((n, 3 * d), jnp.float32),
    )(x, W_lin, b_lin.reshape(1, d), enc_W[0], enc_W[1], enc_W[2], enc_b)

    mesh = plsc.VectorSubcoreMesh(core_axis_name="c", subcore_axis_name="s")
    g_edge = pl.kernel(
        _gather_body,
        mesh=mesh,
        out_type=jax.ShapeDtypeStruct((ep, 3 * d), jnp.float32),
        scratch_types=[
            pltpu.VMEM((CH,), jnp.int32),
            pltpu.VMEM((CH, 3 * d), jnp.float32),
            pltpu.SemaphoreType.DMA,
        ],
    )(qkv, src_p)

    meta_q = jnp.stack([dst_p.reshape(nb, B), pos_p.reshape(nb, B)], axis=2)
    meta_k = jnp.stack([dst_p.reshape(nb, B), pos_p.reshape(nb, B)], axis=1)

    nb2 = nb // 2
    gm1 = lambda b: (jnp.maximum(2 * b - 1, 0), 0)
    g0m = lambda b: (2 * b, 0)
    g1m = lambda b: (2 * b + 1, 0)
    g2m = lambda b: (jnp.minimum(2 * b + 2, nb - 1), 0)
    vps, sps, mout = pl.pallas_call(
        functools.partial(_attn_body, nb2),
        grid=(nb2,),
        in_specs=[
            pl.BlockSpec((B, 3 * d), gm1),
            pl.BlockSpec((B, 3 * d), g0m),
            pl.BlockSpec((B, 3 * d), g1m),
            pl.BlockSpec((B, 3 * d), g2m),
            pl.BlockSpec((1, B, 2), lambda b: (2 * b, 0, 0)),
            pl.BlockSpec((1, B, 2), lambda b: (2 * b + 1, 0, 0)),
            pl.BlockSpec((1, 2, B), lambda b: (jnp.maximum(2 * b - 1, 0), 0, 0)),
            pl.BlockSpec((1, 2, B), lambda b: (2 * b, 0, 0)),
            pl.BlockSpec((1, 2, B), lambda b: (2 * b + 1, 0, 0)),
            pl.BlockSpec((1, 2, B), lambda b: (jnp.minimum(2 * b + 2, nb - 1), 0, 0)),
            pl.BlockSpec((d, d), lambda b: (0, 0)),
            pl.BlockSpec((d, d), lambda b: (0, 0)),
            pl.BlockSpec((d, d), lambda b: (0, 0)),
            pl.BlockSpec((8, d), lambda b: (0, 0)),
        ],
        out_specs=[pl.BlockSpec((2 * B, d), lambda b: (b, 0)),
                   pl.BlockSpec((2 * B, 1), lambda b: (b, 0)),
                   pl.BlockSpec((1, d), lambda b: (0, 0))],
        out_shape=[jax.ShapeDtypeStruct((ep, d), jnp.float32),
                   jax.ShapeDtypeStruct((ep, 1), jnp.float32),
                   jax.ShapeDtypeStruct((1, d), jnp.float32)],
        scratch_shapes=[pltpu.SMEM((1, 1), jnp.float32)],
    )(g_edge, g_edge, g_edge, g_edge, meta_q, meta_q, meta_k, meta_k, meta_k,
      meta_k, enc_W[3], pma_lin_W, pma_W[2], bias_pack)

    mvec = mout[0, :16]
    split = n // 2
    np2 = -(-max(split, n + 1 - split) // 128) * 128
    nacc = -(-(np2 + np2 // 8 + 128) // 2048) * 2048
    first_hi = jnp.searchsorted(dst_p, split).astype(jnp.int32)
    cb_vec = jnp.broadcast_to((first_hi + CH - 1) // CH, (16,))
    acc2 = pl.kernel(
        functools.partial(_segreduce_body, split, np2, nacc),
        mesh=mesh,
        out_type=jax.ShapeDtypeStruct((2, nacc, d), jnp.float32),
        scratch_types=[
            pltpu.VMEM((CH,), jnp.int32),
            pltpu.VMEM((CH,), jnp.int32),
            pltpu.VMEM((CH,), jnp.int32),
            pltpu.VMEM((CH,), jnp.float32),
            pltpu.VMEM((CH,), jnp.int32),
            pltpu.VMEM((CH,), jnp.float32),
            pltpu.VMEM((CH, d), jnp.float32),
            pltpu.VMEM((CH, d), jnp.float32),
            pltpu.VMEM((CH, d), jnp.float32),
            pltpu.VMEM((16,), jnp.float32),
            pltpu.VMEM((16,), jnp.int32),
            pltpu.VMEM_SHARED((nacc, d), jnp.float32),
        ],
    )(sps.reshape(ep), dst_p, pos_p, vps, mvec, cb_vec)

    den = acc2[:, np2:np2 + np2 // 8].reshape(2 * np2, 16)

    rb4 = 1024 if np2 % 1024 == 0 else 128
    nb2 = np2 // rb4
    out = pl.pallas_call(
        _tail_body,
        grid=(2 * nb2,),
        in_specs=[
            pl.BlockSpec((1, rb4, d), lambda i: (i // nb2, i % nb2, 0)),
            pl.BlockSpec((rb4, 16), lambda i: (i, 0)),
            pl.BlockSpec((1, d), lambda i: (0, 0)),
            pl.BlockSpec((d, d), lambda i: (0, 0)),
            pl.BlockSpec((d, d), lambda i: (0, 0)),
            pl.BlockSpec((d, d), lambda i: (0, 0)),
            pl.BlockSpec((8, d), lambda i: (0, 0)),
        ],
        out_specs=pl.BlockSpec((rb4, d), lambda i: (i, 0)),
        out_shape=jax.ShapeDtypeStruct((2 * np2, d), jnp.float32),
    )(acc2, den, qseed, pma_W[3], wd02, dec_W[3], tail_bias)
    return jnp.concatenate([out[:split], out[np2:np2 + n - split]])

# --- scband reference (transcript-rebuilt; emitter-appended) ---
"""Pipeline reference for scband-encoder-simple-conv-80015240725036 (READ-ONLY COPY).

The authoritative reference and input builder live on the scoring server;
editing this copy changes nothing except your own understanding.
"""

import jax, jax.numpy as jnp
import numpy as np

N_NODES = 10000
N_EDGES = 160000
D_FEAT = 128
HIDDEN = 128
MAX_DEG = 192


def _p(k, shape):
    return jax.random.normal(k, shape, dtype=jnp.float32) * 0.05


def setup_inputs(seed: int = 0):
    key = jax.random.key(seed)
    ks = jax.random.split(key, 12)
    x = jax.random.normal(ks[0], (N_NODES, D_FEAT), dtype=jnp.float32)
    edge_index = jax.random.randint(ks[1], (2, N_EDGES), 0, N_NODES)
    return {
        'x': x,
        'edge_index': edge_index,
        'W_lin': _p(ks[2], (D_FEAT, HIDDEN)),
        'b_lin': jnp.zeros((HIDDEN,), jnp.float32),
        'enc_W': _p(ks[3], (4, HIDDEN, HIDDEN)),
        'enc_b': jnp.zeros((4, HIDDEN), jnp.float32),
        'pma_lin_W': _p(ks[4], (HIDDEN, HIDDEN)),
        'pma_lin_b': jnp.zeros((HIDDEN,), jnp.float32),
        'pma_S': _p(ks[5], (1, 1, HIDDEN)),
        'pma_W': _p(ks[6], (4, HIDDEN, HIDDEN)),
        'pma_b': jnp.zeros((4, HIDDEN), jnp.float32),
        'dec_W': _p(ks[7], (4, HIDDEN, HIDDEN)),
        'dec_b': jnp.zeros((4, HIDDEN), jnp.float32),
    }


def _mab(Q, K, W, b, mask):
    # PyG MAB block (heads=1, layer_norm=False): fc_q, layer_k, layer_v, fc_o
    Qp = Q @ W[0] + b[0]
    Kp = K @ W[1] + b[1]
    Vp = K @ W[2] + b[2]
    score = jnp.einsum('bqd,bkd->bqk', Qp, Kp) / jnp.sqrt(jnp.float32(HIDDEN))
    if mask is not None:
        score = score + mask
    A = jax.nn.softmax(score, axis=-1)
    out = Qp + jnp.einsum('bqk,bkd->bqd', A, Vp)
    return out + jax.nn.relu(out @ W[3] + b[3])


def reference(x, edge_index, W_lin, b_lin, enc_W, enc_b, pma_lin_W, pma_lin_b, pma_S, pma_W, pma_b, dec_W, dec_b):
    # lin1 (lazy Linear(-1, hidden) materialized as [D_FEAT, HIDDEN])
    h = x @ W_lin + b_lin
    # SimpleConv: message = x_j, aggregated per dst via SetTransformerAggregation
    src, dst = edge_index[0], edge_index[1]
    counts = jnp.bincount(dst, length=N_NODES)
    max_deg = MAX_DEG
    order = jnp.argsort(dst)
    dst_s, src_s = dst[order], src[order]
    starts = jnp.cumsum(counts) - counts
    pos = jnp.arange(N_EDGES) - starts[dst_s]
    # to_dense_batch: [N, max_deg, C] neighbor sets + validity mask
    dense = jnp.zeros((N_NODES, max_deg, HIDDEN), jnp.float32).at[dst_s, pos].set(h[src_s], mode='drop')
    valid = jnp.zeros((N_NODES, max_deg), dtype=bool).at[dst_s, pos].set(True, mode='drop')
    mask = jnp.where(valid, 0.0, -1e9)[:, None, :]
    # encoder SAB
    xe = _mab(dense, dense, enc_W, enc_b, mask)
    # PMA: seed attends over relu(lin(x))
    kpma = jax.nn.relu(xe @ pma_lin_W + pma_lin_b)
    seed = jnp.broadcast_to(pma_S, (N_NODES, 1, HIDDEN))
    xp = _mab(seed, kpma, pma_W, pma_b, mask)
    # decoder SAB (no mask; single seed point)
    xd = _mab(xp, xp, dec_W, dec_b, None)
    out = jnp.nan_to_num(xd.reshape(N_NODES, HIDDEN))
    return jax.nn.relu(out)

if __name__ == "__main__":
    import jax
    _d = setup_inputs()
    print(jax.jit(kernel)(*tuple(_d.values())))

</pallas_src>

<mosaic_0001>
#map = affine_map<(d0, d1) -> (0, 0)>
#map1 = affine_map<(d0, d1) -> (0)>
module attributes {stable_mosaic.version = 14 : i64} {
  func.func @_gather_body(%arg0: i32, %arg1: i32, %arg2: memref<10000x384xf32, #tpu.memory_space<hbm>>, %arg3: memref<160128xi32, #tpu.memory_space<hbm>>, %arg4: memref<160128x384xf32, #tpu.memory_space<hbm>>, %arg5: memref<128xi32, #tpu.memory_space<vmem>>, %arg6: memref<128x384xf32, #tpu.memory_space<vmem>>, %arg7: memref<!tpu.dma_semaphore, #tpu.memory_space<semaphore_mem>>) attributes {dimension_semantics = [#tpu.dimension_semantics<core_parallel>, #tpu.dimension_semantics<subcore_parallel>], iteration_bounds = array<i64: 2, 16>, scalar_prefetch = 0 : i64, scratch_operands = 3 : i64, tpu.core_type = #tpu.core_type<sc_vector_subcore>, window_params = [{transform_indices = #map}, {transform_indices = #map1}, {transform_indices = #map}]} {
    %mul3A = arith.constant 2 : i32
    %mul3A_0 = arith.muli %arg1, %mul3A : i32
    %add3A = arith.addi %mul3A_0, %arg0 : i32
    %sub3A = arith.constant 1251 : i32
    %sub3A_1 = arith.subi %sub3A, %add3A : i32
    %add3A_2 = arith.constant 32 : i32
    %add3A_3 = arith.addi %sub3A_1, %add3A_2 : i32
    %sub3A_4 = arith.constant 1 : i32
    %sub3A_5 = arith.subi %add3A_3, %sub3A_4 : i32
    %jit3A = arith.constant 32 : i32
    %div3A = arith.divsi %sub3A_5, %jit3A : i32
    %sign3A = arith.constant 0 : i32
    %sign3A_6 = arith.cmpi sgt, %sub3A_5, %sign3A : i32
    %sign3A_7 = arith.extui %sign3A_6 : i1 to i32
    %sign3A_8 = arith.constant 0 : i32
    %sign3A_9 = arith.cmpi slt, %sub3A_5, %sign3A_8 : i32
    %sign3A_10 = arith.extui %sign3A_9 : i1 to i32
    %sign3A_11 = arith.subi %sign3A_7, %sign3A_10 : i32
    %sign3A_12 = arith.constant 0 : i32
    %sign3A_13 = arith.cmpi sgt, %jit3A, %sign3A_12 : i32
    %sign3A_14 = arith.extui %sign3A_13 : i1 to i32
    %sign3A_15 = arith.constant 0 : i32
    %sign3A_16 = arith.cmpi slt, %jit3A, %sign3A_15 : i32
    %sign3A_17 = arith.extui %sign3A_16 : i1 to i32
    %sign3A_18 = arith.subi %sign3A_14, %sign3A_17 : i32
    %ne3A = arith.cmpi ne, %sign3A_11, %sign3A_18 : i32
    %rem3A = arith.remsi %sub3A_5, %jit3A : i32
    %ne3A_19 = arith.constant 0 : i32
    %ne3A_20 = arith.cmpi ne, %rem3A, %ne3A_19 : i32
    %and3A = arith.andi %ne3A, %ne3A_20 : i1
    %sub3A_21 = arith.constant 1 : i32
    %sub3A_22 = arith.subi %div3A, %sub3A_21 : i32
    %select_n3A = arith.select %and3A, %sub3A_22, %div3A : i32
    %while3A = arith.constant 0 : i32
    %while3A_23 = arith.constant 0 : i32
    %while3A_24 = arith.subi %select_n3A, %while3A : i32
    %while3A_25 = arith.addi %while3A, %while3A_24 : i32
    %while3A_26 = arith.constant 1 : i32
    %while3A_27 = arith.divsi %while3A_24, %while3A_26 : i32
    %while3A_28 = arith.muli %while3A_27, %while3A_26 : i32
    %while3A_29 = arith.addi %while3A, %while3A_28 : i32
    %while3A_30 = arith.constant 1 : i32
    %while3A_31 = scf.for %while3A_34 = %while3A to %while3A_29 step %while3A_30 iter_args(%while3A_35 = %while3A_23) -> (i32)  : i32 {
      %mul3A_36 = arith.constant 32 : i32
      %mul3A_37 = arith.muli %while3A_34, %mul3A_36 : i32
      %add3A_38 = arith.addi %add3A, %mul3A_37 : i32
      %mul3A_39 = arith.constant 128 : i32
      %mul3A_40 = arith.muli %add3A_38, %mul3A_39 : i32
      "tpu.region"() ({
        %run_scoped3A = tpu.sem_alloc : memref<!tpu.dma_semaphore, #tpu.memory_space<semaphore_mem>>
        %dma_start3A_46 = tpu.memref_slice %arg3[%mul3A_40] : memref<160128xi32, #tpu.memory_space<hbm>> -> memref<128xi32, #tpu.memory_space<hbm>>
        %dma_start3A_47 = tpu.memref_slice %arg3[%mul3A_40] : memref<160128xi32, #tpu.memory_space<hbm>> -> memref<128xi32, #tpu.memory_space<hbm>>
        tpu.enqueue_dma source(%dma_start3A_47 : memref<128xi32, #tpu.memory_space<hbm>>) target(%arg5 : memref<128xi32, #tpu.memory_space<vmem>>) target_semaphore(%run_scoped3A : memref<!tpu.dma_semaphore, #tpu.memory_space<semaphore_mem>>)
        %dma_wait3A_48 = tpu.memref_slice %arg3[%mul3A_40] : memref<160128xi32, #tpu.memory_space<hbm>> -> memref<128xi32, #tpu.memory_space<hbm>>
        %dma_wait3A_49 = tpu.memref_slice %arg3[%mul3A_40] : memref<160128xi32, #tpu.memory_space<hbm>> -> memref<128xi32, #tpu.memory_space<hbm>>
        tpu.wait_dma2 semaphore(%run_scoped3A : memref<!tpu.dma_semaphore, #tpu.memory_space<semaphore_mem>>) src(%dma_wait3A_49 : memref<128xi32, #tpu.memory_space<hbm>>) dst(%arg5 : memref<128xi32, #tpu.memory_space<vmem>>)
        tpu.yield
      }) : () -> ()
      %dma_start3A = arith.constant 0 : i32
      %dma_start3A_41 = arith.constant 0 : i32
      %dma_start3A_42 = tpu.memref_slice %arg2[%dma_start3A, %dma_start3A_41] : memref<10000x384xf32, #tpu.memory_space<hbm>> -> memref<10000x384xf32, #tpu.memory_space<hbm>>
      tpu.enqueue_indirect_dma source(%dma_start3A_42 : memref<10000x384xf32, #tpu.memory_space<hbm>>) target(%arg6 : memref<128x384xf32, #tpu.memory_space<vmem>>) offsets(%arg5 : memref<128xi32, #tpu.memory_space<vmem>>) semaphore(%arg7 : memref<!tpu.dma_semaphore, #tpu.memory_space<semaphore_mem>>)
      %dma_wait3A = arith.constant 0 : i32
      %dma_wait3A_43 = arith.constant 0 : i32
      %dma_wait3A_44 = tpu.memref_slice %arg2[%dma_wait3A, %dma_wait3A_43] : memref<10000x384xf32, #tpu.memory_space<hbm>> -> memref<10000x384xf32, #tpu.memory_space<hbm>>
      tpu.wait_indirect_dma semaphore(%arg7 : memref<!tpu.dma_semaphore, #tpu.memory_space<semaphore_mem>>) src(%dma_wait3A_44 : memref<10000x384xf32, #tpu.memory_space<hbm>>) dst(%arg6 : memref<128x384xf32, #tpu.memory_space<vmem>>)
      "tpu.region"() ({
        %run_scoped3A = tpu.sem_alloc : memref<!tpu.dma_semaphore, #tpu.memory_space<semaphore_mem>>
        %dma_start3A_46 = arith.constant 0 : i32
        %dma_start3A_47 = tpu.memref_slice %arg4[%mul3A_40, %dma_start3A_46] : memref<160128x384xf32, #tpu.memory_space<hbm>> -> memref<128x384xf32, #tpu.memory_space<hbm>>
        %dma_start3A_48 = arith.constant 0 : i32
        %dma_start3A_49 = tpu.memref_slice %arg4[%mul3A_40, %dma_start3A_48] : memref<160128x384xf32, #tpu.memory_space<hbm>> -> memref<128x384xf32, #tpu.memory_space<hbm>>
        tpu.enqueue_dma source(%arg6 : memref<128x384xf32, #tpu.memory_space<vmem>>) target(%dma_start3A_49 : memref<128x384xf32, #tpu.memory_space<hbm>>) target_semaphore(%run_scoped3A : memref<!tpu.dma_semaphore, #tpu.memory_space<semaphore_mem>>)
        %dma_wait3A_50 = arith.constant 0 : i32
        %dma_wait3A_51 = tpu.memref_slice %arg4[%mul3A_40, %dma_wait3A_50] : memref<160128x384xf32, #tpu.memory_space<hbm>> -> memref<128x384xf32, #tpu.memory_space<hbm>>
        %dma_wait3A_52 = arith.constant 0 : i32
        %dma_wait3A_53 = tpu.memref_slice %arg4[%mul3A_40, %dma_wait3A_52] : memref<160128x384xf32, #tpu.memory_space<hbm>> -> memref<128x384xf32, #tpu.memory_space<hbm>>
        tpu.wait_dma2 semaphore(%run_scoped3A : memref<!tpu.dma_semaphore, #tpu.memory_space<semaphore_mem>>) src(%arg6 : memref<128x384xf32, #tpu.memory_space<vmem>>) dst(%dma_wait3A_53 : memref<128x384xf32, #tpu.memory_space<hbm>>)
        tpu.yield
      }) : () -> ()
      %while3A_45 = arith.constant 0 : i32
      scf.yield %while3A_45 : i32
    }
    %while3A_32 = arith.constant 1 : i32
    %while3A_33 = scf.for %while3A_34 = %while3A_29 to %while3A_25 step %while3A_32 iter_args(%while3A_35 = %while3A_31) -> (i32)  : i32 {
      %mul3A_36 = arith.constant 32 : i32
      %mul3A_37 = arith.muli %while3A_34, %mul3A_36 : i32
      %add3A_38 = arith.addi %add3A, %mul3A_37 : i32
      %mul3A_39 = arith.constant 128 : i32
      %mul3A_40 = arith.muli %add3A_38, %mul3A_39 : i32
      "tpu.region"() ({
        %run_scoped3A = tpu.sem_alloc : memref<!tpu.dma_semaphore, #tpu.memory_space<semaphore_mem>>
        %dma_start3A_46 = tpu.memref_slice %arg3[%mul3A_40] : memref<160128xi32, #tpu.memory_space<hbm>> -> memref<128xi32, #tpu.memory_space<hbm>>
        %dma_start3A_47 = tpu.memref_slice %arg3[%mul3A_40] : memref<160128xi32, #tpu.memory_space<hbm>> -> memref<128xi32, #tpu.memory_space<hbm>>
        tpu.enqueue_dma source(%dma_start3A_47 : memref<128xi32, #tpu.memory_space<hbm>>) target(%arg5 : memref<128xi32, #tpu.memory_space<vmem>>) target_semaphore(%run_scoped3A : memref<!tpu.dma_semaphore, #tpu.memory_space<semaphore_mem>>)
        %dma_wait3A_48 = tpu.memref_slice %arg3[%mul3A_40] : memref<160128xi32, #tpu.memory_space<hbm>> -> memref<128xi32, #tpu.memory_space<hbm>>
        %dma_wait3A_49 = tpu.memref_slice %arg3[%mul3A_40] : memref<160128xi32, #tpu.memory_space<hbm>> -> memref<128xi32, #tpu.memory_space<hbm>>
        tpu.wait_dma2 semaphore(%run_scoped3A : memref<!tpu.dma_semaphore, #tpu.memory_space<semaphore_mem>>) src(%dma_wait3A_49 : memref<128xi32, #tpu.memory_space<hbm>>) dst(%arg5 : memref<128xi32, #tpu.memory_space<vmem>>)
        tpu.yield
      }) : () -> ()
      %dma_start3A = arith.constant 0 : i32
      %dma_start3A_41 = arith.constant 0 : i32
      %dma_start3A_42 = tpu.memref_slice %arg2[%dma_start3A, %dma_start3A_41] : memref<10000x384xf32, #tpu.memory_space<hbm>> -> memref<10000x384xf32, #tpu.memory_space<hbm>>
      tpu.enqueue_indirect_dma source(%dma_start3A_42 : memref<10000x384xf32, #tpu.memory_space<hbm>>) target(%arg6 : memref<128x384xf32, #tpu.memory_space<vmem>>) offsets(%arg5 : memref<128xi32, #tpu.memory_space<vmem>>) semaphore(%arg7 : memref<!tpu.dma_semaphore, #tpu.memory_space<semaphore_mem>>)
      %dma_wait3A = arith.constant 0 : i32
      %dma_wait3A_43 = arith.constant 0 : i32
      %dma_wait3A_44 = tpu.memref_slice %arg2[%dma_wait3A, %dma_wait3A_43] : memref<10000x384xf32, #tpu.memory_space<hbm>> -> memref<10000x384xf32, #tpu.memory_space<hbm>>
      tpu.wait_indirect_dma semaphore(%arg7 : memref<!tpu.dma_semaphore, #tpu.memory_space<semaphore_mem>>) src(%dma_wait3A_44 : memref<10000x384xf32, #tpu.memory_space<hbm>>) dst(%arg6 : memref<128x384xf32, #tpu.memory_space<vmem>>)
      "tpu.region"() ({
        %run_scoped3A = tpu.sem_alloc : memref<!tpu.dma_semaphore, #tpu.memory_space<semaphore_mem>>
        %dma_start3A_46 = arith.constant 0 : i32
        %dma_start3A_47 = tpu.memref_slice %arg4[%mul3A_40, %dma_start3A_46] : memref<160128x384xf32, #tpu.memory_space<hbm>> -> memref<128x384xf32, #tpu.memory_space<hbm>>
        %dma_start3A_48 = arith.constant 0 : i32
        %dma_start3A_49 = tpu.memref_slice %arg4[%mul3A_40, %dma_start3A_48] : memref<160128x384xf32, #tpu.memory_space<hbm>> -> memref<128x384xf32, #tpu.memory_space<hbm>>
        tpu.enqueue_dma source(%arg6 : memref<128x384xf32, #tpu.memory_space<vmem>>) target(%dma_start3A_49 : memref<128x384xf32, #tpu.memory_space<hbm>>) target_semaphore(%run_scoped3A : memref<!tpu.dma_semaphore, #tpu.memory_space<semaphore_mem>>)
        %dma_wait3A_50 = arith.constant 0 : i32
        %dma_wait3A_51 = tpu.memref_slice %arg4[%mul3A_40, %dma_wait3A_50] : memref<160128x384xf32, #tpu.memory_space<hbm>> -> memref<128x384xf32, #tpu.memory_space<hbm>>
        %dma_wait3A_52 = arith.constant 0 : i32
        %dma_wait3A_53 = tpu.memref_slice %arg4[%mul3A_40, %dma_wait3A_52] : memref<160128x384xf32, #tpu.memory_space<hbm>> -> memref<128x384xf32, #tpu.memory_space<hbm>>
        tpu.wait_dma2 semaphore(%run_scoped3A : memref<!tpu.dma_semaphore, #tpu.memory_space<semaphore_mem>>) src(%arg6 : memref<128x384xf32, #tpu.memory_space<vmem>>) dst(%dma_wait3A_53 : memref<128x384xf32, #tpu.memory_space<hbm>>)
        tpu.yield
      }) : () -> ()
      %while3A_45 = arith.constant 0 : i32
      scf.yield %while3A_45 : i32
    }
    return
  }
}

#map = affine_map<(d0, d1) -> (0)>
#map1 = affine_map<(d0, d1) -> (0, 0)>
#map2 = affine_map<(d0, d1) -> (0, 0, 0)>
module attributes {stable_mosaic.version = 14 : i64} {
  func.func @_segreduce_body(%arg0: i32, %arg1: i32, %arg2: memref<160128xf32, #tpu.memory_space<hbm>>, %arg3: memref<160128xi32, #tpu.memory_space<hbm>>, %arg4: memref<160128xi32, #tpu.memory_space<hbm>>, %arg5: memref<160128x128xf32, #tpu.memory_space<hbm>>, %arg6: memref<16xf32, #tpu.memory_space<hbm>>, %arg7: memref<16xi32, #tpu.memory_space<hbm>>, %arg8: memref<2x6144x128xf32, #tpu.memory_space<hbm>>, %arg9: memref<128xi32, #tpu.memory_space<vmem>>, %arg10: memref<128xi32, #tpu.memory_space<vmem>>, %arg11: memref<128xi32, #tpu.memory_space<vmem>>, %arg12: memref<128xf32, #tpu.memory_space<vmem>>, %arg13: memref<128xi32, #tpu.memory_space<vmem>>, %arg14: memref<128xf32, #tpu.memory_space<vmem>>, %arg15: memref<128x128xf32, #tpu.memory_space<vmem>>, %arg16: memref<128x128xf32, #tpu.memory_space<vmem>>, %arg17: memref<128x128xf32, #tpu.memory_space<vmem>>, %arg18: memref<16xf32, #tpu.memory_space<vmem>>, %arg19: memref<16xi32, #tpu.memory_space<vmem>>, %arg20: memref<6144x128xf32, #tpu.memory_space<vmem_shared>>) attributes {dimension_semantics = [#tpu.dimension_semantics<core_parallel>, #tpu.dimension_semantics<subcore_parallel>], iteration_bounds = array<i64: 2, 16>, scalar_prefetch = 0 : i64, scratch_operands = 12 : i64, tpu.core_type = #tpu.core_type<sc_vector_subcore>, window_params = [{transform_indices = #map}, {transform_indices = #map}, {transform_indices = #map}, {transform_indices = #map1}, {transform_indices = #map}, {transform_indices = #map}, {transform_indices = #map2}]} {
    %mul3A = arith.constant 384 : i32
    %mul3A_0 = arith.muli %arg1, %mul3A : i32
    %scan3A = arith.constant 0 : i32
    %scan3A_1 = arith.constant 0 : i32
    %scan3A_2 = arith.constant 128 : i32
    %scan3A_3 = arith.addi %scan3A_1, %scan3A_2 : i32
    %scan3A_4 = arith.constant 1 : i32
    %scan3A_5 = scf.for %scan3A_70 = %scan3A_1 to %scan3A_3 step %scan3A_4 iter_args(%scan3A_71 = %scan3A) -> (i32)  : i32 {
      %broadcast_in_dim3A_72 = arith.constant 0.000000e+00 : f32
      %broadcast_in_dim3A_73 = vector.broadcast %broadcast_in_dim3A_72 : f32 to vector<16xf32>
      %swap3A = arith.index_cast %scan3A_70 : i32 to index
      %swap3A_74 = arith.constant 0 : index
      %swap3A_75 = tpu.vector_load %arg16[%swap3A, %swap3A_74] {strides = array<i32>} : memref<128x128xf32, #tpu.memory_space<vmem>>, vector<1x16xf32>,
      %swap3A_76 = vector.shape_cast %swap3A_75 : vector<1x16xf32> to vector<16xf32>
      %swap3A_77 = vector.shape_cast %broadcast_in_dim3A_73 : vector<16xf32> to vector<1x16xf32>
      tpu.vector_store %arg16[%swap3A, %swap3A_74], %swap3A_77 {strides = array<i32>} : memref<128x128xf32, #tpu.memory_space<vmem>>, vector<1x16xf32>,
      %broadcast_in_dim3A_78 = arith.constant 0.000000e+00 : f32
      %broadcast_in_dim3A_79 = vector.broadcast %broadcast_in_dim3A_78 : f32 to vector<16xf32>
      %swap3A_80 = arith.index_cast %scan3A_70 : i32 to index
      %swap3A_81 = arith.constant 16 : index
      %swap3A_82 = tpu.vector_load %arg16[%swap3A_80, %swap3A_81] {strides = array<i32>} : memref<128x128xf32, #tpu.memory_space<vmem>>, vector<1x16xf32>,
      %swap3A_83 = vector.shape_cast %swap3A_82 : vector<1x16xf32> to vector<16xf32>
      %swap3A_84 = vector.shape_cast %broadcast_in_dim3A_79 : vector<16xf32> to vector<1x16xf32>
      tpu.vector_store %arg16[%swap3A_80, %swap3A_81], %swap3A_84 {strides = array<i32>} : memref<128x128xf32, #tpu.memory_space<vmem>>, vector<1x16xf32>,
      %broadcast_in_dim3A_85 = arith.constant 0.000000e+00 : f32
      %broadcast_in_dim3A_86 = vector.broadcast %broadcast_in_dim3A_85 : f32 to vector<16xf32>
      %swap3A_87 = arith.index_cast %scan3A_70 : i32 to index
      %swap3A_88 = arith.constant 32 : index
      %swap3A_89 = tpu.vector_load %arg16[%swap3A_87, %swap3A_88] {strides = array<i32>} : memref<128x128xf32, #tpu.memory_space<vmem>>, vector<1x16xf32>,
      %swap3A_90 = vector.shape_cast %swap3A_89 : vector<1x16xf32> to vector<16xf32>
      %swap3A_91 = vector.shape_cast %broadcast_in_dim3A_86 : vector<16xf32> to vector<1x16xf32>
      tpu.vector_store %arg16[%swap3A_87, %swap3A_88], %swap3A_91 {strides = array<i32>} : memref<128x128xf32, #tpu.memory_space<vmem>>, vector<1x16xf32>,
      %broadcast_in_dim3A_92 = arith.constant 0.000000e+00 : f32
      %broadcast_in_dim3A_93 = vector.broadcast %broadcast_in_dim3A_92 : f32 to vector<16xf32>
      %swap3A_94 = arith.index_cast %scan3A_70 : i32 to index
      %swap3A_95 = arith.constant 48 : index
      %swap3A_96 = tpu.vector_load %arg16[%swap3A_94, %swap3A_95] {strides = array<i32>} : memref<128x128xf32, #tpu.memory_space<vmem>>, vector<1x16xf32>,
      %swap3A_97 = vector.shape_cast %swap3A_96 : vector<1x16xf32> to vector<16xf32>
      %swap3A_98 = vector.shape_cast %broadcast_in_dim3A_93 : vector<16xf32> to vector<1x16xf32>
      tpu.vector_store %arg16[%swap3A_94, %swap3A_95], %swap3A_98 {strides = array<i32>} : memref<128x128xf32, #tpu.memory_space<vmem>>, vector<1x16xf32>,
      %broadcast_in_dim3A_99 = arith.constant 0.000000e+00 : f32
      %broadcast_in_dim3A_100 = vector.broadcast %broadcast_in_dim3A_99 : f32 to vector<16xf32>
      %swap3A_101 = arith.index_cast %scan3A_70 : i32 to index
      %swap3A_102 = arith.constant 64 : index
      %swap3A_103 = tpu.vector_load %arg16[%swap3A_101, %swap3A_102] {strides = array<i32>} : memref<128x128xf32, #tpu.memory_space<vmem>>, vector<1x16xf32>,
      %swap3A_104 = vector.shape_cast %swap3A_103 : vector<1x16xf32> to vector<16xf32>
      %swap3A_105 = vector.shape_cast %broadcast_in_dim3A_100 : vector<16xf32> to vector<1x16xf32>
      tpu.vector_store %arg16[%swap3A_101, %swap3A_102], %swap3A_105 {strides = array<i32>} : memref<128x128xf32, #tpu.memory_space<vmem>>, vector<1x16xf32>,
      %broadcast_in_dim3A_106 = arith.constant 0.000000e+00 : f32
      %broadcast_in_dim3A_107 = vector.broadcast %broadcast_in_dim3A_106 : f32 to vector<16xf32>
      %swap3A_108 = arith.index_cast %scan3A_70 : i32 to index
      %swap3A_109 = arith.constant 80 : index
      %swap3A_110 = tpu.vector_load %arg16[%swap3A_108, %swap3A_109] {strides = array<i32>} : memref<128x128xf32, #tpu.memory_space<vmem>>, vector<1x16xf32>,
      %swap3A_111 = vector.shape_cast %swap3A_110 : vector<1x16xf32> to vector<16xf32>
      %swap3A_112 = vector.shape_cast %broadcast_in_dim3A_107 : vector<16xf32> to vector<1x16xf32>
      tpu.vector_store %arg16[%swap3A_108, %swap3A_109], %swap3A_112 {strides = array<i32>} : memref<128x128xf32, #tpu.memory_space<vmem>>, vector<1x16xf32>,
      %broadcast_in_dim3A_113 = arith.constant 0.000000e+00 : f32
      %broadcast_in_dim3A_114 = vector.broadcast %broadcast_in_dim3A_113 : f32 to vector<16xf32>
      %swap3A_115 = arith.index_cast %scan3A_70 : i32 to index
      %swap3A_116 = arith.constant 96 : index
      %swap3A_117 = tpu.vector_load %arg16[%swap3A_115, %swap3A_116] {strides = array<i32>} : memref<128x128xf32, #tpu.memory_space<vmem>>, vector<1x16xf32>,
      %swap3A_118 = vector.shape_cast %swap3A_117 : vector<1x16xf32> to vector<16xf32>
      %swap3A_119 = vector.shape_cast %broadcast_in_dim3A_114 : vector<16xf32> to vector<1x16xf32>
      tpu.vector_store %arg16[%swap3A_115, %swap3A_116], %swap3A_119 {strides = array<i32>} : memref<128x128xf32, #tpu.memory_space<vmem>>, vector<1x16xf32>,
      %broadcast_in_dim3A_120 = arith.constant 0.000000e+00 : f32
      %broadcast_in_dim3A_121 = vector.broadcast %broadcast_in_dim3A_120 : f32 to vector<16xf32>
      %swap3A_122 = arith.index_cast %scan3A_70 : i32 to index
      %swap3A_123 = arith.constant 112 : index
      %swap3A_124 = tpu.vector_load %arg16[%swap3A_122, %swap3A_123] {strides = array<i32>} : memref<128x128xf32, #tpu.memory_space<vmem>>, vector<1x16xf32>,
      %swap3A_125 = vector.shape_cast %swap3A_124 : vector<1x16xf32> to vector<16xf32>
      %swap3A_126 = vector.shape_cast %broadcast_in_dim3A_121 : vector<16xf32> to vector<1x16xf32>
      tpu.vector_store %arg16[%swap3A_122, %swap3A_123], %swap3A_126 {strides = array<i32>} : memref<128x128xf32, #tpu.memory_space<vmem>>, vector<1x16xf32>,
      %scan3A_127 = arith.constant 0 : i32
      scf.yield %scan3A_127 : i32
    }
    %scan3A_6 = arith.constant 128 : i32
    %add3A = arith.constant 0 : i32
    %add3A_7 = arith.addi %mul3A_0, %add3A : i32
    "tpu.region"() ({
      %run_scoped3A = tpu.sem_alloc : memref<!tpu.dma_semaphore, #tpu.memory_space<semaphore_mem>>
      %dma_start3A = arith.constant 0 : i32
      %dma_start3A_70 = tpu.memref_slice %arg20[%add3A_7, %dma_start3A] : memref<6144x128xf32, #tpu.memory_space<vmem_shared>> -> memref<128x128xf32, #tpu.memory_space<vmem_shared>>
      %dma_start3A_71 = arith.constant 0 : i32
      %dma_start3A_72 = tpu.memref_slice %arg20[%add3A_7, %dma_start3A_71] : memref<6144x128xf32, #tpu.memory_space<vmem_shared>> -> memref<128x128xf32, #tpu.memory_space<vmem_shared>>
      tpu.enqueue_dma source(%arg16 : memref<128x128xf32, #tpu.memory_space<vmem>>) target(%dma_start3A_72 : memref<128x128xf32, #tpu.memory_space<vmem_shared>>) target_semaphore(%run_scoped3A : memref<!tpu.dma_semaphore, #tpu.memory_space<semaphore_mem>>)
      %dma_wait3A = arith.constant 0 : i32
      %dma_wait3A_73 = tpu.memref_slice %arg20[%add3A_7, %dma_wait3A] : memref<6144x128xf32, #tpu.memory_space<vmem_shared>> -> memref<128x128xf32, #tpu.memory_space<vmem_shared>>
      %dma_wait3A_74 = arith.constant 0 : i32
      %dma_wait3A_75 = tpu.memref_slice %arg20[%add3A_7, %dma_wait3A_74] : memref<6144x128xf32, #tpu.memory_space<vmem_shared>> -> memref<128x128xf32, #tpu.memory_space<vmem_shared>>
      tpu.wait_dma2 semaphore(%run_scoped3A : memref<!tpu.dma_semaphore, #tpu.memory_space<semaphore_mem>>) src(%arg16 : memref<128x128xf32, #tpu.memory_space<vmem>>) dst(%dma_wait3A_75 : memref<128x128xf32, #tpu.memory_space<vmem_shared>>)
      tpu.yield
    }) : () -> ()
    %add3A_8 = arith.constant 128 : i32
    %add3A_9 = arith.addi %mul3A_0, %add3A_8 : i32
    "tpu.region"() ({
      %run_scoped3A = tpu.sem_alloc : memref<!tpu.dma_semaphore, #tpu.memory_space<semaphore_mem>>
      %dma_start3A = arith.constant 0 : i32
      %dma_start3A_70 = tpu.memref_slice %arg20[%add3A_9, %dma_start3A] : memref<6144x128xf32, #tpu.memory_space<vmem_shared>> -> memref<128x128xf32, #tpu.memory_space<vmem_shared>>
      %dma_start3A_71 = arith.constant 0 : i32
      %dma_start3A_72 = tpu.memref_slice %arg20[%add3A_9, %dma_start3A_71] : memref<6144x128xf32, #tpu.memory_space<vmem_shared>> -> memref<128x128xf32, #tpu.memory_space<vmem_shared>>
      tpu.enqueue_dma source(%arg16 : memref<128x128xf32, #tpu.memory_space<vmem>>) target(%dma_start3A_72 : memref<128x128xf32, #tpu.memory_space<vmem_shared>>) target_semaphore(%run_scoped3A : memref<!tpu.dma_semaphore, #tpu.memory_space<semaphore_mem>>)
      %dma_wait3A = arith.constant 0 : i32
      %dma_wait3A_73 = tpu.memref_slice %arg20[%add3A_9, %dma_wait3A] : memref<6144x128xf32, #tpu.memory_space<vmem_shared>> -> memref<128x128xf32, #tpu.memory_space<vmem_shared>>
      %dma_wait3A_74 = arith.constant 0 : i32
      %dma_wait3A_75 = tpu.memref_slice %arg20[%add3A_9, %dma_wait3A_74] : memref<6144x128xf32, #tpu.memory_space<vmem_shared>> -> memref<128x128xf32, #tpu.memory_space<vmem_shared>>
      tpu.wait_dma2 semaphore(%run_scoped3A : memref<!tpu.dma_semaphore, #tpu.memory_space<semaphore_mem>>) src(%arg16 : memref<128x128xf32, #tpu.memory_space<vmem>>) dst(%dma_wait3A_75 : memref<128x128xf32, #tpu.memory_space<vmem_shared>>)
      tpu.yield
    }) : () -> ()
    %add3A_10 = arith.constant 256 : i32
    %add3A_11 = arith.addi %mul3A_0, %add3A_10 : i32
    "tpu.region"() ({
      %run_scoped3A = tpu.sem_alloc : memref<!tpu.dma_semaphore, #tpu.memory_space<semaphore_mem>>
      %dma_start3A = arith.constant 0 : i32
      %dma_start3A_70 = tpu.memref_slice %arg20[%add3A_11, %dma_start3A] : memref<6144x128xf32, #tpu.memory_space<vmem_shared>> -> memref<128x128xf32, #tpu.memory_space<vmem_shared>>
      %dma_start3A_71 = arith.constant 0 : i32
      %dma_start3A_72 = tpu.memref_slice %arg20[%add3A_11, %dma_start3A_71] : memref<6144x128xf32, #tpu.memory_space<vmem_shared>> -> memref<128x128xf32, #tpu.memory_space<vmem_shared>>
      tpu.enqueue_dma source(%arg16 : memref<128x128xf32, #tpu.memory_space<vmem>>) target(%dma_start3A_72 : memref<128x128xf32, #tpu.memory_space<vmem_shared>>) target_semaphore(%run_scoped3A : memref<!tpu.dma_semaphore, #tpu.memory_space<semaphore_mem>>)
      %dma_wait3A = arith.constant 0 : i32
      %dma_wait3A_73 = tpu.memref_slice %arg20[%add3A_11, %dma_wait3A] : memref<6144x128xf32, #tpu.memory_space<vmem_shared>> -> memref<128x128xf32, #tpu.memory_space<vmem_shared>>
      %dma_wait3A_74 = arith.constant 0 : i32
      %dma_wait3A_75 = tpu.memref_slice %arg20[%add3A_11, %dma_wait3A_74] : memref<6144x128xf32, #tpu.memory_space<vmem_shared>> -> memref<128x128xf32, #tpu.memory_space<vmem_shared>>
      tpu.wait_dma2 semaphore(%run_scoped3A : memref<!tpu.dma_semaphore, #tpu.memory_space<semaphore_mem>>) src(%arg16 : memref<128x128xf32, #tpu.memory_space<vmem>>) dst(%dma_wait3A_75 : memref<128x128xf32, #tpu.memory_space<vmem_shared>>)
      tpu.yield
    }) : () -> ()
    %barrier3A = arith.constant 0 : index
    tpu.barrier barrier_id(%barrier3A)
    "tpu.region"() ({
      %run_scoped3A = tpu.sem_alloc : memref<!tpu.dma_semaphore, #tpu.memory_space<semaphore_mem>>
      tpu.enqueue_dma source(%arg6 : memref<16xf32, #tpu.memory_space<hbm>>) target(%arg18 : memref<16xf32, #tpu.memory_space<vmem>>) target_semaphore(%run_scoped3A : memref<!tpu.dma_semaphore, #tpu.memory_space<semaphore_mem>>)
      tpu.wait_dma2 semaphore(%run_scoped3A : memref<!tpu.dma_semaphore, #tpu.memory_space<semaphore_mem>>) src(%arg6 : memref<16xf32, #tpu.memory_space<hbm>>) dst(%arg18 : memref<16xf32, #tpu.memory_space<vmem>>)
      tpu.yield
    }) : () -> ()
    "tpu.region"() ({
      %run_scoped3A = tpu.sem_alloc : memref<!tpu.dma_semaphore, #tpu.memory_space<semaphore_mem>>
      tpu.enqueue_dma source(%arg7 : memref<16xi32, #tpu.memory_space<hbm>>) target(%arg19 : memref<16xi32, #tpu.memory_space<vmem>>) target_semaphore(%run_scoped3A : memref<!tpu.dma_semaphore, #tpu.memory_space<semaphore_mem>>)
      tpu.wait_dma2 semaphore(%run_scoped3A : memref<!tpu.dma_semaphore, #tpu.memory_space<semaphore_mem>>) src(%arg7 : memref<16xi32, #tpu.memory_space<hbm>>) dst(%arg19 : memref<16xi32, #tpu.memory_space<vmem>>)
      tpu.yield
    }) : () -> ()
    %get3A = arith.constant 0 : index
    %get3A_12 = tpu.vector_load %arg19[%get3A] {strides = array<i32>} : memref<16xi32, #tpu.memory_space<vmem>>, vector<1xi32>,
    %get3A_13 = vector.shape_cast %get3A_12 : vector<1xi32> to vector<1xi32>
    %squeeze3A = vector.extract %get3A_13[0] : i32 from vector<1xi32>
    %sub3A = arith.constant 1 : i32
    %sub3A_14 = arith.subi %squeeze3A, %sub3A : i32
    %max3A = arith.constant 0 : i32
    %max3A_15 = arith.maxsi %sub3A_14, %max3A : i32
    %mul3A_16 = arith.muli %arg0, %max3A_15 : i32
    %sub3A_17 = arith.constant 1251 : i32
    %sub3A_18 = arith.subi %sub3A_17, %squeeze3A : i32
    %mul3A_19 = arith.muli %arg0, %sub3A_18 : i32
    %add3A_20 = arith.addi %squeeze3A, %mul3A_19 : i32
    %sub3A_21 = arith.subi %add3A_20, %mul3A_16 : i32
    %sub3A_22 = arith.subi %sub3A_21, %arg1 : i32
    %add3A_23 = arith.constant 15 : i32
    %add3A_24 = arith.addi %sub3A_22, %add3A_23 : i32
    %jit3A = arith.constant 16 : i32
    %div3A = arith.divsi %add3A_24, %jit3A : i32
    %sign3A = arith.constant 0 : i32
    %sign3A_25 = arith.cmpi sgt, %add3A_24, %sign3A : i32
    %sign3A_26 = arith.extui %sign3A_25 : i1 to i32
    %sign3A_27 = arith.constant 0 : i32
    %sign3A_28 = arith.cmpi slt, %add3A_24, %sign3A_27 : i32
    %sign3A_29 = arith.extui %sign3A_28 : i1 to i32
    %sign3A_30 = arith.subi %sign3A_26, %sign3A_29 : i32
    %sign3A_31 = arith.constant 0 : i32
    %sign3A_32 = arith.cmpi sgt, %jit3A, %sign3A_31 : i32
    %sign3A_33 = arith.extui %sign3A_32 : i1 to i32
    %sign3A_34 = arith.constant 0 : i32
    %sign3A_35 = arith.cmpi slt, %jit3A, %sign3A_34 : i32
    %sign3A_36 = arith.extui %sign3A_35 : i1 to i32
    %sign3A_37 = arith.subi %sign3A_33, %sign3A_36 : i32
    %ne3A = arith.cmpi ne, %sign3A_30, %sign3A_37 : i32
    %rem3A = arith.remsi %add3A_24, %jit3A : i32
    %ne3A_38 = arith.constant 0 : i32
    %ne3A_39 = arith.cmpi ne, %rem3A, %ne3A_38 : i32
    %and3A = arith.andi %ne3A, %ne3A_39 : i1
    %sub3A_40 = arith.constant 1 : i32
    %sub3A_41 = arith.subi %div3A, %sub3A_40 : i32
    %select_n3A = arith.select %and3A, %sub3A_41, %div3A : i32
    %mul3A_42 = arith.constant 5000 : i32
    %mul3A_43 = arith.muli %arg0, %mul3A_42 : i32
    %broadcast_in_dim3A = vector.broadcast %mul3A_43 : i32 to vector<16xi32>
    %iota3A = tpu.iota {dimensions = array<i32: 0>} : vector<16xi32>
    %broadcast_in_dim3A_44 = arith.constant 0.000000e+00 : f32
    %broadcast_in_dim3A_45 = vector.broadcast %broadcast_in_dim3A_44 : f32 to vector<16xf32>
    %while3A = arith.constant 0 : i32
    %while3A_46 = arith.constant 0 : i32
    %while3A_47 = arith.subi %select_n3A, %while3A : i32
    %while3A_48 = arith.addi %while3A, %while3A_47 : i32
    %while3A_49 = arith.constant 1 : i32
    %while3A_50 = arith.divsi %while3A_47, %while3A_49 : i32
    %while3A_51 = arith.muli %while3A_50, %while3A_49 : i32
    %while3A_52 = arith.addi %while3A, %while3A_51 : i32
    %while3A_53 = arith.constant 1 : i32
    %while3A_54 = scf.for %while3A_70 = %while3A to %while3A_52 step %while3A_53 iter_args(%while3A_71 = %while3A_46) -> (i32)  : i32 {
      %add3A_72 = arith.addi %mul3A_16, %arg1 : i32
      %mul3A_73 = arith.constant 16 : i32
      %mul3A_74 = arith.muli %while3A_70, %mul3A_73 : i32
      %add3A_75 = arith.addi %add3A_72, %mul3A_74 : i32
      %mul3A_76 = arith.constant 128 : i32
      %mul3A_77 = arith.muli %add3A_75, %mul3A_76 : i32
      "tpu.region"() ({
        %run_scoped3A = tpu.sem_alloc : memref<!tpu.dma_semaphore, #tpu.memory_space<semaphore_mem>>
        %dma_start3A = tpu.memref_slice %arg3[%mul3A_77] : memref<160128xi32, #tpu.memory_space<hbm>> -> memref<128xi32, #tpu.memory_space<hbm>>
        %dma_start3A_572 = tpu.memref_slice %arg3[%mul3A_77] : memref<160128xi32, #tpu.memory_space<hbm>> -> memref<128xi32, #tpu.memory_space<hbm>>
        tpu.enqueue_dma source(%dma_start3A_572 : memref<128xi32, #tpu.memory_space<hbm>>) target(%arg9 : memref<128xi32, #tpu.memory_space<vmem>>) target_semaphore(%run_scoped3A : memref<!tpu.dma_semaphore, #tpu.memory_space<semaphore_mem>>)
        %dma_wait3A = tpu.memref_slice %arg3[%mul3A_77] : memref<160128xi32, #tpu.memory_space<hbm>> -> memref<128xi32, #tpu.memory_space<hbm>>
        %dma_wait3A_573 = tpu.memref_slice %arg3[%mul3A_77] : memref<160128xi32, #tpu.memory_space<hbm>> -> memref<128xi32, #tpu.memory_space<hbm>>
        tpu.wait_dma2 semaphore(%run_scoped3A : memref<!tpu.dma_semaphore, #tpu.memory_space<semaphore_mem>>) src(%dma_wait3A_573 : memref<128xi32, #tpu.memory_space<hbm>>) dst(%arg9 : memref<128xi32, #tpu.memory_space<vmem>>)
        tpu.yield
      }) : () -> ()
      "tpu.region"() ({
        %run_scoped3A = tpu.sem_alloc : memref<!tpu.dma_semaphore, #tpu.memory_space<semaphore_mem>>
        %dma_start3A = tpu.memref_slice %arg2[%mul3A_77] : memref<160128xf32, #tpu.memory_space<hbm>> -> memref<128xf32, #tpu.memory_space<hbm>>
        %dma_start3A_572 = tpu.memref_slice %arg2[%mul3A_77] : memref<160128xf32, #tpu.memory_space<hbm>> -> memref<128xf32, #tpu.memory_space<hbm>>
        tpu.enqueue_dma source(%dma_start3A_572 : memref<128xf32, #tpu.memory_space<hbm>>) target(%arg12 : memref<128xf32, #tpu.memory_space<vmem>>) target_semaphore(%run_scoped3A : memref<!tpu.dma_semaphore, #tpu.memory_space<semaphore_mem>>)
        %dma_wait3A = tpu.memref_slice %arg2[%mul3A_77] : memref<160128xf32, #tpu.memory_space<hbm>> -> memref<128xf32, #tpu.memory_space<hbm>>
        %dma_wait3A_573 = tpu.memref_slice %arg2[%mul3A_77] : memref<160128xf32, #tpu.memory_space<hbm>> -> memref<128xf32, #tpu.memory_space<hbm>>
        tpu.wait_dma2 semaphore(%run_scoped3A : memref<!tpu.dma_semaphore, #tpu.memory_space<semaphore_mem>>) src(%dma_wait3A_573 : memref<128xf32, #tpu.memory_space<hbm>>) dst(%arg12 : memref<128xf32, #tpu.memory_space<vmem>>)
        tpu.yield
      }) : () -> ()
      "tpu.region"() ({
        %run_scoped3A = tpu.sem_alloc : memref<!tpu.dma_semaphore, #tpu.memory_space<semaphore_mem>>
        %dma_start3A = tpu.memref_slice %arg4[%mul3A_77] : memref<160128xi32, #tpu.memory_space<hbm>> -> memref<128xi32, #tpu.memory_space<hbm>>
        %dma_start3A_572 = tpu.memref_slice %arg4[%mul3A_77] : memref<160128xi32, #tpu.memory_space<hbm>> -> memref<128xi32, #tpu.memory_space<hbm>>
        tpu.enqueue_dma source(%dma_start3A_572 : memref<128xi32, #tpu.memory_space<hbm>>) target(%arg13 : memref<128xi32, #tpu.memory_space<vmem>>) target_semaphore(%run_scoped3A : memref<!tpu.dma_semaphore, #tpu.memory_space<semaphore_mem>>)
        %dma_wait3A = tpu.memref_slice %arg4[%mul3A_77] : memref<160128xi32, #tpu.memory_space<hbm>> -> memref<128xi32, #tpu.memory_space<hbm>>
        %dma_wait3A_573 = tpu.memref_slice %arg4[%mul3A_77] : memref<160128xi32, #tpu.memory_space<hbm>> -> memref<128xi32, #tpu.memory_space<hbm>>
        tpu.wait_dma2 semaphore(%run_scoped3A : memref<!tpu.dma_semaphore, #tpu.memory_space<semaphore_mem>>) src(%dma_wait3A_573 : memref<128xi32, #tpu.memory_space<hbm>>) dst(%arg13 : memref<128xi32, #tpu.memory_space<vmem>>)
        tpu.yield
      }) : () -> ()
      "tpu.region"() ({
        %run_scoped3A = tpu.sem_alloc : memref<!tpu.dma_semaphore, #tpu.memory_space<semaphore_mem>>
        %dma_start3A = arith.constant 0 : i32
        %dma_start3A_572 = tpu.memref_slice %arg5[%mul3A_77, %dma_start3A] : memref<160128x128xf32, #tpu.memory_space<hbm>> -> memref<128x128xf32, #tpu.memory_space<hbm>>
        %dma_start3A_573 = arith.constant 0 : i32
        %dma_start3A_574 = tpu.memref_slice %arg5[%mul3A_77, %dma_start3A_573] : memref<160128x128xf32, #tpu.memory_space<hbm>> -> memref<128x128xf32, #tpu.memory_space<hbm>>
        tpu.enqueue_dma source(%dma_start3A_574 : memref<128x128xf32, #tpu.memory_space<hbm>>) target(%arg15 : memref<128x128xf32, #tpu.memory_space<vmem>>) target_semaphore(%run_scoped3A : memref<!tpu.dma_semaphore, #tpu.memory_space<semaphore_mem>>)
        %dma_wait3A = arith.constant 0 : i32
        %dma_wait3A_575 = tpu.memref_slice %arg5[%mul3A_77, %dma_wait3A] : memref<160128x128xf32, #tpu.memory_space<hbm>> -> memref<128x128xf32, #tpu.memory_space<hbm>>
        %dma_wait3A_576 = arith.constant 0 : i32
        %dma_wait3A_577 = tpu.memref_slice %arg5[%mul3A_77, %dma_wait3A_576] : memref<160128x128xf32, #tpu.memory_space<hbm>> -> memref<128x128xf32, #tpu.memory_space<hbm>>
        tpu.wait_dma2 semaphore(%run_scoped3A : memref<!tpu.dma_semaphore, #tpu.memory_space<semaphore_mem>>) src(%dma_wait3A_577 : memref<128x128xf32, #tpu.memory_space<hbm>>) dst(%arg15 : memref<128x128xf32, #tpu.memory_space<vmem>>)
        tpu.yield
      }) : () -> ()
      %get3A_78 = arith.constant 0 : index
      %get3A_79 = tpu.vector_load %arg18[%get3A_78] {strides = array<i32>} : memref<16xf32, #tpu.memory_space<vmem>>, vector<16xf32>,
      %get3A_80 = vector.shape_cast %get3A_79 : vector<16xf32> to vector<16xf32>
      %get3A_81 = arith.constant 0 : index
      %get3A_82 = tpu.vector_load %arg12[%get3A_81] {strides = array<i32>} : memref<128xf32, #tpu.memory_space<vmem>>, vector<16xf32>,
      %get3A_83 = vector.shape_cast %get3A_82 : vector<16xf32> to vector<16xf32>
      %get3A_84 = arith.constant 0 : index
      %get3A_85 = tpu.vector_load %arg13[%get3A_84] {strides = array<i32>} : memref<128xi32, #tpu.memory_space<vmem>>, vector<16xi32>,
      %get3A_86 = vector.shape_cast %get3A_85 : vector<16xi32> to vector<16xi32>
      %get3A_87 = arith.constant 0 : index
      %get3A_88 = tpu.vector_load %arg9[%get3A_87] {strides = array<i32>} : memref<128xi32, #tpu.memory_space<vmem>>, vector<16xi32>,
      %get3A_89 = vector.shape_cast %get3A_88 : vector<16xi32> to vector<16xi32>
      %lt3A = arith.constant 192 : i32
      %lt3A_90 = vector.broadcast %lt3A : i32 to vector<16xi32>
      %lt3A_91 = arith.cmpi slt, %get3A_86, %lt3A_90 : vector<16xi32>
      %sub3A_92 = arith.subf %get3A_83, %get3A_80 : vector<16xf32>
      %exp3A = math.exp %sub3A_92 : vector<16xf32>
      %jit3A_93 = arith.constant 0.000000e+00 : f32
      %broadcast_in_dim3A_94 = vector.broadcast %jit3A_93 : f32 to vector<16xf32>
      %select_n3A_95 = arith.select %lt3A_91, %exp3A, %broadcast_in_dim3A_94 : vector<16xi1>, vector<16xf32>
      %swap3A = arith.constant 0 : index
      %swap3A_96 = tpu.vector_load %arg14[%swap3A] {strides = array<i32>} : memref<128xf32, #tpu.memory_space<vmem>>, vector<16xf32>,
      %swap3A_97 = vector.shape_cast %swap3A_96 : vector<16xf32> to vector<16xf32>
      %swap3A_98 = vector.shape_cast %select_n3A_95 : vector<16xf32> to vector<16xf32>
      tpu.vector_store %arg14[%swap3A], %swap3A_98 {strides = array<i32>} : memref<128xf32, #tpu.memory_space<vmem>>, vector<16xf32>,
      %sub3A_99 = arith.subi %get3A_89, %broadcast_in_dim3A : vector<16xi32>
      %ge3A = arith.constant 0 : i32
      %ge3A_100 = vector.broadcast %ge3A : i32 to vector<16xi32>
      %ge3A_101 = arith.cmpi sge, %sub3A_99, %ge3A_100 : vector<16xi32>
      %lt3A_102 = arith.constant 5120 : i32
      %lt3A_103 = vector.broadcast %lt3A_102 : i32 to vector<16xi32>
      %lt3A_104 = arith.cmpi slt, %sub3A_99, %lt3A_103 : vector<16xi32>
      %and3A_105 = arith.andi %ge3A_101, %lt3A_104 : vector<16xi1>
      %and3A_106 = arith.constant 127 : i32
      %and3A_107 = vector.broadcast %and3A_106 : i32 to vector<16xi32>
      %and3A_108 = arith.andi %get3A_89, %and3A_107 : vector<16xi32>
      %add3A_109 = arith.constant 5760 : i32
      %add3A_110 = vector.broadcast %add3A_109 : i32 to vector<16xi32>
      %add3A_111 = arith.addi %add3A_110, %and3A_108 : vector<16xi32>
      %select_n3A_112 = arith.select %and3A_105, %sub3A_99, %add3A_111 : vector<16xi1>, vector<16xi32>
      %swap3A_113 = arith.constant 0 : index
      %swap3A_114 = tpu.vector_load %arg9[%swap3A_113] {strides = array<i32>} : memref<128xi32, #tpu.memory_space<vmem>>, vector<16xi32>,
      %swap3A_115 = vector.shape_cast %swap3A_114 : vector<16xi32> to vector<16xi32>
      %swap3A_116 = vector.shape_cast %select_n3A_112 : vector<16xi32> to vector<16xi32>
      tpu.vector_store %arg9[%swap3A_113], %swap3A_116 {strides = array<i32>} : memref<128xi32, #tpu.memory_space<vmem>>, vector<16xi32>,
      %shift_right_logical3A = arith.constant 3 : i32
      %shift_right_logical3A_117 = vector.broadcast %shift_right_logical3A : i32 to vector<16xi32>
      %shift_right_logical3A_118 = arith.shrui %sub3A_99, %shift_right_logical3A_117 : vector<16xi32>
      %add3A_119 = arith.constant 5120 : i32
      %add3A_120 = vector.broadcast %add3A_119 : i32 to vector<16xi32>
      %add3A_121 = arith.addi %add3A_120, %shift_right_logical3A_118 : vector<16xi32>
      %select_n3A_122 = arith.select %and3A_105, %add3A_121, %add3A_111 : vector<16xi1>, vector<16xi32>
      %swap3A_123 = arith.constant 0 : index
      %swap3A_124 = tpu.vector_load %arg10[%swap3A_123] {strides = array<i32>} : memref<128xi32, #tpu.memory_space<vmem>>, vector<16xi32>,
      %swap3A_125 = vector.shape_cast %swap3A_124 : vector<16xi32> to vector<16xi32>
      %swap3A_126 = vector.shape_cast %select_n3A_122 : vector<16xi32> to vector<16xi32>
      tpu.vector_store %arg10[%swap3A_123], %swap3A_126 {strides = array<i32>} : memref<128xi32, #tpu.memory_space<vmem>>, vector<16xi32>,
      %and3A_127 = arith.constant 7 : i32
      %and3A_128 = vector.broadcast %and3A_127 : i32 to vector<16xi32>
      %and3A_129 = arith.andi %sub3A_99, %and3A_128 : vector<16xi32>
      %mul3A_130 = arith.constant 16 : i32
      %mul3A_131 = vector.broadcast %mul3A_130 : i32 to vector<16xi32>
      %mul3A_132 = arith.muli %and3A_129, %mul3A_131 : vector<16xi32>
      %swap3A_133 = arith.constant 0 : index
      %swap3A_134 = tpu.vector_load %arg11[%swap3A_133] {strides = array<i32>} : memref<128xi32, #tpu.memory_space<vmem>>, vector<16xi32>,
      %swap3A_135 = vector.shape_cast %swap3A_134 : vector<16xi32> to vector<16xi32>
      %swap3A_136 = vector.shape_cast %mul3A_132 : vector<16xi32> to vector<16xi32>
      tpu.vector_store %arg11[%swap3A_133], %swap3A_136 {strides = array<i32>} : memref<128xi32, #tpu.memory_space<vmem>>, vector<16xi32>,
      %get3A_137 = arith.constant 16 : index
      %get3A_138 = tpu.vector_load %arg12[%get3A_137] {strides = array<i32>} : memref<128xf32, #tpu.memory_space<vmem>>, vector<16xf32>,
      %get3A_139 = vector.shape_cast %get3A_138 : vector<16xf32> to vector<16xf32>
      %get3A_140 = arith.constant 16 : index
      %get3A_141 = tpu.vector_load %arg13[%get3A_140] {strides = array<i32>} : memref<128xi32, #tpu.memory_space<vmem>>, vector<16xi32>,
      %get3A_142 = vector.shape_cast %get3A_141 : vector<16xi32> to vector<16xi32>
      %get3A_143 = arith.constant 16 : index
      %get3A_144 = tpu.vector_load %arg9[%get3A_143] {strides = array<i32>} : memref<128xi32, #tpu.memory_space<vmem>>, vector<16xi32>,
      %get3A_145 = vector.shape_cast %get3A_144 : vector<16xi32> to vector<16xi32>
      %lt3A_146 = arith.constant 192 : i32
      %lt3A_147 = vector.broadcast %lt3A_146 : i32 to vector<16xi32>
      %lt3A_148 = arith.cmpi slt, %get3A_142, %lt3A_147 : vector<16xi32>
      %sub3A_149 = arith.subf %get3A_139, %get3A_80 : vector<16xf32>
      %exp3A_150 = math.exp %sub3A_149 : vector<16xf32>
      %jit3A_151 = arith.constant 0.000000e+00 : f32
      %broadcast_in_dim3A_152 = vector.broadcast %jit3A_151 : f32 to vector<16xf32>
      %select_n3A_153 = arith.select %lt3A_148, %exp3A_150, %broadcast_in_dim3A_152 : vector<16xi1>, vector<16xf32>
      %swap3A_154 = arith.constant 16 : index
      %swap3A_155 = tpu.vector_load %arg14[%swap3A_154] {strides = array<i32>} : memref<128xf32, #tpu.memory_space<vmem>>, vector<16xf32>,
      %swap3A_156 = vector.shape_cast %swap3A_155 : vector<16xf32> to vector<16xf32>
      %swap3A_157 = vector.shape_cast %select_n3A_153 : vector<16xf32> to vector<16xf32>
      tpu.vector_store %arg14[%swap3A_154], %swap3A_157 {strides = array<i32>} : memref<128xf32, #tpu.memory_space<vmem>>, vector<16xf32>,
      %sub3A_158 = arith.subi %get3A_145, %broadcast_in_dim3A : vector<16xi32>
      %ge3A_159 = arith.constant 0 : i32
      %ge3A_160 = vector.broadcast %ge3A_159 : i32 to vector<16xi32>
      %ge3A_161 = arith.cmpi sge, %sub3A_158, %ge3A_160 : vector<16xi32>
      %lt3A_162 = arith.constant 5120 : i32
      %lt3A_163 = vector.broadcast %lt3A_162 : i32 to vector<16xi32>
      %lt3A_164 = arith.cmpi slt, %sub3A_158, %lt3A_163 : vector<16xi32>
      %and3A_165 = arith.andi %ge3A_161, %lt3A_164 : vector<16xi1>
      %and3A_166 = arith.constant 127 : i32
      %and3A_167 = vector.broadcast %and3A_166 : i32 to vector<16xi32>
      %and3A_168 = arith.andi %get3A_145, %and3A_167 : vector<16xi32>
      %add3A_169 = arith.constant 5760 : i32
      %add3A_170 = vector.broadcast %add3A_169 : i32 to vector<16xi32>
      %add3A_171 = arith.addi %add3A_170, %and3A_168 : vector<16xi32>
      %select_n3A_172 = arith.select %and3A_165, %sub3A_158, %add3A_171 : vector<16xi1>, vector<16xi32>
      %swap3A_173 = arith.constant 16 : index
      %swap3A_174 = tpu.vector_load %arg9[%swap3A_173] {strides = array<i32>} : memref<128xi32, #tpu.memory_space<vmem>>, vector<16xi32>,
      %swap3A_175 = vector.shape_cast %swap3A_174 : vector<16xi32> to vector<16xi32>
      %swap3A_176 = vector.shape_cast %select_n3A_172 : vector<16xi32> to vector<16xi32>
      tpu.vector_store %arg9[%swap3A_173], %swap3A_176 {strides = array<i32>} : memref<128xi32, #tpu.memory_space<vmem>>, vector<16xi32>,
      %shift_right_logical3A_177 = arith.constant 3 : i32
      %shift_right_logical3A_178 = vector.broadcast %shift_right_logical3A_177 : i32 to vector<16xi32>
      %shift_right_logical3A_179 = arith.shrui %sub3A_158, %shift_right_logical3A_178 : vector<16xi32>
      %add3A_180 = arith.constant 5120 : i32
      %add3A_181 = vector.broadcast %add3A_180 : i32 to vector<16xi32>
      %add3A_182 = arith.addi %add3A_181, %shift_right_logical3A_179 : vector<16xi32>
      %select_n3A_183 = arith.select %and3A_165, %add3A_182, %add3A_171 : vector<16xi1>, vector<16xi32>
      %swap3A_184 = arith.constant 16 : index
      %swap3A_185 = tpu.vector_load %arg10[%swap3A_184] {strides = array<i32>} : memref<128xi32, #tpu.memory_space<vmem>>, vector<16xi32>,
      %swap3A_186 = vector.shape_cast %swap3A_185 : vector<16xi32> to vector<16xi32>
      %swap3A_187 = vector.shape_cast %select_n3A_183 : vector<16xi32> to vector<16xi32>
      tpu.vector_store %arg10[%swap3A_184], %swap3A_187 {strides = array<i32>} : memref<128xi32, #tpu.memory_space<vmem>>, vector<16xi32>,
      %and3A_188 = arith.constant 7 : i32
      %and3A_189 = vector.broadcast %and3A_188 : i32 to vector<16xi32>
      %and3A_190 = arith.andi %sub3A_158, %and3A_189 : vector<16xi32>
      %mul3A_191 = arith.constant 16 : i32
      %mul3A_192 = vector.broadcast %mul3A_191 : i32 to vector<16xi32>
      %mul3A_193 = arith.muli %and3A_190, %mul3A_192 : vector<16xi32>
      %swap3A_194 = arith.constant 16 : index
      %swap3A_195 = tpu.vector_load %arg11[%swap3A_194] {strides = array<i32>} : memref<128xi32, #tpu.memory_space<vmem>>, vector<16xi32>,
      %swap3A_196 = vector.shape_cast %swap3A_195 : vector<16xi32> to vector<16xi32>
      %swap3A_197 = vector.shape_cast %mul3A_193 : vector<16xi32> to vector<16xi32>
      tpu.vector_store %arg11[%swap3A_194], %swap3A_197 {strides = array<i32>} : memref<128xi32, #tpu.memory_space<vmem>>, vector<16xi32>,
      %get3A_198 = arith.constant 32 : index
      %get3A_199 = tpu.vector_load %arg12[%get3A_198] {strides = array<i32>} : memref<128xf32, #tpu.memory_space<vmem>>, vector<16xf32>,
      %get3A_200 = vector.shape_cast %get3A_199 : vector<16xf32> to vector<16xf32>
      %get3A_201 = arith.constant 32 : index
      %get3A_202 = tpu.vector_load %arg13[%get3A_201] {strides = array<i32>} : memref<128xi32, #tpu.memory_space<vmem>>, vector<16xi32>,
      %get3A_203 = vector.shape_cast %get3A_202 : vector<16xi32> to vector<16xi32>
      %get3A_204 = arith.constant 32 : index
      %get3A_205 = tpu.vector_load %arg9[%get3A_204] {strides = array<i32>} : memref<128xi32, #tpu.memory_space<vmem>>, vector<16xi32>,
      %get3A_206 = vector.shape_cast %get3A_205 : vector<16xi32> to vector<16xi32>
      %lt3A_207 = arith.constant 192 : i32
      %lt3A_208 = vector.broadcast %lt3A_207 : i32 to vector<16xi32>
      %lt3A_209 = arith.cmpi slt, %get3A_203, %lt3A_208 : vector<16xi32>
      %sub3A_210 = arith.subf %get3A_200, %get3A_80 : vector<16xf32>
      %exp3A_211 = math.exp %sub3A_210 : vector<16xf32>
      %jit3A_212 = arith.constant 0.000000e+00 : f32
      %broadcast_in_dim3A_213 = vector.broadcast %jit3A_212 : f32 to vector<16xf32>
      %select_n3A_214 = arith.select %lt3A_209, %exp3A_211, %broadcast_in_dim3A_213 : vector<16xi1>, vector<16xf32>
      %swap3A_215 = arith.constant 32 : index
      %swap3A_216 = tpu.vector_load %arg14[%swap3A_215] {strides = array<i32>} : memref<128xf32, #tpu.memory_space<vmem>>, vector<16xf32>,
      %swap3A_217 = vector.shape_cast %swap3A_216 : vector<16xf32> to vector<16xf32>
      %swap3A_218 = vector.shape_cast %select_n3A_214 : vector<16xf32> to vector<16xf32>
      tpu.vector_store %arg14[%swap3A_215], %swap3A_218 {strides = array<i32>} : memref<128xf32, #tpu.memory_space<vmem>>, vector<16xf32>,
      %sub3A_219 = arith.subi %get3A_206, %broadcast_in_dim3A : vector<16xi32>
      %ge3A_220 = arith.constant 0 : i32
      %ge3A_221 = vector.broadcast %ge3A_220 : i32 to vector<16xi32>
      %ge3A_222 = arith.cmpi sge, %sub3A_219, %ge3A_221 : vector<16xi32>
      %lt3A_223 = arith.constant 5120 : i32
      %lt3A_224 = vector.broadcast %lt3A_223 : i32 to vector<16xi32>
      %lt3A_225 = arith.cmpi slt, %sub3A_219, %lt3A_224 : vector<16xi32>
      %and3A_226 = arith.andi %ge3A_222, %lt3A_225 : vector<16xi1>
      %and3A_227 = arith.constant 127 : i32
      %and3A_228 = vector.broadcast %and3A_227 : i32 to vector<16xi32>
      %and3A_229 = arith.andi %get3A_206, %and3A_228 : vector<16xi32>
      %add3A_230 = arith.constant 5760 : i32
      %add3A_231 = vector.broadcast %add3A_230 : i32 to vector<16xi32>
      %add3A_232 = arith.addi %add3A_231, %and3A_229 : vector<16xi32>
      %select_n3A_233 = arith.select %and3A_226, %sub3A_219, %add3A_232 : vector<16xi1>, vector<16xi32>
      %swap3A_234 = arith.constant 32 : index
      %swap3A_235 = tpu.vector_load %arg9[%swap3A_234] {strides = array<i32>} : memref<128xi32, #tpu.memory_space<vmem>>, vector<16xi32>,
      %swap3A_236 = vector.shape_cast %swap3A_235 : vector<16xi32> to vector<16xi32>
      %swap3A_237 = vector.shape_cast %select_n3A_233 : vector<16xi32> to vector<16xi32>
      tpu.vector_store %arg9[%swap3A_234], %swap3A_237 {strides = array<i32>} : memref<128xi32, #tpu.memory_space<vmem>>, vector<16xi32>,
      %shift_right_logical3A_238 = arith.constant 3 : i32
      %shift_right_logical3A_239 = vector.broadcast %shift_right_logical3A_238 : i32 to vector<16xi32>
      %shift_right_logical3A_240 = arith.shrui %sub3A_219, %shift_right_logical3A_239 : vector<16xi32>
      %add3A_241 = arith.constant 5120 : i32
      %add3A_242 = vector.broadcast %add3A_241 : i32 to vector<16xi32>
      %add3A_243 = arith.addi %add3A_242, %shift_right_logical3A_240 : vector<16xi32>
      %select_n3A_244 = arith.select %and3A_226, %add3A_243, %add3A_232 : vector<16xi1>, vector<16xi32>
      %swap3A_245 = arith.constant 32 : index
      %swap3A_246 = tpu.vector_load %arg10[%swap3A_245] {strides = array<i32>} : memref<128xi32, #tpu.memory_space<vmem>>, vector<16xi32>,
      %swap3A_247 = vector.shape_cast %swap3A_246 : vector<16xi32> to vector<16xi32>
      %swap3A_248 = vector.shape_cast %select_n3A_244 : vector<16xi32> to vector<16xi32>
      tpu.vector_store %arg10[%swap3A_245], %swap3A_248 {strides = array<i32>} : memref<128xi32, #tpu.memory_space<vmem>>, vector<16xi32>,
      %and3A_249 = arith.constant 7 : i32
      %and3A_250 = vector.broadcast %and3A_249 : i32 to vector<16xi32>
      %and3A_251 = arith.andi %sub3A_219, %and3A_250 : vector<16xi32>
      %mul3A_252 = arith.constant 16 : i32
      %mul3A_253 = vector.broadcast %mul3A_252 : i32 to vector<16xi32>
      %mul3A_254 = arith.muli %and3A_251, %mul3A_253 : vector<16xi32>
      %swap3A_255 = arith.constant 32 : index
      %swap3A_256 = tpu.vector_load %arg11[%swap3A_255] {strides = array<i32>} : memref<128xi32, #tpu.memory_space<vmem>>, vector<16xi32>,
      %swap3A_257 = vector.shape_cast %swap3A_256 : vector<16xi32> to vector<16xi32>
      %swap3A_258 = vector.shape_cast %mul3A_254 : vector<16xi32> to vector<16xi32>
      tpu.vector_store %arg11[%swap3A_255], %swap3A_258 {strides = array<i32>} : memref<128xi32, #tpu.memory_space<vmem>>, vector<16xi32>,
      %get3A_259 = arith.constant 48 : index
      %get3A_260 = tpu.vector_load %arg12[%get3A_259] {strides = array<i32>} : memref<128xf32, #tpu.memory_space<vmem>>, vector<16xf32>,
      %get3A_261 = vector.shape_cast %get3A_260 : vector<16xf32> to vector<16xf32>
      %get3A_262 = arith.constant 48 : index
      %get3A_263 = tpu.vector_load %arg13[%get3A_262] {strides = array<i32>} : memref<128xi32, #tpu.memory_space<vmem>>, vector<16xi32>,
      %get3A_264 = vector.shape_cast %get3A_263 : vector<16xi32> to vector<16xi32>
      %get3A_265 = arith.constant 48 : index
      %get3A_266 = tpu.vector_load %arg9[%get3A_265] {strides = array<i32>} : memref<128xi32, #tpu.memory_space<vmem>>, vector<16xi32>,
      %get3A_267 = vector.shape_cast %get3A_266 : vector<16xi32> to vector<16xi32>
      %lt3A_268 = arith.constant 192 : i32
      %lt3A_269 = vector.broadcast %lt3A_268 : i32 to vector<16xi32>
      %lt3A_270 = arith.cmpi slt, %get3A_264, %lt3A_269 : vector<16xi32>
      %sub3A_271 = arith.subf %get3A_261, %get3A_80 : vector<16xf32>
      %exp3A_272 = math.exp %sub3A_271 : vector<16xf32>
      %jit3A_273 = arith.constant 0.000000e+00 : f32
      %broadcast_in_dim3A_274 = vector.broadcast %jit3A_273 : f32 to vector<16xf32>
      %select_n3A_275 = arith.select %lt3A_270, %exp3A_272, %broadcast_in_dim3A_274 : vector<16xi1>, vector<16xf32>
      %swap3A_276 = arith.constant 48 : index
      %swap3A_277 = tpu.vector_load %arg14[%swap3A_276] {strides = array<i32>} : memref<128xf32, #tpu.memory_space<vmem>>, vector<16xf32>,
      %swap3A_278 = vector.shape_cast %swap3A_277 : vector<16xf32> to vector<16xf32>
      %swap3A_279 = vector.shape_cast %select_n3A_275 : vector<16xf32> to vector<16xf32>
      tpu.vector_store %arg14[%swap3A_276], %swap3A_279 {strides = array<i32>} : memref<128xf32, #tpu.memory_space<vmem>>, vector<16xf32>,
      %sub3A_280 = arith.subi %get3A_267, %broadcast_in_dim3A : vector<16xi32>
      %ge3A_281 = arith.constant 0 : i32
      %ge3A_282 = vector.broadcast %ge3A_281 : i32 to vector<16xi32>
      %ge3A_283 = arith.cmpi sge, %sub3A_280, %ge3A_282 : vector<16xi32>
      %lt3A_284 = arith.constant 5120 : i32
      %lt3A_285 = vector.broadcast %lt3A_284 : i32 to vector<16xi32>
      %lt3A_286 = arith.cmpi slt, %sub3A_280, %lt3A_285 : vector<16xi32>
      %and3A_287 = arith.andi %ge3A_283, %lt3A_286 : vector<16xi1>
      %and3A_288 = arith.constant 127 : i32
      %and3A_289 = vector.broadcast %and3A_288 : i32 to vector<16xi32>
      %and3A_290 = arith.andi %get3A_267, %and3A_289 : vector<16xi32>
      %add3A_291 = arith.constant 5760 : i32
      %add3A_292 = vector.broadcast %add3A_291 : i32 to vector<16xi32>
      %add3A_293 = arith.addi %add3A_292, %and3A_290 : vector<16xi32>
      %select_n3A_294 = arith.select %and3A_287, %sub3A_280, %add3A_293 : vector<16xi1>, vector<16xi32>
      %swap3A_295 = arith.constant 48 : index
      %swap3A_296 = tpu.vector_load %arg9[%swap3A_295] {strides = array<i32>} : memref<128xi32, #tpu.memory_space<vmem>>, vector<16xi32>,
      %swap3A_297 = vector.shape_cast %swap3A_296 : vector<16xi32> to vector<16xi32>
      %swap3A_298 = vector.shape_cast %select_n3A_294 : vector<16xi32> to vector<16xi32>
      tpu.vector_store %arg9[%swap3A_295], %swap3A_298 {strides = array<i32>} : memref<128xi32, #tpu.memory_space<vmem>>, vector<16xi32>,
      %shift_right_logical3A_299 = arith.constant 3 : i32
      %shift_right_logical3A_300 = vector.broadcast %shift_right_logical3A_299 : i32 to vector<16xi32>
      %shift_right_logical3A_301 = arith.shrui %sub3A_280, %shift_right_logical3A_300 : vector<16xi32>
      %add3A_302 = arith.constant 5120 : i32
      %add3A_303 = vector.broadcast %add3A_302 : i32 to vector<16xi32>
      %add3A_304 = arith.addi %add3A_303, %shift_right_logical3A_301 : vector<16xi32>
      %select_n3A_305 = arith.select %and3A_287, %add3A_304, %add3A_293 : vector<16xi1>, vector<16xi32>
      %swap3A_306 = arith.constant 48 : index
      %swap3A_307 = tpu.vector_load %arg10[%swap3A_306] {strides = array<i32>} : memref<128xi32, #tpu.memory_space<vmem>>, vector<16xi32>,
      %swap3A_308 = vector.shape_cast %swap3A_307 : vector<16xi32> to vector<16xi32>
      %swap3A_309 = vector.shape_cast %select_n3A_305 : vector<16xi32> to vector<16xi32>
      tpu.vector_store %arg10[%swap3A_306], %swap3A_309 {strides = array<i32>} : memref<128xi32, #tpu.memory_space<vmem>>, vector<16xi32>,
      %and3A_310 = arith.constant 7 : i32
      %and3A_311 = vector.broadcast %and3A_310 : i32 to vector<16xi32>
      %and3A_312 = arith.andi %sub3A_280, %and3A_311 : vector<16xi32>
      %mul3A_313 = arith.constant 16 : i32
      %mul3A_314 = vector.broadcast %mul3A_313 : i32 to vector<16xi32>
      %mul3A_315 = arith.muli %and3A_312, %mul3A_314 : vector<16xi32>
      %swap3A_316 = arith.constant 48 : index
      %swap3A_317 = tpu.vector_load %arg11[%swap3A_316] {strides = array<i32>} : memref<128xi32, #tpu.memory_space<vmem>>, vector<16xi32>,
      %swap3A_318 = vector.shape_cast %swap3A_317 : vector<16xi32> to vector<16xi32>
      %swap3A_319 = vector.shape_cast %mul3A_315 : vector<16xi32> to vector<16xi32>
      tpu.vector_store %arg11[%swap3A_316], %swap3A_319 {strides = array<i32>} : memref<128xi32, #tpu.memory_space<vmem>>, vector<16xi32>,
      %get3A_320 = arith.constant 64 : index
      %get3A_321 = tpu.vector_load %arg12[%get3A_320] {strides = array<i32>} : memref<128xf32, #tpu.memory_space<vmem>>, vector<16xf32>,
      %get3A_322 = vector.shape_cast %get3A_321 : vector<16xf32> to vector<16xf32>
      %get3A_323 = arith.constant 64 : index
      %get3A_324 = tpu.vector_load %arg13[%get3A_323] {strides = array<i32>} : memref<128xi32, #tpu.memory_space<vmem>>, vector<16xi32>,
      %get3A_325 = vector.shape_cast %get3A_324 : vector<16xi32> to vector<16xi32>
      %get3A_326 = arith.constant 64 : index
      %get3A_327 = tpu.vector_load %arg9[%get3A_326] {strides = array<i32>} : memref<128xi32, #tpu.memory_space<vmem>>, vector<16xi32>,
      %get3A_328 = vector.shape_cast %get3A_327 : vector<16xi32> to vector<16xi32>
      %lt3A_329 = arith.constant 192 : i32
      %lt3A_330 = vector.broadcast %lt3A_329 : i32 to vector<16xi32>
      %lt3A_331 = arith.cmpi slt, %get3A_325, %lt3A_330 : vector<16xi32>
      %sub3A_332 = arith.subf %get3A_322, %get3A_80 : vector<16xf32>
      %exp3A_333 = math.exp %sub3A_332 : vector<16xf32>
      %jit3A_334 = arith.constant 0.000000e+00 : f32
      %broadcast_in_dim3A_335 = vector.broadcast %jit3A_334 : f32 to vector<16xf32>
      %select_n3A_336 = arith.select %lt3A_331, %exp3A_333, %broadcast_in_dim3A_335 : vector<16xi1>, vector<16xf32>
      %swap3A_337 = arith.constant 64 : index
      %swap3A_338 = tpu.vector_load %arg14[%swap3A_337] {strides = array<i32>} : memref<128xf32, #tpu.memory_space<vmem>>, vector<16xf32>,
      %swap3A_339 = vector.shape_cast %swap3A_338 : vector<16xf32> to vector<16xf32>
      %swap3A_340 = vector.shape_cast %select_n3A_336 : vector<16xf32> to vector<16xf32>
      tpu.vector_store %arg14[%swap3A_337], %swap3A_340 {strides = array<i32>} : memref<128xf32, #tpu.memory_space<vmem>>, vector<16xf32>,
      %sub3A_341 = arith.subi %get3A_328, %broadcast_in_dim3A : vector<16xi32>
      %ge3A_342 = arith.constant 0 : i32
      %ge3A_343 = vector.broadcast %ge3A_342 : i32 to vector<16xi32>
      %ge3A_344 = arith.cmpi sge, %sub3A_341, %ge3A_343 : vector<16xi32>
      %lt3A_345 = arith.constant 5120 : i32
      %lt3A_346 = vector.broadcast %lt3A_345 : i32 to vector<16xi32>
      %lt3A_347 = arith.cmpi slt, %sub3A_341, %lt3A_346 : vector<16xi32>
      %and3A_348 = arith.andi %ge3A_344, %lt3A_347 : vector<16xi1>
      %and3A_349 = arith.constant 127 : i32
      %and3A_350 = vector.broadcast %and3A_349 : i32 to vector<16xi32>
      %and3A_351 = arith.andi %get3A_328, %and3A_350 : vector<16xi32>
      %add3A_352 = arith.constant 5760 : i32
      %add3A_353 = vector.broadcast %add3A_352 : i32 to vector<16xi32>
      %add3A_354 = arith.addi %add3A_353, %and3A_351 : vector<16xi32>
      %select_n3A_355 = arith.select %and3A_348, %sub3A_341, %add3A_354 : vector<16xi1>, vector<16xi32>
      %swap3A_356 = arith.constant 64 : index
      %swap3A_357 = tpu.vector_load %arg9[%swap3A_356] {strides = array<i32>} : memref<128xi32, #tpu.memory_space<vmem>>, vector<16xi32>,
      %swap3A_358 = vector.shape_cast %swap3A_357 : vector<16xi32> to vector<16xi32>
      %swap3A_359 = vector.shape_cast %select_n3A_355 : vector<16xi32> to vector<16xi32>
      tpu.vector_store %arg9[%swap3A_356], %swap3A_359 {strides = array<i32>} : memref<128xi32, #tpu.memory_space<vmem>>, vector<16xi32>,
      %shift_right_logical3A_360 = arith.constant 3 : i32
      %shift_right_logical3A_361 = vector.broadcast %shift_right_logical3A_360 : i32 to vector<16xi32>
      %shift_right_logical3A_362 = arith.shrui %sub3A_341, %shift_right_logical3A_361 : vector<16xi32>
      %add3A_363 = arith.constant 5120 : i32
      %add3A_364 = vector.broadcast %add3A_363 : i32 to vector<16xi32>
      %add3A_365 = arith.addi %add3A_364, %shift_right_logical3A_362 : vector<16xi32>
      %select_n3A_366 = arith.select %and3A_348, %add3A_365, %add3A_354 : vector<16xi1>, vector<16xi32>
      %swap3A_367 = arith.constant 64 : index
      %swap3A_368 = tpu.vector_load %arg10[%swap3A_367] {strides = array<i32>} : memref<128xi32, #tpu.memory_space<vmem>>, vector<16xi32>,
      %swap3A_369 = vector.shape_cast %swap3A_368 : vector<16xi32> to vector<16xi32>
      %swap3A_370 = vector.shape_cast %select_n3A_366 : vector<16xi32> to vector<16xi32>
      tpu.vector_store %arg10[%swap3A_367], %swap3A_370 {strides = array<i32>} : memref<128xi32, #tpu.memory_space<vmem>>, vector<16xi32>,
      %and3A_371 = arith.constant 7 : i32
      %and3A_372 = vector.broadcast %and3A_371 : i32 to vector<16xi32>
      %and3A_373 = arith.andi %sub3A_341, %and3A_372 : vector<16xi32>
      %mul3A_374 = arith.constant 16 : i32
      %mul3A_375 = vector.broadcast %mul3A_374 : i32 to vector<16xi32>
      %mul3A_376 = arith.muli %and3A_373, %mul3A_375 : vector<16xi32>
      %swap3A_377 = arith.constant 64 : index
      %swap3A_378 = tpu.vector_load %arg11[%swap3A_377] {strides = array<i32>} : memref<128xi32, #tpu.memory_space<vmem>>, vector<16xi32>,
      %swap3A_379 = vector.shape_cast %swap3A_378 : vector<16xi32> to vector<16xi32>
      %swap3A_380 = vector.shape_cast %mul3A_376 : vector<16xi32> to vector<16xi32>
      tpu.vector_store %arg11[%swap3A_377], %swap3A_380 {strides = array<i32>} : memref<128xi32, #tpu.memory_space<vmem>>, vector<16xi32>,
      %get3A_381 = arith.constant 80 : index
      %get3A_382 = tpu.vector_load %arg12[%get3A_381] {strides = array<i32>} : memref<128xf32, #tpu.memory_space<vmem>>, vector<16xf32>,
      %get3A_383 = vector.shape_cast %get3A_382 : vector<16xf32> to vector<16xf32>
      %get3A_384 = arith.constant 80 : index
      %get3A_385 = tpu.vector_load %arg13[%get3A_384] {strides = array<i32>} : memref<128xi32, #tpu.memory_space<vmem>>, vector<16xi32>,
      %get3A_386 = vector.shape_cast %get3A_385 : vector<16xi32> to vector<16xi32>
      %get3A_387 = arith.constant 80 : index
      %get3A_388 = tpu.vector_load %arg9[%get3A_387] {strides = array<i32>} : memref<128xi32, #tpu.memory_space<vmem>>, vector<16xi32>,
      %get3A_389 = vector.shape_cast %get3A_388 : vector<16xi32> to vector<16xi32>
      %lt3A_390 = arith.constant 192 : i32
      %lt3A_391 = vector.broadcast %lt3A_390 : i32 to vector<16xi32>
      %lt3A_392 = arith.cmpi slt, %get3A_386, %lt3A_391 : vector<16xi32>
      %sub3A_393 = arith.subf %get3A_383, %get3A_80 : vector<16xf32>
      %exp3A_394 = math.exp %sub3A_393 : vector<16xf32>
      %jit3A_395 = arith.constant 0.000000e+00 : f32
      %broadcast_in_dim3A_396 = vector.broadcast %jit3A_395 : f32 to vector<16xf32>
      %select_n3A_397 = arith.select %lt3A_392, %exp3A_394, %broadcast_in_dim3A_396 : vector<16xi1>, vector<16xf32>
      %swap3A_398 = arith.constant 80 : index
      %swap3A_399 = tpu.vector_load %arg14[%swap3A_398] {strides = array<i32>} : memref<128xf32, #tpu.memory_space<vmem>>, vector<16xf32>,
      %swap3A_400 = vector.shape_cast %swap3A_399 : vector<16xf32> to vector<16xf32>
      %swap3A_401 = vector.shape_cast %select_n3A_397 : vector<16xf32> to vector<16xf32>
      tpu.vector_store %arg14[%swap3A_398], %swap3A_401 {strides = array<i32>} : memref<128xf32, #tpu.memory_space<vmem>>, vector<16xf32>,
      %sub3A_402 = arith.subi %get3A_389, %broadcast_in_dim3A : vector<16xi32>
      %ge3A_403 = arith.constant 0 : i32
      %ge3A_404 = vector.broadcast %ge3A_403 : i32 to vector<16xi32>
      %ge3A_405 = arith.cmpi sge, %sub3A_402, %ge3A_404 : vector<16xi32>
      %lt3A_406 = arith.constant 5120 : i32
      %lt3A_407 = vector.broadcast %lt3A_406 : i32 to vector<16xi32>
      %lt3A_408 = arith.cmpi slt, %sub3A_402, %lt3A_407 : vector<16xi32>
      %and3A_409 = arith.andi %ge3A_405, %lt3A_408 : vector<16xi1>
      %and3A_410 = arith.constant 127 : i32
      %and3A_411 = vector.broadcast %and3A_410 : i32 to vector<16xi32>
      %and3A_412 = arith.andi %get3A_389, %and3A_411 : vector<16xi32>
      %add3A_413 = arith.constant 5760 : i32
      %add3A_414 = vector.broadcast %add3A_413 : i32 to vector<16xi32>
      %add3A_415 = arith.addi %add3A_414, %and3A_412 : vector<16xi32>
      %select_n3A_416 = arith.select %and3A_409, %sub3A_402, %add3A_415 : vector<16xi1>, vector<16xi32>
      %swap3A_417 = arith.constant 80 : index
      %swap3A_418 = tpu.vector_load %arg9[%swap3A_417] {strides = array<i32>} : memref<128xi32, #tpu.memory_space<vmem>>, vector<16xi32>,
      %swap3A_419 = vector.shape_cast %swap3A_418 : vector<16xi32> to vector<16xi32>
      %swap3A_420 = vector.shape_cast %select_n3A_416 : vector<16xi32> to vector<16xi32>
      tpu.vector_store %arg9[%swap3A_417], %swap3A_420 {strides = array<i32>} : memref<128xi32, #tpu.memory_space<vmem>>, vector<16xi32>,
      %shift_right_logical3A_421 = arith.constant 3 : i32
      %shift_right_logical3A_422 = vector.broadcast %shift_right_logical3A_421 : i32 to vector<16xi32>
      %shift_right_logical3A_423 = arith.shrui %sub3A_402, %shift_right_logical3A_422 : vector<16xi32>
      %add3A_424 = arith.constant 5120 : i32
      %add3A_425 = vector.broadcast %add3A_424 : i32 to vector<16xi32>
      %add3A_426 = arith.addi %add3A_425, %shift_right_logical3A_423 : vector<16xi32>
      %select_n3A_427 = arith.select %and3A_409, %add3A_426, %add3A_415 : vector<16xi1>, vector<16xi32>
      %swap3A_428 = arith.constant 80 : index
      %swap3A_429 = tpu.vector_load %arg10[%swap3A_428] {strides = array<i32>} : memref<128xi32, #tpu.memory_space<vmem>>, vector<16xi32>,
      %swap3A_430 = vector.shape_cast %swap3A_429 : vector<16xi32> to vector<16xi32>
      %swap3A_431 = vector.shape_cast %select_n3A_427 : vector<16xi32> to vector<16xi32>
      tpu.vector_store %arg10[%swap3A_428], %swap3A_431 {strides = array<i32>} : memref<128xi32, #tpu.memory_space<vmem>>, vector<16xi32>,
      %and3A_432 = arith.constant 7 : i32
      %and3A_433 = vector.broadcast %and3A_432 : i32 to vector<16xi32>
      %and3A_434 = arith.andi %sub3A_402, %and3A_433 : vector<16xi32>
      %mul3A_435 = arith.constant 16 : i32
      %mul3A_436 = vector.broadcast %mul3A_435 : i32 to vector<16xi32>
      %mul3A_437 = arith.muli %and3A_434, %mul3A_436 : vector<16xi32>
      %swap3A_438 = arith.constant 80 : index
      %swap3A_439 = tpu.vector_load %arg11[%swap3A_438] {strides = array<i32>} : memref<128xi32, #tpu.memory_space<vmem>>, vector<16xi32>,
      %swap3A_440 = vector.shape_cast %swap3A_439 : vector<16xi32> to vector<16xi32>
      %swap3A_441 = vector.shape_cast %mul3A_437 : vector<16xi32> to vector<16xi32>
      tpu.vector_store %arg11[%swap3A_438], %swap3A_441 {strides = array<i32>} : memref<128xi32, #tpu.memory_space<vmem>>, vector<16xi32>,
      %get3A_442 = arith.constant 96 : index
      %get3A_443 = tpu.vector_load %arg12[%get3A_442] {strides = array<i32>} : memref<128xf32, #tpu.memory_space<vmem>>, vector<16xf32>,
      %get3A_444 = vector.shape_cast %get3A_443 : vector<16xf32> to vector<16xf32>
      %get3A_445 = arith.constant 96 : index
      %get3A_446 = tpu.vector_load %arg13[%get3A_445] {strides = array<i32>} : memref<128xi32, #tpu.memory_space<vmem>>, vector<16xi32>,
      %get3A_447 = vector.shape_cast %get3A_446 : vector<16xi32> to vector<16xi32>
      %get3A_448 = arith.constant 96 : index
      %get3A_449 = tpu.vector_load %arg9[%get3A_448] {strides = array<i32>} : memref<128xi32, #tpu.memory_space<vmem>>, vector<16xi32>,
      %get3A_450 = vector.shape_cast %get3A_449 : vector<16xi32> to vector<16xi32>
      %lt3A_451 = arith.constant 192 : i32
      %lt3A_452 = vector.broadcast %lt3A_451 : i32 to vector<16xi32>
      %lt3A_453 = arith.cmpi slt, %get3A_447, %lt3A_452 : vector<16xi32>
      %sub3A_454 = arith.subf %get3A_444, %get3A_80 : vector<16xf32>
      %exp3A_455 = math.exp %sub3A_454 : vector<16xf32>
      %jit3A_456 = arith.constant 0.000000e+00 : f32
      %broadcast_in_dim3A_457 = vector.broadcast %jit3A_456 : f32 to vector<16xf32>
      %select_n3A_458 = arith.select %lt3A_453, %exp3A_455, %broadcast_in_dim3A_457 : vector<16xi1>, vector<16xf32>
      %swap3A_459 = arith.constant 96 : index
      %swap3A_460 = tpu.vector_load %arg14[%swap3A_459] {strides = array<i32>} : memref<128xf32, #tpu.memory_space<vmem>>, vector<16xf32>,
      %swap3A_461 = vector.shape_cast %swap3A_460 : vector<16xf32> to vector<16xf32>
      %swap3A_462 = vector.shape_cast %select_n3A_458 : vector<16xf32> to vector<16xf32>
      tpu.vector_store %arg14[%swap3A_459], %swap3A_462 {strides = array<i32>} : memref<128xf32, #tpu.memory_space<vmem>>, vector<16xf32>,
      %sub3A_463 = arith.subi %get3A_450, %broadcast_in_dim3A : vector<16xi32>
      %ge3A_464 = arith.constant 0 : i32
      %ge3A_465 = vector.broadcast %ge3A_464 : i32 to vector<16xi32>
      %ge3A_466 = arith.cmpi sge, %sub3A_463, %ge3A_465 : vector<16xi32>
      %lt3A_467 = arith.constant 5120 : i32
      %lt3A_468 = vector.broadcast %lt3A_467 : i32 to vector<16xi32>
      %lt3A_469 = arith.cmpi slt, %sub3A_463, %lt3A_468 : vector<16xi32>
      %and3A_470 = arith.andi %ge3A_466, %lt3A_469 : vector<16xi1>
      %and3A_471 = arith.constant 127 : i32
      %and3A_472 = vector.broadcast %and3A_471 : i32 to vector<16xi32>
      %and3A_473 = arith.andi %get3A_450, %and3A_472 : vector<16xi32>
      %add3A_474 = arith.constant 5760 : i32
      %add3A_475 = vector.broadcast %add3A_474 : i32 to vector<16xi32>
      %add3A_476 = arith.addi %add3A_475, %and3A_473 : vector<16xi32>
      %select_n3A_477 = arith.select %and3A_470, %sub3A_463, %add3A_476 : vector<16xi1>, vector<16xi32>
      %swap3A_478 = arith.constant 96 : index
      %swap3A_479 = tpu.vector_load %arg9[%swap3A_478] {strides = array<i32>} : memref<128xi32, #tpu.memory_space<vmem>>, vector<16xi32>,
      %swap3A_480 = vector.shape_cast %swap3A_479 : vector<16xi32> to vector<16xi32>
      %swap3A_481 = vector.shape_cast %select_n3A_477 : vector<16xi32> to vector<16xi32>
      tpu.vector_store %arg9[%swap3A_478], %swap3A_481 {strides = array<i32>} : memref<128xi32, #tpu.memory_space<vmem>>, vector<16xi32>,
      %shift_right_logical3A_482 = arith.constant 3 : i32
      %shift_right_logical3A_483 = vector.broadcast %shift_right_logical3A_482 : i32 to vector<16xi32>
      %shift_right_logical3A_484 = arith.shrui %sub3A_463, %shift_right_logical3A_483 : vector<16xi32>
      %add3A_485 = arith.constant 5120 : i32
      %add3A_486 = vector.broadcast %add3A_485 : i32 to vector<16xi32>
      %add3A_487 = arith.addi %add3A_486, %shift_right_logical3A_484 : vector<16xi32>
      %select_n3A_488 = arith.select %and3A_470, %add3A_487, %add3A_476 : vector<16xi1>, vector<16xi32>
      %swap3A_489 = arith.constant 96 : index
      %swap3A_490 = tpu.vector_load %arg10[%swap3A_489] {strides = array<i32>} : memref<128xi32, #tpu.memory_space<vmem>>, vector<16xi32>,
      %swap3A_491 = vector.shape_cast %swap3A_490 : vector<16xi32> to vector<16xi32>
      %swap3A_492 = vector.shape_cast %select_n3A_488 : vector<16xi32> to vector<16xi32>
      tpu.vector_store %arg10[%swap3A_489], %swap3A_492 {strides = array<i32>} : memref<128xi32, #tpu.memory_space<vmem>>, vector<16xi32>,
      %and3A_493 = arith.constant 7 : i32
      %and3A_494 = vector.broadcast %and3A_493 : i32 to vector<16xi32>
      %and3A_495 = arith.andi %sub3A_463, %and3A_494 : vector<16xi32>
      %mul3A_496 = arith.constant 16 : i32
      %mul3A_497 = vector.broadcast %mul3A_496 : i32 to vector<16xi32>
      %mul3A_498 = arith.muli %and3A_495, %mul3A_497 : vector<16xi32>
      %swap3A_499 = arith.constant 96 : index
      %swap3A_500 = tpu.vector_load %arg11[%swap3A_499] {strides = array<i32>} : memref<128xi32, #tpu.memory_space<vmem>>, vector<16xi32>,
      %swap3A_501 = vector.shape_cast %swap3A_500 : vector<16xi32> to vector<16xi32>
      %swap3A_502 = vector.shape_cast %mul3A_498 : vector<16xi32> to vector<16xi32>
      tpu.vector_store %arg11[%swap3A_499], %swap3A_502 {strides = array<i32>} : memref<128xi32, #tpu.memory_space<vmem>>, vector<16xi32>,
      %get3A_503 = arith.constant 112 : index
      %get3A_504 = tpu.vector_load %arg12[%get3A_503] {strides = array<i32>} : memref<128xf32, #tpu.memory_space<vmem>>, vector<16xf32>,
      %get3A_505 = vector.shape_cast %get3A_504 : vector<16xf32> to vector<16xf32>
      %get3A_506 = arith.constant 112 : index
      %get3A_507 = tpu.vector_load %arg13[%get3A_506] {strides = array<i32>} : memref<128xi32, #tpu.memory_space<vmem>>, vector<16xi32>,
      %get3A_508 = vector.shape_cast %get3A_507 : vector<16xi32> to vector<16xi32>
      %get3A_509 = arith.constant 112 : index
      %get3A_510 = tpu.vector_load %arg9[%get3A_509] {strides = array<i32>} : memref<128xi32, #tpu.memory_space<vmem>>, vector<16xi32>,
      %get3A_511 = vector.shape_cast %get3A_510 : vector<16xi32> to vector<16xi32>
      %lt3A_512 = arith.constant 192 : i32
      %lt3A_513 = vector.broadcast %lt3A_512 : i32 to vector<16xi32>
      %lt3A_514 = arith.cmpi slt, %get3A_508, %lt3A_513 : vector<16xi32>
      %sub3A_515 = arith.subf %get3A_505, %get3A_80 : vector<16xf32>
      %exp3A_516 = math.exp %sub3A_515 : vector<16xf32>
      %jit3A_517 = arith.constant 0.000000e+00 : f32
      %broadcast_in_dim3A_518 = vector.broadcast %jit3A_517 : f32 to vector<16xf32>
      %select_n3A_519 = arith.select %lt3A_514, %exp3A_516, %broadcast_in_dim3A_518 : vector<16xi1>, vector<16xf32>
      %swap3A_520 = arith.constant 112 : index
      %swap3A_521 = tpu.vector_load %arg14[%swap3A_520] {strides = array<i32>} : memref<128xf32, #tpu.memory_space<vmem>>, vector<16xf32>,
      %swap3A_522 = vector.shape_cast %swap3A_521 : vector<16xf32> to vector<16xf32>
      %swap3A_523 = vector.shape_cast %select_n3A_519 : vector<16xf32> to vector<16xf32>
      tpu.vector_store %arg14[%swap3A_520], %swap3A_523 {strides = array<i32>} : memref<128xf32, #tpu.memory_space<vmem>>, vector<16xf32>,
      %sub3A_524 = arith.subi %get3A_511, %broadcast_in_dim3A : vector<16xi32>
      %ge3A_525 = arith.constant 0 : i32
      %ge3A_526 = vector.broadcast %ge3A_525 : i32 to vector<16xi32>
      %ge3A_527 = arith.cmpi sge, %sub3A_524, %ge3A_526 : vector<16xi32>
      %lt3A_528 = arith.constant 5120 : i32
      %lt3A_529 = vector.broadcast %lt3A_528 : i32 to vector<16xi32>
      %lt3A_530 = arith.cmpi slt, %sub3A_524, %lt3A_529 : vector<16xi32>
      %and3A_531 = arith.andi %ge3A_527, %lt3A_530 : vector<16xi1>
      %and3A_532 = arith.constant 127 : i32
      %and3A_533 = vector.broadcast %and3A_532 : i32 to vector<16xi32>
      %and3A_534 = arith.andi %get3A_511, %and3A_533 : vector<16xi32>
      %add3A_535 = arith.constant 5760 : i32
      %add3A_536 = vector.broadcast %add3A_535 : i32 to vector<16xi32>
      %add3A_537 = arith.addi %add3A_536, %and3A_534 : vector<16xi32>
      %select_n3A_538 = arith.select %and3A_531, %sub3A_524, %add3A_537 : vector<16xi1>, vector<16xi32>
      %swap3A_539 = arith.constant 112 : index
      %swap3A_540 = tpu.vector_load %arg9[%swap3A_539] {strides = array<i32>} : memref<128xi32, #tpu.memory_space<vmem>>, vector<16xi32>,
      %swap3A_541 = vector.shape_cast %swap3A_540 : vector<16xi32> to vector<16xi32>
      %swap3A_542 = vector.shape_cast %select_n3A_538 : vector<16xi32> to vector<16xi32>
      tpu.vector_store %arg9[%swap3A_539], %swap3A_542 {strides = array<i32>} : memref<128xi32, #tpu.memory_space<vmem>>, vector<16xi32>,
      %shift_right_logical3A_543 = arith.constant 3 : i32
      %shift_right_logical3A_544 = vector.broadcast %shift_right_logical3A_543 : i32 to vector<16xi32>
      %shift_right_logical3A_545 = arith.shrui %sub3A_524, %shift_right_logical3A_544 : vector<16xi32>
      %add3A_546 = arith.constant 5120 : i32
      %add3A_547 = vector.broadcast %add3A_546 : i32 to vector<16xi32>
      %add3A_548 = arith.addi %add3A_547, %shift_right_logical3A_545 : vector<16xi32>
      %select_n3A_549 = arith.select %and3A_531, %add3A_548, %add3A_537 : vector<16xi1>, vector<16xi32>
      %swap3A_550 = arith.constant 112 : index
      %swap3A_551 = tpu.vector_load %arg10[%swap3A_550] {strides = array<i32>} : memref<128xi32, #tpu.memory_space<vmem>>, vector<16xi32>,
      %swap3A_552 = vector.shape_cast %swap3A_551 : vector<16xi32> to vector<16xi32>
      %swap3A_553 = vector.shape_cast %select_n3A_549 : vector<16xi32> to vector<16xi32>
      tpu.vector_store %arg10[%swap3A_550], %swap3A_553 {strides = array<i32>} : memref<128xi32, #tpu.memory_space<vmem>>, vector<16xi32>,
      %and3A_554 = arith.constant 7 : i32
      %and3A_555 = vector.broadcast %and3A_554 : i32 to vector<16xi32>
      %and3A_556 = arith.andi %sub3A_524, %and3A_555 : vector<16xi32>
      %mul3A_557 = arith.constant 16 : i32
      %mul3A_558 = vector.broadcast %mul3A_557 : i32 to vector<16xi32>
      %mul3A_559 = arith.muli %and3A_556, %mul3A_558 : vector<16xi32>
      %swap3A_560 = arith.constant 112 : index
      %swap3A_561 = tpu.vector_load %arg11[%swap3A_560] {strides = array<i32>} : memref<128xi32, #tpu.memory_space<vmem>>, vector<16xi32>,
      %swap3A_562 = vector.shape_cast %swap3A_561 : vector<16xi32> to vector<16xi32>
      %swap3A_563 = vector.shape_cast %mul3A_559 : vector<16xi32> to vector<16xi32>
      tpu.vector_store %arg11[%swap3A_560], %swap3A_563 {strides = array<i32>} : memref<128xi32, #tpu.memory_space<vmem>>, vector<16xi32>,
      %scan3A_564 = arith.constant 0 : i32
      %scan3A_565 = arith.constant 0 : i32
      %scan3A_566 = arith.constant 128 : i32
      %scan3A_567 = arith.addi %scan3A_565, %scan3A_566 : i32
      %scan3A_568 = arith.constant 1 : i32
      %scan3A_569 = scf.for %scan3A_572 = %scan3A_565 to %scan3A_567 step %scan3A_568 iter_args(%scan3A_573 = %scan3A_564) -> (i32)  : i32 {
        %get3A_574 = arith.index_cast %scan3A_572 : i32 to index
        %get3A_575 = tpu.vector_load %arg14[%get3A_574] {strides = array<i32>} : memref<128xf32, #tpu.memory_space<vmem>>, vector<1xf32>,
        %get3A_576 = vector.shape_cast %get3A_575 : vector<1xf32> to vector<1xf32>
        %squeeze3A_577 = vector.extract %get3A_576[0] : f32 from vector<1xf32>
        %get3A_578 = arith.index_cast %scan3A_572 : i32 to index
        %get3A_579 = tpu.vector_load %arg11[%get3A_578] {strides = array<i32>} : memref<128xi32, #tpu.memory_space<vmem>>, vector<1xi32>,
        %get3A_580 = vector.shape_cast %get3A_579 : vector<1xi32> to vector<1xi32>
        %squeeze3A_581 = vector.extract %get3A_580[0] : i32 from vector<1xi32>
        %broadcast_in_dim3A_582 = vector.broadcast %squeeze3A_577 : f32 to vector<16xf32>
        %broadcast_in_dim3A_583 = vector.broadcast %squeeze3A_581 : i32 to vector<16xi32>
        %get3A_584 = arith.index_cast %scan3A_572 : i32 to index
        %get3A_585 = arith.constant 0 : index
        %get3A_586 = tpu.vector_load %arg15[%get3A_584, %get3A_585] {strides = array<i32>} : memref<128x128xf32, #tpu.memory_space<vmem>>, vector<1x16xf32>,
        %get3A_587 = vector.shape_cast %get3A_586 : vector<1x16xf32> to vector<16xf32>
        %mul3A_588 = arith.mulf %get3A_587, %broadcast_in_dim3A_582 : vector<16xf32>
        %swap3A_589 = arith.index_cast %scan3A_572 : i32 to index
        %swap3A_590 = arith.constant 0 : index
        %swap3A_591 = tpu.vector_load %arg16[%swap3A_589, %swap3A_590] {strides = array<i32>} : memref<128x128xf32, #tpu.memory_space<vmem>>, vector<1x16xf32>,
        %swap3A_592 = vector.shape_cast %swap3A_591 : vector<1x16xf32> to vector<16xf32>
        %swap3A_593 = vector.shape_cast %mul3A_588 : vector<16xf32> to vector<1x16xf32>
        tpu.vector_store %arg16[%swap3A_589, %swap3A_590], %swap3A_593 {strides = array<i32>} : memref<128x128xf32, #tpu.memory_space<vmem>>, vector<1x16xf32>,
        %sub3A_594 = arith.constant 0 : i32
        %sub3A_595 = vector.broadcast %sub3A_594 : i32 to vector<16xi32>
        %sub3A_596 = arith.subi %broadcast_in_dim3A_583, %sub3A_595 : vector<16xi32>
        %eq3A = arith.cmpi eq, %iota3A, %sub3A_596 : vector<16xi32>
        %select_n3A_597 = arith.select %eq3A, %broadcast_in_dim3A_582, %broadcast_in_dim3A_45 : vector<16xi1>, vector<16xf32>
        %swap3A_598 = arith.index_cast %scan3A_572 : i32 to index
        %swap3A_599 = arith.constant 0 : index
        %swap3A_600 = tpu.vector_load %arg17[%swap3A_598, %swap3A_599] {strides = array<i32>} : memref<128x128xf32, #tpu.memory_space<vmem>>, vector<1x16xf32>,
        %swap3A_601 = vector.shape_cast %swap3A_600 : vector<1x16xf32> to vector<16xf32>
        %swap3A_602 = vector.shape_cast %select_n3A_597 : vector<16xf32> to vector<1x16xf32>
        tpu.vector_store %arg17[%swap3A_598, %swap3A_599], %swap3A_602 {strides = array<i32>} : memref<128x128xf32, #tpu.memory_space<vmem>>, vector<1x16xf32>,
        %get3A_603 = arith.index_cast %scan3A_572 : i32 to index
        %get3A_604 = arith.constant 16 : index
        %get3A_605 = tpu.vector_load %arg15[%get3A_603, %get3A_604] {strides = array<i32>} : memref<128x128xf32, #tpu.memory_space<vmem>>, vector<1x16xf32>,
        %get3A_606 = vector.shape_cast %get3A_605 : vector<1x16xf32> to vector<16xf32>
        %mul3A_607 = arith.mulf %get3A_606, %broadcast_in_dim3A_582 : vector<16xf32>
        %swap3A_608 = arith.index_cast %scan3A_572 : i32 to index
        %swap3A_609 = arith.constant 16 : index
        %swap3A_610 = tpu.vector_load %arg16[%swap3A_608, %swap3A_609] {strides = array<i32>} : memref<128x128xf32, #tpu.memory_space<vmem>>, vector<1x16xf32>,
        %swap3A_611 = vector.shape_cast %swap3A_610 : vector<1x16xf32> to vector<16xf32>
        %swap3A_612 = vector.shape_cast %mul3A_607 : vector<16xf32> to vector<1x16xf32>
        tpu.vector_store %arg16[%swap3A_608, %swap3A_609], %swap3A_612 {strides = array<i32>} : memref<128x128xf32, #tpu.memory_space<vmem>>, vector<1x16xf32>,
        %sub3A_613 = arith.constant 16 : i32
        %sub3A_614 = vector.broadcast %sub3A_613 : i32 to vector<16xi32>
        %sub3A_615 = arith.subi %broadcast_in_dim3A_583, %sub3A_614 : vector<16xi32>
        %eq3A_616 = arith.cmpi eq, %iota3A, %sub3A_615 : vector<16xi32>
        %select_n3A_617 = arith.select %eq3A_616, %broadcast_in_dim3A_582, %broadcast_in_dim3A_45 : vector<16xi1>, vector<16xf32>
        %swap3A_618 = arith.index_cast %scan3A_572 : i32 to index
        %swap3A_619 = arith.constant 16 : index
        %swap3A_620 = tpu.vector_load %arg17[%swap3A_618, %swap3A_619] {strides = array<i32>} : memref<128x128xf32, #tpu.memory_space<vmem>>, vector<1x16xf32>,
        %swap3A_621 = vector.shape_cast %swap3A_620 : vector<1x16xf32> to vector<16xf32>
        %swap3A_622 = vector.shape_cast %select_n3A_617 : vector<16xf32> to vector<1x16xf32>
        tpu.vector_store %arg17[%swap3A_618, %swap3A_619], %swap3A_622 {strides = array<i32>} : memref<128x128xf32, #tpu.memory_space<vmem>>, vector<1x16xf32>,
        %get3A_623 = arith.index_cast %scan3A_572 : i32 to index
        %get3A_624 = arith.constant 32 : index
        %get3A_625 = tpu.vector_load %arg15[%get3A_623, %get3A_624] {strides = array<i32>} : memref<128x128xf32, #tpu.memory_space<vmem>>, vector<1x16xf32>,
        %get3A_626 = vector.shape_cast %get3A_625 : vector<1x16xf32> to vector<16xf32>
        %mul3A_627 = arith.mulf %get3A_626, %broadcast_in_dim3A_582 : vector<16xf32>
        %swap3A_628 = arith.index_cast %scan3A_572 : i32 to index
        %swap3A_629 = arith.constant 32 : index
        %swap3A_630 = tpu.vector_load %arg16[%swap3A_628, %swap3A_629] {strides = array<i32>} : memref<128x128xf32, #tpu.memory_space<vmem>>, vector<1x16xf32>,
        %swap3A_631 = vector.shape_cast %swap3A_630 : vector<1x16xf32> to vector<16xf32>
        %swap3A_632 = vector.shape_cast %mul3A_627 : vector<16xf32> to vector<1x16xf32>
        tpu.vector_store %arg16[%swap3A_628, %swap3A_629], %swap3A_632 {strides = array<i32>} : memref<128x128xf32, #tpu.memory_space<vmem>>, vector<1x16xf32>,
        %sub3A_633 = arith.constant 32 : i32
        %sub3A_634 = vector.broadcast %sub3A_633 : i32 to vector<16xi32>
        %sub3A_635 = arith.subi %broadcast_in_dim3A_583, %sub3A_634 : vector<16xi32>
        %eq3A_636 = arith.cmpi eq, %iota3A, %sub3A_635 : vector<16xi32>
        %select_n3A_637 = arith.select %eq3A_636, %broadcast_in_dim3A_582, %broadcast_in_dim3A_45 : vector<16xi1>, vector<16xf32>
        %swap3A_638 = arith.index_cast %scan3A_572 : i32 to index
        %swap3A_639 = arith.constant 32 : index
        %swap3A_640 = tpu.vector_load %arg17[%swap3A_638, %swap3A_639] {strides = array<i32>} : memref<128x128xf32, #tpu.memory_space<vmem>>, vector<1x16xf32>,
        %swap3A_641 = vector.shape_cast %swap3A_640 : vector<1x16xf32> to vector<16xf32>
        %swap3A_642 = vector.shape_cast %select_n3A_637 : vector<16xf32> to vector<1x16xf32>
        tpu.vector_store %arg17[%swap3A_638, %swap3A_639], %swap3A_642 {strides = array<i32>} : memref<128x128xf32, #tpu.memory_space<vmem>>, vector<1x16xf32>,
        %get3A_643 = arith.index_cast %scan3A_572 : i32 to index
        %get3A_644 = arith.constant 48 : index
        %get3A_645 = tpu.vector_load %arg15[%get3A_643, %get3A_644] {strides = array<i32>} : memref<128x128xf32, #tpu.memory_space<vmem>>, vector<1x16xf32>,
        %get3A_646 = vector.shape_cast %get3A_645 : vector<1x16xf32> to vector<16xf32>
        %mul3A_647 = arith.mulf %get3A_646, %broadcast_in_dim3A_582 : vector<16xf32>
        %swap3A_648 = arith.index_cast %scan3A_572 : i32 to index
        %swap3A_649 = arith.constant 48 : index
        %swap3A_650 = tpu.vector_load %arg16[%swap3A_648, %swap3A_649] {strides = array<i32>} : memref<128x128xf32, #tpu.memory_space<vmem>>, vector<1x16xf32>,
        %swap3A_651 = vector.shape_cast %swap3A_650 : vector<1x16xf32> to vector<16xf32>
        %swap3A_652 = vector.shape_cast %mul3A_647 : vector<16xf32> to vector<1x16xf32>
        tpu.vector_store %arg16[%swap3A_648, %swap3A_649], %swap3A_652 {strides = array<i32>} : memref<128x128xf32, #tpu.memory_space<vmem>>, vector<1x16xf32>,
        %sub3A_653 = arith.constant 48 : i32
        %sub3A_654 = vector.broadcast %sub3A_653 : i32 to vector<16xi32>
        %sub3A_655 = arith.subi %broadcast_in_dim3A_583, %sub3A_654 : vector<16xi32>
        %eq3A_656 = arith.cmpi eq, %iota3A, %sub3A_655 : vector<16xi32>
        %select_n3A_657 = arith.select %eq3A_656, %broadcast_in_dim3A_582, %broadcast_in_dim3A_45 : vector<16xi1>, vector<16xf32>
        %swap3A_658 = arith.index_cast %scan3A_572 : i32 to index
        %swap3A_659 = arith.constant 48 : index
        %swap3A_660 = tpu.vector_load %arg17[%swap3A_658, %swap3A_659] {strides = array<i32>} : memref<128x128xf32, #tpu.memory_space<vmem>>, vector<1x16xf32>,
        %swap3A_661 = vector.shape_cast %swap3A_660 : vector<1x16xf32> to vector<16xf32>
        %swap3A_662 = vector.shape_cast %select_n3A_657 : vector<16xf32> to vector<1x16xf32>
        tpu.vector_store %arg17[%swap3A_658, %swap3A_659], %swap3A_662 {strides = array<i32>} : memref<128x128xf32, #tpu.memory_space<vmem>>, vector<1x16xf32>,
        %get3A_663 = arith.index_cast %scan3A_572 : i32 to index
        %get3A_664 = arith.constant 64 : index
        %get3A_665 = tpu.vector_load %arg15[%get3A_663, %get3A_664] {strides = array<i32>} : memref<128x128xf32, #tpu.memory_space<vmem>>, vector<1x16xf32>,
        %get3A_666 = vector.shape_cast %get3A_665 : vector<1x16xf32> to vector<16xf32>
        %mul3A_667 = arith.mulf %get3A_666, %broadcast_in_dim3A_582 : vector<16xf32>
        %swap3A_668 = arith.index_cast %scan3A_572 : i32 to index
        %swap3A_669 = arith.constant 64 : index
        %swap3A_670 = tpu.vector_load %arg16[%swap3A_668, %swap3A_669] {strides = array<i32>} : memref<128x128xf32, #tpu.memory_space<vmem>>, vector<1x16xf32>,
        %swap3A_671 = vector.shape_cast %swap3A_670 : vector<1x16xf32> to vector<16xf32>
        %swap3A_672 = vector.shape_cast %mul3A_667 : vector<16xf32> to vector<1x16xf32>
        tpu.vector_store %arg16[%swap3A_668, %swap3A_669], %swap3A_672 {strides = array<i32>} : memref<128x128xf32, #tpu.memory_space<vmem>>, vector<1x16xf32>,
        %sub3A_673 = arith.constant 64 : i32
        %sub3A_674 = vector.broadcast %sub3A_673 : i32 to vector<16xi32>
        %sub3A_675 = arith.subi %broadcast_in_dim3A_583, %sub3A_674 : vector<16xi32>
        %eq3A_676 = arith.cmpi eq, %iota3A, %sub3A_675 : vector<16xi32>
        %select_n3A_677 = arith.select %eq3A_676, %broadcast_in_dim3A_582, %broadcast_in_dim3A_45 : vector<16xi1>, vector<16xf32>
        %swap3A_678 = arith.index_cast %scan3A_572 : i32 to index
        %swap3A_679 = arith.constant 64 : index
        %swap3A_680 = tpu.vector_load %arg17[%swap3A_678, %swap3A_679] {strides = array<i32>} : memref<128x128xf32, #tpu.memory_space<vmem>>, vector<1x16xf32>,
        %swap3A_681 = vector.shape_cast %swap3A_680 : vector<1x16xf32> to vector<16xf32>
        %swap3A_682 = vector.shape_cast %select_n3A_677 : vector<16xf32> to vector<1x16xf32>
        tpu.vector_store %arg17[%swap3A_678, %swap3A_679], %swap3A_682 {strides = array<i32>} : memref<128x128xf32, #tpu.memory_space<vmem>>, vector<1x16xf32>,
        %get3A_683 = arith.index_cast %scan3A_572 : i32 to index
        %get3A_684 = arith.constant 80 : index
        %get3A_685 = tpu.vector_load %arg15[%get3A_683, %get3A_684] {strides = array<i32>} : memref<128x128xf32, #tpu.memory_space<vmem>>, vector<1x16xf32>,
        %get3A_686 = vector.shape_cast %get3A_685 : vector<1x16xf32> to vector<16xf32>
        %mul3A_687 = arith.mulf %get3A_686, %broadcast_in_dim3A_582 : vector<16xf32>
        %swap3A_688 = arith.index_cast %scan3A_572 : i32 to index
        %swap3A_689 = arith.constant 80 : index
        %swap3A_690 = tpu.vector_load %arg16[%swap3A_688, %swap3A_689] {strides = array<i32>} : memref<128x128xf32, #tpu.memory_space<vmem>>, vector<1x16xf32>,
        %swap3A_691 = vector.shape_cast %swap3A_690 : vector<1x16xf32> to vector<16xf32>
        %swap3A_692 = vector.shape_cast %mul3A_687 : vector<16xf32> to vector<1x16xf32>
        tpu.vector_store %arg16[%swap3A_688, %swap3A_689], %swap3A_692 {strides = array<i32>} : memref<128x128xf32, #tpu.memory_space<vmem>>, vector<1x16xf32>,
        %sub3A_693 = arith.constant 80 : i32
        %sub3A_694 = vector.broadcast %sub3A_693 : i32 to vector<16xi32>
        %sub3A_695 = arith.subi %broadcast_in_dim3A_583, %sub3A_694 : vector<16xi32>
        %eq3A_696 = arith.cmpi eq, %iota3A, %sub3A_695 : vector<16xi32>
        %select_n3A_697 = arith.select %eq3A_696, %broadcast_in_dim3A_582, %broadcast_in_dim3A_45 : vector<16xi1>, vector<16xf32>
        %swap3A_698 = arith.index_cast %scan3A_572 : i32 to index
        %swap3A_699 = arith.constant 80 : index
        %swap3A_700 = tpu.vector_load %arg17[%swap3A_698, %swap3A_699] {strides = array<i32>} : memref<128x128xf32, #tpu.memory_space<vmem>>, vector<1x16xf32>,
        %swap3A_701 = vector.shape_cast %swap3A_700 : vector<1x16xf32> to vector<16xf32>
        %swap3A_702 = vector.shape_cast %select_n3A_697 : vector<16xf32> to vector<1x16xf32>
        tpu.vector_store %arg17[%swap3A_698, %swap3A_699], %swap3A_702 {strides = array<i32>} : memref<128x128xf32, #tpu.memory_space<vmem>>, vector<1x16xf32>,
        %get3A_703 = arith.index_cast %scan3A_572 : i32 to index
        %get3A_704 = arith.constant 96 : index
        %get3A_705 = tpu.vector_load %arg15[%get3A_703, %get3A_704] {strides = array<i32>} : memref<128x128xf32, #tpu.memory_space<vmem>>, vector<1x16xf32>,
        %get3A_706 = vector.shape_cast %get3A_705 : vector<1x16xf32> to vector<16xf32>
        %mul3A_707 = arith.mulf %get3A_706, %broadcast_in_dim3A_582 : vector<16xf32>
        %swap3A_708 = arith.index_cast %scan3A_572 : i32 to index
        %swap3A_709 = arith.constant 96 : index
        %swap3A_710 = tpu.vector_load %arg16[%swap3A_708, %swap3A_709] {strides = array<i32>} : memref<128x128xf32, #tpu.memory_space<vmem>>, vector<1x16xf32>,
        %swap3A_711 = vector.shape_cast %swap3A_710 : vector<1x16xf32> to vector<16xf32>
        %swap3A_712 = vector.shape_cast %mul3A_707 : vector<16xf32> to vector<1x16xf32>
        tpu.vector_store %arg16[%swap3A_708, %swap3A_709], %swap3A_712 {strides = array<i32>} : memref<128x128xf32, #tpu.memory_space<vmem>>, vector<1x16xf32>,
        %sub3A_713 = arith.constant 96 : i32
        %sub3A_714 = vector.broadcast %sub3A_713 : i32 to vector<16xi32>
        %sub3A_715 = arith.subi %broadcast_in_dim3A_583, %sub3A_714 : vector<16xi32>
        %eq3A_716 = arith.cmpi eq, %iota3A, %sub3A_715 : vector<16xi32>
        %select_n3A_717 = arith.select %eq3A_716, %broadcast_in_dim3A_582, %broadcast_in_dim3A_45 : vector<16xi1>, vector<16xf32>
        %swap3A_718 = arith.index_cast %scan3A_572 : i32 to index
        %swap3A_719 = arith.constant 96 : index
        %swap3A_720 = tpu.vector_load %arg17[%swap3A_718, %swap3A_719] {strides = array<i32>} : memref<128x128xf32, #tpu.memory_space<vmem>>, vector<1x16xf32>,
        %swap3A_721 = vector.shape_cast %swap3A_720 : vector<1x16xf32> to vector<16xf32>
        %swap3A_722 = vector.shape_cast %select_n3A_717 : vector<16xf32> to vector<1x16xf32>
        tpu.vector_store %arg17[%swap3A_718, %swap3A_719], %swap3A_722 {strides = array<i32>} : memref<128x128xf32, #tpu.memory_space<vmem>>, vector<1x16xf32>,
        %get3A_723 = arith.index_cast %scan3A_572 : i32 to index
        %get3A_724 = arith.constant 112 : index
        %get3A_725 = tpu.vector_load %arg15[%get3A_723, %get3A_724] {strides = array<i32>} : memref<128x128xf32, #tpu.memory_space<vmem>>, vector<1x16xf32>,
        %get3A_726 = vector.shape_cast %get3A_725 : vector<1x16xf32> to vector<16xf32>
        %mul3A_727 = arith.mulf %get3A_726, %broadcast_in_dim3A_582 : vector<16xf32>
        %swap3A_728 = arith.index_cast %scan3A_572 : i32 to index
        %swap3A_729 = arith.constant 112 : index
        %swap3A_730 = tpu.vector_load %arg16[%swap3A_728, %swap3A_729] {strides = array<i32>} : memref<128x128xf32, #tpu.memory_space<vmem>>, vector<1x16xf32>,
        %swap3A_731 = vector.shape_cast %swap3A_730 : vector<1x16xf32> to vector<16xf32>
        %swap3A_732 = vector.shape_cast %mul3A_727 : vector<16xf32> to vector<1x16xf32>
        tpu.vector_store %arg16[%swap3A_728, %swap3A_729], %swap3A_732 {strides = array<i32>} : memref<128x128xf32, #tpu.memory_space<vmem>>, vector<1x16xf32>,
        %sub3A_733 = arith.constant 112 : i32
        %sub3A_734 = vector.broadcast %sub3A_733 : i32 to vector<16xi32>
        %sub3A_735 = arith.subi %broadcast_in_dim3A_583, %sub3A_734 : vector<16xi32>
        %eq3A_736 = arith.cmpi eq, %iota3A, %sub3A_735 : vector<16xi32>
        %select_n3A_737 = arith.select %eq3A_736, %broadcast_in_dim3A_582, %broadcast_in_dim3A_45 : vector<16xi1>, vector<16xf32>
        %swap3A_738 = arith.index_cast %scan3A_572 : i32 to index
        %swap3A_739 = arith.constant 112 : index
        %swap3A_740 = tpu.vector_load %arg17[%swap3A_738, %swap3A_739] {strides = array<i32>} : memref<128x128xf32, #tpu.memory_space<vmem>>, vector<1x16xf32>,
        %swap3A_741 = vector.shape_cast %swap3A_740 : vector<1x16xf32> to vector<16xf32>
        %swap3A_742 = vector.shape_cast %select_n3A_737 : vector<16xf32> to vector<1x16xf32>
        tpu.vector_store %arg17[%swap3A_738, %swap3A_739], %swap3A_742 {strides = array<i32>} : memref<128x128xf32, #tpu.memory_space<vmem>>, vector<1x16xf32>,
        %scan3A_743 = arith.constant 0 : i32
        scf.yield %scan3A_743 : i32
      }
      %scan3A_570 = arith.constant 128 : i32
      "tpu.region"() ({
        %run_scoped3A = tpu.sem_alloc : memref<!tpu.dma_semaphore, #tpu.memory_space<semaphore_mem>>
        %dma_start3A = arith.constant 0 : i32
        %dma_start3A_572 = arith.constant 0 : i32
        %dma_start3A_573 = tpu.memref_slice %arg20[%dma_start3A, %dma_start3A_572] : memref<6144x128xf32, #tpu.memory_space<vmem_shared>> -> memref<6144x128xf32, #tpu.memory_space<vmem_shared>>
        tpu.enqueue_indirect_dma source(%arg16 : memref<128x128xf32, #tpu.memory_space<vmem>>) target(%dma_start3A_573 : memref<6144x128xf32, #tpu.memory_space<vmem_shared>>) offsets(%arg9 : memref<128xi32, #tpu.memory_space<vmem>>) semaphore(%run_scoped3A : memref<!tpu.dma_semaphore, #tpu.memory_space<semaphore_mem>>) {add = true}
        %dma_wait3A = arith.constant 0 : i32
        %dma_wait3A_574 = arith.constant 0 : i32
        %dma_wait3A_575 = tpu.memref_slice %arg20[%dma_wait3A, %dma_wait3A_574] : memref<6144x128xf32, #tpu.memory_space<vmem_shared>> -> memref<6144x128xf32, #tpu.memory_space<vmem_shared>>
        tpu.wait_indirect_dma semaphore(%run_scoped3A : memref<!tpu.dma_semaphore, #tpu.memory_space<semaphore_mem>>) src(%arg16 : memref<128x128xf32, #tpu.memory_space<vmem>>) dst(%dma_wait3A_575 : memref<6144x128xf32, #tpu.memory_space<vmem_shared>>)
        tpu.yield
      }) : () -> ()
      "tpu.region"() ({
        %run_scoped3A = tpu.sem_alloc : memref<!tpu.dma_semaphore, #tpu.memory_space<semaphore_mem>>
        %dma_start3A = arith.constant 0 : i32
        %dma_start3A_572 = arith.constant 0 : i32
        %dma_start3A_573 = tpu.memref_slice %arg20[%dma_start3A, %dma_start3A_572] : memref<6144x128xf32, #tpu.memory_space<vmem_shared>> -> memref<6144x128xf32, #tpu.memory_space<vmem_shared>>
        tpu.enqueue_indirect_dma source(%arg17 : memref<128x128xf32, #tpu.memory_space<vmem>>) target(%dma_start3A_573 : memref<6144x128xf32, #tpu.memory_space<vmem_shared>>) offsets(%arg10 : memref<128xi32, #tpu.memory_space<vmem>>) semaphore(%run_scoped3A : memref<!tpu.dma_semaphore, #tpu.memory_space<semaphore_mem>>) {add = true}
        %dma_wait3A = arith.constant 0 : i32
        %dma_wait3A_574 = arith.constant 0 : i32
        %dma_wait3A_575 = tpu.memref_slice %arg20[%dma_wait3A, %dma_wait3A_574] : memref<6144x128xf32, #tpu.memory_space<vmem_shared>> -> memref<6144x128xf32, #tpu.memory_space<vmem_shared>>
        tpu.wait_indirect_dma semaphore(%run_scoped3A : memref<!tpu.dma_semaphore, #tpu.memory_space<semaphore_mem>>) src(%arg17 : memref<128x128xf32, #tpu.memory_space<vmem>>) dst(%dma_wait3A_575 : memref<6144x128xf32, #tpu.memory_space<vmem_shared>>)
        tpu.yield
      }) : () -> ()
      %while3A_571 = arith.constant 0 : i32
      scf.yield %while3A_571 : i32
    }
    %while3A_55 = arith.constant 1 : i32
    %while3A_56 = scf.for %while3A_70 = %while3A_52 to %while3A_48 step %while3A_55 iter_args(%while3A_71 = %while3A_54) -> (i32)  : i32 {
      %add3A_72 = arith.addi %mul3A_16, %arg1 : i32
      %mul3A_73 = arith.constant 16 : i32
      %mul3A_74 = arith.muli %while3A_70, %mul3A_73 : i32
      %add3A_75 = arith.addi %add3A_72, %mul3A_74 : i32
      %mul3A_76 = arith.constant 128 : i32
      %mul3A_77 = arith.muli %add3A_75, %mul3A_76 : i32
      "tpu.region"() ({
        %run_scoped3A = tpu.sem_alloc : memref<!tpu.dma_semaphore, #tpu.memory_space<semaphore_mem>>
        %dma_start3A = tpu.memref_slice %arg3[%mul3A_77] : memref<160128xi32, #tpu.memory_space<hbm>> -> memref<128xi32, #tpu.memory_space<hbm>>
        %dma_start3A_572 = tpu.memref_slice %arg3[%mul3A_77] : memref<160128xi32, #tpu.memory_space<hbm>> -> memref<128xi32, #tpu.memory_space<hbm>>
        tpu.enqueue_dma source(%dma_start3A_572 : memref<128xi32, #tpu.memory_space<hbm>>) target(%arg9 : memref<128xi32, #tpu.memory_space<vmem>>) target_semaphore(%run_scoped3A : memref<!tpu.dma_semaphore, #tpu.memory_space<semaphore_mem>>)
        %dma_wait3A = tpu.memref_slice %arg3[%mul3A_77] : memref<160128xi32, #tpu.memory_space<hbm>> -> memref<128xi32, #tpu.memory_space<hbm>>
        %dma_wait3A_573 = tpu.memref_slice %arg3[%mul3A_77] : memref<160128xi32, #tpu.memory_space<hbm>> -> memref<128xi32, #tpu.memory_space<hbm>>
        tpu.wait_dma2 semaphore(%run_scoped3A : memref<!tpu.dma_semaphore, #tpu.memory_space<semaphore_mem>>) src(%dma_wait3A_573 : memref<128xi32, #tpu.memory_space<hbm>>) dst(%arg9 : memref<128xi32, #tpu.memory_space<vmem>>)
        tpu.yield
      }) : () -> ()
      "tpu.region"() ({
        %run_scoped3A = tpu.sem_alloc : memref<!tpu.dma_semaphore, #tpu.memory_space<semaphore_mem>>
        %dma_start3A = tpu.memref_slice %arg2[%mul3A_77] : memref<160128xf32, #tpu.memory_space<hbm>> -> memref<128xf32, #tpu.memory_space<hbm>>
        %dma_start3A_572 = tpu.memref_slice %arg2[%mul3A_77] : memref<160128xf32, #tpu.memory_space<hbm>> -> memref<128xf32, #tpu.memory_space<hbm>>
        tpu.enqueue_dma source(%dma_start3A_572 : memref<128xf32, #tpu.memory_space<hbm>>) target(%arg12 : memref<128xf32, #tpu.memory_space<vmem>>) target_semaphore(%run_scoped3A : memref<!tpu.dma_semaphore, #tpu.memory_space<semaphore_mem>>)
        %dma_wait3A = tpu.memref_slice %arg2[%mul3A_77] : memref<160128xf32, #tpu.memory_space<hbm>> -> memref<128xf32, #tpu.memory_space<hbm>>
        %dma_wait3A_573 = tpu.memref_slice %arg2[%mul3A_77] : memref<160128xf32, #tpu.memory_space<hbm>> -> memref<128xf32, #tpu.memory_space<hbm>>
        tpu.wait_dma2 semaphore(%run_scoped3A : memref<!tpu.dma_semaphore, #tpu.memory_space<semaphore_mem>>) src(%dma_wait3A_573 : memref<128xf32, #tpu.memory_space<hbm>>) dst(%arg12 : memref<128xf32, #tpu.memory_space<vmem>>)
        tpu.yield
      }) : () -> ()
      "tpu.region"() ({
        %run_scoped3A = tpu.sem_alloc : memref<!tpu.dma_semaphore, #tpu.memory_space<semaphore_mem>>
        %dma_start3A = tpu.memref_slice %arg4[%mul3A_77] : memref<160128xi32, #tpu.memory_space<hbm>> -> memref<128xi32, #tpu.memory_space<hbm>>
        %dma_start3A_572 = tpu.memref_slice %arg4[%mul3A_77] : memref<160128xi32, #tpu.memory_space<hbm>> -> memref<128xi32, #tpu.memory_space<hbm>>
        tpu.enqueue_dma source(%dma_start3A_572 : memref<128xi32, #tpu.memory_space<hbm>>) target(%arg13 : memref<128xi32, #tpu.memory_space<vmem>>) target_semaphore(%run_scoped3A : memref<!tpu.dma_semaphore, #tpu.memory_space<semaphore_mem>>)
        %dma_wait3A = tpu.memref_slice %arg4[%mul3A_77] : memref<160128xi32, #tpu.memory_space<hbm>> -> memref<128xi32, #tpu.memory_space<hbm>>
        %dma_wait3A_573 = tpu.memref_slice %arg4[%mul3A_77] : memref<160128xi32, #tpu.memory_space<hbm>> -> memref<128xi32, #tpu.memory_space<hbm>>
        tpu.wait_dma2 semaphore(%run_scoped3A : memref<!tpu.dma_semaphore, #tpu.memory_space<semaphore_mem>>) src(%dma_wait3A_573 : memref<128xi32, #tpu.memory_space<hbm>>) dst(%arg13 : memref<128xi32, #tpu.memory_space<vmem>>)
        tpu.yield
      }) : () -> ()
      "tpu.region"() ({
        %run_scoped3A = tpu.sem_alloc : memref<!tpu.dma_semaphore, #tpu.memory_space<semaphore_mem>>
        %dma_start3A = arith.constant 0 : i32
        %dma_start3A_572 = tpu.memref_slice %arg5[%mul3A_77, %dma_start3A] : memref<160128x128xf32, #tpu.memory_space<hbm>> -> memref<128x128xf32, #tpu.memory_space<hbm>>
        %dma_start3A_573 = arith.constant 0 : i32
        %dma_start3A_574 = tpu.memref_slice %arg5[%mul3A_77, %dma_start3A_573] : memref<160128x128xf32, #tpu.memory_space<hbm>> -> memref<128x128xf32, #tpu.memory_space<hbm>>
        tpu.enqueue_dma source(%dma_start3A_574 : memref<128x128xf32, #tpu.memory_space<hbm>>) target(%arg15 : memref<128x128xf32, #tpu.memory_space<vmem>>) target_semaphore(%run_scoped3A : memref<!tpu.dma_semaphore, #tpu.memory_space<semaphore_mem>>)
        %dma_wait3A = arith.constant 0 : i32
        %dma_wait3A_575 = tpu.memref_slice %arg5[%mul3A_77, %dma_wait3A] : memref<160128x128xf32, #tpu.memory_space<hbm>> -> memref<128x128xf32, #tpu.memory_space<hbm>>
        %dma_wait3A_576 = arith.constant 0 : i32
        %dma_wait3A_577 = tpu.memref_slice %arg5[%mul3A_77, %dma_wait3A_576] : memref<160128x128xf32, #tpu.memory_space<hbm>> -> memref<128x128xf32, #tpu.memory_space<hbm>>
        tpu.wait_dma2 semaphore(%run_scoped3A : memref<!tpu.dma_semaphore, #tpu.memory_space<semaphore_mem>>) src(%dma_wait3A_577 : memref<128x128xf32, #tpu.memory_space<hbm>>) dst(%arg15 : memref<128x128xf32, #tpu.memory_space<vmem>>)
        tpu.yield
      }) : () -> ()
      %get3A_78 = arith.constant 0 : index
      %get3A_79 = tpu.vector_load %arg18[%get3A_78] {strides = array<i32>} : memref<16xf32, #tpu.memory_space<vmem>>, vector<16xf32>,
      %get3A_80 = vector.shape_cast %get3A_79 : vector<16xf32> to vector<16xf32>
      %get3A_81 = arith.constant 0 : index
      %get3A_82 = tpu.vector_load %arg12[%get3A_81] {strides = array<i32>} : memref<128xf32, #tpu.memory_space<vmem>>, vector<16xf32>,
      %get3A_83 = vector.shape_cast %get3A_82 : vector<16xf32> to vector<16xf32>
      %get3A_84 = arith.constant 0 : index
      %get3A_85 = tpu.vector_load %arg13[%get3A_84] {strides = array<i32>} : memref<128xi32, #tpu.memory_space<vmem>>, vector<16xi32>,
      %get3A_86 = vector.shape_cast %get3A_85 : vector<16xi32> to vector<16xi32>
      %get3A_87 = arith.constant 0 : index
      %get3A_88 = tpu.vector_load %arg9[%get3A_87] {strides = array<i32>} : memref<128xi32, #tpu.memory_space<vmem>>, vector<16xi32>,
      %get3A_89 = vector.shape_cast %get3A_88 : vector<16xi32> to vector<16xi32>
      %lt3A = arith.constant 192 : i32
      %lt3A_90 = vector.broadcast %lt3A : i32 to vector<16xi32>
      %lt3A_91 = arith.cmpi slt, %get3A_86, %lt3A_90 : vector<16xi32>
      %sub3A_92 = arith.subf %get3A_83, %get3A_80 : vector<16xf32>
      %exp3A = math.exp %sub3A_92 : vector<16xf32>
      %jit3A_93 = arith.constant 0.000000e+00 : f32
      %broadcast_in_dim3A_94 = vector.broadcast %jit3A_93 : f32 to vector<16xf32>
      %select_n3A_95 = arith.select %lt3A_91, %exp3A, %broadcast_in_dim3A_94 : vector<16xi1>, vector<16xf32>
      %swap3A = arith.constant 0 : index
      %swap3A_96 = tpu.vector_load %arg14[%swap3A] {strides = array<i32>} : memref<128xf32, #tpu.memory_space<vmem>>, vector<16xf32>,
      %swap3A_97 = vector.shape_cast %swap3A_96 : vector<16xf32> to vector<16xf32>
      %swap3A_98 = vector.shape_cast %select_n3A_95 : vector<16xf32> to vector<16xf32>
      tpu.vector_store %arg14[%swap3A], %swap3A_98 {strides = array<i32>} : memref<128xf32, #tpu.memory_space<vmem>>, vector<16xf32>,
      %sub3A_99 = arith.subi %get3A_89, %broadcast_in_dim3A : vector<16xi32>
      %ge3A = arith.constant 0 : i32
      %ge3A_100 = vector.broadcast %ge3A : i32 to vector<16xi32>
      %ge3A_101 = arith.cmpi sge, %sub3A_99, %ge3A_100 : vector<16xi32>
      %lt3A_102 = arith.constant 5120 : i32
      %lt3A_103 = vector.broadcast %lt3A_102 : i32 to vector<16xi32>
      %lt3A_104 = arith.cmpi slt, %sub3A_99, %lt3A_103 : vector<16xi32>
      %and3A_105 = arith.andi %ge3A_101, %lt3A_104 : vector<16xi1>
      %and3A_106 = arith.constant 127 : i32
      %and3A_107 = vector.broadcast %and3A_106 : i32 to vector<16xi32>
      %and3A_108 = arith.andi %get3A_89, %and3A_107 : vector<16xi32>
      %add3A_109 = arith.constant 5760 : i32
      %add3A_110 = vector.broadcast %add3A_109 : i32 to vector<16xi32>
      %add3A_111 = arith.addi %add3A_110, %and3A_108 : vector<16xi32>
      %select_n3A_112 = arith.select %and3A_105, %sub3A_99, %add3A_111 : vector<16xi1>, vector<16xi32>
      %swap3A_113 = arith.constant 0 : index
      %swap3A_114 = tpu.vector_load %arg9[%swap3A_113] {strides = array<i32>} : memref<128xi32, #tpu.memory_space<vmem>>, vector<16xi32>,
      %swap3A_115 = vector.shape_cast %swap3A_114 : vector<16xi32> to vector<16xi32>
      %swap3A_116 = vector.shape_cast %select_n3A_112 : vector<16xi32> to vector<16xi32>
      tpu.vector_store %arg9[%swap3A_113], %swap3A_116 {strides = array<i32>} : memref<128xi32, #tpu.memory_space<vmem>>, vector<16xi32>,
      %shift_right_logical3A = arith.constant 3 : i32
      %shift_right_logical3A_117 = vector.broadcast %shift_right_logical3A : i32 to vector<16xi32>
      %shift_right_logical3A_118 = arith.shrui %sub3A_99, %shift_right_logical3A_117 : vector<16xi32>
      %add3A_119 = arith.constant 5120 : i32
      %add3A_120 = vector.broadcast %add3A_119 : i32 to vector<16xi32>
      %add3A_121 = arith.addi %add3A_120, %shift_right_logical3A_118 : vector<16xi32>
      %select_n3A_122 = arith.select %and3A_105, %add3A_121, %add3A_111 : vector<16xi1>, vector<16xi32>
      %swap3A_123 = arith.constant 0 : index
      %swap3A_124 = tpu.vector_load %arg10[%swap3A_123] {strides = array<i32>} : memref<128xi32, #tpu.memory_space<vmem>>, vector<16xi32>,
      %swap3A_125 = vector.shape_cast %swap3A_124 : vector<16xi32> to vector<16xi32>
      %swap3A_126 = vector.shape_cast %select_n3A_122 : vector<16xi32> to vector<16xi32>
      tpu.vector_store %arg10[%swap3A_123], %swap3A_126 {strides = array<i32>} : memref<128xi32, #tpu.memory_space<vmem>>, vector<16xi32>,
      %and3A_127 = arith.constant 7 : i32
      %and3A_128 = vector.broadcast %and3A_127 : i32 to vector<16xi32>
      %and3A_129 = arith.andi %sub3A_99, %and3A_128 : vector<16xi32>
      %mul3A_130 = arith.constant 16 : i32
      %mul3A_131 = vector.broadcast %mul3A_130 : i32 to vector<16xi32>
      %mul3A_132 = arith.muli %and3A_129, %mul3A_131 : vector<16xi32>
      %swap3A_133 = arith.constant 0 : index
      %swap3A_134 = tpu.vector_load %arg11[%swap3A_133] {strides = array<i32>} : memref<128xi32, #tpu.memory_space<vmem>>, vector<16xi32>,
      %swap3A_135 = vector.shape_cast %swap3A_134 : vector<16xi32> to vector<16xi32>
      %swap3A_136 = vector.shape_cast %mul3A_132 : vector<16xi32> to vector<16xi32>
      tpu.vector_store %arg11[%swap3A_133], %swap3A_136 {strides = array<i32>} : memref<128xi32, #tpu.memory_space<vmem>>, vector<16xi32>,
      %get3A_137 = arith.constant 16 : index
      %get3A_138 = tpu.vector_load %arg12[%get3A_137] {strides = array<i32>} : memref<128xf32, #tpu.memory_space<vmem>>, vector<16xf32>,
      %get3A_139 = vector.shape_cast %get3A_138 : vector<16xf32> to vector<16xf32>
      %get3A_140 = arith.constant 16 : index
      %get3A_141 = tpu.vector_load %arg13[%get3A_140] {strides = array<i32>} : memref<128xi32, #tpu.memory_space<vmem>>, vector<16xi32>,
      %get3A_142 = vector.shape_cast %get3A_141 : vector<16xi32> to vector<16xi32>
      %get3A_143 = arith.constant 16 : index
      %get3A_144 = tpu.vector_load %arg9[%get3A_143] {strides = array<i32>} : memref<128xi32, #tpu.memory_space<vmem>>, vector<16xi32>,
      %get3A_145 = vector.shape_cast %get3A_144 : vector<16xi32> to vector<16xi32>
      %lt3A_146 = arith.constant 192 : i32
      %lt3A_147 = vector.broadcast %lt3A_146 : i32 to vector<16xi32>
      %lt3A_148 = arith.cmpi slt, %get3A_142, %lt3A_147 : vector<16xi32>
      %sub3A_149 = arith.subf %get3A_139, %get3A_80 : vector<16xf32>
      %exp3A_150 = math.exp %sub3A_149 : vector<16xf32>
      %jit3A_151 = arith.constant 0.000000e+00 : f32
      %broadcast_in_dim3A_152 = vector.broadcast %jit3A_151 : f32 to vector<16xf32>
      %select_n3A_153 = arith.select %lt3A_148, %exp3A_150, %broadcast_in_dim3A_152 : vector<16xi1>, vector<16xf32>
      %swap3A_154 = arith.constant 16 : index
      %swap3A_155 = tpu.vector_load %arg14[%swap3A_154] {strides = array<i32>} : memref<128xf32, #tpu.memory_space<vmem>>, vector<16xf32>,
      %swap3A_156 = vector.shape_cast %swap3A_155 : vector<16xf32> to vector<16xf32>
      %swap3A_157 = vector.shape_cast %select_n3A_153 : vector<16xf32> to vector<16xf32>
      tpu.vector_store %arg14[%swap3A_154], %swap3A_157 {strides = array<i32>} : memref<128xf32, #tpu.memory_space<vmem>>, vector<16xf32>,
      %sub3A_158 = arith.subi %get3A_145, %broadcast_in_dim3A : vector<16xi32>
      %ge3A_159 = arith.constant 0 : i32
      %ge3A_160 = vector.broadcast %ge3A_159 : i32 to vector<16xi32>
      %ge3A_161 = arith.cmpi sge, %sub3A_158, %ge3A_160 : vector<16xi32>
      %lt3A_162 = arith.constant 5120 : i32
      %lt3A_163 = vector.broadcast %lt3A_162 : i32 to vector<16xi32>
      %lt3A_164 = arith.cmpi slt, %sub3A_158, %lt3A_163 : vector<16xi32>
      %and3A_165 = arith.andi %ge3A_161, %lt3A_164 : vector<16xi1>
      %and3A_166 = arith.constant 127 : i32
      %and3A_167 = vector.broadcast %and3A_166 : i32 to vector<16xi32>
      %and3A_168 = arith.andi %get3A_145, %and3A_167 : vector<16xi32>
      %add3A_169 = arith.constant 5760 : i32
      %add3A_170 = vector.broadcast %add3A_169 : i32 to vector<16xi32>
      %add3A_171 = arith.addi %add3A_170, %and3A_168 : vector<16xi32>
      %select_n3A_172 = arith.select %and3A_165, %sub3A_158, %add3A_171 : vector<16xi1>, vector<16xi32>
      %swap3A_173 = arith.constant 16 : index
      %swap3A_174 = tpu.vector_load %arg9[%swap3A_173] {strides = array<i32>} : memref<128xi32, #tpu.memory_space<vmem>>, vector<16xi32>,
      %swap3A_175 = vector.shape_cast %swap3A_174 : vector<16xi32> to vector<16xi32>
      %swap3A_176 = vector.shape_cast %select_n3A_172 : vector<16xi32> to vector<16xi32>
      tpu.vector_store %arg9[%swap3A_173], %swap3A_176 {strides = array<i32>} : memref<128xi32, #tpu.memory_space<vmem>>, vector<16xi32>,
      %shift_right_logical3A_177 = arith.constant 3 : i32
      %shift_right_logical3A_178 = vector.broadcast %shift_right_logical3A_177 : i32 to vector<16xi32>
      %shift_right_logical3A_179 = arith.shrui %sub3A_158, %shift_right_logical3A_178 : vector<16xi32>
      %add3A_180 = arith.constant 5120 : i32
      %add3A_181 = vector.broadcast %add3A_180 : i32 to vector<16xi32>
      %add3A_182 = arith.addi %add3A_181, %shift_right_logical3A_179 : vector<16xi32>
      %select_n3A_183 = arith.select %and3A_165, %add3A_182, %add3A_171 : vector<16xi1>, vector<16xi32>
      %swap3A_184 = arith.constant 16 : index
      %swap3A_185 = tpu.vector_load %arg10[%swap3A_184] {strides = array<i32>} : memref<128xi32, #tpu.memory_space<vmem>>, vector<16xi32>,
      %swap3A_186 = vector.shape_cast %swap3A_185 : vector<16xi32> to vector<16xi32>
      %swap3A_187 = vector.shape_cast %select_n3A_183 : vector<16xi32> to vector<16xi32>
      tpu.vector_store %arg10[%swap3A_184], %swap3A_187 {strides = array<i32>} : memref<128xi32, #tpu.memory_space<vmem>>, vector<16xi32>,
      %and3A_188 = arith.constant 7 : i32
      %and3A_189 = vector.broadcast %and3A_188 : i32 to vector<16xi32>
      %and3A_190 = arith.andi %sub3A_158, %and3A_189 : vector<16xi32>
      %mul3A_191 = arith.constant 16 : i32
      %mul3A_192 = vector.broadcast %mul3A_191 : i32 to vector<16xi32>
      %mul3A_193 = arith.muli %and3A_190, %mul3A_192 : vector<16xi32>
      %swap3A_194 = arith.constant 16 : index
      %swap3A_195 = tpu.vector_load %arg11[%swap3A_194] {strides = array<i32>} : memref<128xi32, #tpu.memory_space<vmem>>, vector<16xi32>,
      %swap3A_196 = vector.shape_cast %swap3A_195 : vector<16xi32> to vector<16xi32>
      %swap3A_197 = vector.shape_cast %mul3A_193 : vector<16xi32> to vector<16xi32>
      tpu.vector_store %arg11[%swap3A_194], %swap3A_197 {strides = array<i32>} : memref<128xi32, #tpu.memory_space<vmem>>, vector<16xi32>,
      %get3A_198 = arith.constant 32 : index
      %get3A_199 = tpu.vector_load %arg12[%get3A_198] {strides = array<i32>} : memref<128xf32, #tpu.memory_space<vmem>>, vector<16xf32>,
      %get3A_200 = vector.shape_cast %get3A_199 : vector<16xf32> to vector<16xf32>
      %get3A_201 = arith.constant 32 : index
      %get3A_202 = tpu.vector_load %arg13[%get3A_201] {strides = array<i32>} : memref<128xi32, #tpu.memory_space<vmem>>, vector<16xi32>,
      %get3A_203 = vector.shape_cast %get3A_202 : vector<16xi32> to vector<16xi32>
      %get3A_204 = arith.constant 32 : index
      %get3A_205 = tpu.vector_load %arg9[%get3A_204] {strides = array<i32>} : memref<128xi32, #tpu.memory_space<vmem>>, vector<16xi32>,
      %get3A_206 = vector.shape_cast %get3A_205 : vector<16xi32> to vector<16xi32>
      %lt3A_207 = arith.constant 192 : i32
      %lt3A_208 = vector.broadcast %lt3A_207 : i32 to vector<16xi32>
      %lt3A_209 = arith.cmpi slt, %get3A_203, %lt3A_208 : vector<16xi32>
      %sub3A_210 = arith.subf %get3A_200, %get3A_80 : vector<16xf32>
      %exp3A_211 = math.exp %sub3A_210 : vector<16xf32>
      %jit3A_212 = arith.constant 0.000000e+00 : f32
      %broadcast_in_dim3A_213 = vector.broadcast %jit3A_212 : f32 to vector<16xf32>
      %select_n3A_214 = arith.select %lt3A_209, %exp3A_211, %broadcast_in_dim3A_213 : vector<16xi1>, vector<16xf32>
      %swap3A_215 = arith.constant 32 : index
      %swap3A_216 = tpu.vector_load %arg14[%swap3A_215] {strides = array<i32>} : memref<128xf32, #tpu.memory_space<vmem>>, vector<16xf32>,
      %swap3A_217 = vector.shape_cast %swap3A_216 : vector<16xf32> to vector<16xf32>
      %swap3A_218 = vector.shape_cast %select_n3A_214 : vector<16xf32> to vector<16xf32>
      tpu.vector_store %arg14[%swap3A_215], %swap3A_218 {strides = array<i32>} : memref<128xf32, #tpu.memory_space<vmem>>, vector<16xf32>,
      %sub3A_219 = arith.subi %get3A_206, %broadcast_in_dim3A : vector<16xi32>
      %ge3A_220 = arith.constant 0 : i32
      %ge3A_221 = vector.broadcast %ge3A_220 : i32 to vector<16xi32>
      %ge3A_222 = arith.cmpi sge, %sub3A_219, %ge3A_221 : vector<16xi32>
      %lt3A_223 = arith.constant 5120 : i32
      %lt3A_224 = vector.broadcast %lt3A_223 : i32 to vector<16xi32>
      %lt3A_225 = arith.cmpi slt, %sub3A_219, %lt3A_224 : vector<16xi32>
      %and3A_226 = arith.andi %ge3A_222, %lt3A_225 : vector<16xi1>
      %and3A_227 = arith.constant 127 : i32
      %and3A_228 = vector.broadcast %and3A_227 : i32 to vector<16xi32>
      %and3A_229 = arith.andi %get3A_206, %and3A_228 : vector<16xi32>
      %add3A_230 = arith.constant 5760 : i32
      %add3A_231 = vector.broadcast %add3A_230 : i32 to vector<16xi32>
      %add3A_232 = arith.addi %add3A_231, %and3A_229 : vector<16xi32>
      %select_n3A_233 = arith.select %and3A_226, %sub3A_219, %add3A_232 : vector<16xi1>, vector<16xi32>
      %swap3A_234 = arith.constant 32 : index
      %swap3A_235 = tpu.vector_load %arg9[%swap3A_234] {strides = array<i32>} : memref<128xi32, #tpu.memory_space<vmem>>, vector<16xi32>,
      %swap3A_236 = vector.shape_cast %swap3A_235 : vector<16xi32> to vector<16xi32>
      %swap3A_237 = vector.shape_cast %select_n3A_233 : vector<16xi32> to vector<16xi32>
      tpu.vector_store %arg9[%swap3A_234], %swap3A_237 {strides = array<i32>} : memref<128xi32, #tpu.memory_space<vmem>>, vector<16xi32>,
      %shift_right_logical3A_238 = arith.constant 3 : i32
      %shift_right_logical3A_239 = vector.broadcast %shift_right_logical3A_238 : i32 to vector<16xi32>
      %shift_right_logical3A_240 = arith.shrui %sub3A_219, %shift_right_logical3A_239 : vector<16xi32>
      %add3A_241 = arith.constant 5120 : i32
      %add3A_242 = vector.broadcast %add3A_241 : i32 to vector<16xi32>
      %add3A_243 = arith.addi %add3A_242, %shift_right_logical3A_240 : vector<16xi32>
      %select_n3A_244 = arith.select %and3A_226, %add3A_243, %add3A_232 : vector<16xi1>, vector<16xi32>
      %swap3A_245 = arith.constant 32 : index
      %swap3A_246 = tpu.vector_load %arg10[%swap3A_245] {strides = array<i32>} : memref<128xi32, #tpu.memory_space<vmem>>, vector<16xi32>,
      %swap3A_247 = vector.shape_cast %swap3A_246 : vector<16xi32> to vector<16xi32>
      %swap3A_248 = vector.shape_cast %select_n3A_244 : vector<16xi32> to vector<16xi32>
      tpu.vector_store %arg10[%swap3A_245], %swap3A_248 {strides = array<i32>} : memref<128xi32, #tpu.memory_space<vmem>>, vector<16xi32>,
      %and3A_249 = arith.constant 7 : i32
      %and3A_250 = vector.broadcast %and3A_249 : i32 to vector<16xi32>
      %and3A_251 = arith.andi %sub3A_219, %and3A_250 : vector<16xi32>
      %mul3A_252 = arith.constant 16 : i32
      %mul3A_253 = vector.broadcast %mul3A_252 : i32 to vector<16xi32>
      %mul3A_254 = arith.muli %and3A_251, %mul3A_253 : vector<16xi32>
      %swap3A_255 = arith.constant 32 : index
      %swap3A_256 = tpu.vector_load %arg11[%swap3A_255] {strides = array<i32>} : memref<128xi32, #tpu.memory_space<vmem>>, vector<16xi32>,
      %swap3A_257 = vector.shape_cast %swap3A_256 : vector<16xi32> to vector<16xi32>
      %swap3A_258 = vector.shape_cast %mul3A_254 : vector<16xi32> to vector<16xi32>
      tpu.vector_store %arg11[%swap3A_255], %swap3A_258 {strides = array<i32>} : memref<128xi32, #tpu.memory_space<vmem>>, vector<16xi32>,
      %get3A_259 = arith.constant 48 : index
      %get3A_260 = tpu.vector_load %arg12[%get3A_259] {strides = array<i32>} : memref<128xf32, #tpu.memory_space<vmem>>, vector<16xf32>,
      %get3A_261 = vector.shape_cast %get3A_260 : vector<16xf32> to vector<16xf32>
      %get3A_262 = arith.constant 48 : index
      %get3A_263 = tpu.vector_load %arg13[%get3A_262] {strides = array<i32>} : memref<128xi32, #tpu.memory_space<vmem>>, vector<16xi32>,
      %get3A_264 = vector.shape_cast %get3A_263 : vector<16xi32> to vector<16xi32>
      %get3A_265 = arith.constant 48 : index
      %get3A_266 = tpu.vector_load %arg9[%get3A_265] {strides = array<i32>} : memref<128xi32, #tpu.memory_space<vmem>>, vector<16xi32>,
      %get3A_267 = vector.shape_cast %get3A_266 : vector<16xi32> to vector<16xi32>
      %lt3A_268 = arith.constant 192 : i32
      %lt3A_269 = vector.broadcast %lt3A_268 : i32 to vector<16xi32>
      %lt3A_270 = arith.cmpi slt, %get3A_264, %lt3A_269 : vector<16xi32>
      %sub3A_271 = arith.subf %get3A_261, %get3A_80 : vector<16xf32>
      %exp3A_272 = math.exp %sub3A_271 : vector<16xf32>
      %jit3A_273 = arith.constant 0.000000e+00 : f32
      %broadcast_in_dim3A_274 = vector.broadcast %jit3A_273 : f32 to vector<16xf32>
      %select_n3A_275 = arith.select %lt3A_270, %exp3A_272, %broadcast_in_dim3A_274 : vector<16xi1>, vector<16xf32>
      %swap3A_276 = arith.constant 48 : index
      %swap3A_277 = tpu.vector_load %arg14[%swap3A_276] {strides = array<i32>} : memref<128xf32, #tpu.memory_space<vmem>>, vector<16xf32>,
      %swap3A_278 = vector.shape_cast %swap3A_277 : vector<16xf32> to vector<16xf32>
      %swap3A_279 = vector.shape_cast %select_n3A_275 : vector<16xf32> to vector<16xf32>
      tpu.vector_store %arg14[%swap3A_276], %swap3A_279 {strides = array<i32>} : memref<128xf32, #tpu.memory_space<vmem>>, vector<16xf32>,
      %sub3A_280 = arith.subi %get3A_267, %broadcast_in_dim3A : vector<16xi32>
      %ge3A_281 = arith.constant 0 : i32
      %ge3A_282 = vector.broadcast %ge3A_281 : i32 to vector<16xi32>
      %ge3A_283 = arith.cmpi sge, %sub3A_280, %ge3A_282 : vector<16xi32>
      %lt3A_284 = arith.constant 5120 : i32
      %lt3A_285 = vector.broadcast %lt3A_284 : i32 to vector<16xi32>
      %lt3A_286 = arith.cmpi slt, %sub3A_280, %lt3A_285 : vector<16xi32>
      %and3A_287 = arith.andi %ge3A_283, %lt3A_286 : vector<16xi1>
      %and3A_288 = arith.constant 127 : i32
      %and3A_289 = vector.broadcast %and3A_288 : i32 to vector<16xi32>
      %and3A_290 = arith.andi %get3A_267, %and3A_289 : vector<16xi32>
      %add3A_291 = arith.constant 5760 : i32
      %add3A_292 = vector.broadcast %add3A_291 : i32 to vector<16xi32>
      %add3A_293 = arith.addi %add3A_292, %and3A_290 : vector<16xi32>
      %select_n3A_294 = arith.select %and3A_287, %sub3A_280, %add3A_293 : vector<16xi1>, vector<16xi32>
      %swap3A_295 = arith.constant 48 : index
      %swap3A_296 = tpu.vector_load %arg9[%swap3A_295] {strides = array<i32>} : memref<128xi32, #tpu.memory_space<vmem>>, vector<16xi32>,
      %swap3A_297 = vector.shape_cast %swap3A_296 : vector<16xi32> to vector<16xi32>
      %swap3A_298 = vector.shape_cast %select_n3A_294 : vector<16xi32> to vector<16xi32>
      tpu.vector_store %arg9[%swap3A_295], %swap3A_298 {strides = array<i32>} : memref<128xi32, #tpu.memory_space<vmem>>, vector<16xi32>,
      %shift_right_logical3A_299 = arith.constant 3 : i32
      %shift_right_logical3A_300 = vector.broadcast %shift_right_logical3A_299 : i32 to vector<16xi32>
      %shift_right_logical3A_301 = arith.shrui %sub3A_280, %shift_right_logical3A_300 : vector<16xi32>
      %add3A_302 = arith.constant 5120 : i32
      %add3A_303 = vector.broadcast %add3A_302 : i32 to vector<16xi32>
      %add3A_304 = arith.addi %add3A_303, %shift_right_logical3A_301 : vector<16xi32>
      %select_n3A_305 = arith.select %and3A_287, %add3A_304, %add3A_293 : vector<16xi1>, vector<16xi32>
      %swap3A_306 = arith.constant 48 : index
      %swap3A_307 = tpu.vector_load %arg10[%swap3A_306] {strides = array<i32>} : memref<128xi32, #tpu.memory_space<vmem>>, vector<16xi32>,
      %swap3A_308 = vector.shape_cast %swap3A_307 : vector<16xi32> to vector<16xi32>
      %swap3A_309 = vector.shape_cast %select_n3A_305 : vector<16xi32> to vector<16xi32>
      tpu.vector_store %arg10[%swap3A_306], %swap3A_309 {strides = array<i32>} : memref<128xi32, #tpu.memory_space<vmem>>, vector<16xi32>,
      %and3A_310 = arith.constant 7 : i32
      %and3A_311 = vector.broadcast %and3A_310 : i32 to vector<16xi32>
      %and3A_312 = arith.andi %sub3A_280, %and3A_311 : vector<16xi32>
      %mul3A_313 = arith.constant 16 : i32
      %mul3A_314 = vector.broadcast %mul3A_313 : i32 to vector<16xi32>
      %mul3A_315 = arith.muli %and3A_312, %mul3A_314 : vector<16xi32>
      %swap3A_316 = arith.constant 48 : index
      %swap3A_317 = tpu.vector_load %arg11[%swap3A_316] {strides = array<i32>} : memref<128xi32, #tpu.memory_space<vmem>>, vector<16xi32>,
      %swap3A_318 = vector.shape_cast %swap3A_317 : vector<16xi32> to vector<16xi32>
      %swap3A_319 = vector.shape_cast %mul3A_315 : vector<16xi32> to vector<16xi32>
      tpu.vector_store %arg11[%swap3A_316], %swap3A_319 {strides = array<i32>} : memref<128xi32, #tpu.memory_space<vmem>>, vector<16xi32>,
      %get3A_320 = arith.constant 64 : index
      %get3A_321 = tpu.vector_load %arg12[%get3A_320] {strides = array<i32>} : memref<128xf32, #tpu.memory_space<vmem>>, vector<16xf32>,
      %get3A_322 = vector.shape_cast %get3A_321 : vector<16xf32> to vector<16xf32>
      %get3A_323 = arith.constant 64 : index
      %get3A_324 = tpu.vector_load %arg13[%get3A_323] {strides = array<i32>} : memref<128xi32, #tpu.memory_space<vmem>>, vector<16xi32>,
      %get3A_325 = vector.shape_cast %get3A_324 : vector<16xi32> to vector<16xi32>
      %get3A_326 = arith.constant 64 : index
      %get3A_327 = tpu.vector_load %arg9[%get3A_326] {strides = array<i32>} : memref<128xi32, #tpu.memory_space<vmem>>, vector<16xi32>,
      %get3A_328 = vector.shape_cast %get3A_327 : vector<16xi32> to vector<16xi32>
      %lt3A_329 = arith.constant 192 : i32
      %lt3A_330 = vector.broadcast %lt3A_329 : i32 to vector<16xi32>
      %lt3A_331 = arith.cmpi slt, %get3A_325, %lt3A_330 : vector<16xi32>
      %sub3A_332 = arith.subf %get3A_322, %get3A_80 : vector<16xf32>
      %exp3A_333 = math.exp %sub3A_332 : vector<16xf32>
      %jit3A_334 = arith.constant 0.000000e+00 : f32
      %broadcast_in_dim3A_335 = vector.broadcast %jit3A_334 : f32 to vector<16xf32>
      %select_n3A_336 = arith.select %lt3A_331, %exp3A_333, %broadcast_in_dim3A_335 : vector<16xi1>, vector<16xf32>
      %swap3A_337 = arith.constant 64 : index
      %swap3A_338 = tpu.vector_load %arg14[%swap3A_337] {strides = array<i32>} : memref<128xf32, #tpu.memory_space<vmem>>, vector<16xf32>,
      %swap3A_339 = vector.shape_cast %swap3A_338 : vector<16xf32> to vector<16xf32>
      %swap3A_340 = vector.shape_cast %select_n3A_336 : vector<16xf32> to vector<16xf32>
      tpu.vector_store %arg14[%swap3A_337], %swap3A_340 {strides = array<i32>} : memref<128xf32, #tpu.memory_space<vmem>>, vector<16xf32>,
      %sub3A_341 = arith.subi %get3A_328, %broadcast_in_dim3A : vector<16xi32>
      %ge3A_342 = arith.constant 0 : i32
      %ge3A_343 = vector.broadcast %ge3A_342 : i32 to vector<16xi32>
      %ge3A_344 = arith.cmpi sge, %sub3A_341, %ge3A_343 : vector<16xi32>
      %lt3A_345 = arith.constant 5120 : i32
      %lt3A_346 = vector.broadcast %lt3A_345 : i32 to vector<16xi32>
      %lt3A_347 = arith.cmpi slt, %sub3A_341, %lt3A_346 : vector<16xi32>
      %and3A_348 = arith.andi %ge3A_344, %lt3A_347 : vector<16xi1>
      %and3A_349 = arith.constant 127 : i32
      %and3A_350 = vector.broadcast %and3A_349 : i32 to vector<16xi32>
      %and3A_351 = arith.andi %get3A_328, %and3A_350 : vector<16xi32>
      %add3A_352 = arith.constant 5760 : i32
      %add3A_353 = vector.broadcast %add3A_352 : i32 to vector<16xi32>
      %add3A_354 = arith.addi %add3A_353, %and3A_351 : vector<16xi32>
      %select_n3A_355 = arith.select %and3A_348, %sub3A_341, %add3A_354 : vector<16xi1>, vector<16xi32>
      %swap3A_356 = arith.constant 64 : index
      %swap3A_357 = tpu.vector_load %arg9[%swap3A_356] {strides = array<i32>} : memref<128xi32, #tpu.memory_space<vmem>>, vector<16xi32>,
      %swap3A_358 = vector.shape_cast %swap3A_357 : vector<16xi32> to vector<16xi32>
      %swap3A_359 = vector.shape_cast %select_n3A_355 : vector<16xi32> to vector<16xi32>
      tpu.vector_store %arg9[%swap3A_356], %swap3A_359 {strides = array<i32>} : memref<128xi32, #tpu.memory_space<vmem>>, vector<16xi32>,
      %shift_right_logical3A_360 = arith.constant 3 : i32
      %shift_right_logical3A_361 = vector.broadcast %shift_right_logical3A_360 : i32 to vector<16xi32>
      %shift_right_logical3A_362 = arith.shrui %sub3A_341, %shift_right_logical3A_361 : vector<16xi32>
      %add3A_363 = arith.constant 5120 : i32
      %add3A_364 = vector.broadcast %add3A_363 : i32 to vector<16xi32>
      %add3A_365 = arith.addi %add3A_364, %shift_right_logical3A_362 : vector<16xi32>
      %select_n3A_366 = arith.select %and3A_348, %add3A_365, %add3A_354 : vector<16xi1>, vector<16xi32>
      %swap3A_367 = arith.constant 64 : index
      %swap3A_368 = tpu.vector_load %arg10[%swap3A_367] {strides = array<i32>} : memref<128xi32, #tpu.memory_space<vmem>>, vector<16xi32>,
      %swap3A_369 = vector.shape_cast %swap3A_368 : vector<16xi32> to vector<16xi32>
      %swap3A_370 = vector.shape_cast %select_n3A_366 : vector<16xi32> to vector<16xi32>
      tpu.vector_store %arg10[%swap3A_367], %swap3A_370 {strides = array<i32>} : memref<128xi32, #tpu.memory_space<vmem>>, vector<16xi32>,
      %and3A_371 = arith.constant 7 : i32
      %and3A_372 = vector.broadcast %and3A_371 : i32 to vector<16xi32>
      %and3A_373 = arith.andi %sub3A_341, %and3A_372 : vector<16xi32>
      %mul3A_374 = arith.constant 16 : i32
      %mul3A_375 = vector.broadcast %mul3A_374 : i32 to vector<16xi32>
      %mul3A_376 = arith.muli %and3A_373, %mul3A_375 : vector<16xi32>
      %swap3A_377 = arith.constant 64 : index
      %swap3A_378 = tpu.vector_load %arg11[%swap3A_377] {strides = array<i32>} : memref<128xi32, #tpu.memory_space<vmem>>, vector<16xi32>,
      %swap3A_379 = vector.shape_cast %swap3A_378 : vector<16xi32> to vector<16xi32>
      %swap3A_380 = vector.shape_cast %mul3A_376 : vector<16xi32> to vector<16xi32>
      tpu.vector_store %arg11[%swap3A_377], %swap3A_380 {strides = array<i32>} : memref<128xi32, #tpu.memory_space<vmem>>, vector<16xi32>,
      %get3A_381 = arith.constant 80 : index
      %get3A_382 = tpu.vector_load %arg12[%get3A_381] {strides = array<i32>} : memref<128xf32, #tpu.memory_space<vmem>>, vector<16xf32>,
      %get3A_383 = vector.shape_cast %get3A_382 : vector<16xf32> to vector<16xf32>
      %get3A_384 = arith.constant 80 : index
      %get3A_385 = tpu.vector_load %arg13[%get3A_384] {strides = array<i32>} : memref<128xi32, #tpu.memory_space<vmem>>, vector<16xi32>,
      %get3A_386 = vector.shape_cast %get3A_385 : vector<16xi32> to vector<16xi32>
      %get3A_387 = arith.constant 80 : index
      %get3A_388 = tpu.vector_load %arg9[%get3A_387] {strides = array<i32>} : memref<128xi32, #tpu.memory_space<vmem>>, vector<16xi32>,
      %get3A_389 = vector.shape_cast %get3A_388 : vector<16xi32> to vector<16xi32>
      %lt3A_390 = arith.constant 192 : i32
      %lt3A_391 = vector.broadcast %lt3A_390 : i32 to vector<16xi32>
      %lt3A_392 = arith.cmpi slt, %get3A_386, %lt3A_391 : vector<16xi32>
      %sub3A_393 = arith.subf %get3A_383, %get3A_80 : vector<16xf32>
      %exp3A_394 = math.exp %sub3A_393 : vector<16xf32>
      %jit3A_395 = arith.constant 0.000000e+00 : f32
      %broadcast_in_dim3A_396 = vector.broadcast %jit3A_395 : f32 to vector<16xf32>
      %select_n3A_397 = arith.select %lt3A_392, %exp3A_394, %broadcast_in_dim3A_396 : vector<16xi1>, vector<16xf32>
      %swap3A_398 = arith.constant 80 : index
      %swap3A_399 = tpu.vector_load %arg14[%swap3A_398] {strides = array<i32>} : memref<128xf32, #tpu.memory_space<vmem>>, vector<16xf32>,
      %swap3A_400 = vector.shape_cast %swap3A_399 : vector<16xf32> to vector<16xf32>
      %swap3A_401 = vector.shape_cast %select_n3A_397 : vector<16xf32> to vector<16xf32>
      tpu.vector_store %arg14[%swap3A_398], %swap3A_401 {strides = array<i32>} : memref<128xf32, #tpu.memory_space<vmem>>, vector<16xf32>,
      %sub3A_402 = arith.subi %get3A_389, %broadcast_in_dim3A : vector<16xi32>
      %ge3A_403 = arith.constant 0 : i32
      %ge3A_404 = vector.broadcast %ge3A_403 : i32 to vector<16xi32>
      %ge3A_405 = arith.cmpi sge, %sub3A_402, %ge3A_404 : vector<16xi32>
      %lt3A_406 = arith.constant 5120 : i32
      %lt3A_407 = vector.broadcast %lt3A_406 : i32 to vector<16xi32>
      %lt3A_408 = arith.cmpi slt, %sub3A_402, %lt3A_407 : vector<16xi32>
      %and3A_409 = arith.andi %ge3A_405, %lt3A_408 : vector<16xi1>
      %and3A_410 = arith.constant 127 : i32
      %and3A_411 = vector.broadcast %and3A_410 : i32 to vector<16xi32>
      %and3A_412 = arith.andi %get3A_389, %and3A_411 : vector<16xi32>
      %add3A_413 = arith.constant 5760 : i32
      %add3A_414 = vector.broadcast %add3A_413 : i32 to vector<16xi32>
      %add3A_415 = arith.addi %add3A_414, %and3A_412 : vector<16xi32>
      %select_n3A_416 = arith.select %and3A_409, %sub3A_402, %add3A_415 : vector<16xi1>, vector<16xi32>
      %swap3A_417 = arith.constant 80 : index
      %swap3A_418 = tpu.vector_load %arg9[%swap3A_417] {strides = array<i32>} : memref<128xi32, #tpu.memory_space<vmem>>, vector<16xi32>,
      %swap3A_419 = vector.shape_cast %swap3A_418 : vector<16xi32> to vector<16xi32>
      %swap3A_420 = vector.shape_cast %select_n3A_416 : vector<16xi32> to vector<16xi32>
      tpu.vector_store %arg9[%swap3A_417], %swap3A_420 {strides = array<i32>} : memref<128xi32, #tpu.memory_space<vmem>>, vector<16xi32>,
      %shift_right_logical3A_421 = arith.constant 3 : i32
      %shift_right_logical3A_422 = vector.broadcast %shift_right_logical3A_421 : i32 to vector<16xi32>
      %shift_right_logical3A_423 = arith.shrui %sub3A_402, %shift_right_logical3A_422 : vector<16xi32>
      %add3A_424 = arith.constant 5120 : i32
      %add3A_425 = vector.broadcast %add3A_424 : i32 to vector<16xi32>
      %add3A_426 = arith.addi %add3A_425, %shift_right_logical3A_423 : vector<16xi32>
      %select_n3A_427 = arith.select %and3A_409, %add3A_426, %add3A_415 : vector<16xi1>, vector<16xi32>
      %swap3A_428 = arith.constant 80 : index
      %swap3A_429 = tpu.vector_load %arg10[%swap3A_428] {strides = array<i32>} : memref<128xi32, #tpu.memory_space<vmem>>, vector<16xi32>,
      %swap3A_430 = vector.shape_cast %swap3A_429 : vector<16xi32> to vector<16xi32>
      %swap3A_431 = vector.shape_cast %select_n3A_427 : vector<16xi32> to vector<16xi32>
      tpu.vector_store %arg10[%swap3A_428], %swap3A_431 {strides = array<i32>} : memref<128xi32, #tpu.memory_space<vmem>>, vector<16xi32>,
      %and3A_432 = arith.constant 7 : i32
      %and3A_433 = vector.broadcast %and3A_432 : i32 to vector<16xi32>
      %and3A_434 = arith.andi %sub3A_402, %and3A_433 : vector<16xi32>
      %mul3A_435 = arith.constant 16 : i32
      %mul3A_436 = vector.broadcast %mul3A_435 : i32 to vector<16xi32>
      %mul3A_437 = arith.muli %and3A_434, %mul3A_436 : vector<16xi32>
      %swap3A_438 = arith.constant 80 : index
      %swap3A_439 = tpu.vector_load %arg11[%swap3A_438] {strides = array<i32>} : memref<128xi32, #tpu.memory_space<vmem>>, vector<16xi32>,
      %swap3A_440 = vector.shape_cast %swap3A_439 : vector<16xi32> to vector<16xi32>
      %swap3A_441 = vector.shape_cast %mul3A_437 : vector<16xi32> to vector<16xi32>
      tpu.vector_store %arg11[%swap3A_438], %swap3A_441 {strides = array<i32>} : memref<128xi32, #tpu.memory_space<vmem>>, vector<16xi32>,
      %get3A_442 = arith.constant 96 : index
      %get3A_443 = tpu.vector_load %arg12[%get3A_442] {strides = array<i32>} : memref<128xf32, #tpu.memory_space<vmem>>, vector<16xf32>,
      %get3A_444 = vector.shape_cast %get3A_443 : vector<16xf32> to vector<16xf32>
      %get3A_445 = arith.constant 96 : index
      %get3A_446 = tpu.vector_load %arg13[%get3A_445] {strides = array<i32>} : memref<128xi32, #tpu.memory_space<vmem>>, vector<16xi32>,
      %get3A_447 = vector.shape_cast %get3A_446 : vector<16xi32> to vector<16xi32>
      %get3A_448 = arith.constant 96 : index
      %get3A_449 = tpu.vector_load %arg9[%get3A_448] {strides = array<i32>} : memref<128xi32, #tpu.memory_space<vmem>>, vector<16xi32>,
      %get3A_450 = vector.shape_cast %get3A_449 : vector<16xi32> to vector<16xi32>
      %lt3A_451 = arith.constant 192 : i32
      %lt3A_452 = vector.broadcast %lt3A_451 : i32 to vector<16xi32>
      %lt3A_453 = arith.cmpi slt, %get3A_447, %lt3A_452 : vector<16xi32>
      %sub3A_454 = arith.subf %get3A_444, %get3A_80 : vector<16xf32>
      %exp3A_455 = math.exp %sub3A_454 : vector<16xf32>
      %jit3A_456 = arith.constant 0.000000e+00 : f32
      %broadcast_in_dim3A_457 = vector.broadcast %jit3A_456 : f32 to vector<16xf32>
      %select_n3A_458 = arith.select %lt3A_453, %exp3A_455, %broadcast_in_dim3A_457 : vector<16xi1>, vector<16xf32>
      %swap3A_459 = arith.constant 96 : index
      %swap3A_460 = tpu.vector_load %arg14[%swap3A_459] {strides = array<i32>} : memref<128xf32, #tpu.memory_space<vmem>>, vector<16xf32>,
      %swap3A_461 = vector.shape_cast %swap3A_460 : vector<16xf32> to vector<16xf32>
      %swap3A_462 = vector.shape_cast %select_n3A_458 : vector<16xf32> to vector<16xf32>
      tpu.vector_store %arg14[%swap3A_459], %swap3A_462 {strides = array<i32>} : memref<128xf32, #tpu.memory_space<vmem>>, vector<16xf32>,
      %sub3A_463 = arith.subi %get3A_450, %broadcast_in_dim3A : vector<16xi32>
      %ge3A_464 = arith.constant 0 : i32
      %ge3A_465 = vector.broadcast %ge3A_464 : i32 to vector<16xi32>
      %ge3A_466 = arith.cmpi sge, %sub3A_463, %ge3A_465 : vector<16xi32>
      %lt3A_467 = arith.constant 5120 : i32
      %lt3A_468 = vector.broadcast %lt3A_467 : i32 to vector<16xi32>
      %lt3A_469 = arith.cmpi slt, %sub3A_463, %lt3A_468 : vector<16xi32>
      %and3A_470 = arith.andi %ge3A_466, %lt3A_469 : vector<16xi1>
      %and3A_471 = arith.constant 127 : i32
      %and3A_472 = vector.broadcast %and3A_471 : i32 to vector<16xi32>
      %and3A_473 = arith.andi %get3A_450, %and3A_472 : vector<16xi32>
      %add3A_474 = arith.constant 5760 : i32
      %add3A_475 = vector.broadcast %add3A_474 : i32 to vector<16xi32>
      %add3A_476 = arith.addi %add3A_475, %and3A_473 : vector<16xi32>
      %select_n3A_477 = arith.select %and3A_470, %sub3A_463, %add3A_476 : vector<16xi1>, vector<16xi32>
      %swap3A_478 = arith.constant 96 : index
      %swap3A_479 = tpu.vector_load %arg9[%swap3A_478] {strides = array<i32>} : memref<128xi32, #tpu.memory_space<vmem>>, vector<16xi32>,
      %swap3A_480 = vector.shape_cast %swap3A_479 : vector<16xi32> to vector<16xi32>
      %swap3A_481 = vector.shape_cast %select_n3A_477 : vector<16xi32> to vector<16xi32>
      tpu.vector_store %arg9[%swap3A_478], %swap3A_481 {strides = array<i32>} : memref<128xi32, #tpu.memory_space<vmem>>, vector<16xi32>,
      %shift_right_logical3A_482 = arith.constant 3 : i32
      %shift_right_logical3A_483 = vector.broadcast %shift_right_logical3A_482 : i32 to vector<16xi32>
      %shift_right_logical3A_484 = arith.shrui %sub3A_463, %shift_right_logical3A_483 : vector<16xi32>
      %add3A_485 = arith.constant 5120 : i32
      %add3A_486 = vector.broadcast %add3A_485 : i32 to vector<16xi32>
      %add3A_487 = arith.addi %add3A_486, %shift_right_logical3A_484 : vector<16xi32>
      %select_n3A_488 = arith.select %and3A_470, %add3A_487, %add3A_476 : vector<16xi1>, vector<16xi32>
      %swap3A_489 = arith.constant 96 : index
      %swap3A_490 = tpu.vector_load %arg10[%swap3A_489] {strides = array<i32>} : memref<128xi32, #tpu.memory_space<vmem>>, vector<16xi32>,
      %swap3A_491 = vector.shape_cast %swap3A_490 : vector<16xi32> to vector<16xi32>
      %swap3A_492 = vector.shape_cast %select_n3A_488 : vector<16xi32> to vector<16xi32>
      tpu.vector_store %arg10[%swap3A_489], %swap3A_492 {strides = array<i32>} : memref<128xi32, #tpu.memory_space<vmem>>, vector<16xi32>,
      %and3A_493 = arith.constant 7 : i32
      %and3A_494 = vector.broadcast %and3A_493 : i32 to vector<16xi32>
      %and3A_495 = arith.andi %sub3A_463, %and3A_494 : vector<16xi32>
      %mul3A_496 = arith.constant 16 : i32
      %mul3A_497 = vector.broadcast %mul3A_496 : i32 to vector<16xi32>
      %mul3A_498 = arith.muli %and3A_495, %mul3A_497 : vector<16xi32>
      %swap3A_499 = arith.constant 96 : index
      %swap3A_500 = tpu.vector_load %arg11[%swap3A_499] {strides = array<i32>} : memref<128xi32, #tpu.memory_space<vmem>>, vector<16xi32>,
      %swap3A_501 = vector.shape_cast %swap3A_500 : vector<16xi32> to vector<16xi32>
      %swap3A_502 = vector.shape_cast %mul3A_498 : vector<16xi32> to vector<16xi32>
      tpu.vector_store %arg11[%swap3A_499], %swap3A_502 {strides = array<i32>} : memref<128xi32, #tpu.memory_space<vmem>>, vector<16xi32>,
      %get3A_503 = arith.constant 112 : index
      %get3A_504 = tpu.vector_load %arg12[%get3A_503] {strides = array<i32>} : memref<128xf32, #tpu.memory_space<vmem>>, vector<16xf32>,
      %get3A_505 = vector.shape_cast %get3A_504 : vector<16xf32> to vector<16xf32>
      %get3A_506 = arith.constant 112 : index
      %get3A_507 = tpu.vector_load %arg13[%get3A_506] {strides = array<i32>} : memref<128xi32, #tpu.memory_space<vmem>>, vector<16xi32>,
      %get3A_508 = vector.shape_cast %get3A_507 : vector<16xi32> to vector<16xi32>
      %get3A_509 = arith.constant 112 : index
      %get3A_510 = tpu.vector_load %arg9[%get3A_509] {strides = array<i32>} : memref<128xi32, #tpu.memory_space<vmem>>, vector<16xi32>,
      %get3A_511 = vector.shape_cast %get3A_510 : vector<16xi32> to vector<16xi32>
      %lt3A_512 = arith.constant 192 : i32
      %lt3A_513 = vector.broadcast %lt3A_512 : i32 to vector<16xi32>
      %lt3A_514 = arith.cmpi slt, %get3A_508, %lt3A_513 : vector<16xi32>
      %sub3A_515 = arith.subf %get3A_505, %get3A_80 : vector<16xf32>
      %exp3A_516 = math.exp %sub3A_515 : vector<16xf32>
      %jit3A_517 = arith.constant 0.000000e+00 : f32
      %broadcast_in_dim3A_518 = vector.broadcast %jit3A_517 : f32 to vector<16xf32>
      %select_n3A_519 = arith.select %lt3A_514, %exp3A_516, %broadcast_in_dim3A_518 : vector<16xi1>, vector<16xf32>
      %swap3A_520 = arith.constant 112 : index
      %swap3A_521 = tpu.vector_load %arg14[%swap3A_520] {strides = array<i32>} : memref<128xf32, #tpu.memory_space<vmem>>, vector<16xf32>,
      %swap3A_522 = vector.shape_cast %swap3A_521 : vector<16xf32> to vector<16xf32>
      %swap3A_523 = vector.shape_cast %select_n3A_519 : vector<16xf32> to vector<16xf32>
      tpu.vector_store %arg14[%swap3A_520], %swap3A_523 {strides = array<i32>} : memref<128xf32, #tpu.memory_space<vmem>>, vector<16xf32>,
      %sub3A_524 = arith.subi %get3A_511, %broadcast_in_dim3A : vector<16xi32>
      %ge3A_525 = arith.constant 0 : i32
      %ge3A_526 = vector.broadcast %ge3A_525 : i32 to vector<16xi32>
      %ge3A_527 = arith.cmpi sge, %sub3A_524, %ge3A_526 : vector<16xi32>
      %lt3A_528 = arith.constant 5120 : i32
      %lt3A_529 = vector.broadcast %lt3A_528 : i32 to vector<16xi32>
      %lt3A_530 = arith.cmpi slt, %sub3A_524, %lt3A_529 : vector<16xi32>
      %and3A_531 = arith.andi %ge3A_527, %lt3A_530 : vector<16xi1>
      %and3A_532 = arith.constant 127 : i32
      %and3A_533 = vector.broadcast %and3A_532 : i32 to vector<16xi32>
      %and3A_534 = arith.andi %get3A_511, %and3A_533 : vector<16xi32>
      %add3A_535 = arith.constant 5760 : i32
      %add3A_536 = vector.broadcast %add3A_535 : i32 to vector<16xi32>
      %add3A_537 = arith.addi %add3A_536, %and3A_534 : vector<16xi32>
      %select_n3A_538 = arith.select %and3A_531, %sub3A_524, %add3A_537 : vector<16xi1>, vector<16xi32>
      %swap3A_539 = arith.constant 112 : index
      %swap3A_540 = tpu.vector_load %arg9[%swap3A_539] {strides = array<i32>} : memref<128xi32, #tpu.memory_space<vmem>>, vector<16xi32>,
      %swap3A_541 = vector.shape_cast %swap3A_540 : vector<16xi32> to vector<16xi32>
      %swap3A_542 = vector.shape_cast %select_n3A_538 : vector<16xi32> to vector<16xi32>
      tpu.vector_store %arg9[%swap3A_539], %swap3A_542 {strides = array<i32>} : memref<128xi32, #tpu.memory_space<vmem>>, vector<16xi32>,
      %shift_right_logical3A_543 = arith.constant 3 : i32
      %shift_right_logical3A_544 = vector.broadcast %shift_right_logical3A_543 : i32 to vector<16xi32>
      %shift_right_logical3A_545 = arith.shrui %sub3A_524, %shift_right_logical3A_544 : vector<16xi32>
      %add3A_546 = arith.constant 5120 : i32
      %add3A_547 = vector.broadcast %add3A_546 : i32 to vector<16xi32>
      %add3A_548 = arith.addi %add3A_547, %shift_right_logical3A_545 : vector<16xi32>
      %select_n3A_549 = arith.select %and3A_531, %add3A_548, %add3A_537 : vector<16xi1>, vector<16xi32>
      %swap3A_550 = arith.constant 112 : index
      %swap3A_551 = tpu.vector_load %arg10[%swap3A_550] {strides = array<i32>} : memref<128xi32, #tpu.memory_space<vmem>>, vector<16xi32>,
      %swap3A_552 = vector.shape_cast %swap3A_551 : vector<16xi32> to vector<16xi32>
      %swap3A_553 = vector.shape_cast %select_n3A_549 : vector<16xi32> to vector<16xi32>
      tpu.vector_store %arg10[%swap3A_550], %swap3A_553 {strides = array<i32>} : memref<128xi32, #tpu.memory_space<vmem>>, vector<16xi32>,
      %and3A_554 = arith.constant 7 : i32
      %and3A_555 = vector.broadcast %and3A_554 : i32 to vector<16xi32>
      %and3A_556 = arith.andi %sub3A_524, %and3A_555 : vector<16xi32>
      %mul3A_557 = arith.constant 16 : i32
      %mul3A_558 = vector.broadcast %mul3A_557 : i32 to vector<16xi32>
      %mul3A_559 = arith.muli %and3A_556, %mul3A_558 : vector<16xi32>
      %swap3A_560 = arith.constant 112 : index
      %swap3A_561 = tpu.vector_load %arg11[%swap3A_560] {strides = array<i32>} : memref<128xi32, #tpu.memory_space<vmem>>, vector<16xi32>,
      %swap3A_562 = vector.shape_cast %swap3A_561 : vector<16xi32> to vector<16xi32>
      %swap3A_563 = vector.shape_cast %mul3A_559 : vector<16xi32> to vector<16xi32>
      tpu.vector_store %arg11[%swap3A_560], %swap3A_563 {strides = array<i32>} : memref<128xi32, #tpu.memory_space<vmem>>, vector<16xi32>,
      %scan3A_564 = arith.constant 0 : i32
      %scan3A_565 = arith.constant 0 : i32
      %scan3A_566 = arith.constant 128 : i32
      %scan3A_567 = arith.addi %scan3A_565, %scan3A_566 : i32
      %scan3A_568 = arith.constant 1 : i32
      %scan3A_569 = scf.for %scan3A_572 = %scan3A_565 to %scan3A_567 step %scan3A_568 iter_args(%scan3A_573 = %scan3A_564) -> (i32)  : i32 {
        %get3A_574 = arith.index_cast %scan3A_572 : i32 to index
        %get3A_575 = tpu.vector_load %arg14[%get3A_574] {strides = array<i32>} : memref<128xf32, #tpu.memory_space<vmem>>, vector<1xf32>,
        %get3A_576 = vector.shape_cast %get3A_575 : vector<1xf32> to vector<1xf32>
        %squeeze3A_577 = vector.extract %get3A_576[0] : f32 from vector<1xf32>
        %get3A_578 = arith.index_cast %scan3A_572 : i32 to index
        %get3A_579 = tpu.vector_load %arg11[%get3A_578] {strides = array<i32>} : memref<128xi32, #tpu.memory_space<vmem>>, vector<1xi32>,
        %get3A_580 = vector.shape_cast %get3A_579 : vector<1xi32> to vector<1xi32>
        %squeeze3A_581 = vector.extract %get3A_580[0] : i32 from vector<1xi32>
        %broadcast_in_dim3A_582 = vector.broadcast %squeeze3A_577 : f32 to vector<16xf32>
        %broadcast_in_dim3A_583 = vector.broadcast %squeeze3A_581 : i32 to vector<16xi32>
        %get3A_584 = arith.index_cast %scan3A_572 : i32 to index
        %get3A_585 = arith.constant 0 : index
        %get3A_586 = tpu.vector_load %arg15[%get3A_584, %get3A_585] {strides = array<i32>} : memref<128x128xf32, #tpu.memory_space<vmem>>, vector<1x16xf32>,
        %get3A_587 = vector.shape_cast %get3A_586 : vector<1x16xf32> to vector<16xf32>
        %mul3A_588 = arith.mulf %get3A_587, %broadcast_in_dim3A_582 : vector<16xf32>
        %swap3A_589 = arith.index_cast %scan3A_572 : i32 to index
        %swap3A_590 = arith.constant 0 : index
        %swap3A_591 = tpu.vector_load %arg16[%swap3A_589, %swap3A_590] {strides = array<i32>} : memref<128x128xf32, #tpu.memory_space<vmem>>, vector<1x16xf32>,
        %swap3A_592 = vector.shape_cast %swap3A_591 : vector<1x16xf32> to vector<16xf32>
        %swap3A_593 = vector.shape_cast %mul3A_588 : vector<16xf32> to vector<1x16xf32>
        tpu.vector_store %arg16[%swap3A_589, %swap3A_590], %swap3A_593 {strides = array<i32>} : memref<128x128xf32, #tpu.memory_space<vmem>>, vector<1x16xf32>,
        %sub3A_594 = arith.constant 0 : i32
        %sub3A_595 = vector.broadcast %sub3A_594 : i32 to vector<16xi32>
        %sub3A_596 = arith.subi %broadcast_in_dim3A_583, %sub3A_595 : vector<16xi32>
        %eq3A = arith.cmpi eq, %iota3A, %sub3A_596 : vector<16xi32>
        %select_n3A_597 = arith.select %eq3A, %broadcast_in_dim3A_582, %broadcast_in_dim3A_45 : vector<16xi1>, vector<16xf32>
        %swap3A_598 = arith.index_cast %scan3A_572 : i32 to index
        %swap3A_599 = arith.constant 0 : index
        %swap3A_600 = tpu.vector_load %arg17[%swap3A_598, %swap3A_599] {strides = array<i32>} : memref<128x128xf32, #tpu.memory_space<vmem>>, vector<1x16xf32>,
        %swap3A_601 = vector.shape_cast %swap3A_600 : vector<1x16xf32> to vector<16xf32>
        %swap3A_602 = vector.shape_cast %select_n3A_597 : vector<16xf32> to vector<1x16xf32>
        tpu.vector_store %arg17[%swap3A_598, %swap3A_599], %swap3A_602 {strides = array<i32>} : memref<128x128xf32, #tpu.memory_space<vmem>>, vector<1x16xf32>,
        %get3A_603 = arith.index_cast %scan3A_572 : i32 to index
        %get3A_604 = arith.constant 16 : index
        %get3A_605 = tpu.vector_load %arg15[%get3A_603, %get3A_604] {strides = array<i32>} : memref<128x128xf32, #tpu.memory_space<vmem>>, vector<1x16xf32>,
        %get3A_606 = vector.shape_cast %get3A_605 : vector<1x16xf32> to vector<16xf32>
        %mul3A_607 = arith.mulf %get3A_606, %broadcast_in_dim3A_582 : vector<16xf32>
        %swap3A_608 = arith.index_cast %scan3A_572 : i32 to index
        %swap3A_609 = arith.constant 16 : index
        %swap3A_610 = tpu.vector_load %arg16[%swap3A_608, %swap3A_609] {strides = array<i32>} : memref<128x128xf32, #tpu.memory_space<vmem>>, vector<1x16xf32>,
        %swap3A_611 = vector.shape_cast %swap3A_610 : vector<1x16xf32> to vector<16xf32>
        %swap3A_612 = vector.shape_cast %mul3A_607 : vector<16xf32> to vector<1x16xf32>
        tpu.vector_store %arg16[%swap3A_608, %swap3A_609], %swap3A_612 {strides = array<i32>} : memref<128x128xf32, #tpu.memory_space<vmem>>, vector<1x16xf32>,
        %sub3A_613 = arith.constant 16 : i32
        %sub3A_614 = vector.broadcast %sub3A_613 : i32 to vector<16xi32>
        %sub3A_615 = arith.subi %broadcast_in_dim3A_583, %sub3A_614 : vector<16xi32>
        %eq3A_616 = arith.cmpi eq, %iota3A, %sub3A_615 : vector<16xi32>
        %select_n3A_617 = arith.select %eq3A_616, %broadcast_in_dim3A_582, %broadcast_in_dim3A_45 : vector<16xi1>, vector<16xf32>
        %swap3A_618 = arith.index_cast %scan3A_572 : i32 to index
        %swap3A_619 = arith.constant 16 : index
        %swap3A_620 = tpu.vector_load %arg17[%swap3A_618, %swap3A_619] {strides = array<i32>} : memref<128x128xf32, #tpu.memory_space<vmem>>, vector<1x16xf32>,
        %swap3A_621 = vector.shape_cast %swap3A_620 : vector<1x16xf32> to vector<16xf32>
        %swap3A_622 = vector.shape_cast %select_n3A_617 : vector<16xf32> to vector<1x16xf32>
        tpu.vector_store %arg17[%swap3A_618, %swap3A_619], %swap3A_622 {strides = array<i32>} : memref<128x128xf32, #tpu.memory_space<vmem>>, vector<1x16xf32>,
        %get3A_623 = arith.index_cast %scan3A_572 : i32 to index
        %get3A_624 = arith.constant 32 : index
        %get3A_625 = tpu.vector_load %arg15[%get3A_623, %get3A_624] {strides = array<i32>} : memref<128x128xf32, #tpu.memory_space<vmem>>, vector<1x16xf32>,
        %get3A_626 = vector.shape_cast %get3A_625 : vector<1x16xf32> to vector<16xf32>
        %mul3A_627 = arith.mulf %get3A_626, %broadcast_in_dim3A_582 : vector<16xf32>
        %swap3A_628 = arith.index_cast %scan3A_572 : i32 to index
        %swap3A_629 = arith.constant 32 : index
        %swap3A_630 = tpu.vector_load %arg16[%swap3A_628, %swap3A_629] {strides = array<i32>} : memref<128x128xf32, #tpu.memory_space<vmem>>, vector<1x16xf32>,
        %swap3A_631 = vector.shape_cast %swap3A_630 : vector<1x16xf32> to vector<16xf32>
        %swap3A_632 = vector.shape_cast %mul3A_627 : vector<16xf32> to vector<1x16xf32>
        tpu.vector_store %arg16[%swap3A_628, %swap3A_629], %swap3A_632 {strides = array<i32>} : memref<128x128xf32, #tpu.memory_space<vmem>>, vector<1x16xf32>,
        %sub3A_633 = arith.constant 32 : i32
        %sub3A_634 = vector.broadcast %sub3A_633 : i32 to vector<16xi32>
        %sub3A_635 = arith.subi %broadcast_in_dim3A_583, %sub3A_634 : vector<16xi32>
        %eq3A_636 = arith.cmpi eq, %iota3A, %sub3A_635 : vector<16xi32>
        %select_n3A_637 = arith.select %eq3A_636, %broadcast_in_dim3A_582, %broadcast_in_dim3A_45 : vector<16xi1>, vector<16xf32>
        %swap3A_638 = arith.index_cast %scan3A_572 : i32 to index
        %swap3A_639 = arith.constant 32 : index
        %swap3A_640 = tpu.vector_load %arg17[%swap3A_638, %swap3A_639] {strides = array<i32>} : memref<128x128xf32, #tpu.memory_space<vmem>>, vector<1x16xf32>,
        %swap3A_641 = vector.shape_cast %swap3A_640 : vector<1x16xf32> to vector<16xf32>
        %swap3A_642 = vector.shape_cast %select_n3A_637 : vector<16xf32> to vector<1x16xf32>
        tpu.vector_store %arg17[%swap3A_638, %swap3A_639], %swap3A_642 {strides = array<i32>} : memref<128x128xf32, #tpu.memory_space<vmem>>, vector<1x16xf32>,
        %get3A_643 = arith.index_cast %scan3A_572 : i32 to index
        %get3A_644 = arith.constant 48 : index
        %get3A_645 = tpu.vector_load %arg15[%get3A_643, %get3A_644] {strides = array<i32>} : memref<128x128xf32, #tpu.memory_space<vmem>>, vector<1x16xf32>,
        %get3A_646 = vector.shape_cast %get3A_645 : vector<1x16xf32> to vector<16xf32>
        %mul3A_647 = arith.mulf %get3A_646, %broadcast_in_dim3A_582 : vector<16xf32>
        %swap3A_648 = arith.index_cast %scan3A_572 : i32 to index
        %swap3A_649 = arith.constant 48 : index
        %swap3A_650 = tpu.vector_load %arg16[%swap3A_648, %swap3A_649] {strides = array<i32>} : memref<128x128xf32, #tpu.memory_space<vmem>>, vector<1x16xf32>,
        %swap3A_651 = vector.shape_cast %swap3A_650 : vector<1x16xf32> to vector<16xf32>
        %swap3A_652 = vector.shape_cast %mul3A_647 : vector<16xf32> to vector<1x16xf32>
        tpu.vector_store %arg16[%swap3A_648, %swap3A_649], %swap3A_652 {strides = array<i32>} : memref<128x128xf32, #tpu.memory_space<vmem>>, vector<1x16xf32>,
        %sub3A_653 = arith.constant 48 : i32
        %sub3A_654 = vector.broadcast %sub3A_653 : i32 to vector<16xi32>
        %sub3A_655 = arith.subi %broadcast_in_dim3A_583, %sub3A_654 : vector<16xi32>
        %eq3A_656 = arith.cmpi eq, %iota3A, %sub3A_655 : vector<16xi32>
        %select_n3A_657 = arith.select %eq3A_656, %broadcast_in_dim3A_582, %broadcast_in_dim3A_45 : vector<16xi1>, vector<16xf32>
        %swap3A_658 = arith.index_cast %scan3A_572 : i32 to index
        %swap3A_659 = arith.constant 48 : index
        %swap3A_660 = tpu.vector_load %arg17[%swap3A_658, %swap3A_659] {strides = array<i32>} : memref<128x128xf32, #tpu.memory_space<vmem>>, vector<1x16xf32>,
        %swap3A_661 = vector.shape_cast %swap3A_660 : vector<1x16xf32> to vector<16xf32>
        %swap3A_662 = vector.shape_cast %select_n3A_657 : vector<16xf32> to vector<1x16xf32>
        tpu.vector_store %arg17[%swap3A_658, %swap3A_659], %swap3A_662 {strides = array<i32>} : memref<128x128xf32, #tpu.memory_space<vmem>>, vector<1x16xf32>,
        %get3A_663 = arith.index_cast %scan3A_572 : i32 to index
        %get3A_664 = arith.constant 64 : index
        %get3A_665 = tpu.vector_load %arg15[%get3A_663, %get3A_664] {strides = array<i32>} : memref<128x128xf32, #tpu.memory_space<vmem>>, vector<1x16xf32>,
        %get3A_666 = vector.shape_cast %get3A_665 : vector<1x16xf32> to vector<16xf32>
        %mul3A_667 = arith.mulf %get3A_666, %broadcast_in_dim3A_582 : vector<16xf32>
        %swap3A_668 = arith.index_cast %scan3A_572 : i32 to index
        %swap3A_669 = arith.constant 64 : index
        %swap3A_670 = tpu.vector_load %arg16[%swap3A_668, %swap3A_669] {strides = array<i32>} : memref<128x128xf32, #tpu.memory_space<vmem>>, vector<1x16xf32>,
        %swap3A_671 = vector.shape_cast %swap3A_670 : vector<1x16xf32> to vector<16xf32>
        %swap3A_672 = vector.shape_cast %mul3A_667 : vector<16xf32> to vector<1x16xf32>
        tpu.vector_store %arg16[%swap3A_668, %swap3A_669], %swap3A_672 {strides = array<i32>} : memref<128x128xf32, #tpu.memory_space<vmem>>, vector<1x16xf32>,
        %sub3A_673 = arith.constant 64 : i32
        %sub3A_674 = vector.broadcast %sub3A_673 : i32 to vector<16xi32>
        %sub3A_675 = arith.subi %broadcast_in_dim3A_583, %sub3A_674 : vector<16xi32>
        %eq3A_676 = arith.cmpi eq, %iota3A, %sub3A_675 : vector<16xi32>
        %select_n3A_677 = arith.select %eq3A_676, %broadcast_in_dim3A_582, %broadcast_in_dim3A_45 : vector<16xi1>, vector<16xf32>
        %swap3A_678 = arith.index_cast %scan3A_572 : i32 to index
        %swap3A_679 = arith.constant 64 : index
        %swap3A_680 = tpu.vector_load %arg17[%swap3A_678, %swap3A_679] {strides = array<i32>} : memref<128x128xf32, #tpu.memory_space<vmem>>, vector<1x16xf32>,
        %swap3A_681 = vector.shape_cast %swap3A_680 : vector<1x16xf32> to vector<16xf32>
        %swap3A_682 = vector.shape_cast %select_n3A_677 : vector<16xf32> to vector<1x16xf32>
        tpu.vector_store %arg17[%swap3A_678, %swap3A_679], %swap3A_682 {strides = array<i32>} : memref<128x128xf32, #tpu.memory_space<vmem>>, vector<1x16xf32>,
        %get3A_683 = arith.index_cast %scan3A_572 : i32 to index
        %get3A_684 = arith.constant 80 : index
        %get3A_685 = tpu.vector_load %arg15[%get3A_683, %get3A_684] {strides = array<i32>} : memref<128x128xf32, #tpu.memory_space<vmem>>, vector<1x16xf32>,
        %get3A_686 = vector.shape_cast %get3A_685 : vector<1x16xf32> to vector<16xf32>
        %mul3A_687 = arith.mulf %get3A_686, %broadcast_in_dim3A_582 : vector<16xf32>
        %swap3A_688 = arith.index_cast %scan3A_572 : i32 to index
        %swap3A_689 = arith.constant 80 : index
        %swap3A_690 = tpu.vector_load %arg16[%swap3A_688, %swap3A_689] {strides = array<i32>} : memref<128x128xf32, #tpu.memory_space<vmem>>, vector<1x16xf32>,
        %swap3A_691 = vector.shape_cast %swap3A_690 : vector<1x16xf32> to vector<16xf32>
        %swap3A_692 = vector.shape_cast %mul3A_687 : vector<16xf32> to vector<1x16xf32>
        tpu.vector_store %arg16[%swap3A_688, %swap3A_689], %swap3A_692 {strides = array<i32>} : memref<128x128xf32, #tpu.memory_space<vmem>>, vector<1x16xf32>,
        %sub3A_693 = arith.constant 80 : i32
        %sub3A_694 = vector.broadcast %sub3A_693 : i32 to vector<16xi32>
        %sub3A_695 = arith.subi %broadcast_in_dim3A_583, %sub3A_694 : vector<16xi32>
        %eq3A_696 = arith.cmpi eq, %iota3A, %sub3A_695 : vector<16xi32>
        %select_n3A_697 = arith.select %eq3A_696, %broadcast_in_dim3A_582, %broadcast_in_dim3A_45 : vector<16xi1>, vector<16xf32>
        %swap3A_698 = arith.index_cast %scan3A_572 : i32 to index
        %swap3A_699 = arith.constant 80 : index
        %swap3A_700 = tpu.vector_load %arg17[%swap3A_698, %swap3A_699] {strides = array<i32>} : memref<128x128xf32, #tpu.memory_space<vmem>>, vector<1x16xf32>,
        %swap3A_701 = vector.shape_cast %swap3A_700 : vector<1x16xf32> to vector<16xf32>
        %swap3A_702 = vector.shape_cast %select_n3A_697 : vector<16xf32> to vector<1x16xf32>
        tpu.vector_store %arg17[%swap3A_698, %swap3A_699], %swap3A_702 {strides = array<i32>} : memref<128x128xf32, #tpu.memory_space<vmem>>, vector<1x16xf32>,
        %get3A_703 = arith.index_cast %scan3A_572 : i32 to index
        %get3A_704 = arith.constant 96 : index
        %get3A_705 = tpu.vector_load %arg15[%get3A_703, %get3A_704] {strides = array<i32>} : memref<128x128xf32, #tpu.memory_space<vmem>>, vector<1x16xf32>,
        %get3A_706 = vector.shape_cast %get3A_705 : vector<1x16xf32> to vector<16xf32>
        %mul3A_707 = arith.mulf %get3A_706, %broadcast_in_dim3A_582 : vector<16xf32>
        %swap3A_708 = arith.index_cast %scan3A_572 : i32 to index
        %swap3A_709 = arith.constant 96 : index
        %swap3A_710 = tpu.vector_load %arg16[%swap3A_708, %swap3A_709] {strides = array<i32>} : memref<128x128xf32, #tpu.memory_space<vmem>>, vector<1x16xf32>,
        %swap3A_711 = vector.shape_cast %swap3A_710 : vector<1x16xf32> to vector<16xf32>
        %swap3A_712 = vector.shape_cast %mul3A_707 : vector<16xf32> to vector<1x16xf32>
        tpu.vector_store %arg16[%swap3A_708, %swap3A_709], %swap3A_712 {strides = array<i32>} : memref<128x128xf32, #tpu.memory_space<vmem>>, vector<1x16xf32>,
        %sub3A_713 = arith.constant 96 : i32
        %sub3A_714 = vector.broadcast %sub3A_713 : i32 to vector<16xi32>
        %sub3A_715 = arith.subi %broadcast_in_dim3A_583, %sub3A_714 : vector<16xi32>
        %eq3A_716 = arith.cmpi eq, %iota3A, %sub3A_715 : vector<16xi32>
        %select_n3A_717 = arith.select %eq3A_716, %broadcast_in_dim3A_582, %broadcast_in_dim3A_45 : vector<16xi1>, vector<16xf32>
        %swap3A_718 = arith.index_cast %scan3A_572 : i32 to index
        %swap3A_719 = arith.constant 96 : index
        %swap3A_720 = tpu.vector_load %arg17[%swap3A_718, %swap3A_719] {strides = array<i32>} : memref<128x128xf32, #tpu.memory_space<vmem>>, vector<1x16xf32>,
        %swap3A_721 = vector.shape_cast %swap3A_720 : vector<1x16xf32> to vector<16xf32>
        %swap3A_722 = vector.shape_cast %select_n3A_717 : vector<16xf32> to vector<1x16xf32>
        tpu.vector_store %arg17[%swap3A_718, %swap3A_719], %swap3A_722 {strides = array<i32>} : memref<128x128xf32, #tpu.memory_space<vmem>>, vector<1x16xf32>,
        %get3A_723 = arith.index_cast %scan3A_572 : i32 to index
        %get3A_724 = arith.constant 112 : index
        %get3A_725 = tpu.vector_load %arg15[%get3A_723, %get3A_724] {strides = array<i32>} : memref<128x128xf32, #tpu.memory_space<vmem>>, vector<1x16xf32>,
        %get3A_726 = vector.shape_cast %get3A_725 : vector<1x16xf32> to vector<16xf32>
        %mul3A_727 = arith.mulf %get3A_726, %broadcast_in_dim3A_582 : vector<16xf32>
        %swap3A_728 = arith.index_cast %scan3A_572 : i32 to index
        %swap3A_729 = arith.constant 112 : index
        %swap3A_730 = tpu.vector_load %arg16[%swap3A_728, %swap3A_729] {strides = array<i32>} : memref<128x128xf32, #tpu.memory_space<vmem>>, vector<1x16xf32>,
        %swap3A_731 = vector.shape_cast %swap3A_730 : vector<1x16xf32> to vector<16xf32>
        %swap3A_732 = vector.shape_cast %mul3A_727 : vector<16xf32> to vector<1x16xf32>
        tpu.vector_store %arg16[%swap3A_728, %swap3A_729], %swap3A_732 {strides = array<i32>} : memref<128x128xf32, #tpu.memory_space<vmem>>, vector<1x16xf32>,
        %sub3A_733 = arith.constant 112 : i32
        %sub3A_734 = vector.broadcast %sub3A_733 : i32 to vector<16xi32>
        %sub3A_735 = arith.subi %broadcast_in_dim3A_583, %sub3A_734 : vector<16xi32>
        %eq3A_736 = arith.cmpi eq, %iota3A, %sub3A_735 : vector<16xi32>
        %select_n3A_737 = arith.select %eq3A_736, %broadcast_in_dim3A_582, %broadcast_in_dim3A_45 : vector<16xi1>, vector<16xf32>
        %swap3A_738 = arith.index_cast %scan3A_572 : i32 to index
        %swap3A_739 = arith.constant 112 : index
        %swap3A_740 = tpu.vector_load %arg17[%swap3A_738, %swap3A_739] {strides = array<i32>} : memref<128x128xf32, #tpu.memory_space<vmem>>, vector<1x16xf32>,
        %swap3A_741 = vector.shape_cast %swap3A_740 : vector<1x16xf32> to vector<16xf32>
        %swap3A_742 = vector.shape_cast %select_n3A_737 : vector<16xf32> to vector<1x16xf32>
        tpu.vector_store %arg17[%swap3A_738, %swap3A_739], %swap3A_742 {strides = array<i32>} : memref<128x128xf32, #tpu.memory_space<vmem>>, vector<1x16xf32>,
        %scan3A_743 = arith.constant 0 : i32
        scf.yield %scan3A_743 : i32
      }
      %scan3A_570 = arith.constant 128 : i32
      "tpu.region"() ({
        %run_scoped3A = tpu.sem_alloc : memref<!tpu.dma_semaphore, #tpu.memory_space<semaphore_mem>>
        %dma_start3A = arith.constant 0 : i32
        %dma_start3A_572 = arith.constant 0 : i32
        %dma_start3A_573 = tpu.memref_slice %arg20[%dma_start3A, %dma_start3A_572] : memref<6144x128xf32, #tpu.memory_space<vmem_shared>> -> memref<6144x128xf32, #tpu.memory_space<vmem_shared>>
        tpu.enqueue_indirect_dma source(%arg16 : memref<128x128xf32, #tpu.memory_space<vmem>>) target(%dma_start3A_573 : memref<6144x128xf32, #tpu.memory_space<vmem_shared>>) offsets(%arg9 : memref<128xi32, #tpu.memory_space<vmem>>) semaphore(%run_scoped3A : memref<!tpu.dma_semaphore, #tpu.memory_space<semaphore_mem>>) {add = true}
        %dma_wait3A = arith.constant 0 : i32
        %dma_wait3A_574 = arith.constant 0 : i32
        %dma_wait3A_575 = tpu.memref_slice %arg20[%dma_wait3A, %dma_wait3A_574] : memref<6144x128xf32, #tpu.memory_space<vmem_shared>> -> memref<6144x128xf32, #tpu.memory_space<vmem_shared>>
        tpu.wait_indirect_dma semaphore(%run_scoped3A : memref<!tpu.dma_semaphore, #tpu.memory_space<semaphore_mem>>) src(%arg16 : memref<128x128xf32, #tpu.memory_space<vmem>>) dst(%dma_wait3A_575 : memref<6144x128xf32, #tpu.memory_space<vmem_shared>>)
        tpu.yield
      }) : () -> ()
      "tpu.region"() ({
        %run_scoped3A = tpu.sem_alloc : memref<!tpu.dma_semaphore, #tpu.memory_space<semaphore_mem>>
        %dma_start3A = arith.constant 0 : i32
        %dma_start3A_572 = arith.constant 0 : i32
        %dma_start3A_573 = tpu.memref_slice %arg20[%dma_start3A, %dma_start3A_572] : memref<6144x128xf32, #tpu.memory_space<vmem_shared>> -> memref<6144x128xf32, #tpu.memory_space<vmem_shared>>
        tpu.enqueue_indirect_dma source(%arg17 : memref<128x128xf32, #tpu.memory_space<vmem>>) target(%dma_start3A_573 : memref<6144x128xf32, #tpu.memory_space<vmem_shared>>) offsets(%arg10 : memref<128xi32, #tpu.memory_space<vmem>>) semaphore(%run_scoped3A : memref<!tpu.dma_semaphore, #tpu.memory_space<semaphore_mem>>) {add = true}
        %dma_wait3A = arith.constant 0 : i32
        %dma_wait3A_574 = arith.constant 0 : i32
        %dma_wait3A_575 = tpu.memref_slice %arg20[%dma_wait3A, %dma_wait3A_574] : memref<6144x128xf32, #tpu.memory_space<vmem_shared>> -> memref<6144x128xf32, #tpu.memory_space<vmem_shared>>
        tpu.wait_indirect_dma semaphore(%run_scoped3A : memref<!tpu.dma_semaphore, #tpu.memory_space<semaphore_mem>>) src(%arg17 : memref<128x128xf32, #tpu.memory_space<vmem>>) dst(%dma_wait3A_575 : memref<6144x128xf32, #tpu.memory_space<vmem_shared>>)
        tpu.yield
      }) : () -> ()
      %while3A_571 = arith.constant 0 : i32
      scf.yield %while3A_571 : i32
    }
    %barrier3A_57 = arith.constant 0 : index
    tpu.barrier barrier_id(%barrier3A_57)
    %add3A_58 = arith.constant 0 : i32
    %add3A_59 = arith.addi %mul3A_0, %add3A_58 : i32
    "tpu.region"() ({
      %run_scoped3A = tpu.sem_alloc : memref<!tpu.dma_semaphore, #tpu.memory_space<semaphore_mem>>
      %dma_start3A = arith.constant 0 : i32
      %dma_start3A_70 = tpu.memref_slice %arg20[%add3A_59, %dma_start3A] : memref<6144x128xf32, #tpu.memory_space<vmem_shared>> -> memref<128x128xf32, #tpu.memory_space<vmem_shared>>
      %dma_start3A_71 = arith.constant 0 : i32
      %dma_start3A_72 = tpu.memref_slice %arg20[%add3A_59, %dma_start3A_71] : memref<6144x128xf32, #tpu.memory_space<vmem_shared>> -> memref<128x128xf32, #tpu.memory_space<vmem_shared>>
      tpu.enqueue_dma source(%dma_start3A_72 : memref<128x128xf32, #tpu.memory_space<vmem_shared>>) target(%arg16 : memref<128x128xf32, #tpu.memory_space<vmem>>) target_semaphore(%run_scoped3A : memref<!tpu.dma_semaphore, #tpu.memory_space<semaphore_mem>>)
      %dma_wait3A = arith.constant 0 : i32
      %dma_wait3A_73 = tpu.memref_slice %arg20[%add3A_59, %dma_wait3A] : memref<6144x128xf32, #tpu.memory_space<vmem_shared>> -> memref<128x128xf32, #tpu.memory_space<vmem_shared>>
      %dma_wait3A_74 = arith.constant 0 : i32
      %dma_wait3A_75 = tpu.memref_slice %arg20[%add3A_59, %dma_wait3A_74] : memref<6144x128xf32, #tpu.memory_space<vmem_shared>> -> memref<128x128xf32, #tpu.memory_space<vmem_shared>>
      tpu.wait_dma2 semaphore(%run_scoped3A : memref<!tpu.dma_semaphore, #tpu.memory_space<semaphore_mem>>) src(%dma_wait3A_75 : memref<128x128xf32, #tpu.memory_space<vmem_shared>>) dst(%arg16 : memref<128x128xf32, #tpu.memory_space<vmem>>)
      tpu.yield
    }) : () -> ()
    %add3A_60 = arith.constant 0 : i32
    %add3A_61 = arith.addi %mul3A_0, %add3A_60 : i32
    "tpu.region"() ({
      %run_scoped3A = tpu.sem_alloc : memref<!tpu.dma_semaphore, #tpu.memory_space<semaphore_mem>>
      %dma_start3A = arith.constant 0 : i32
      %dma_start3A_70 = tpu.memref_slice %arg8[%arg0, %add3A_61, %dma_start3A] : memref<2x6144x128xf32, #tpu.memory_space<hbm>> -> memref<1x128x128xf32, #tpu.memory_space<hbm>>
      %dma_start3A_71 = tpu.memref_squeeze %dma_start3A_70 : memref<1x128x128xf32, #tpu.memory_space<hbm>> -> memref<128x128xf32, #tpu.memory_space<hbm>>
      %dma_start3A_72 = arith.constant 0 : i32
      %dma_start3A_73 = tpu.memref_slice %arg8[%arg0, %add3A_61, %dma_start3A_72] : memref<2x6144x128xf32, #tpu.memory_space<hbm>> -> memref<1x128x128xf32, #tpu.memory_space<hbm>>
      %dma_start3A_74 = tpu.memref_squeeze %dma_start3A_73 : memref<1x128x128xf32, #tpu.memory_space<hbm>> -> memref<128x128xf32, #tpu.memory_space<hbm>>
      tpu.enqueue_dma source(%arg16 : memref<128x128xf32, #tpu.memory_space<vmem>>) target(%dma_start3A_74 : memref<128x128xf32, #tpu.memory_space<hbm>>) target_semaphore(%run_scoped3A : memref<!tpu.dma_semaphore, #tpu.memory_space<semaphore_mem>>)
      %dma_wait3A = arith.constant 0 : i32
      %dma_wait3A_75 = tpu.memref_slice %arg8[%arg0, %add3A_61, %dma_wait3A] : memref<2x6144x128xf32, #tpu.memory_space<hbm>> -> memref<1x128x128xf32, #tpu.memory_space<hbm>>
      %dma_wait3A_76 = tpu.memref_squeeze %dma_wait3A_75 : memref<1x128x128xf32, #tpu.memory_space<hbm>> -> memref<128x128xf32, #tpu.memory_space<hbm>>
      %dma_wait3A_77 = arith.constant 0 : i32
      %dma_wait3A_78 = tpu.memref_slice %arg8[%arg0, %add3A_61, %dma_wait3A_77] : memref<2x6144x128xf32, #tpu.memory_space<hbm>> -> memref<1x128x128xf32, #tpu.memory_space<hbm>>
      %dma_wait3A_79 = tpu.memref_squeeze %dma_wait3A_78 : memref<1x128x128xf32, #tpu.memory_space<hbm>> -> memref<128x128xf32, #tpu.memory_space<hbm>>
      tpu.wait_dma2 semaphore(%run_scoped3A : memref<!tpu.dma_semaphore, #tpu.memory_space<semaphore_mem>>) src(%arg16 : memref<128x128xf32, #tpu.memory_space<vmem>>) dst(%dma_wait3A_79 : memref<128x128xf32, #tpu.memory_space<hbm>>)
      tpu.yield
    }) : () -> ()
    %add3A_62 = arith.constant 128 : i32
    %add3A_63 = arith.addi %mul3A_0, %add3A_62 : i32
    "tpu.region"() ({
      %run_scoped3A = tpu.sem_alloc : memref<!tpu.dma_semaphore, #tpu.memory_space<semaphore_mem>>
      %dma_start3A = arith.constant 0 : i32
      %dma_start3A_70 = tpu.memref_slice %arg20[%add3A_63, %dma_start3A] : memref<6144x128xf32, #tpu.memory_space<vmem_shared>> -> memref<128x128xf32, #tpu.memory_space<vmem_shared>>
      %dma_start3A_71 = arith.constant 0 : i32
      %dma_start3A_72 = tpu.memref_slice %arg20[%add3A_63, %dma_start3A_71] : memref<6144x128xf32, #tpu.memory_space<vmem_shared>> -> memref<128x128xf32, #tpu.memory_space<vmem_shared>>
      tpu.enqueue_dma source(%dma_start3A_72 : memref<128x128xf32, #tpu.memory_space<vmem_shared>>) target(%arg16 : memref<128x128xf32, #tpu.memory_space<vmem>>) target_semaphore(%run_scoped3A : memref<!tpu.dma_semaphore, #tpu.memory_space<semaphore_mem>>)
      %dma_wait3A = arith.constant 0 : i32
      %dma_wait3A_73 = tpu.memref_slice %arg20[%add3A_63, %dma_wait3A] : memref<6144x128xf32, #tpu.memory_space<vmem_shared>> -> memref<128x128xf32, #tpu.memory_space<vmem_shared>>
      %dma_wait3A_74 = arith.constant 0 : i32
      %dma_wait3A_75 = tpu.memref_slice %arg20[%add3A_63, %dma_wait3A_74] : memref<6144x128xf32, #tpu.memory_space<vmem_shared>> -> memref<128x128xf32, #tpu.memory_space<vmem_shared>>
      tpu.wait_dma2 semaphore(%run_scoped3A : memref<!tpu.dma_semaphore, #tpu.memory_space<semaphore_mem>>) src(%dma_wait3A_75 : memref<128x128xf32, #tpu.memory_space<vmem_shared>>) dst(%arg16 : memref<128x128xf32, #tpu.memory_space<vmem>>)
      tpu.yield
    }) : () -> ()
    %add3A_64 = arith.constant 128 : i32
    %add3A_65 = arith.addi %mul3A_0, %add3A_64 : i32
    "tpu.region"() ({
      %run_scoped3A = tpu.sem_alloc : memref<!tpu.dma_semaphore, #tpu.memory_space<semaphore_mem>>
      %dma_start3A = arith.constant 0 : i32
      %dma_start3A_70 = tpu.memref_slice %arg8[%arg0, %add3A_65, %dma_start3A] : memref<2x6144x128xf32, #tpu.memory_space<hbm>> -> memref<1x128x128xf32, #tpu.memory_space<hbm>>
      %dma_start3A_71 = tpu.memref_squeeze %dma_start3A_70 : memref<1x128x128xf32, #tpu.memory_space<hbm>> -> memref<128x128xf32, #tpu.memory_space<hbm>>
      %dma_start3A_72 = arith.constant 0 : i32
      %dma_start3A_73 = tpu.memref_slice %arg8[%arg0, %add3A_65, %dma_start3A_72] : memref<2x6144x128xf32, #tpu.memory_space<hbm>> -> memref<1x128x128xf32, #tpu.memory_space<hbm>>
      %dma_start3A_74 = tpu.memref_squeeze %dma_start3A_73 : memref<1x128x128xf32, #tpu.memory_space<hbm>> -> memref<128x128xf32, #tpu.memory_space<hbm>>
      tpu.enqueue_dma source(%arg16 : memref<128x128xf32, #tpu.memory_space<vmem>>) target(%dma_start3A_74 : memref<128x128xf32, #tpu.memory_space<hbm>>) target_semaphore(%run_scoped3A : memref<!tpu.dma_semaphore, #tpu.memory_space<semaphore_mem>>)
      %dma_wait3A = arith.constant 0 : i32
      %dma_wait3A_75 = tpu.memref_slice %arg8[%arg0, %add3A_65, %dma_wait3A] : memref<2x6144x128xf32, #tpu.memory_space<hbm>> -> memref<1x128x128xf32, #tpu.memory_space<hbm>>
      %dma_wait3A_76 = tpu.memref_squeeze %dma_wait3A_75 : memref<1x128x128xf32, #tpu.memory_space<hbm>> -> memref<128x128xf32, #tpu.memory_space<hbm>>
      %dma_wait3A_77 = arith.constant 0 : i32
      %dma_wait3A_78 = tpu.memref_slice %arg8[%arg0, %add3A_65, %dma_wait3A_77] : memref<2x6144x128xf32, #tpu.memory_space<hbm>> -> memref<1x128x128xf32, #tpu.memory_space<hbm>>
      %dma_wait3A_79 = tpu.memref_squeeze %dma_wait3A_78 : memref<1x128x128xf32, #tpu.memory_space<hbm>> -> memref<128x128xf32, #tpu.memory_space<hbm>>
      tpu.wait_dma2 semaphore(%run_scoped3A : memref<!tpu.dma_semaphore, #tpu.memory_space<semaphore_mem>>) src(%arg16 : memref<128x128xf32, #tpu.memory_space<vmem>>) dst(%dma_wait3A_79 : memref<128x128xf32, #tpu.memory_space<hbm>>)
      tpu.yield
    }) : () -> ()
    %add3A_66 = arith.constant 256 : i32
    %add3A_67 = arith.addi %mul3A_0, %add3A_66 : i32
    "tpu.region"() ({
      %run_scoped3A = tpu.sem_alloc : memref<!tpu.dma_semaphore, #tpu.memory_space<semaphore_mem>>
      %dma_start3A = arith.constant 0 : i32
      %dma_start3A_70 = tpu.memref_slice %arg20[%add3A_67, %dma_start3A] : memref<6144x128xf32, #tpu.memory_space<vmem_shared>> -> memref<128x128xf32, #tpu.memory_space<vmem_shared>>
      %dma_start3A_71 = arith.constant 0 : i32
      %dma_start3A_72 = tpu.memref_slice %arg20[%add3A_67, %dma_start3A_71] : memref<6144x128xf32, #tpu.memory_space<vmem_shared>> -> memref<128x128xf32, #tpu.memory_space<vmem_shared>>
      tpu.enqueue_dma source(%dma_start3A_72 : memref<128x128xf32, #tpu.memory_space<vmem_shared>>) target(%arg16 : memref<128x128xf32, #tpu.memory_space<vmem>>) target_semaphore(%run_scoped3A : memref<!tpu.dma_semaphore, #tpu.memory_space<semaphore_mem>>)
      %dma_wait3A = arith.constant 0 : i32
      %dma_wait3A_73 = tpu.memref_slice %arg20[%add3A_67, %dma_wait3A] : memref<6144x128xf32, #tpu.memory_space<vmem_shared>> -> memref<128x128xf32, #tpu.memory_space<vmem_shared>>
      %dma_wait3A_74 = arith.constant 0 : i32
      %dma_wait3A_75 = tpu.memref_slice %arg20[%add3A_67, %dma_wait3A_74] : memref<6144x128xf32, #tpu.memory_space<vmem_shared>> -> memref<128x128xf32, #tpu.memory_space<vmem_shared>>
      tpu.wait_dma2 semaphore(%run_scoped3A : memref<!tpu.dma_semaphore, #tpu.memory_space<semaphore_mem>>) src(%dma_wait3A_75 : memref<128x128xf32, #tpu.memory_space<vmem_shared>>) dst(%arg16 : memref<128x128xf32, #tpu.memory_space<vmem>>)
      tpu.yield
    }) : () -> ()
    %add3A_68 = arith.constant 256 : i32
    %add3A_69 = arith.addi %mul3A_0, %add3A_68 : i32
    "tpu.region"() ({
      %run_scoped3A = tpu.sem_alloc : memref<!tpu.dma_semaphore, #tpu.memory_space<semaphore_mem>>
      %dma_start3A = arith.constant 0 : i32
      %dma_start3A_70 = tpu.memref_slice %arg8[%arg0, %add3A_69, %dma_start3A] : memref<2x6144x128xf32, #tpu.memory_space<hbm>> -> memref<1x128x128xf32, #tpu.memory_space<hbm>>
      %dma_start3A_71 = tpu.memref_squeeze %dma_start3A_70 : memref<1x128x128xf32, #tpu.memory_space<hbm>> -> memref<128x128xf32, #tpu.memory_space<hbm>>
      %dma_start3A_72 = arith.constant 0 : i32
      %dma_start3A_73 = tpu.memref_slice %arg8[%arg0, %add3A_69, %dma_start3A_72] : memref<2x6144x128xf32, #tpu.memory_space<hbm>> -> memref<1x128x128xf32, #tpu.memory_space<hbm>>
      %dma_start3A_74 = tpu.memref_squeeze %dma_start3A_73 : memref<1x128x128xf32, #tpu.memory_space<hbm>> -> memref<128x128xf32, #tpu.memory_space<hbm>>
      tpu.enqueue_dma source(%arg16 : memref<128x128xf32, #tpu.memory_space<vmem>>) target(%dma_start3A_74 : memref<128x128xf32, #tpu.memory_space<hbm>>) target_semaphore(%run_scoped3A : memref<!tpu.dma_semaphore, #tpu.memory_space<semaphore_mem>>)
      %dma_wait3A = arith.constant 0 : i32
      %dma_wait3A_75 = tpu.memref_slice %arg8[%arg0, %add3A_69, %dma_wait3A] : memref<2x6144x128xf32, #tpu.memory_space<hbm>> -> memref<1x128x128xf32, #tpu.memory_space<hbm>>
      %dma_wait3A_76 = tpu.memref_squeeze %dma_wait3A_75 : memref<1x128x128xf32, #tpu.memory_space<hbm>> -> memref<128x128xf32, #tpu.memory_space<hbm>>
      %dma_wait3A_77 = arith.constant 0 : i32
      %dma_wait3A_78 = tpu.memref_slice %arg8[%arg0, %add3A_69, %dma_wait3A_77] : memref<2x6144x128xf32, #tpu.memory_space<hbm>> -> memref<1x128x128xf32, #tpu.memory_space<hbm>>
      %dma_wait3A_79 = tpu.memref_squeeze %dma_wait3A_78 : memref<1x128x128xf32, #tpu.memory_space<hbm>> -> memref<128x128xf32, #tpu.memory_space<hbm>>
      tpu.wait_dma2 semaphore(%run_scoped3A : memref<!tpu.dma_semaphore, #tpu.memory_space<semaphore_mem>>) src(%arg16 : memref<128x128xf32, #tpu.memory_space<vmem>>) dst(%dma_wait3A_79 : memref<128x128xf32, #tpu.memory_space<hbm>>)
      tpu.yield
    }) : () -> ()
    return
  }
}

module attributes {stable_mosaic.version = 14 : i64} {
  func.func @_proj_body(%arg0: i32, %arg1: memref<2000x128xf32, #tpu.memory_space<vmem>>, %arg2: memref<128x128xf32, #tpu.memory_space<vmem>>, %arg3: memref<1x128xf32, #tpu.memory_space<vmem>>, %arg4: memref<128x128xf32, #tpu.memory_space<vmem>>, %arg5: memref<128x128xf32, #tpu.memory_space<vmem>>, %arg6: memref<128x128xf32, #tpu.memory_space<vmem>>, %arg7: memref<4x128xf32, #tpu.memory_space<vmem>>, %arg8: memref<2000x384xf32, #tpu.memory_space<vmem>>) attributes {dimension_semantics = [#tpu.dimension_semantics<arbitrary>], iteration_bounds = array<i64: 5>, scalar_prefetch = 0 : i64, scratch_operands = 0 : i64, tpu.core_type = #tpu.core_type<tc>, window_params = [{transform_indices = @transform_0, window_bounds = array<i64: 2000, 128>}, {pipeline_mode = #tpu.pipeline_mode<synchronous>, transform_indices = @transform_1, window_bounds = array<i64: 128, 128>}, {pipeline_mode = #tpu.pipeline_mode<synchronous>, transform_indices = @transform_2, window_bounds = array<i64: 1, 128>}, {pipeline_mode = #tpu.pipeline_mode<synchronous>, transform_indices = @transform_3, window_bounds = array<i64: 128, 128>}, {pipeline_mode = #tpu.pipeline_mode<synchronous>, transform_indices = @transform_4, window_bounds = array<i64: 128, 128>}, {pipeline_mode = #tpu.pipeline_mode<synchronous>, transform_indices = @transform_5, window_bounds = array<i64: 128, 128>}, {pipeline_mode = #tpu.pipeline_mode<synchronous>, transform_indices = @transform_6, window_bounds = array<i64: 4, 128>}, {transform_indices = @transform_7, window_bounds = array<i64: 2000, 384>}]} {
    %get3A = arith.constant 0 : index
    %get3A_0 = arith.constant 0 : index
    %get3A_1 = vector.load %arg1[%get3A, %get3A_0] : memref<2000x128xf32, #tpu.memory_space<vmem>>, vector<2000x128xf32>
    %get3A_2 = arith.constant 0 : index
    %get3A_3 = arith.constant 0 : index
    %get3A_4 = vector.load %arg2[%get3A_2, %get3A_3] : memref<128x128xf32, #tpu.memory_space<vmem>>, vector<128x128xf32>
    %dot_general3A = arith.constant dense<0.000000e+00> : vector<2000x128xf32>
    %dot_general3A_5 = tpu.matmul %get3A_1, %get3A_4, %dot_general3A {dimension_numbers = #tpu.dot_dimension_numbers<[1], [0], [0], [1], [0, 0, 1, 1], [], []>, transpose_lhs_hint = false} : vector<2000x128xf32>, vector<128x128xf32>, vector<2000x128xf32> -> vector<2000x128xf32>
    %get3A_6 = arith.constant 0 : index
    %get3A_7 = arith.constant 0 : index
    %get3A_8 = vector.load %arg3[%get3A_6, %get3A_7] : memref<1x128xf32, #tpu.memory_space<vmem>>, vector<1x128xf32>
    %add3A = vector.broadcast %get3A_8 : vector<1x128xf32> to vector<2000x128xf32>
    %add3A_9 = arith.addf %dot_general3A_5, %add3A : vector<2000x128xf32>
    %get3A_10 = arith.constant 0 : index
    %get3A_11 = arith.constant 0 : index
    %get3A_12 = vector.load %arg7[%get3A_10, %get3A_11] : memref<4x128xf32, #tpu.memory_space<vmem>>, vector<4x128xf32>
    %get3A_13 = arith.constant 0 : index
    %get3A_14 = arith.constant 0 : index
    %get3A_15 = vector.load %arg4[%get3A_13, %get3A_14] : memref<128x128xf32, #tpu.memory_space<vmem>>, vector<128x128xf32>
    %dot_general3A_16 = arith.constant dense<0.000000e+00> : vector<2000x128xf32>
    %dot_general3A_17 = tpu.matmul %add3A_9, %get3A_15, %dot_general3A_16 {dimension_numbers = #tpu.dot_dimension_numbers<[1], [0], [0], [1], [0, 0, 1, 1], [], []>, transpose_lhs_hint = false} : vector<2000x128xf32>, vector<128x128xf32>, vector<2000x128xf32> -> vector<2000x128xf32>
    %slice3A = vector.extract_strided_slice %get3A_12 {offsets = [0, 0], sizes = [1, 128], strides = [1, 1]} : vector<4x128xf32> to vector<1x128xf32>
    %add3A_18 = vector.broadcast %slice3A : vector<1x128xf32> to vector<2000x128xf32>
    %add3A_19 = arith.addf %dot_general3A_17, %add3A_18 : vector<2000x128xf32>
    %swap3A = arith.constant 0 : index
    %swap3A_20 = arith.constant 0 : index
    %swap3A_21 = vector.load %arg8[%swap3A, %swap3A_20] : memref<2000x384xf32, #tpu.memory_space<vmem>>, vector<2000x128xf32>
    tpu.vector_store %arg8[%swap3A, %swap3A_20], %add3A_19 {strides = array<i32>} : memref<2000x384xf32, #tpu.memory_space<vmem>>, vector<2000x128xf32>,
    %get3A_22 = arith.constant 0 : index
    %get3A_23 = arith.constant 0 : index
    %get3A_24 = vector.load %arg5[%get3A_22, %get3A_23] : memref<128x128xf32, #tpu.memory_space<vmem>>, vector<128x128xf32>
    %dot_general3A_25 = arith.constant dense<0.000000e+00> : vector<2000x128xf32>
    %dot_general3A_26 = tpu.matmul %add3A_9, %get3A_24, %dot_general3A_25 {dimension_numbers = #tpu.dot_dimension_numbers<[1], [0], [0], [1], [0, 0, 1, 1], [], []>, transpose_lhs_hint = false} : vector<2000x128xf32>, vector<128x128xf32>, vector<2000x128xf32> -> vector<2000x128xf32>
    %slice3A_27 = vector.extract_strided_slice %get3A_12 {offsets = [1, 0], sizes = [1, 128], strides = [1, 1]} : vector<4x128xf32> to vector<1x128xf32>
    %add3A_28 = vector.broadcast %slice3A_27 : vector<1x128xf32> to vector<2000x128xf32>
    %add3A_29 = arith.addf %dot_general3A_26, %add3A_28 : vector<2000x128xf32>
    %swap3A_30 = arith.constant 0 : index
    %swap3A_31 = arith.constant 128 : index
    %swap3A_32 = vector.load %arg8[%swap3A_30, %swap3A_31] : memref<2000x384xf32, #tpu.memory_space<vmem>>, vector<2000x128xf32>
    tpu.vector_store %arg8[%swap3A_30, %swap3A_31], %add3A_29 {strides = array<i32>} : memref<2000x384xf32, #tpu.memory_space<vmem>>, vector<2000x128xf32>,
    %get3A_33 = arith.constant 0 : index
    %get3A_34 = arith.constant 0 : index
    %get3A_35 = vector.load %arg6[%get3A_33, %get3A_34] : memref<128x128xf32, #tpu.memory_space<vmem>>, vector<128x128xf32>
    %dot_general3A_36 = arith.constant dense<0.000000e+00> : vector<2000x128xf32>
    %dot_general3A_37 = tpu.matmul %add3A_9, %get3A_35, %dot_general3A_36 {dimension_numbers = #tpu.dot_dimension_numbers<[1], [0], [0], [1], [0, 0, 1, 1], [], []>, transpose_lhs_hint = false} : vector<2000x128xf32>, vector<128x128xf32>, vector<2000x128xf32> -> vector<2000x128xf32>
    %slice3A_38 = vector.extract_strided_slice %get3A_12 {offsets = [2, 0], sizes = [1, 128], strides = [1, 1]} : vector<4x128xf32> to vector<1x128xf32>
    %add3A_39 = vector.broadcast %slice3A_38 : vector<1x128xf32> to vector<2000x128xf32>
    %add3A_40 = arith.addf %dot_general3A_37, %add3A_39 : vector<2000x128xf32>
    %swap3A_41 = arith.constant 0 : index
    %swap3A_42 = arith.constant 256 : index
    %swap3A_43 = vector.load %arg8[%swap3A_41, %swap3A_42] : memref<2000x384xf32, #tpu.memory_space<vmem>>, vector<2000x128xf32>
    tpu.vector_store %arg8[%swap3A_41, %swap3A_42], %add3A_40 {strides = array<i32>} : memref<2000x384xf32, #tpu.memory_space<vmem>>, vector<2000x128xf32>,
    return
  }
  func.func @transform_0(%arg0: i32) -> (i32, i32) {
    %c0_i32 = arith.constant 0 : i32
    %c0_i32_0 = arith.constant 0 : i32
    return %arg0, %c0_i32 : i32, i32
  }
  func.func @transform_1(%arg0: i32) -> (i32, i32) {
    %c0_i32 = arith.constant 0 : i32
    %c0_i32_0 = arith.constant 0 : i32
    %c0_i32_1 = arith.constant 0 : i32
    return %c0_i32, %c0_i32_0 : i32, i32
  }
  func.func @transform_2(%arg0: i32) -> (i32, i32) {
    %c0_i32 = arith.constant 0 : i32
    %c0_i32_0 = arith.constant 0 : i32
    %c0_i32_1 = arith.constant 0 : i32
    return %c0_i32, %c0_i32_0 : i32, i32
  }
  func.func @transform_3(%arg0: i32) -> (i32, i32) {
    %c0_i32 = arith.constant 0 : i32
    %c0_i32_0 = arith.constant 0 : i32
    %c0_i32_1 = arith.constant 0 : i32
    return %c0_i32, %c0_i32_0 : i32, i32
  }
  func.func @transform_4(%arg0: i32) -> (i32, i32) {
    %c0_i32 = arith.constant 0 : i32
    %c0_i32_0 = arith.constant 0 : i32
    %c0_i32_1 = arith.constant 0 : i32
    return %c0_i32, %c0_i32_0 : i32, i32
  }
  func.func @transform_5(%arg0: i32) -> (i32, i32) {
    %c0_i32 = arith.constant 0 : i32
    %c0_i32_0 = arith.constant 0 : i32
    %c0_i32_1 = arith.constant 0 : i32
    return %c0_i32, %c0_i32_0 : i32, i32
  }
  func.func @transform_6(%arg0: i32) -> (i32, i32) {
    %c0_i32 = arith.constant 0 : i32
    %c0_i32_0 = arith.constant 0 : i32
    %c0_i32_1 = arith.constant 0 : i32
    return %c0_i32, %c0_i32_0 : i32, i32
  }
  func.func @transform_7(%arg0: i32) -> (i32, i32) {
    %c0_i32 = arith.constant 0 : i32
    %c0_i32_0 = arith.constant 0 : i32
    return %arg0, %c0_i32 : i32, i32
  }
}

module attributes {stable_mosaic.version = 14 : i64} {
  func.func @_attn_body(%arg0: i32, %arg1: memref<192x384xf32, #tpu.memory_space<vmem>>, %arg2: memref<192x384xf32, #tpu.memory_space<vmem>>, %arg3: memref<192x384xf32, #tpu.memory_space<vmem>>, %arg4: memref<192x384xf32, #tpu.memory_space<vmem>>, %arg5: memref<1x192x2xi32, #tpu.memory_space<vmem>>, %arg6: memref<1x192x2xi32, #tpu.memory_space<vmem>>, %arg7: memref<1x2x192xi32, #tpu.memory_space<vmem>>, %arg8: memref<1x2x192xi32, #tpu.memory_space<vmem>>, %arg9: memref<1x2x192xi32, #tpu.memory_space<vmem>>, %arg10: memref<1x2x192xi32, #tpu.memory_space<vmem>>, %arg11: memref<128x128xf32, #tpu.memory_space<vmem>>, %arg12: memref<128x128xf32, #tpu.memory_space<vmem>>, %arg13: memref<128x128xf32, #tpu.memory_space<vmem>>, %arg14: memref<8x128xf32, #tpu.memory_space<vmem>>, %arg15: memref<384x128xf32, #tpu.memory_space<vmem>>, %arg16: memref<384x1xf32, #tpu.memory_space<vmem>>, %arg17: memref<1x128xf32, #tpu.memory_space<vmem>>, %arg18: memref<1x1xf32, #tpu.memory_space<smem>>) attributes {dimension_semantics = [#tpu.dimension_semantics<arbitrary>], iteration_bounds = array<i64: 417>, scalar_prefetch = 0 : i64, scratch_operands = 1 : i64, tpu.core_type = #tpu.core_type<tc>, window_params = [{transform_indices = @transform_0, window_bounds = array<i64: 192, 384>}, {transform_indices = @transform_1, window_bounds = array<i64: 192, 384>}, {transform_indices = @transform_2, window_bounds = array<i64: 192, 384>}, {transform_indices = @transform_3, window_bounds = array<i64: 192, 384>}, {transform_indices = @transform_4, window_bounds = array<i64: 1, 192, 2>}, {transform_indices = @transform_5, window_bounds = array<i64: 1, 192, 2>}, {transform_indices = @transform_6, window_bounds = array<i64: 1, 2, 192>}, {transform_indices = @transform_7, window_bounds = array<i64: 1, 2, 192>}, {transform_indices = @transform_8, window_bounds = array<i64: 1, 2, 192>}, {transform_indices = @transform_9, window_bounds = array<i64: 1, 2, 192>}, {pipeline_mode = #tpu.pipeline_mode<synchronous>, transform_indices = @transform_10, window_bounds = array<i64: 128, 128>}, {pipeline_mode = #tpu.pipeline_mode<synchronous>, transform_indices = @transform_11, window_bounds = array<i64: 128, 128>}, {pipeline_mode = #tpu.pipeline_mode<synchronous>, transform_indices = @transform_12, window_bounds = array<i64: 128, 128>}, {pipeline_mode = #tpu.pipeline_mode<synchronous>, transform_indices = @transform_13, window_bounds = array<i64: 8, 128>}, {transform_indices = @transform_14, window_bounds = array<i64: 384, 128>}, {transform_indices = @transform_15, window_bounds = array<i64: 384, 1>}, {pipeline_mode = #tpu.pipeline_mode<synchronous>, transform_indices = @transform_16, window_bounds = array<i64: 1, 128>}]} {
    %get3A = arith.constant 0 : index
    %get3A_0 = arith.constant 0 : index
    %get3A_1 = vector.load %arg2[%get3A, %get3A_0] : memref<192x384xf32, #tpu.memory_space<vmem>>, vector<192x384xf32>
    %get3A_2 = arith.constant 0 : index
    %get3A_3 = arith.constant 0 : index
    %get3A_4 = vector.load %arg3[%get3A_2, %get3A_3] : memref<192x384xf32, #tpu.memory_space<vmem>>, vector<192x384xf32>
    %slice3A = vector.extract_strided_slice %get3A_1 {offsets = [0, 0], sizes = [192, 128], strides = [1, 1]} : vector<192x384xf32> to vector<192x128xf32>
    %slice3A_5 = vector.extract_strided_slice %get3A_4 {offsets = [0, 0], sizes = [192, 128], strides = [1, 1]} : vector<192x384xf32> to vector<192x128xf32>
    %concatenate3A = tpu.concatenate %slice3A, %slice3A_5 in 0 : vector<192x128xf32>, vector<192x128xf32> -> vector<384x128xf32>
    %get3A_6 = arith.constant 0 : index
    %get3A_7 = arith.constant 128 : index
    %get3A_8 = vector.load %arg1[%get3A_6, %get3A_7] : memref<192x384xf32, #tpu.memory_space<vmem>>, vector<192x128xf32>
    %slice3A_9 = vector.extract_strided_slice %get3A_1 {offsets = [0, 128], sizes = [192, 128], strides = [1, 1]} : vector<192x384xf32> to vector<192x128xf32>
    %slice3A_10 = vector.extract_strided_slice %get3A_4 {offsets = [0, 128], sizes = [192, 128], strides = [1, 1]} : vector<192x384xf32> to vector<192x128xf32>
    %get3A_11 = arith.constant 0 : index
    %get3A_12 = arith.constant 128 : index
    %get3A_13 = vector.load %arg4[%get3A_11, %get3A_12] : memref<192x384xf32, #tpu.memory_space<vmem>>, vector<192x128xf32>
    %concatenate3A_14 = tpu.concatenate %get3A_8, %slice3A_9, %slice3A_10, %get3A_13 in 0 : vector<192x128xf32>, vector<192x128xf32>, vector<192x128xf32>, vector<192x128xf32> -> vector<768x128xf32>
    %get3A_15 = arith.constant 0 : index
    %get3A_16 = arith.constant 256 : index
    %get3A_17 = vector.load %arg1[%get3A_15, %get3A_16] : memref<192x384xf32, #tpu.memory_space<vmem>>, vector<192x128xf32>
    %slice3A_18 = vector.extract_strided_slice %get3A_1 {offsets = [0, 256], sizes = [192, 128], strides = [1, 1]} : vector<192x384xf32> to vector<192x128xf32>
    %slice3A_19 = vector.extract_strided_slice %get3A_4 {offsets = [0, 256], sizes = [192, 128], strides = [1, 1]} : vector<192x384xf32> to vector<192x128xf32>
    %get3A_20 = arith.constant 0 : index
    %get3A_21 = arith.constant 256 : index
    %get3A_22 = vector.load %arg4[%get3A_20, %get3A_21] : memref<192x384xf32, #tpu.memory_space<vmem>>, vector<192x128xf32>
    %concatenate3A_23 = tpu.concatenate %get3A_17, %slice3A_18, %slice3A_19, %get3A_22 in 0 : vector<192x128xf32>, vector<192x128xf32>, vector<192x128xf32>, vector<192x128xf32> -> vector<768x128xf32>
    %get3A_24 = arith.constant 0 : index
    %get3A_25 = arith.constant 0 : index
    %get3A_26 = arith.constant 0 : index
    %get3A_27 = vector.load %arg5[%get3A_24, %get3A_25, %get3A_26] : memref<1x192x2xi32, #tpu.memory_space<vmem>>, vector<1x192x2xi32>
    %get3A_28 = vector.shape_cast %get3A_27 : vector<1x192x2xi32> to vector<192x2xi32>
    %get3A_29 = arith.constant 0 : index
    %get3A_30 = arith.constant 0 : index
    %get3A_31 = arith.constant 0 : index
    %get3A_32 = vector.load %arg6[%get3A_29, %get3A_30, %get3A_31] : memref<1x192x2xi32, #tpu.memory_space<vmem>>, vector<1x192x2xi32>
    %get3A_33 = vector.shape_cast %get3A_32 : vector<1x192x2xi32> to vector<192x2xi32>
    %concatenate3A_34 = tpu.concatenate %get3A_28, %get3A_33 in 0 : vector<192x2xi32>, vector<192x2xi32> -> vector<384x2xi32>
    %slice3A_35 = vector.extract_strided_slice %concatenate3A_34 {offsets = [0, 0], sizes = [384, 1], strides = [1, 1]} : vector<384x2xi32> to vector<384x1xi32>
    %slice3A_36 = vector.extract_strided_slice %concatenate3A_34 {offsets = [0, 1], sizes = [384, 1], strides = [1, 1]} : vector<384x2xi32> to vector<384x1xi32>
    %get3A_37 = arith.constant 0 : index
    %get3A_38 = arith.constant 0 : index
    %get3A_39 = arith.constant 0 : index
    %get3A_40 = vector.load %arg7[%get3A_37, %get3A_38, %get3A_39] : memref<1x2x192xi32, #tpu.memory_space<vmem>>, vector<1x2x192xi32>
    %get3A_41 = vector.shape_cast %get3A_40 : vector<1x2x192xi32> to vector<2x192xi32>
    %get3A_42 = arith.constant 0 : index
    %get3A_43 = arith.constant 0 : index
    %get3A_44 = arith.constant 0 : index
    %get3A_45 = vector.load %arg8[%get3A_42, %get3A_43, %get3A_44] : memref<1x2x192xi32, #tpu.memory_space<vmem>>, vector<1x2x192xi32>
    %get3A_46 = vector.shape_cast %get3A_45 : vector<1x2x192xi32> to vector<2x192xi32>
    %get3A_47 = arith.constant 0 : index
    %get3A_48 = arith.constant 0 : index
    %get3A_49 = arith.constant 0 : index
    %get3A_50 = vector.load %arg9[%get3A_47, %get3A_48, %get3A_49] : memref<1x2x192xi32, #tpu.memory_space<vmem>>, vector<1x2x192xi32>
    %get3A_51 = vector.shape_cast %get3A_50 : vector<1x2x192xi32> to vector<2x192xi32>
    %get3A_52 = arith.constant 0 : index
    %get3A_53 = arith.constant 0 : index
    %get3A_54 = arith.constant 0 : index
    %get3A_55 = vector.load %arg10[%get3A_52, %get3A_53, %get3A_54] : memref<1x2x192xi32, #tpu.memory_space<vmem>>, vector<1x2x192xi32>
    %get3A_56 = vector.shape_cast %get3A_55 : vector<1x2x192xi32> to vector<2x192xi32>
    %concatenate3A_57 = tpu.concatenate %get3A_41, %get3A_46, %get3A_51, %get3A_56 in 1 : vector<2x192xi32>, vector<2x192xi32>, vector<2x192xi32>, vector<2x192xi32> -> vector<2x768xi32>
    %slice3A_58 = vector.extract_strided_slice %concatenate3A_57 {offsets = [0, 0], sizes = [1, 768], strides = [1, 1]} : vector<2x768xi32> to vector<1x768xi32>
    %slice3A_59 = vector.extract_strided_slice %concatenate3A_57 {offsets = [1, 0], sizes = [1, 768], strides = [1, 1]} : vector<2x768xi32> to vector<1x768xi32>
    %iota3A = tpu.iota {dimensions = array<i32: 1>} : vector<1x768xi32>
    %gt3A = arith.constant 0 : i32
    %gt3A_60 = arith.cmpi sgt, %arg0, %gt3A : i32
    %convert_element_type3A = arith.extui %gt3A_60 : i1 to i32
    %lt3A = arith.constant 416 : i32
    %lt3A_61 = arith.cmpi slt, %arg0, %lt3A : i32
    %convert_element_type3A_62 = arith.extui %lt3A_61 : i1 to i32
    %lt3A_63 = arith.constant 192 : i32
    %lt3A_64 = vector.broadcast %lt3A_63 : i32 to vector<1x768xi32>
    %lt3A_65 = arith.cmpi slt, %iota3A, %lt3A_64 : vector<1x768xi32>
    %ge3A = arith.constant 576 : i32
    %ge3A_66 = vector.broadcast %ge3A : i32 to vector<1x768xi32>
    %ge3A_67 = arith.cmpi sge, %iota3A, %ge3A_66 : vector<1x768xi32>
    %jit3A = arith.constant 1 : i32
    %broadcast_in_dim3A = vector.broadcast %convert_element_type3A_62 : i32 to vector<1x768xi32>
    %broadcast_in_dim3A_68 = vector.broadcast %jit3A : i32 to vector<1x768xi32>
    %select_n3A = arith.select %ge3A_67, %broadcast_in_dim3A, %broadcast_in_dim3A_68 : vector<1x768xi1>, vector<1x768xi32>
    %broadcast_in_dim3A_69 = vector.broadcast %convert_element_type3A : i32 to vector<1x768xi32>
    %select_n3A_70 = arith.select %lt3A_65, %broadcast_in_dim3A_69, %select_n3A : vector<1x768xi1>, vector<1x768xi32>
    %eq3A = vector.broadcast %slice3A_35 : vector<384x1xi32> to vector<384x768xi32>
    %eq3A_71 = vector.broadcast %slice3A_58 : vector<1x768xi32> to vector<384x768xi32>
    %eq3A_72 = arith.cmpi eq, %eq3A, %eq3A_71 : vector<384x768xi32>
    %lt3A_73 = arith.constant 192 : i32
    %lt3A_74 = vector.broadcast %lt3A_73 : i32 to vector<1x768xi32>
    %lt3A_75 = arith.cmpi slt, %slice3A_59, %lt3A_74 : vector<1x768xi32>
    %and3A = vector.broadcast %lt3A_75 : vector<1x768xi1> to vector<384x768xi1>
    %and3A_76 = arith.andi %eq3A_72, %and3A : vector<384x768xi1>
    %gt3A_77 = arith.constant 0 : i32
    %gt3A_78 = vector.broadcast %gt3A_77 : i32 to vector<1x768xi32>
    %gt3A_79 = arith.cmpi sgt, %select_n3A_70, %gt3A_78 : vector<1x768xi32>
    %and3A_80 = vector.broadcast %gt3A_79 : vector<1x768xi1> to vector<384x768xi1>
    %and3A_81 = arith.andi %and3A_76, %and3A_80 : vector<384x768xi1>
    %dot_general3A = arith.constant dense<0.000000e+00> : vector<384x768xf32>
    %dot_general3A_82 = tpu.matmul %concatenate3A, %concatenate3A_14, %dot_general3A {dimension_numbers = #tpu.dot_dimension_numbers<[1], [1], [0], [0], [0, 0, 1, 0], [], []>, transpose_lhs_hint = false} : vector<384x128xf32>, vector<768x128xf32>, vector<384x768xf32> -> vector<384x768xf32>
    %sqrt3A = arith.constant 1.280000e+02 : f32
    %sqrt3A_83 = math.sqrt %sqrt3A : f32
    %div3A = arith.constant 1.000000e+00 : f32
    %div3A_84 = arith.divf %div3A, %sqrt3A_83 : f32
    %mul3A = vector.broadcast %div3A_84 : f32 to vector<384x768xf32>
    %mul3A_85 = arith.mulf %dot_general3A_82, %mul3A : vector<384x768xf32>
    %jit3A_86 = arith.constant -1.000000e+30 : f32
    %broadcast_in_dim3A_87 = vector.broadcast %jit3A_86 : f32 to vector<384x768xf32>
    %select_n3A_88 = arith.select %and3A_81, %mul3A_85, %broadcast_in_dim3A_87 : vector<384x768xi1>, vector<384x768xf32>
    %reduce_max3A = arith.constant dense<0xFF800000> : vector<384xf32>
    %reduce_max3A_89 = vector.multi_reduction <maximumf>, %select_n3A_88, %reduce_max3A [1] : vector<384x768xf32> to vector<384xf32>
    %broadcast_in_dim3A_90 = vector.shape_cast %reduce_max3A_89 : vector<384xf32> to vector<384x1xf32>
    %sub3A = vector.broadcast %broadcast_in_dim3A_90 : vector<384x1xf32> to vector<384x768xf32>
    %sub3A_91 = arith.subf %select_n3A_88, %sub3A : vector<384x768xf32>
    %exp3A = math.exp %sub3A_91 : vector<384x768xf32>
    %reduce_sum3A = arith.constant dense<0.000000e+00> : vector<384xf32>
    %reduce_sum3A_92 = vector.multi_reduction <add>, %exp3A, %reduce_sum3A [1] : vector<384x768xf32> to vector<384xf32>
    %broadcast_in_dim3A_93 = vector.shape_cast %reduce_sum3A_92 : vector<384xf32> to vector<384x1xf32>
    %dot_general3A_94 = arith.constant dense<0.000000e+00> : vector<384x128xf32>
    %dot_general3A_95 = tpu.matmul %exp3A, %concatenate3A_23, %dot_general3A_94 {dimension_numbers = #tpu.dot_dimension_numbers<[1], [0], [0], [1], [0, 0, 1, 1], [], []>, transpose_lhs_hint = false} : vector<384x768xf32>, vector<768x128xf32>, vector<384x128xf32> -> vector<384x128xf32>
    %div3A_96 = vector.broadcast %broadcast_in_dim3A_93 : vector<384x1xf32> to vector<384x128xf32>
    %div3A_97 = arith.divf %dot_general3A_95, %div3A_96 : vector<384x128xf32>
    %add3A = arith.addf %concatenate3A, %div3A_97 : vector<384x128xf32>
    %get3A_98 = arith.constant 0 : index
    %get3A_99 = arith.constant 0 : index
    %get3A_100 = vector.load %arg14[%get3A_98, %get3A_99] : memref<8x128xf32, #tpu.memory_space<vmem>>, vector<8x128xf32>
    %get3A_101 = arith.constant 0 : index
    %get3A_102 = arith.constant 0 : index
    %get3A_103 = vector.load %arg11[%get3A_101, %get3A_102] : memref<128x128xf32, #tpu.memory_space<vmem>>, vector<128x128xf32>
    %dot_general3A_104 = arith.constant dense<0.000000e+00> : vector<384x128xf32>
    %dot_general3A_105 = tpu.matmul %add3A, %get3A_103, %dot_general3A_104 {dimension_numbers = #tpu.dot_dimension_numbers<[1], [0], [0], [1], [0, 0, 1, 1], [], []>, transpose_lhs_hint = false} : vector<384x128xf32>, vector<128x128xf32>, vector<384x128xf32> -> vector<384x128xf32>
    %slice3A_106 = vector.extract_strided_slice %get3A_100 {offsets = [0, 0], sizes = [1, 128], strides = [1, 1]} : vector<8x128xf32> to vector<1x128xf32>
    %add3A_107 = vector.broadcast %slice3A_106 : vector<1x128xf32> to vector<384x128xf32>
    %add3A_108 = arith.addf %dot_general3A_105, %add3A_107 : vector<384x128xf32>
    %max3A = arith.constant 0.000000e+00 : f32
    %max3A_109 = vector.broadcast %max3A : f32 to vector<384x128xf32>
    %max3A_110 = arith.maximumf %add3A_108, %max3A_109 : vector<384x128xf32>
    %add3A_111 = arith.addf %add3A, %max3A_110 : vector<384x128xf32>
    %get3A_112 = arith.constant 0 : index
    %get3A_113 = arith.constant 0 : index
    %get3A_114 = vector.load %arg12[%get3A_112, %get3A_113] : memref<128x128xf32, #tpu.memory_space<vmem>>, vector<128x128xf32>
    %dot_general3A_115 = arith.constant dense<0.000000e+00> : vector<384x128xf32>
    %dot_general3A_116 = tpu.matmul %add3A_111, %get3A_114, %dot_general3A_115 {dimension_numbers = #tpu.dot_dimension_numbers<[1], [0], [0], [1], [0, 0, 1, 1], [], []>, transpose_lhs_hint = false} : vector<384x128xf32>, vector<128x128xf32>, vector<384x128xf32> -> vector<384x128xf32>
    %slice3A_117 = vector.extract_strided_slice %get3A_100 {offsets = [1, 0], sizes = [1, 128], strides = [1, 1]} : vector<8x128xf32> to vector<1x128xf32>
    %add3A_118 = vector.broadcast %slice3A_117 : vector<1x128xf32> to vector<384x128xf32>
    %add3A_119 = arith.addf %dot_general3A_116, %add3A_118 : vector<384x128xf32>
    %max3A_120 = arith.constant 0.000000e+00 : f32
    %max3A_121 = vector.broadcast %max3A_120 : f32 to vector<384x128xf32>
    %max3A_122 = arith.maximumf %add3A_119, %max3A_121 : vector<384x128xf32>
    %get3A_123 = arith.constant 0 : index
    %get3A_124 = arith.constant 0 : index
    %get3A_125 = vector.load %arg13[%get3A_123, %get3A_124] : memref<128x128xf32, #tpu.memory_space<vmem>>, vector<128x128xf32>
    %dot_general3A_126 = arith.constant dense<0.000000e+00> : vector<384x128xf32>
    %dot_general3A_127 = tpu.matmul %max3A_122, %get3A_125, %dot_general3A_126 {dimension_numbers = #tpu.dot_dimension_numbers<[1], [0], [0], [1], [0, 0, 1, 1], [], []>, transpose_lhs_hint = false} : vector<384x128xf32>, vector<128x128xf32>, vector<384x128xf32> -> vector<384x128xf32>
    %slice3A_128 = vector.extract_strided_slice %get3A_100 {offsets = [2, 0], sizes = [1, 128], strides = [1, 1]} : vector<8x128xf32> to vector<1x128xf32>
    %add3A_129 = vector.broadcast %slice3A_128 : vector<1x128xf32> to vector<384x128xf32>
    %add3A_130 = arith.addf %dot_general3A_127, %add3A_129 : vector<384x128xf32>
    %swap3A = arith.constant 0 : index
    %swap3A_131 = arith.constant 0 : index
    %swap3A_132 = vector.load %arg15[%swap3A, %swap3A_131] : memref<384x128xf32, #tpu.memory_space<vmem>>, vector<384x128xf32>
    tpu.vector_store %arg15[%swap3A, %swap3A_131], %add3A_130 {strides = array<i32>} : memref<384x128xf32, #tpu.memory_space<vmem>>, vector<384x128xf32>,
    %slice3A_133 = vector.extract_strided_slice %get3A_100 {offsets = [3, 0], sizes = [1, 128], strides = [1, 1]} : vector<8x128xf32> to vector<1x128xf32>
    %mul3A_134 = vector.broadcast %slice3A_133 : vector<1x128xf32> to vector<384x128xf32>
    %mul3A_135 = arith.mulf %max3A_122, %mul3A_134 : vector<384x128xf32>
    %reduce_sum3A_136 = arith.constant dense<0.000000e+00> : vector<384xf32>
    %reduce_sum3A_137 = vector.multi_reduction <add>, %mul3A_135, %reduce_sum3A_136 [1] : vector<384x128xf32> to vector<384xf32>
    %broadcast_in_dim3A_138 = vector.shape_cast %reduce_sum3A_137 : vector<384xf32> to vector<384x1xf32>
    %slice3A_139 = vector.extract_strided_slice %get3A_100 {offsets = [4, 0], sizes = [1, 1], strides = [1, 1]} : vector<8x128xf32> to vector<1x1xf32>
    %add3A_140 = vector.broadcast %slice3A_139 : vector<1x1xf32> to vector<384x1xf32>
    %add3A_141 = arith.addf %broadcast_in_dim3A_138, %add3A_140 : vector<384x1xf32>
    %swap3A_142 = arith.constant 0 : index
    %swap3A_143 = arith.constant 0 : index
    %swap3A_144 = vector.load %arg16[%swap3A_142, %swap3A_143] : memref<384x1xf32, #tpu.memory_space<vmem>>, vector<384x1xf32>
    tpu.vector_store %arg16[%swap3A_142, %swap3A_143], %add3A_141 {strides = array<i32>} : memref<384x1xf32, #tpu.memory_space<vmem>>, vector<384x1xf32>,
    %lt3A_145 = arith.constant 192 : i32
    %lt3A_146 = vector.broadcast %lt3A_145 : i32 to vector<384x1xi32>
    %lt3A_147 = arith.cmpi slt, %slice3A_36, %lt3A_146 : vector<384x1xi32>
    %jit3A_148 = arith.constant -1.000000e+30 : f32
    %broadcast_in_dim3A_149 = vector.broadcast %jit3A_148 : f32 to vector<384x1xf32>
    %select_n3A_150 = arith.select %lt3A_147, %add3A_141, %broadcast_in_dim3A_149 : vector<384x1xi1>, vector<384x1xf32>
    %reduce_max3A_151 = vector.shape_cast %select_n3A_150 : vector<384x1xf32> to vector<1x384x1xf32>
    %reduce_max3A_152 = arith.constant dense<0xFF800000> : vector<1xf32>
    %reduce_max3A_153 = vector.multi_reduction <maximumf>, %reduce_max3A_151, %reduce_max3A_152 [1, 2] : vector<1x384x1xf32> to vector<1xf32>
    %reduce_max3A_154 = vector.shape_cast %reduce_max3A_153 : vector<1xf32> to vector<1x1x1xf32>
    %reduce_max3A_155 = vector.extract %reduce_max3A_154[0, 0, 0] : f32 from vector<1x1x1xf32>
    %eq3A_156 = arith.constant 0 : i32
    %eq3A_157 = arith.cmpi eq, %arg0, %eq3A_156 : i32
    %convert_element_type3A_158 = arith.extui %eq3A_157 : i1 to i32
    %cond3A = arith.constant 0 : i32
    %cond3A_159 = arith.cmpi ne, %convert_element_type3A_158, %cond3A : i32
    scf.if %cond3A_159 {
      %swap3A_172 = arith.constant -1.000000e+30 : f32
      %swap3A_173 = arith.constant 0 : index
      %swap3A_174 = arith.constant 0 : index
      %swap3A_175 = memref.load %arg18[%swap3A_173, %swap3A_174] : memref<1x1xf32, #tpu.memory_space<smem>>
      memref.store %swap3A_172, %arg18[%swap3A_173, %swap3A_174] : memref<1x1xf32, #tpu.memory_space<smem>>
    } else {
    }
    %get3A_160 = arith.constant 0 : index
    %get3A_161 = arith.constant 0 : index
    %get3A_162 = memref.load %arg18[%get3A_160, %get3A_161] : memref<1x1xf32, #tpu.memory_space<smem>>
    %max3A_163 = arith.maximumf %get3A_162, %reduce_max3A_155 : f32
    %swap3A_164 = arith.constant 0 : index
    %swap3A_165 = arith.constant 0 : index
    %swap3A_166 = memref.load %arg18[%swap3A_164, %swap3A_165] : memref<1x1xf32, #tpu.memory_space<smem>>
    memref.store %max3A_163, %arg18[%swap3A_164, %swap3A_165] : memref<1x1xf32, #tpu.memory_space<smem>>
    %eq3A_167 = arith.constant 416 : i32
    %eq3A_168 = arith.cmpi eq, %arg0, %eq3A_167 : i32
    %convert_element_type3A_169 = arith.extui %eq3A_168 : i1 to i32
    %cond3A_170 = arith.constant 0 : i32
    %cond3A_171 = arith.cmpi ne, %convert_element_type3A_169, %cond3A_170 : i32
    scf.if %cond3A_171 {
      %get3A_172 = arith.constant 0 : index
      %get3A_173 = arith.constant 0 : index
      %get3A_174 = memref.load %arg18[%get3A_172, %get3A_173] : memref<1x1xf32, #tpu.memory_space<smem>>
      %broadcast_in_dim3A_175 = vector.broadcast %get3A_174 : f32 to vector<1x128xf32>
      %swap3A_176 = arith.constant 0 : index
      %swap3A_177 = arith.constant 0 : index
      %swap3A_178 = vector.load %arg17[%swap3A_176, %swap3A_177] : memref<1x128xf32, #tpu.memory_space<vmem>>, vector<1x128xf32>
      tpu.vector_store %arg17[%swap3A_176, %swap3A_177], %broadcast_in_dim3A_175 {strides = array<i32>} : memref<1x128xf32, #tpu.memory_space<vmem>>, vector<1x128xf32>,
    } else {
    }
    return
  }
  func.func @transform_0(%arg0: i32) -> (i32, i32) {
    %mul3A = arith.constant 2 : i32
    %mul3A_0 = arith.muli %mul3A, %arg0 : i32
    %sub3A = arith.constant 1 : i32
    %sub3A_1 = arith.subi %mul3A_0, %sub3A : i32
    %max3A = arith.constant 0 : i32
    %max3A_2 = arith.maxsi %sub3A_1, %max3A : i32
    %c0_i32 = arith.constant 0 : i32
    %c0_i32_3 = arith.constant 0 : i32
    return %max3A_2, %c0_i32 : i32, i32
  }
  func.func @transform_1(%arg0: i32) -> (i32, i32) {
    %mul3A = arith.constant 2 : i32
    %mul3A_0 = arith.muli %mul3A, %arg0 : i32
    %c0_i32 = arith.constant 0 : i32
    %c0_i32_1 = arith.constant 0 : i32
    return %mul3A_0, %c0_i32 : i32, i32
  }
  func.func @transform_2(%arg0: i32) -> (i32, i32) {
    %mul3A = arith.constant 2 : i32
    %mul3A_0 = arith.muli %mul3A, %arg0 : i32
    %add3A = arith.constant 1 : i32
    %add3A_1 = arith.addi %mul3A_0, %add3A : i32
    %c0_i32 = arith.constant 0 : i32
    %c0_i32_2 = arith.constant 0 : i32
    return %add3A_1, %c0_i32 : i32, i32
  }
  func.func @transform_3(%arg0: i32) -> (i32, i32) {
    %mul3A = arith.constant 2 : i32
    %mul3A_0 = arith.muli %mul3A, %arg0 : i32
    %add3A = arith.constant 2 : i32
    %add3A_1 = arith.addi %mul3A_0, %add3A : i32
    %min3A = arith.constant 833 : i32
    %min3A_2 = arith.minsi %add3A_1, %min3A : i32
    %c0_i32 = arith.constant 0 : i32
    %c0_i32_3 = arith.constant 0 : i32
    return %min3A_2, %c0_i32 : i32, i32
  }
  func.func @transform_4(%arg0: i32) -> (i32, i32, i32) {
    %mul3A = arith.constant 2 : i32
    %mul3A_0 = arith.muli %mul3A, %arg0 : i32
    %c0_i32 = arith.constant 0 : i32
    %c0_i32_1 = arith.constant 0 : i32
    %c0_i32_2 = arith.constant 0 : i32
    return %mul3A_0, %c0_i32, %c0_i32_1 : i32, i32, i32
  }
  func.func @transform_5(%arg0: i32) -> (i32, i32, i32) {
    %mul3A = arith.constant 2 : i32
    %mul3A_0 = arith.muli %mul3A, %arg0 : i32
    %add3A = arith.constant 1 : i32
    %add3A_1 = arith.addi %mul3A_0, %add3A : i32
    %c0_i32 = arith.constant 0 : i32
    %c0_i32_2 = arith.constant 0 : i32
    %c0_i32_3 = arith.constant 0 : i32
    return %add3A_1, %c0_i32, %c0_i32_2 : i32, i32, i32
  }
  func.func @transform_6(%arg0: i32) -> (i32, i32, i32) {
    %mul3A = arith.constant 2 : i32
    %mul3A_0 = arith.muli %mul3A, %arg0 : i32
    %sub3A = arith.constant 1 : i32
    %sub3A_1 = arith.subi %mul3A_0, %sub3A : i32
    %max3A = arith.constant 0 : i32
    %max3A_2 = arith.maxsi %sub3A_1, %max3A : i32
    %c0_i32 = arith.constant 0 : i32
    %c0_i32_3 = arith.constant 0 : i32
    %c0_i32_4 = arith.constant 0 : i32
    return %max3A_2, %c0_i32, %c0_i32_3 : i32, i32, i32
  }
  func.func @transform_7(%arg0: i32) -> (i32, i32, i32) {
    %mul3A = arith.constant 2 : i32
    %mul3A_0 = arith.muli %mul3A, %arg0 : i32
    %c0_i32 = arith.constant 0 : i32
    %c0_i32_1 = arith.constant 0 : i32
    %c0_i32_2 = arith.constant 0 : i32
    return %mul3A_0, %c0_i32, %c0_i32_1 : i32, i32, i32
  }
  func.func @transform_8(%arg0: i32) -> (i32, i32, i32) {
    %mul3A = arith.constant 2 : i32
    %mul3A_0 = arith.muli %mul3A, %arg0 : i32
    %add3A = arith.constant 1 : i32
    %add3A_1 = arith.addi %mul3A_0, %add3A : i32
    %c0_i32 = arith.constant 0 : i32
    %c0_i32_2 = arith.constant 0 : i32
    %c0_i32_3 = arith.constant 0 : i32
    return %add3A_1, %c0_i32, %c0_i32_2 : i32, i32, i32
  }
  func.func @transform_9(%arg0: i32) -> (i32, i32, i32) {
    %mul3A = arith.constant 2 : i32
    %mul3A_0 = arith.muli %mul3A, %arg0 : i32
    %add3A = arith.constant 2 : i32
    %add3A_1 = arith.addi %mul3A_0, %add3A : i32
    %min3A = arith.constant 833 : i32
    %min3A_2 = arith.minsi %add3A_1, %min3A : i32
    %c0_i32 = arith.constant 0 : i32
    %c0_i32_3 = arith.constant 0 : i32
    %c0_i32_4 = arith.constant 0 : i32
    return %min3A_2, %c0_i32, %c0_i32_3 : i32, i32, i32
  }
  func.func @transform_10(%arg0: i32) -> (i32, i32) {
    %c0_i32 = arith.constant 0 : i32
    %c0_i32_0 = arith.constant 0 : i32
    %c0_i32_1 = arith.constant 0 : i32
    return %c0_i32, %c0_i32_0 : i32, i32
  }
  func.func @transform_11(%arg0: i32) -> (i32, i32) {
    %c0_i32 = arith.constant 0 : i32
    %c0_i32_0 = arith.constant 0 : i32
    %c0_i32_1 = arith.constant 0 : i32
    return %c0_i32, %c0_i32_0 : i32, i32
  }
  func.func @transform_12(%arg0: i32) -> (i32, i32) {
    %c0_i32 = arith.constant 0 : i32
    %c0_i32_0 = arith.constant 0 : i32
    %c0_i32_1 = arith.constant 0 : i32
    return %c0_i32, %c0_i32_0 : i32, i32
  }
  func.func @transform_13(%arg0: i32) -> (i32, i32) {
    %c0_i32 = arith.constant 0 : i32
    %c0_i32_0 = arith.constant 0 : i32
    %c0_i32_1 = arith.constant 0 : i32
    return %c0_i32, %c0_i32_0 : i32, i32
  }
  func.func @transform_14(%arg0: i32) -> (i32, i32) {
    %c0_i32 = arith.constant 0 : i32
    %c0_i32_0 = arith.constant 0 : i32
    return %arg0, %c0_i32 : i32, i32
  }
  func.func @transform_15(%arg0: i32) -> (i32, i32) {
    %c0_i32 = arith.constant 0 : i32
    %c0_i32_0 = arith.constant 0 : i32
    return %arg0, %c0_i32 : i32, i32
  }
  func.func @transform_16(%arg0: i32) -> (i32, i32) {
    %c0_i32 = arith.constant 0 : i32
    %c0_i32_0 = arith.constant 0 : i32
    %c0_i32_1 = arith.constant 0 : i32
    return %c0_i32, %c0_i32_0 : i32, i32
  }
}

module attributes {stable_mosaic.version = 14 : i64} {
  func.func @_tail_body(%arg0: i32, %arg1: memref<1x1024x128xf32, #tpu.memory_space<vmem>>, %arg2: memref<1024x16xf32, #tpu.memory_space<vmem>>, %arg3: memref<1x128xf32, #tpu.memory_space<vmem>>, %arg4: memref<128x128xf32, #tpu.memory_space<vmem>>, %arg5: memref<128x128xf32, #tpu.memory_space<vmem>>, %arg6: memref<128x128xf32, #tpu.memory_space<vmem>>, %arg7: memref<8x128xf32, #tpu.memory_space<vmem>>, %arg8: memref<1024x128xf32, #tpu.memory_space<vmem>>) attributes {dimension_semantics = [#tpu.dimension_semantics<arbitrary>], iteration_bounds = array<i64: 10>, scalar_prefetch = 0 : i64, scratch_operands = 0 : i64, tpu.core_type = #tpu.core_type<tc>, window_params = [{transform_indices = @transform_0, window_bounds = array<i64: 1, 1024, 128>}, {transform_indices = @transform_1, window_bounds = array<i64: 1024, 16>}, {pipeline_mode = #tpu.pipeline_mode<synchronous>, transform_indices = @transform_2, window_bounds = array<i64: 1, 128>}, {pipeline_mode = #tpu.pipeline_mode<synchronous>, transform_indices = @transform_3, window_bounds = array<i64: 128, 128>}, {pipeline_mode = #tpu.pipeline_mode<synchronous>, transform_indices = @transform_4, window_bounds = array<i64: 128, 128>}, {pipeline_mode = #tpu.pipeline_mode<synchronous>, transform_indices = @transform_5, window_bounds = array<i64: 128, 128>}, {pipeline_mode = #tpu.pipeline_mode<synchronous>, transform_indices = @transform_6, window_bounds = array<i64: 8, 128>}, {transform_indices = @transform_7, window_bounds = array<i64: 1024, 128>}]} {
    %get3A = arith.constant 0 : index
    %get3A_0 = arith.constant 0 : index
    %get3A_1 = vector.load %arg7[%get3A, %get3A_0] : memref<8x128xf32, #tpu.memory_space<vmem>>, vector<8x128xf32>
    %get3A_2 = arith.constant 0 : index
    %get3A_3 = arith.constant 0 : index
    %get3A_4 = arith.constant 0 : index
    %get3A_5 = vector.load %arg1[%get3A_2, %get3A_3, %get3A_4] : memref<1x1024x128xf32, #tpu.memory_space<vmem>>, vector<1x1024x128xf32>
    %get3A_6 = vector.shape_cast %get3A_5 : vector<1x1024x128xf32> to vector<1024x128xf32>
    %get3A_7 = arith.constant 0 : index
    %get3A_8 = arith.constant 0 : index
    %get3A_9 = vector.load %arg2[%get3A_7, %get3A_8] : memref<1024x16xf32, #tpu.memory_space<vmem>>, vector<1024x1xf32>
    %gt3A = arith.constant 0.000000e+00 : f32
    %gt3A_10 = vector.broadcast %gt3A : f32 to vector<1024x1xf32>
    %gt3A_11 = arith.cmpf ogt, %get3A_9, %gt3A_10 : vector<1024x1xf32>
    %max3A = arith.constant 1.000000e-30 : f32
    %max3A_12 = vector.broadcast %max3A : f32 to vector<1024x1xf32>
    %max3A_13 = arith.maximumf %get3A_9, %max3A_12 : vector<1024x1xf32>
    %div3A = vector.broadcast %max3A_13 : vector<1024x1xf32> to vector<1024x128xf32>
    %div3A_14 = arith.divf %get3A_6, %div3A : vector<1024x128xf32>
    %slice3A = vector.extract_strided_slice %get3A_1 {offsets = [3, 0], sizes = [1, 128], strides = [1, 1]} : vector<8x128xf32> to vector<1x128xf32>
    %broadcast_in_dim3A = vector.shape_cast %gt3A_11 : vector<1024x1xi1> to vector<1024x1xi1>
    %broadcast_in_dim3A_15 = vector.broadcast %broadcast_in_dim3A : vector<1024x1xi1> to vector<1024x128xi1>
    %broadcast_in_dim3A_16 = vector.shape_cast %slice3A : vector<1x128xf32> to vector<1x128xf32>
    %broadcast_in_dim3A_17 = vector.broadcast %broadcast_in_dim3A_16 : vector<1x128xf32> to vector<1024x128xf32>
    %select_n3A = arith.select %broadcast_in_dim3A_15, %div3A_14, %broadcast_in_dim3A_17 : vector<1024x128xi1>, vector<1024x128xf32>
    %get3A_18 = arith.constant 0 : index
    %get3A_19 = arith.constant 0 : index
    %get3A_20 = vector.load %arg3[%get3A_18, %get3A_19] : memref<1x128xf32, #tpu.memory_space<vmem>>, vector<1x128xf32>
    %add3A = vector.broadcast %get3A_20 : vector<1x128xf32> to vector<1024x128xf32>
    %add3A_21 = arith.addf %add3A, %select_n3A : vector<1024x128xf32>
    %get3A_22 = arith.constant 0 : index
    %get3A_23 = arith.constant 0 : index
    %get3A_24 = vector.load %arg4[%get3A_22, %get3A_23] : memref<128x128xf32, #tpu.memory_space<vmem>>, vector<128x128xf32>
    %dot_general3A = arith.constant dense<0.000000e+00> : vector<1024x128xf32>
    %dot_general3A_25 = tpu.matmul %add3A_21, %get3A_24, %dot_general3A {dimension_numbers = #tpu.dot_dimension_numbers<[1], [0], [0], [1], [0, 0, 1, 1], [], []>, transpose_lhs_hint = false} : vector<1024x128xf32>, vector<128x128xf32>, vector<1024x128xf32> -> vector<1024x128xf32>
    %slice3A_26 = vector.extract_strided_slice %get3A_1 {offsets = [0, 0], sizes = [1, 128], strides = [1, 1]} : vector<8x128xf32> to vector<1x128xf32>
    %add3A_27 = vector.broadcast %slice3A_26 : vector<1x128xf32> to vector<1024x128xf32>
    %add3A_28 = arith.addf %dot_general3A_25, %add3A_27 : vector<1024x128xf32>
    %max3A_29 = arith.constant 0.000000e+00 : f32
    %max3A_30 = vector.broadcast %max3A_29 : f32 to vector<1024x128xf32>
    %max3A_31 = arith.maximumf %add3A_28, %max3A_30 : vector<1024x128xf32>
    %add3A_32 = arith.addf %add3A_21, %max3A_31 : vector<1024x128xf32>
    %get3A_33 = arith.constant 0 : index
    %get3A_34 = arith.constant 0 : index
    %get3A_35 = vector.load %arg5[%get3A_33, %get3A_34] : memref<128x128xf32, #tpu.memory_space<vmem>>, vector<128x128xf32>
    %dot_general3A_36 = arith.constant dense<0.000000e+00> : vector<1024x128xf32>
    %dot_general3A_37 = tpu.matmul %add3A_32, %get3A_35, %dot_general3A_36 {dimension_numbers = #tpu.dot_dimension_numbers<[1], [0], [0], [1], [0, 0, 1, 1], [], []>, transpose_lhs_hint = false} : vector<1024x128xf32>, vector<128x128xf32>, vector<1024x128xf32> -> vector<1024x128xf32>
    %slice3A_38 = vector.extract_strided_slice %get3A_1 {offsets = [1, 0], sizes = [1, 128], strides = [1, 1]} : vector<8x128xf32> to vector<1x128xf32>
    %add3A_39 = vector.broadcast %slice3A_38 : vector<1x128xf32> to vector<1024x128xf32>
    %add3A_40 = arith.addf %dot_general3A_37, %add3A_39 : vector<1024x128xf32>
    %get3A_41 = arith.constant 0 : index
    %get3A_42 = arith.constant 0 : index
    %get3A_43 = vector.load %arg6[%get3A_41, %get3A_42] : memref<128x128xf32, #tpu.memory_space<vmem>>, vector<128x128xf32>
    %dot_general3A_44 = arith.constant dense<0.000000e+00> : vector<1024x128xf32>
    %dot_general3A_45 = tpu.matmul %add3A_40, %get3A_43, %dot_general3A_44 {dimension_numbers = #tpu.dot_dimension_numbers<[1], [0], [0], [1], [0, 0, 1, 1], [], []>, transpose_lhs_hint = false} : vector<1024x128xf32>, vector<128x128xf32>, vector<1024x128xf32> -> vector<1024x128xf32>
    %slice3A_46 = vector.extract_strided_slice %get3A_1 {offsets = [2, 0], sizes = [1, 128], strides = [1, 1]} : vector<8x128xf32> to vector<1x128xf32>
    %add3A_47 = vector.broadcast %slice3A_46 : vector<1x128xf32> to vector<1024x128xf32>
    %add3A_48 = arith.addf %dot_general3A_45, %add3A_47 : vector<1024x128xf32>
    %max3A_49 = arith.constant 0.000000e+00 : f32
    %max3A_50 = vector.broadcast %max3A_49 : f32 to vector<1024x128xf32>
    %max3A_51 = arith.maximumf %add3A_48, %max3A_50 : vector<1024x128xf32>
    %add3A_52 = arith.addf %add3A_40, %max3A_51 : vector<1024x128xf32>
    %ne3A = arith.cmpf one, %add3A_52, %add3A_52 : vector<1024x128xf32>
    %jit3A = arith.constant 0.000000e+00 : f32
    %broadcast_in_dim3A_53 = vector.broadcast %jit3A : f32 to vector<1024x128xf32>
    %select_n3A_54 = arith.select %ne3A, %broadcast_in_dim3A_53, %add3A_52 : vector<1024x128xi1>, vector<1024x128xf32>
    %jit3A_55 = arith.constant 0.000000e+00 : f32
    %jit3A_56 = arith.constant 3.40282347E+38 : f32
    %max3A_57 = vector.broadcast %jit3A_55 : f32 to vector<1024x128xf32>
    %max3A_58 = arith.maximumf %max3A_57, %select_n3A_54 : vector<1024x128xf32>
    %min3A = vector.broadcast %jit3A_56 : f32 to vector<1024x128xf32>
    %min3A_59 = arith.minimumf %min3A, %max3A_58 : vector<1024x128xf32>
    %swap3A = arith.constant 0 : index
    %swap3A_60 = arith.constant 0 : index
    %swap3A_61 = vector.load %arg8[%swap3A, %swap3A_60] : memref<1024x128xf32, #tpu.memory_space<vmem>>, vector<1024x128xf32>
    tpu.vector_store %arg8[%swap3A, %swap3A_60], %min3A_59 {strides = array<i32>} : memref<1024x128xf32, #tpu.memory_space<vmem>>, vector<1024x128xf32>,
    return
  }
  func.func @transform_0(%arg0: i32) -> (i32, i32, i32) {
    %jit3A = arith.constant 5 : i32
    %div3A = arith.divsi %arg0, %jit3A : i32
    %sign3A = arith.constant 0 : i32
    %sign3A_0 = arith.cmpi sgt, %arg0, %sign3A : i32
    %sign3A_1 = arith.extui %sign3A_0 : i1 to i32
    %sign3A_2 = arith.constant 0 : i32
    %sign3A_3 = arith.cmpi slt, %arg0, %sign3A_2 : i32
    %sign3A_4 = arith.extui %sign3A_3 : i1 to i32
    %sign3A_5 = arith.subi %sign3A_1, %sign3A_4 : i32
    %sign3A_6 = arith.constant 0 : i32
    %sign3A_7 = arith.cmpi sgt, %jit3A, %sign3A_6 : i32
    %sign3A_8 = arith.extui %sign3A_7 : i1 to i32
    %sign3A_9 = arith.constant 0 : i32
    %sign3A_10 = arith.cmpi slt, %jit3A, %sign3A_9 : i32
    %sign3A_11 = arith.extui %sign3A_10 : i1 to i32
    %sign3A_12 = arith.subi %sign3A_8, %sign3A_11 : i32
    %ne3A = arith.cmpi ne, %sign3A_5, %sign3A_12 : i32
    %rem3A = arith.remsi %arg0, %jit3A : i32
    %ne3A_13 = arith.constant 0 : i32
    %ne3A_14 = arith.cmpi ne, %rem3A, %ne3A_13 : i32
    %and3A = arith.andi %ne3A, %ne3A_14 : i1
    %sub3A = arith.constant 1 : i32
    %sub3A_15 = arith.subi %div3A, %sub3A : i32
    %select_n3A = arith.select %and3A, %sub3A_15, %div3A : i32
    %jit3A_16 = arith.constant 5 : i32
    %eq3A = arith.constant 0 : i32
    %eq3A_17 = arith.cmpi eq, %jit3A_16, %eq3A : i32
    %jit3A_18 = arith.constant 1 : i32
    %select_n3A_19 = arith.select %eq3A_17, %jit3A_18, %jit3A_16 : i32
    %rem3A_20 = arith.remsi %arg0, %select_n3A_19 : i32
    %ne3A_21 = arith.constant 0 : i32
    %ne3A_22 = arith.cmpi ne, %rem3A_20, %ne3A_21 : i32
    %lt3A = arith.constant 0 : i32
    %lt3A_23 = arith.cmpi slt, %rem3A_20, %lt3A : i32
    %lt3A_24 = arith.constant 0 : i32
    %lt3A_25 = arith.cmpi slt, %select_n3A_19, %lt3A_24 : i32
    %ne3A_26 = arith.xori %lt3A_23, %lt3A_25 : i1
    %and3A_27 = arith.andi %ne3A_26, %ne3A_22 : i1
    %add3A = arith.addi %rem3A_20, %select_n3A_19 : i32
    %select_n3A_28 = arith.select %and3A_27, %add3A, %rem3A_20 : i32
    %c0_i32 = arith.constant 0 : i32
    %c0_i32_29 = arith.constant 0 : i32
    return %select_n3A, %select_n3A_28, %c0_i32 : i32, i32, i32
  }
  func.func @transform_1(%arg0: i32) -> (i32, i32) {
    %c0_i32 = arith.constant 0 : i32
    %c0_i32_0 = arith.constant 0 : i32
    return %arg0, %c0_i32 : i32, i32
  }
  func.func @transform_2(%arg0: i32) -> (i32, i32) {
    %c0_i32 = arith.constant 0 : i32
    %c0_i32_0 = arith.constant 0 : i32
    %c0_i32_1 = arith.constant 0 : i32
    return %c0_i32, %c0_i32_0 : i32, i32
  }
  func.func @transform_3(%arg0: i32) -> (i32, i32) {
    %c0_i32 = arith.constant 0 : i32
    %c0_i32_0 = arith.constant 0 : i32
    %c0_i32_1 = arith.constant 0 : i32
    return %c0_i32, %c0_i32_0 : i32, i32
  }
  func.func @transform_4(%arg0: i32) -> (i32, i32) {
    %c0_i32 = arith.constant 0 : i32
    %c0_i32_0 = arith.constant 0 : i32
    %c0_i32_1 = arith.constant 0 : i32
    return %c0_i32, %c0_i32_0 : i32, i32
  }
  func.func @transform_5(%arg0: i32) -> (i32, i32) {
    %c0_i32 = arith.constant 0 : i32
    %c0_i32_0 = arith.constant 0 : i32
    %c0_i32_1 = arith.constant 0 : i32
    return %c0_i32, %c0_i32_0 : i32, i32
  }
  func.func @transform_6(%arg0: i32) -> (i32, i32) {
    %c0_i32 = arith.constant 0 : i32
    %c0_i32_0 = arith.constant 0 : i32
    %c0_i32_1 = arith.constant 0 : i32
    return %c0_i32, %c0_i32_0 : i32, i32
  }
  func.func @transform_7(%arg0: i32) -> (i32, i32) {
    %c0_i32 = arith.constant 0 : i32
    %c0_i32_0 = arith.constant 0 : i32
    return %arg0, %c0_i32 : i32, i32
  }
}

</mosaic_0001>

<sc_bundles>
// kernel: gather_offload_async_start.1
scs
__scs_entry_jumppad:
0x0: {  	(pc) =	sbr.rel $0x88, $3  }
0x1: {  	(tag) =	ssettag $0x0;
	lr =	simm.s32 $0x1  }
0x2: {  	[smem:$0x3F94] =	sst lr;
	_ =	strace $0xD0000000  }
0x3: {  	_ = 	snop  }
0x4: {  	_ = 	snop  }
0x5: {  	_ = 	snop  }
0x6: {  	_ = 	snop  }
0x7: {  	_ = 	snop  }
__scs_overlays_trampoline_lowered:
0x8: {  	[smem:$0x3FA3] =	sst s0  }
0x9: {  	[smem:$0x3FA4] =	sst s1  }
0xa: {  	[smem:$0x3FA5] =	sst s2  }
0xb: {  	[smem:$0x3FA6] =	sst s3  }
0xc: {  	[smem:$0x3FA7] =	sst s4  }
0xd: {  	[smem:$0x3FA8] =	sst s5  }
0xe: {  	[smem:$0x3FA9] =	sst s6  }
0xf: {  	[smem:$0x3FAA] =	sst s7  }
0x10: {  	[smem:$0x3FAB] =	sst s8  }
0x11: {  	[smem:$0x3FAC] =	sst s9;
	s0 =	simm.s32 @!p0 $0x0  }
0x12: {  	s1 =	sld [smem:$0x3F92];
	s0 =	simm.s32 @p0 $0x1  }
0x13: {  	[smem:$0x3FAD] =	sst s0;
	s0 =	simm.s32 @!p1 $0x0  }
0x14: {  	s2 =	sld [smem:$0x3F91];
	s0 =	simm.s32 @p1 $0x1  }
0x15: {  	[smem:$0x3FAE] =	sst s0;
	s0 =	simm.s32 @!p2 $0x0  }
0x16: {  	s3 =	sld [smem:$0x3FDB];
	s0 =	simm.s32 @p2 $0x1  }
0x17: {  	s4 =	simm.s32 $0x1BF5;
	[smem:$0x3FB0] =	sst s0  }
0x18: {  	s0 =	sld [smem:$0x3F93];
	_ =	swait.ge [sflag:s4], $0x0  }
0x19: {  	s7 =	sld [smem:$0x3F94]  }
0x1a: {  	s8 =	sadd.s32 $0xFFFFE003, lr  }
0x1b: {  	s9 =	sadd.s32 $0xFFFFFEF7, lr;
	s5 =	simm.s32 $0xFFFFFFFF;
	p2 =	slt.u32 s8, $0xFFFFF086  }
0x1c: {  	p1 =	slt.u32 s9, $0xF7A;
	s5 =	simm.s32 @!p2 $0x0  }
0x1d: {  	s5 =	simm.s32 @p1 $0x1;
	p0 =	seq.s32 s7, s2  }
0x1e: {  	s7 =	smul.u32 @!p0 $0xF7A, s2;
	p2 =	seq.s32 @!p0 s5, $0x0  }
0x1f: {  	s9 =	smul.u32 $0xF7A, s1;
	s8 =	simm.s32 @!p0 $0x1BF5;
	p2 =	por !p2, p0  }
0x20: {  	[sflag:s8] =	ssyncset.s32 @!p0 $0xFFFFF086;
	s6 =	sadd.s32 @!p0 s3, s7;
	s7 =	simm.s32 @!p0 $0x108  }
0x21: {  	s3 =	sadd.s32 s3, s9;
	s6 =	sadd.s32 @!p0 $0x88, s6;
	s7 =	simm.s32 @p2 $0x1082  }
0x22: {  	[simem:s7], [sflag:s8] =	dma.local @!p0 [hbm:s6], $0xF7A  }
0x23: {  	s9 =	sor.u32 $0xD0000000, s2;
	s6 =	simm.s32 $0x108;
	_ =	swait.ge @!p0 [sflag:s8], $0x0  }
0x24: {  	s3 =	sadd.s32 $0x88, s3;
	s6 =	simm.s32 @!p1 $0x1082;
	[sflag:s4] =	ssyncset.s32 $0xFFFFF086  }
0x25: {  	[simem:s6], [sflag:s4] =	dma.local [hbm:s3], $0xF7A  }
0x26: {  	[smem:$0x3F94] =	sst s1;
	(tag) =	ssettag s2;
	_ =	strace s9  }
0x27: {  	s1 =	sld [smem:$0x3FA4]  }
0x28: {  	s2 =	sld [smem:$0x3FA5]  }
0x29: {  	s4 =	sld [smem:$0x3FA7]  }
0x2a: {  	p0 =	seq.s32 s5, $0x0;
	s5 =	sld [smem:$0x3FA8]  }
0x2b: {  	s6 =	sld [smem:$0x3FA9]  }
0x2c: {  	s7 =	sld [smem:$0x3FAA]  }
0x2d: {  	s3 =	simm.s32 $0x108;
	s8 =	sld [smem:$0x3FAB]  }
0x2e: {  	s3 =	simm.s32 @!p0 $0x1082;
	s9 =	sld [smem:$0x3FAC]  }
0x2f: {  	lr =	sadd.s32 s0, s3;
	s0 =	sld [smem:$0x3FA3]  }
0x30: {  	s3 =	sld [smem:$0x3FA6]  }
0x31: {  	[smem:$0x3FAF] =	sst s10  }
0x32: {  	s10 =	sld [smem:$0x3FAD];
	_ =	sdelay $0x3  }
0x33: {  	p0 =	seq.s32 s10, $0x1;
	s10 =	sld [smem:$0x3FAF];
	_ =	sdelay $0x3  }
0x34: {  	[smem:$0x3FAF] =	sst s10  }
0x35: {  	s10 =	sld [smem:$0x3FAE];
	_ =	sdelay $0x3  }
0x36: {  	p1 =	seq.s32 s10, $0x1;
	s10 =	sld [smem:$0x3FAF];
	_ =	sdelay $0x3  }
0x37: {  	[smem:$0x3FAF] =	sst s10  }
0x38: {  	s10 =	sld [smem:$0x3FB0]  }
0x39: {  	_ = 	snop;
	(pc) =	sbr.ind lr, $3  }
0x3a: {  	_ = 	snop  }
0x3b: {  	_ = 	snop  }
0x3c: {  	p2 =	seq.s32 s10, $0x1;
	s10 =	sld [smem:$0x3FAF]  }
0x3d: {  	_ =	shalt  }
0x3e: {  	_ =	shalt  }
0x3f: {  	_ =	shalt  }
0x40: {  	_ =	shalt  }
0x41: {  	_ =	shalt  }
0x42: {  	_ =	shalt  }
0x43: {  	_ =	shalt  }
0x44: {  	_ =	shalt  }
0x45: {  	_ =	shalt  }
0x46: {  	_ =	shalt  }
0x47: {  	_ =	shalt  }
0x48: {  	_ =	shalt  }
0x49: {  	_ =	shalt  }
0x4a: {  	_ =	shalt  }
0x4b: {  	_ =	shalt  }
0x4c: {  	_ =	shalt  }
0x4d: {  	_ =	shalt  }
0x4e: {  	_ =	shalt  }
0x4f: {  	_ =	shalt  }
0x50: {  	_ =	shalt  }
0x51: {  	_ =	shalt  }
0x52: {  	_ =	shalt  }
0x53: {  	_ =	shalt  }
0x54: {  	_ =	shalt  }
0x55: {  	_ =	shalt  }
0x56: {  	_ =	shalt  }
0x57: {  	_ =	shalt  }
0x58: {  	_ =	shalt  }
0x59: {  	_ =	shalt  }
0x5a: {  	_ =	shalt  }
0x5b: {  	_ =	shalt  }
0x5c: {  	_ =	shalt  }
0x5d: {  	_ =	shalt  }
0x5e: {  	_ =	shalt  }
0x5f: {  	_ =	shalt  }
0x60: {  	_ =	shalt  }
0x61: {  	_ =	shalt  }
0x62: {  	_ =	shalt  }
0x63: {  	_ =	shalt  }
0x64: {  	_ =	shalt  }
0x65: {  	_ =	shalt  }
0x66: {  	_ =	shalt  }
0x67: {  	_ =	shalt  }
0x68: {  	_ =	shalt  }
0x69: {  	_ =	shalt  }
0x6a: {  	_ =	shalt  }
0x6b: {  	_ =	shalt  }
0x6c: {  	_ =	shalt  }
0x6d: {  	_ =	shalt  }
0x6e: {  	_ =	shalt  }
0x6f: {  	_ =	shalt  }
0x70: {  	_ =	shalt  }
0x71: {  	_ =	shalt  }
0x72: {  	_ =	shalt  }
0x73: {  	_ =	shalt  }
0x74: {  	_ =	shalt  }
0x75: {  	_ =	shalt  }
0x76: {  	_ =	shalt  }
0x77: {  	_ =	shalt  }
0x78: {  	_ =	shalt  }
0x79: {  	_ =	shalt  }
0x7a: {  	_ =	shalt  }
0x7b: {  	_ =	shalt  }
0x7c: {  	_ =	shalt  }
0x7d: {  	_ =	shalt  }
0x7e: {  	_ =	shalt  }
0x7f: {  	_ =	shalt  }
0x80: {  	_ =	shalt  }
0x81: {  	_ =	shalt  }
0x82: {  	_ =	shalt  }
0x83: {  	_ =	shalt  }
0x84: {  	_ =	shalt  }
0x85: {  	_ =	shalt  }
0x86: {  	_ =	shalt  }
0x87: {  	_ =	shalt  }
.Lfunc_end0:
.L_simem_size_0:
called_computation.2_lowered:
.L_overlay_start_0:
0x88: {  	s2 =	sld [smem:$0x3FD9]  }
0x89: {  	s3 =	sld [smem:$0x3FFE];
	_ =	sdelay $0x1  }
0x8a: {  	s1 =	srdreg.scid  }
0x8b: {  	s0 =	sand.u32 $0x1, s1  }
0x8c: {  	s16 =	sshll.u32 s0, $0xA;
	s2 =	sadd.s32 s3, s2  }
0x8d: {  	s2 =	sadd.s32 s2, s16  }
0x8e: {  	[smem:$0x3FBB] =	sst s2  }
0x8f: {  	_ = 	snop  }
0x90: {  	(tm) =	ssettm $0x1  }
0x91: {  	s17 =	sld [smem:$0x3FFB];
	_ =	sdelay $0x3  }
0x92: {  	_ =	strace s17  }
0x93: {  	s2 =	sld [smem:$0x3FFC];
	_ =	sdelay $0x3  }
0x94: {  	_ =	strace s2  }
0x95: {  	s2 =	sld [smem:$0x3FFD];
	_ =	sdelay $0x3  }
0x96: {  	_ =	strace s2  }
0x97: {  	_ =	strace $0x8FFFFFFF  }
0x98: {  	s18 =	sld [smem:$0x3FDB];
	_ =	sdelay $0x1  }
0x99: {  	s19 =	simm.s32 $_scs_section_size  }
0x9a: {  	s4 =	simm.s32 $_size__tile_overlayer_lowered;
	s5 =	simm.s32 $_tile_overlayer_lowered  }
0x9b: {  	s22 =	simm.s32 $0x1BFF;
	s21 =	sshll.u32 s5, $0x1;
	s2 =	sadd.s32 s19, s18  }
0x9c: {  	s6 =	simm.s32 $0x0;
	s20 =	sshll.u32 s4, $0x1;
	s4 =	sadd.s32 s21, s2  }
0x9d: {  	[timem:s6], [sflag:s22] =	dma.local [hbm:s4], s20  }
0x9e: {  	_ =	swait.ge [sflag:s22], s20  }
0x9f: {  	s3 =	ssub.s32 $0x0, s20;
	[sflag:s22] =	ssyncset.done $0x0  }
0xa0: {  	[sflag:s22] =	ssyncadd.s32 s3;
	_ =	sdelay $0x1  }
0xa1: {  	s23 =	simm.s32 $0x1B8B  }
0xa2: {  	_ =	swait.ge [sflag:s23], $0x1  }
0xa3: {  	[sflag:s23] =	ssyncset.done $0x0  }
0xa4: {  	s25 =	simm.s32 $0x1B8E;
	s24 =	sld [smem:$0x3FFE];
	[sflag:s23] =	ssyncadd.s32 $0xFFFFFFFF  }
0xa5: {  	s26 =	simm.s32 $execute0_lowered;
	[smem:$0x3FD2] =	sst s25  }
0xa6: {  	s4 =	sshll.u32 s26, $0x1;
	_ =	strace $0x80000046;
	[dreg:$0x1] =	wrdreg $0xFFFFFFFF  }
0xa7: {  	s28 =	simm.s32 $_size_execute0_lowered;
	s2 =	sadd.s32 s2, s4;
	[dreg:$0x0] =	wrdreg $0x0  }
0xa8: {  	s4 =	sshll.u32 s28, $0x1;
	[dreg:$0x2] =	wrdreg s2  }
0xa9: {  	[dreg:$0x3] =	wrdreg s4  }
0xaa: {  	[dreg:$0x4] =	wrdreg $0xC0  }
0xab: {  	_ =	task [dreg:s6], $0x5FFFF  }
0xac: {  	[dreg:$0x1] =	wrdreg $0xFFFFFFFF  }
0xad: {  	[dreg:$0x0] =	wrdreg $0x60  }
0xae: {  	[dreg:$0x2] =	wrdreg s24  }
0xaf: {  	[dreg:$0x3] =	wrdreg $0xB  }
0xb0: {  	_ =	task.clear_ibuf [dreg:s6], $0x4FFFF;
	_ =	strace $0x90000046  }
0xb1: {  	s29 =	simm.s32 $0xB;
	_ =	strace $0x80000048  }
0xb2: {  	_ =	swait.ge [sflag:s29], $0x1  }
0xb3: {  	[sflag:s29] =	ssyncadd.s32 $0xFFFFFFFF  }
0xb4: {  	_ =	strace $0x90000048  }
0xb5: {  	_ =	sfence  }
0xb6: {  	s30 =	sld [smem:$0x0];
	_ =	sdelay $0x2  }
0xb7: {  	s31 =	sshll.u32 s1, $0xD;
	s1 =	sshrl.u32 s1, $0x2  }
0xb8: {  	s3 =	sand.u32 $0x4000, s31;
	s1 =	sadd.s32 s1, s30  }
0xb9: {  	s0 =	sor.u32 s3, s0;
	s1 =	sshll.u32 s1, $0x11  }
0xba: {  	s0 =	sor.u32 s1, s0  }
0xbb: {  	s0 =	sadd.s32 $0x8F2B, s0  }
0xbc: {  	[sflag:s0] =	ssyncadd.remote.s32 $0x1  }
0xbd: {  	_ =	sfence.sel $0xFFFF  }
0xbe: {  	[dreg:$0x0] =	wrdreg $0xFFFFFFFF;
	(pc) =	sbr.abs _section_cstart, $3  }
0xbf: {  	[dreg:$0x1] =	wrdreg $0xFFFFFFFF  }
0xc0: {  	_ =	task.clear_ibuf [dreg:s6], $0x2FFFF;
	_ =	strace $0x9FFFFFFF  }
0xc1: {  	(tm) =	ssettm $0x7FFFFFFF  }
tec
execute0_lowered:
.L_overlay_start_1:
0x0: {  	(tag) =	ssettag $0x1  }
0x1: {  	s8 =	rddreg [dreg:$0x0]  }
0x2: {  	s0 =	rddreg [dreg:$0x1];
	_ =	strace $0x80000047;
	s1 =	stileid.u32  }
0x3: {  	s3 =	srdreg.scid;
	s4 =	simm.s32 $0x1;
	s7 =	simm.s32 $0x1  }
0x4: {  	s9 =	simm.s32 $0x1;
	s10 =	simm.s32 $0x3;
	s13 =	simm.s32 $0x0  }
0x5: {  	s12 =	simm.s32 $0x0;
	s5 =	sand.u32 $0x1, s3;
	s6 =	sshll.u32 s1, $0x1  }
0x6: {  	s2 =	sadd.s32 $0x1E00, s8;
	s3 =	sadd.s32 $0xBE00, s8;
	s5 =	sor.u32 s6, s5  }
.Ltmp0:
0x7: {  	[sflag:s4] =	ssyncpa.u1 $0x0;
	p0 =	slt.u32 s5, $0x9;
	(pc) =	sbr.rel .LBB2_1-.Ltmp0, $4  }
0x8: {  	s6 =	simm.s32 $0x2;
	s7 =	simm.s32 @!p0 $0x0;
	p0 =	sne.s32 s5, $0x8  }
0x9: {  	[sflag:s6] =	ssyncpa.u1 $0x0;
	s5 =	smul.u32 $0xFA0, s5;
	s9 =	simm.s32 @!p0 $0x0  }
0xa: {  	s8 =	sadd.s32 $0x13E00, s8;
	[sflag:s10] =	ssyncpa.u1 $0x0;
	s7 =	sadd.s32 s9, s7  }
0xb: {  	vm0 =	vmmov $0xffff;
	s10 =	simm.s32 $0x0;
	s11 =	smov.u32 s5;
	s9 =	sadd.s32 $0x1, s7  }
.LBB2_4:
0xc: {  	v2 =	vnsel vm1, $0x0, v2  }
0xd: {  	vm1 =	vgt.s32 v0, $0x0;
	v2 =	vmin.u32 v2, $0x270FF  }
0xe: {  	v0 =	vnsel vm1, $0x0, v0  }
0xf: {  	v0 =	vmin.u32 v0, $0x270FF  }
0x10: {  	[tilespmem:s18], [sflag:$0x1] =	stream.indirect_vreg.gather [hbm4b:s2+s10], $0x1, v1, vm0, $0x4038;
	[tilespmem:$0x3E80] =	vst v63  }
0x11: {  	(ifvalue) =	ssetifvalue $0x7FFFFFFF  }
0x12: {  	[tilespmem:s15], [sflag:$0x1] =	stream.indirect_vreg.gather [hbm4b:s2+s10], $0x1, v2, vm0, $0x4038;
	[tilespmem:$0x3E80] =	vst v63  }
0x13: {  	s29 =	sadd.s32 $0x10, s15;
	(ifvalue) =	ssetifvalue $0x7FFFFFFF  }
0x14: {  	[tilespmem:s29], [sflag:$0x1] =	stream.indirect_vreg.gather [hbm4b:s2+s10], $0x1, v0, vm0, $0x4038;
	[tilespmem:$0x3E80] =	vst v63  }
0x15: {  	_ =	swait.ge [sflag:s4], $0xFA0  }
0x16: {  	s30 =	sshrl.u32 s13, $0x3;
	[sflag:s4] =	ssyncset.done $0x0  }
0x17: {  	s31 =	sand.u32 $0x7, s13;
	s15 =	sadd.s32 s8, s30;
	[sflag:s4] =	ssyncadd.s32 $0xFFFFF060  }
0x18: {  	[hbm4b:s15+s31] =	stream.linear.scatter [tilespmem:s14], [sflag:$0x3], $0xFA0, $0x38;
	[tilespmem:$0x3E80] =	vst v63  }
.LBB2_5:
0x19: {  	s15 =	sadd.s32 $0x1F400, s11  }
0x1a: {  	p1 =	sgt.s32 s15, $0x270FF  }
0x1b: {  	s15 =	smov.u32 @p1 s5;
	p1 =	sne.s32 s12, s9  }
.Ltmp1:
0x1c: {  	p0 =	slt.u32 s12, $0x2;
	(pc) =	sbr.rel @!p1 .LBB2_6-.Ltmp1, $4  }
0x1d: {  	s14 =	simm.s32 @!p0 $0x3  }
0x1e: {  	_ =	swait.ge @!p0 [sflag:s14], $0xFA0  }
0x1f: {  	s16 =	sadd.s32 $0x1, s12;
	s13 =	smov.u32 s11;
	[sflag:s14] =	ssyncset.done @!p0 $0x0  }
0x20: {  	s12 =	smov.u32 s16;
	s11 =	smov.u32 s15;
	[sflag:s14] =	ssyncadd.s32 @!p0 $0xFFFFF060  }
.LBB2_1:
0x21: {  	p0 =	sge.u32 s12, s7  }
0x22: {  	s14 =	sxor.u32 @!p0 $0x1, s12  }
0x23: {  	s14 =	smul.u32 @!p0 $0x3E80, s14  }
0x24: {  	s31 =	sadd.s32 $0xFFFFFFFF, s12;
	s15 =	sshrl.u32 @!p0 s11, $0x3  }
0x25: {  	s16 =	sand.u32 @!p0 $0x7, s11;
	s15 =	sadd.s32 @!p0 s3, s15;
	s14 =	sshra.s32 @!p0 s14, $0x2  }
0x26: {  	[tilespmem:s14], [sflag:$0x2] =	stream.linear.gather @!p0 [hbm4b:s15+s16], $0xFA0, $0x38;
	[tilespmem:$0x3E80] =	vst v63  }
0x27: {  	p0 =	sge.u32 s31, s7  }
.Ltmp2:
0x28: {  	_ = 	snop;
	(pc) =	sbr.rel @p0 .LBB2_5-.Ltmp2, $1  }
0x29: {  	_ =	sdelay $0x3  }
0x2a: {  	s14 =	sand.u32 $0x1, s12  }
0x2b: {  	_ =	swait.ge [sflag:s6], $0xFA0;
	p0 =	seq.s32 s14, $0x1;
	s14 =	simm.s32 $0xFA0  }
0x2c: {  	[sflag:s6] =	ssyncset.done $0x0;
	s14 =	simm.s32 @!p0 $0x0  }
0x2d: {  	[sflag:s6] =	ssyncadd.s32 $0xFFFFF060;
	(ifvalue) =	ssetifvalue $0x7FFFFFFF;
	v0 =	vld.msk [tilespmem:s14+$0x0 ss:$0x1], $0xffff;
	_ =	sdelay $0x4  }
0x2e: {  	s15 =	sadd.s32 $0x10, s14;
	vm1 =	vgt.s32 v0, $0x0  }
0x2f: {  	v2 =	vld.msk [tilespmem:s15+$0x0 ss:$0x1], $0xffff;
	v1 =	vnsel vm1, $0x0, v0  }
0x30: {  	v1 =	vmin.u32 v1, $0x270FF;
	_ =	sdelay $0x2  }
0x31: {  	s17 =	simm.s32 $0x20;
	s14 =	sadd.s32 $0x1F40, s14;
	s16 =	sadd.s32 $0x10, s15  }
0x32: {  	s15 =	sadd.s32 $0x10, s14;
	s18 =	smov.u32 s14;
	v0 =	vld.msk [tilespmem:s16+$0x0 ss:$0x1], $0xffff;
	vm1 =	vgt.s32 v2, $0x0;
	(ifvalue) =	ssetifvalue $0x7FFFFFFF  }
.LBB2_3:
0x33: {  	[tilespmem:s18], [sflag:$0x1] =	stream.indirect_vreg.gather [hbm4b:s2+s10], $0x1, v1, vm0, $0x4038;
	[tilespmem:$0x3E80] =	vst v63  }
0x34: {  	s17 =	sadd.s32 $0x10, s17  }
0x35: {  	v2 =	vnsel vm1, $0x0, v2;
	p0 =	slt.u32 s17, $0xF90  }
.Ltmp3:
0x36: {  	s18 =	smov.u32 s15;
	v1 =	vmin.u32 v2, $0x270FF;
	(pc) =	sbr.rel @p0 .LBB2_3-.Ltmp3, $3  }
0x37: {  	_ =	sdelay $0x1  }
0x38: {  	s16 =	sadd.s32 $0x10, s16  }
0x39: {  	vm1 =	vgt.s32 v0, $0x0;
	s15 =	sadd.s32 $0x10, s15;
	v2 =	vmov v0;
	(ifvalue) =	ssetifvalue $0x7FFFFFFF;
	v0 =	vld.msk [tilespmem:s16+$0x0 ss:$0x1], $0xffff  }
.Ltmp4:
0x3a: {  	_ = 	snop;
	(pc) =	sbr.rel .LBB2_4-.Ltmp4, $1  }
0x3b: {  	_ =	sdelay $0x3  }
.LBB2_6:
0x3c: {  	_ =	sfence.sel $0x180000  }
0x3d: {  	s2 =	simm.s32 $0x2;
	[bflag:$0x0] =	sbarrier.arrive $0xFFFF  }
0x3e: {  	s30 =	simm.s32 $0x3;
	[sflag:s2] =	ssyncpa.u1 $0x1  }
0x3f: {  	s31 =	simm.s32 $0x1;
	[sflag:s30] =	ssyncpa.u1 $0x1  }
0x40: {  	[sflag:s31] =	ssyncpa.u1 $0x1  }
0x41: {  	p0 =	sne.s32 s1, $0x0;
	_ =	strace $0x90000047  }
0x42: {  	s0 =	sadd.s32 @!p0 $0x100000, s0;
	[bflag:$0x2] =	sbarrier.arrive $0xFFFF  }
0x43: {  	[sflag:s0] =	ssyncadd.tile.s32 @!p0 $0x1;
	_ =	shalt  }
.Lfunc_end2:
_tile_overlayer_lowered:
.L_overlay_start_2:
0x44: {  	(tag) =	ssettag $0x2  }
0x45: {  	s0 =	rddreg [dreg:$0x0];
	s2 =	stileid.u32  }
0x46: {  	s1 =	rddreg [dreg:$0x1];
	p0 =	sne.s32 s2, $0x0  }
0x47: {  	s3 =	rddreg [dreg:$0x2];
	[bflag:$0x3] =	sbarrier.arrive $0xFFFF;
	s2 =	simm.s32 @!p0 $0x1C01  }
0x48: {  	[timem:s3], [sflag:s2] =	dma.local @!p0 [hbm:s0], s1  }
0x49: {  	s0 =	simm.s32 @!p0 $0x1  }
0x4a: {  	_ =	swait.ge @!p0 [sflag:s0], s1  }
0x4b: {  	s1 =	ssub.s32 @!p0 $0x0, s1;
	[sflag:s0] =	ssyncset.done @!p0 $0x0  }
0x4c: {  	[sflag:s0] =	ssyncadd.s32 @!p0 s1  }
0x4d: {  	[bflag:$0x3] =	sbarrier.arrive $0xFFFF  }
0x4e: {  	_ =	shalt  }

// kernel: gather_offload_async_start
scs
__scs_entry_jumppad:
0x0: {  	(pc) =	sbr.rel $0x88, $3  }
0x1: {  	(tag) =	ssettag $0x0;
	lr =	simm.s32 $0x1  }
0x2: {  	[smem:$0x3F94] =	sst lr;
	_ =	strace $0xD0000000  }
0x3: {  	_ = 	snop  }
0x4: {  	_ = 	snop  }
0x5: {  	_ = 	snop  }
0x6: {  	_ = 	snop  }
0x7: {  	_ = 	snop  }
__scs_overlays_trampoline_lowered:
0x8: {  	[smem:$0x3FA3] =	sst s0  }
0x9: {  	[smem:$0x3FA4] =	sst s1  }
0xa: {  	[smem:$0x3FA5] =	sst s2  }
0xb: {  	[smem:$0x3FA6] =	sst s3  }
0xc: {  	[smem:$0x3FA7] =	sst s4  }
0xd: {  	[smem:$0x3FA8] =	sst s5  }
0xe: {  	[smem:$0x3FA9] =	sst s6  }
0xf: {  	[smem:$0x3FAA] =	sst s7  }
0x10: {  	[smem:$0x3FAB] =	sst s8  }
0x11: {  	[smem:$0x3FAC] =	sst s9;
	s0 =	simm.s32 @!p0 $0x0  }
0x12: {  	s1 =	sld [smem:$0x3F92];
	s0 =	simm.s32 @p0 $0x1  }
0x13: {  	[smem:$0x3FAD] =	sst s0;
	s0 =	simm.s32 @!p1 $0x0  }
0x14: {  	s2 =	sld [smem:$0x3F91];
	s0 =	simm.s32 @p1 $0x1  }
0x15: {  	[smem:$0x3FAE] =	sst s0;
	s0 =	simm.s32 @!p2 $0x0  }
0x16: {  	s3 =	sld [smem:$0x3FDB];
	s0 =	simm.s32 @p2 $0x1  }
0x17: {  	s4 =	simm.s32 $0x1BF5;
	[smem:$0x3FB0] =	sst s0  }
0x18: {  	s0 =	sld [smem:$0x3F93];
	_ =	swait.ge [sflag:s4], $0x0  }
0x19: {  	s7 =	sld [smem:$0x3F94]  }
0x1a: {  	s8 =	sadd.s32 $0xFFFFE003, lr  }
0x1b: {  	s9 =	sadd.s32 $0xFFFFFEF7, lr;
	s5 =	simm.s32 $0xFFFFFFFF;
	p2 =	slt.u32 s8, $0xFFFFF086  }
0x1c: {  	p1 =	slt.u32 s9, $0xF7A;
	s5 =	simm.s32 @!p2 $0x0  }
0x1d: {  	s5 =	simm.s32 @p1 $0x1;
	p0 =	seq.s32 s7, s2  }
0x1e: {  	s7 =	smul.u32 @!p0 $0xF7A, s2;
	p2 =	seq.s32 @!p0 s5, $0x0  }
0x1f: {  	s9 =	smul.u32 $0xF7A, s1;
	s8 =	simm.s32 @!p0 $0x1BF5;
	p2 =	por !p2, p0  }
0x20: {  	[sflag:s8] =	ssyncset.s32 @!p0 $0xFFFFF086;
	s6 =	sadd.s32 @!p0 s3, s7;
	s7 =	simm.s32 @!p0 $0x108  }
0x21: {  	s3 =	sadd.s32 s3, s9;
	s6 =	sadd.s32 @!p0 $0x88, s6;
	s7 =	simm.s32 @p2 $0x1082  }
0x22: {  	[simem:s7], [sflag:s8] =	dma.local @!p0 [hbm:s6], $0xF7A  }
0x23: {  	s9 =	sor.u32 $0xD0000000, s2;
	s6 =	simm.s32 $0x108;
	_ =	swait.ge @!p0 [sflag:s8], $0x0  }
0x24: {  	s3 =	sadd.s32 $0x88, s3;
	s6 =	simm.s32 @!p1 $0x1082;
	[sflag:s4] =	ssyncset.s32 $0xFFFFF086  }
0x25: {  	[simem:s6], [sflag:s4] =	dma.local [hbm:s3], $0xF7A  }
0x26: {  	[smem:$0x3F94] =	sst s1;
	(tag) =	ssettag s2;
	_ =	strace s9  }
0x27: {  	s1 =	sld [smem:$0x3FA4]  }
0x28: {  	s2 =	sld [smem:$0x3FA5]  }
0x29: {  	s4 =	sld [smem:$0x3FA7]  }
0x2a: {  	p0 =	seq.s32 s5, $0x0;
	s5 =	sld [smem:$0x3FA8]  }
0x2b: {  	s6 =	sld [smem:$0x3FA9]  }
0x2c: {  	s7 =	sld [smem:$0x3FAA]  }
0x2d: {  	s3 =	simm.s32 $0x108;
	s8 =	sld [smem:$0x3FAB]  }
0x2e: {  	s3 =	simm.s32 @!p0 $0x1082;
	s9 =	sld [smem:$0x3FAC]  }
0x2f: {  	lr =	sadd.s32 s0, s3;
	s0 =	sld [smem:$0x3FA3]  }
0x30: {  	s3 =	sld [smem:$0x3FA6]  }
0x31: {  	[smem:$0x3FAF] =	sst s10  }
0x32: {  	s10 =	sld [smem:$0x3FAD];
	_ =	sdelay $0x3  }
0x33: {  	p0 =	seq.s32 s10, $0x1;
	s10 =	sld [smem:$0x3FAF];
	_ =	sdelay $0x3  }
0x34: {  	[smem:$0x3FAF] =	sst s10  }
0x35: {  	s10 =	sld [smem:$0x3FAE];
	_ =	sdelay $0x3  }
0x36: {  	p1 =	seq.s32 s10, $0x1;
	s10 =	sld [smem:$0x3FAF];
	_ =	sdelay $0x3  }
0x37: {  	[smem:$0x3FAF] =	sst s10  }
0x38: {  	s10 =	sld [smem:$0x3FB0]  }
0x39: {  	_ = 	snop;
	(pc) =	sbr.ind lr, $3  }
0x3a: {  	_ = 	snop  }
0x3b: {  	_ = 	snop  }
0x3c: {  	p2 =	seq.s32 s10, $0x1;
	s10 =	sld [smem:$0x3FAF]  }
0x3d: {  	_ =	shalt  }
0x3e: {  	_ =	shalt  }
0x3f: {  	_ =	shalt  }
0x40: {  	_ =	shalt  }
0x41: {  	_ =	shalt  }
0x42: {  	_ =	shalt  }
0x43: {  	_ =	shalt  }
0x44: {  	_ =	shalt  }
0x45: {  	_ =	shalt  }
0x46: {  	_ =	shalt  }
0x47: {  	_ =	shalt  }
0x48: {  	_ =	shalt  }
0x49: {  	_ =	shalt  }
0x4a: {  	_ =	shalt  }
0x4b: {  	_ =	shalt  }
0x4c: {  	_ =	shalt  }
0x4d: {  	_ =	shalt  }
0x4e: {  	_ =	shalt  }
0x4f: {  	_ =	shalt  }
0x50: {  	_ =	shalt  }
0x51: {  	_ =	shalt  }
0x52: {  	_ =	shalt  }
0x53: {  	_ =	shalt  }
0x54: {  	_ =	shalt  }
0x55: {  	_ =	shalt  }
0x56: {  	_ =	shalt  }
0x57: {  	_ =	shalt  }
0x58: {  	_ =	shalt  }
0x59: {  	_ =	shalt  }
0x5a: {  	_ =	shalt  }
0x5b: {  	_ =	shalt  }
0x5c: {  	_ =	shalt  }
0x5d: {  	_ =	shalt  }
0x5e: {  	_ =	shalt  }
0x5f: {  	_ =	shalt  }
0x60: {  	_ =	shalt  }
0x61: {  	_ =	shalt  }
0x62: {  	_ =	shalt  }
0x63: {  	_ =	shalt  }
0x64: {  	_ =	shalt  }
0x65: {  	_ =	shalt  }
0x66: {  	_ =	shalt  }
0x67: {  	_ =	shalt  }
0x68: {  	_ =	shalt  }
0x69: {  	_ =	shalt  }
0x6a: {  	_ =	shalt  }
0x6b: {  	_ =	shalt  }
0x6c: {  	_ =	shalt  }
0x6d: {  	_ =	shalt  }
0x6e: {  	_ =	shalt  }
0x6f: {  	_ =	shalt  }
0x70: {  	_ =	shalt  }
0x71: {  	_ =	shalt  }
0x72: {  	_ =	shalt  }
0x73: {  	_ =	shalt  }
0x74: {  	_ =	shalt  }
0x75: {  	_ =	shalt  }
0x76: {  	_ =	shalt  }
0x77: {  	_ =	shalt  }
0x78: {  	_ =	shalt  }
0x79: {  	_ =	shalt  }
0x7a: {  	_ =	shalt  }
0x7b: {  	_ =	shalt  }
0x7c: {  	_ =	shalt  }
0x7d: {  	_ =	shalt  }
0x7e: {  	_ =	shalt  }
0x7f: {  	_ =	shalt  }
0x80: {  	_ =	shalt  }
0x81: {  	_ =	shalt  }
0x82: {  	_ =	shalt  }
0x83: {  	_ =	shalt  }
0x84: {  	_ =	shalt  }
0x85: {  	_ =	shalt  }
0x86: {  	_ =	shalt  }
0x87: {  	_ =	shalt  }
.Lfunc_end0:
.L_simem_size_0:
called_computation.1_lowered:
.L_overlay_start_0:
0x88: {  	s2 =	sld [smem:$0x3FD9]  }
0x89: {  	s3 =	sld [smem:$0x3FFE];
	_ =	sdelay $0x1  }
0x8a: {  	s1 =	srdreg.scid  }
0x8b: {  	s0 =	sand.u32 $0x1, s1  }
0x8c: {  	s17 =	sshll.u32 s0, $0xA;
	s2 =	sadd.s32 s3, s2  }
0x8d: {  	s2 =	sadd.s32 s2, s17  }
0x8e: {  	[smem:$0x3FBB] =	sst s2  }
0x8f: {  	_ = 	snop  }
0x90: {  	(tm) =	ssettm $0x1  }
0x91: {  	s18 =	sld [smem:$0x3FFB];
	_ =	sdelay $0x3  }
0x92: {  	_ =	strace s18  }
0x93: {  	s2 =	sld [smem:$0x3FFC];
	_ =	sdelay $0x3  }
0x94: {  	_ =	strace s2  }
0x95: {  	s2 =	sld [smem:$0x3FFD];
	_ =	sdelay $0x3  }
0x96: {  	_ =	strace s2  }
0x97: {  	_ =	strace $0x8FFFFFFF  }
0x98: {  	s19 =	sld [smem:$0x3FDB];
	_ =	sdelay $0x1  }
0x99: {  	s20 =	simm.s32 $_scs_section_size  }
0x9a: {  	s4 =	simm.s32 $_size__tile_overlayer_lowered;
	s5 =	simm.s32 $_tile_overlayer_lowered  }
0x9b: {  	s6 =	simm.s32 $0x1BFF;
	s21 =	sshll.u32 s5, $0x1;
	s3 =	sadd.s32 s20, s19  }
0x9c: {  	s22 =	simm.s32 $0x0;
	s4 =	sshll.u32 s4, $0x1;
	s5 =	sadd.s32 s21, s3  }
0x9d: {  	[timem:s22], [sflag:s6] =	dma.local [hbm:s5], s4  }
0x9e: {  	_ =	swait.ge [sflag:s6], s4  }
0x9f: {  	s4 =	ssub.s32 $0x0, s4;
	[sflag:s6] =	ssyncset.done $0x0  }
0xa0: {  	[sflag:s6] =	ssyncadd.s32 s4;
	_ =	sdelay $0x1  }
0xa1: {  	s23 =	simm.s32 $0x1B8B  }
0xa2: {  	_ =	swait.ge [sflag:s23], $0x1  }
0xa3: {  	[sflag:s23] =	ssyncset.done $0x0  }
0xa4: {  	[sflag:s23] =	ssyncadd.s32 $0xFFFFFFFF  }
0xa5: {  	s4 =	sld [smem:$0x0]  }
0xa6: {  	s5 =	sand.u32 $0xFFFFFFFE, s1  }
0xa7: {  	p0 =	sne.s32 s1, s5  }
0xa8: {  	s5 =	sshll.u32 @p0 s5, $0xE  }
0xa9: {  	s5 =	sadd.s32 @p0 $0x11B8D, s5;
	s6 =	sshll.u32 @p0 s4, $0x11  }
0xaa: {  	s5 =	sor.u32 @p0 s6, s5  }
0xab: {  	[sflag:s5] =	ssyncadd.remote.s32 @p0 $0x1;
	_ =	sdelay $0x1  }
0xac: {  	s5 =	simm.s32 @p0 $0x1B8D  }
0xad: {  	_ =	swait.eq @p0 [sflag:s5], $0x1  }
0xae: {  	[sflag:s5] =	ssyncadd.s32 @p0 $0xFFFFFFFF  }
0xaf: {  	s6 =	sshll.u32 @!p0 s1, $0xE  }
0xb0: {  	s6 =	sor.u32 @!p0 $0x4000, s6;
	s5 =	simm.s32 @!p0 $0x1B8D  }
0xb1: {  	s4 =	sshll.u32 @!p0 s4, $0x11;
	s6 =	sadd.s32 @!p0 $0x11B8D, s6;
	_ =	swait.eq @!p0 [sflag:s5], $0x1  }
0xb2: {  	s4 =	sor.u32 @!p0 s4, s6;
	[sflag:s5] =	ssyncadd.s32 @!p0 $0xFFFFFFFF  }
0xb3: {  	s25 =	simm.s32 $0x1B8E;
	s24 =	sld [smem:$0x3FFE];
	[sflag:s4] =	ssyncadd.remote.s32 @!p0 $0x1  }
0xb4: {  	s26 =	simm.s32 $execute0_lowered;
	[smem:$0x3FD2] =	sst s25  }
0xb5: {  	s5 =	sshll.u32 s26, $0x1;
	_ =	strace $0x8000004C;
	[dreg:$0x1] =	wrdreg $0xFFFFFFFF  }
0xb6: {  	s28 =	simm.s32 $_size_execute0_lowered;
	s3 =	sadd.s32 s3, s5;
	[dreg:$0x0] =	wrdreg $0x0  }
0xb7: {  	s5 =	sshll.u32 s28, $0x1;
	[dreg:$0x2] =	wrdreg s3  }
0xb8: {  	[dreg:$0x3] =	wrdreg s5  }
0xb9: {  	[dreg:$0x4] =	wrdreg $0xC0  }
0xba: {  	_ =	task [dreg:s22], $0x5FFFF  }
0xbb: {  	[dreg:$0x1] =	wrdreg $0xFFFFFFFF  }
0xbc: {  	[dreg:$0x0] =	wrdreg $0x60  }
0xbd: {  	[dreg:$0x2] =	wrdreg s24  }
0xbe: {  	[dreg:$0x3] =	wrdreg $0xA  }
0xbf: {  	_ =	task.clear_ibuf [dreg:s22], $0x4FFFF;
	_ =	strace $0x9000004C  }
0xc0: {  	s29 =	simm.s32 $0xA;
	_ =	strace $0x8000004E  }
0xc1: {  	_ =	swait.ge [sflag:s29], $0x1  }
0xc2: {  	[sflag:s29] =	ssyncadd.s32 $0xFFFFFFFF  }
0xc3: {  	_ =	strace $0x9000004E  }
0xc4: {  	_ =	sfence  }
0xc5: {  	s30 =	sld [smem:$0x0];
	_ =	sdelay $0x2  }
0xc6: {  	s31 =	sshll.u32 s1, $0xD;
	s1 =	sshrl.u32 s1, $0x2  }
0xc7: {  	s4 =	sand.u32 $0x4000, s31;
	s1 =	sadd.s32 s1, s30  }
0xc8: {  	s0 =	sor.u32 s4, s0;
	s1 =	sshll.u32 s1, $0x11  }
0xc9: {  	s0 =	sor.u32 s1, s0  }
0xca: {  	s0 =	sadd.s32 $0x8F2B, s0  }
0xcb: {  	[sflag:s0] =	ssyncadd.remote.s32 $0x1  }
0xcc: {  	_ =	sfence.sel $0xFFFF  }
0xcd: {  	[dreg:$0x0] =	wrdreg $0xFFFFFFFF;
	(pc) =	sbr.abs _section_cstart, $3  }
0xce: {  	[dreg:$0x1] =	wrdreg $0xFFFFFFFF  }
0xcf: {  	_ =	task.clear_ibuf [dreg:s22], $0x2FFFF;
	_ =	strace $0x9FFFFFFF  }
0xd0: {  	(tm) =	ssettm $0x7FFFFFFF  }
0xd1: {  	_ =	shalt  }
tec
execute0_lowered:
.L_overlay_start_1:
0x0: {  	(tag) =	ssettag $0x1  }
0x1: {  	s8 =	rddreg [dreg:$0x0]  }
0x2: {  	s0 =	rddreg [dreg:$0x1];
	_ =	strace $0x8000004D;
	s1 =	stileid.u32  }
0x3: {  	s3 =	srdreg.scid;
	s4 =	simm.s32 $0x1;
	s7 =	simm.s32 $0x1  }
0x4: {  	s9 =	simm.s32 $0x1;
	s10 =	simm.s32 $0x3;
	s13 =	simm.s32 $0x0  }
0x5: {  	s12 =	simm.s32 $0x0;
	s5 =	sand.u32 $0x1, s3;
	s6 =	sshll.u32 s1, $0x1  }
0x6: {  	s2 =	sadd.s32 $0x6E00, s8;
	s3 =	sadd.s32 $0xBE00, s8;
	s5 =	sor.u32 s6, s5  }
.Ltmp0:
0x7: {  	[sflag:s4] =	ssyncpa.u1 $0x0;
	p0 =	slt.u32 s5, $0x9;
	(pc) =	sbr.rel .LBB2_1-.Ltmp0, $4  }
0x8: {  	s6 =	simm.s32 $0x2;
	s7 =	simm.s32 @!p0 $0x0;
	p0 =	sne.s32 s5, $0x8  }
0x9: {  	[sflag:s6] =	ssyncpa.u1 $0x0;
	s5 =	smul.u32 $0xFA0, s5;
	s9 =	simm.s32 @!p0 $0x0  }
0xa: {  	s8 =	sadd.s32 $0x93800, s8;
	[sflag:s10] =	ssyncpa.u1 $0x0;
	s7 =	sadd.s32 s9, s7  }
0xb: {  	vm0 =	vmmov $0xffff;
	s10 =	simm.s32 $0x0;
	s11 =	smov.u32 s5;
	s9 =	sadd.s32 $0x1, s7  }
.LBB2_4:
0xc: {  	v2 =	vnsel vm1, $0x0, v2  }
0xd: {  	vm1 =	vgt.s32 v0, $0x0;
	v2 =	vmin.u32 v2, $0x270FF  }
0xe: {  	v0 =	vnsel vm1, $0x0, v0  }
0xf: {  	v0 =	vmin.u32 v0, $0x270FF  }
0x10: {  	[tilespmem:s18], [sflag:$0x1] =	stream.indirect_vreg.gather [hbm4b:s2+s10], $0x1, v1, vm0, $0x4038;
	[tilespmem:$0x3E80] =	vst v63  }
0x11: {  	(ifvalue) =	ssetifvalue $0x7FFFFFFF  }
0x12: {  	[tilespmem:s15], [sflag:$0x1] =	stream.indirect_vreg.gather [hbm4b:s2+s10], $0x1, v2, vm0, $0x4038;
	[tilespmem:$0x3E80] =	vst v63  }
0x13: {  	s29 =	sadd.s32 $0x10, s15;
	(ifvalue) =	ssetifvalue $0x7FFFFFFF  }
0x14: {  	[tilespmem:s29], [sflag:$0x1] =	stream.indirect_vreg.gather [hbm4b:s2+s10], $0x1, v0, vm0, $0x4038;
	[tilespmem:$0x3E80] =	vst v63  }
0x15: {  	_ =	swait.ge [sflag:s4], $0xFA0  }
0x16: {  	s30 =	sshrl.u32 s13, $0x3;
	[sflag:s4] =	ssyncset.done $0x0  }
0x17: {  	s31 =	sand.u32 $0x7, s13;
	s15 =	sadd.s32 s8, s30;
	[sflag:s4] =	ssyncadd.s32 $0xFFFFF060  }
0x18: {  	[hbm4b:s15+s31] =	stream.linear.scatter [tilespmem:s14], [sflag:$0x3], $0xFA0, $0x38;
	[tilespmem:$0x3E80] =	vst v63  }
.LBB2_5:
0x19: {  	s15 =	sadd.s32 $0x1F400, s11  }
0x1a: {  	p1 =	sgt.s32 s15, $0x270FF  }
0x1b: {  	s15 =	smov.u32 @p1 s5;
	p1 =	sne.s32 s12, s9  }
.Ltmp1:
0x1c: {  	p0 =	slt.u32 s12, $0x2;
	(pc) =	sbr.rel @!p1 .LBB2_6-.Ltmp1, $4  }
0x1d: {  	s14 =	simm.s32 @!p0 $0x3  }
0x1e: {  	_ =	swait.ge @!p0 [sflag:s14], $0xFA0  }
0x1f: {  	s16 =	sadd.s32 $0x1, s12;
	s13 =	smov.u32 s11;
	[sflag:s14] =	ssyncset.done @!p0 $0x0  }
0x20: {  	s12 =	smov.u32 s16;
	s11 =	smov.u32 s15;
	[sflag:s14] =	ssyncadd.s32 @!p0 $0xFFFFF060  }
.LBB2_1:
0x21: {  	p0 =	sge.u32 s12, s7  }
0x22: {  	s14 =	sxor.u32 @!p0 $0x1, s12  }
0x23: {  	s14 =	smul.u32 @!p0 $0x3E80, s14  }
0x24: {  	s31 =	sadd.s32 $0xFFFFFFFF, s12;
	s15 =	sshrl.u32 @!p0 s11, $0x3  }
0x25: {  	s16 =	sand.u32 @!p0 $0x7, s11;
	s15 =	sadd.s32 @!p0 s3, s15;
	s14 =	sshra.s32 @!p0 s14, $0x2  }
0x26: {  	[tilespmem:s14], [sflag:$0x2] =	stream.linear.gather @!p0 [hbm4b:s15+s16], $0xFA0, $0x38;
	[tilespmem:$0x3E80] =	vst v63  }
0x27: {  	p0 =	sge.u32 s31, s7  }
.Ltmp2:
0x28: {  	_ = 	snop;
	(pc) =	sbr.rel @p0 .LBB2_5-.Ltmp2, $1  }
0x29: {  	_ =	sdelay $0x3  }
0x2a: {  	s14 =	sand.u32 $0x1, s12  }
0x2b: {  	_ =	swait.ge [sflag:s6], $0xFA0;
	p0 =	seq.s32 s14, $0x1;
	s14 =	simm.s32 $0xFA0  }
0x2c: {  	[sflag:s6] =	ssyncset.done $0x0;
	s14 =	simm.s32 @!p0 $0x0  }
0x2d: {  	[sflag:s6] =	ssyncadd.s32 $0xFFFFF060;
	(ifvalue) =	ssetifvalue $0x7FFFFFFF;
	v0 =	vld.msk [tilespmem:s14+$0x0 ss:$0x1], $0xffff;
	_ =	sdelay $0x4  }
0x2e: {  	s15 =	sadd.s32 $0x10, s14;
	vm1 =	vgt.s32 v0, $0x0  }
0x2f: {  	v2 =	vld.msk [tilespmem:s15+$0x0 ss:$0x1], $0xffff;
	v1 =	vnsel vm1, $0x0, v0  }
0x30: {  	v1 =	vmin.u32 v1, $0x270FF;
	_ =	sdelay $0x2  }
0x31: {  	s17 =	simm.s32 $0x20;
	s14 =	sadd.s32 $0x1F40, s14;
	s16 =	sadd.s32 $0x10, s15  }
0x32: {  	s15 =	sadd.s32 $0x10, s14;
	s18 =	smov.u32 s14;
	v0 =	vld.msk [tilespmem:s16+$0x0 ss:$0x1], $0xffff;
	vm1 =	vgt.s32 v2, $0x0;
	(ifvalue) =	ssetifvalue $0x7FFFFFFF  }
.LBB2_3:
0x33: {  	[tilespmem:s18], [sflag:$0x1] =	stream.indirect_vreg.gather [hbm4b:s2+s10], $0x1, v1, vm0, $0x4038;
	[tilespmem:$0x3E80] =	vst v63  }
0x34: {  	s17 =	sadd.s32 $0x10, s17  }
0x35: {  	v2 =	vnsel vm1, $0x0, v2;
	p0 =	slt.u32 s17, $0xF90  }
.Ltmp3:
0x36: {  	s18 =	smov.u32 s15;
	v1 =	vmin.u32 v2, $0x270FF;
	(pc) =	sbr.rel @p0 .LBB2_3-.Ltmp3, $3  }
0x37: {  	_ =	sdelay $0x1  }
0x38: {  	s16 =	sadd.s32 $0x10, s16  }
0x39: {  	vm1 =	vgt.s32 v0, $0x0;
	s15 =	sadd.s32 $0x10, s15;
	v2 =	vmov v0;
	(ifvalue) =	ssetifvalue $0x7FFFFFFF;
	v0 =	vld.msk [tilespmem:s16+$0x0 ss:$0x1], $0xffff  }
.Ltmp4:
0x3a: {  	_ = 	snop;
	(pc) =	sbr.rel .LBB2_4-.Ltmp4, $1  }
0x3b: {  	_ =	sdelay $0x3  }
.LBB2_6:
0x3c: {  	_ =	sfence.sel $0x180000  }
0x3d: {  	s2 =	simm.s32 $0x2;
	[bflag:$0x0] =	sbarrier.arrive $0xFFFF  }
0x3e: {  	s30 =	simm.s32 $0x3;
	[sflag:s2] =	ssyncpa.u1 $0x1  }
0x3f: {  	s31 =	simm.s32 $0x1;
	[sflag:s30] =	ssyncpa.u1 $0x1  }
0x40: {  	[sflag:s31] =	ssyncpa.u1 $0x1  }
0x41: {  	p0 =	sne.s32 s1, $0x0;
	_ =	strace $0x9000004D  }
0x42: {  	s0 =	sadd.s32 @!p0 $0x100000, s0;
	[bflag:$0x2] =	sbarrier.arrive $0xFFFF  }
0x43: {  	[sflag:s0] =	ssyncadd.tile.s32 @!p0 $0x1;
	_ =	shalt  }
.Lfunc_end2:
_tile_overlayer_lowered:
.L_overlay_start_2:
0x44: {  	(tag) =	ssettag $0x2  }
0x45: {  	s0 =	rddreg [dreg:$0x0];
	s2 =	stileid.u32  }
0x46: {  	s1 =	rddreg [dreg:$0x1];
	p0 =	sne.s32 s2, $0x0  }
0x47: {  	s3 =	rddreg [dreg:$0x2];
	[bflag:$0x3] =	sbarrier.arrive $0xFFFF;
	s2 =	simm.s32 @!p0 $0x1C01  }
0x48: {  	[timem:s3], [sflag:s2] =	dma.local @!p0 [hbm:s0], s1  }
0x49: {  	s0 =	simm.s32 @!p0 $0x1  }
0x4a: {  	_ =	swait.ge @!p0 [sflag:s0], s1  }
0x4b: {  	s1 =	ssub.s32 @!p0 $0x0, s1;
	[sflag:s0] =	ssyncset.done @!p0 $0x0  }
0x4c: {  	[sflag:s0] =	ssyncadd.s32 @!p0 s1  }
0x4d: {  	[bflag:$0x3] =	sbarrier.arrive $0xFFFF  }
0x4e: {  	_ =	shalt  }

// kernel: kernel.10.cloned.1.call-start
scs
__scs_entry_jumppad:
0x0: {  	(pc) =	sbr.rel $0x88, $3  }
0x1: {  	(tag) =	ssettag $0x0;
	lr =	simm.s32 $0x1  }
0x2: {  	[smem:$0x3F94] =	sst lr;
	_ =	strace $0xD0000000  }
0x3: {  	_ = 	snop  }
0x4: {  	_ = 	snop  }
0x5: {  	_ = 	snop  }
0x6: {  	_ = 	snop  }
0x7: {  	_ = 	snop  }
__scs_overlays_trampoline_lowered:
0x8: {  	[smem:$0x3FA3] =	sst s0  }
0x9: {  	[smem:$0x3FA4] =	sst s1  }
0xa: {  	[smem:$0x3FA5] =	sst s2  }
0xb: {  	[smem:$0x3FA6] =	sst s3  }
0xc: {  	[smem:$0x3FA7] =	sst s4  }
0xd: {  	[smem:$0x3FA8] =	sst s5  }
0xe: {  	[smem:$0x3FA9] =	sst s6  }
0xf: {  	[smem:$0x3FAA] =	sst s7  }
0x10: {  	[smem:$0x3FAB] =	sst s8  }
0x11: {  	[smem:$0x3FAC] =	sst s9;
	s0 =	simm.s32 @!p0 $0x0  }
0x12: {  	s1 =	sld [smem:$0x3F92];
	s0 =	simm.s32 @p0 $0x1  }
0x13: {  	[smem:$0x3FAD] =	sst s0;
	s0 =	simm.s32 @!p1 $0x0  }
0x14: {  	s2 =	sld [smem:$0x3F91];
	s0 =	simm.s32 @p1 $0x1  }
0x15: {  	[smem:$0x3FAE] =	sst s0;
	s0 =	simm.s32 @!p2 $0x0  }
0x16: {  	s3 =	sld [smem:$0x3FDB];
	s0 =	simm.s32 @p2 $0x1  }
0x17: {  	s4 =	simm.s32 $0x1BF5;
	[smem:$0x3FB0] =	sst s0  }
0x18: {  	s0 =	sld [smem:$0x3F93];
	_ =	swait.ge [sflag:s4], $0x0  }
0x19: {  	s7 =	sld [smem:$0x3F94]  }
0x1a: {  	s8 =	sadd.s32 $0xFFFFE003, lr  }
0x1b: {  	s9 =	sadd.s32 $0xFFFFFEF7, lr;
	s5 =	simm.s32 $0xFFFFFFFF;
	p2 =	slt.u32 s8, $0xFFFFF086  }
0x1c: {  	p1 =	slt.u32 s9, $0xF7A;
	s5 =	simm.s32 @!p2 $0x0  }
0x1d: {  	s5 =	simm.s32 @p1 $0x1;
	p0 =	seq.s32 s7, s2  }
0x1e: {  	s7 =	smul.u32 @!p0 $0xF7A, s2;
	p2 =	seq.s32 @!p0 s5, $0x0  }
0x1f: {  	s9 =	smul.u32 $0xF7A, s1;
	s8 =	simm.s32 @!p0 $0x1BF5;
	p2 =	por !p2, p0  }
0x20: {  	[sflag:s8] =	ssyncset.s32 @!p0 $0xFFFFF086;
	s6 =	sadd.s32 @!p0 s3, s7;
	s7 =	simm.s32 @!p0 $0x108  }
0x21: {  	s3 =	sadd.s32 s3, s9;
	s6 =	sadd.s32 @!p0 $0x88, s6;
	s7 =	simm.s32 @p2 $0x1082  }
0x22: {  	[simem:s7], [sflag:s8] =	dma.local @!p0 [hbm:s6], $0xF7A  }
0x23: {  	s9 =	sor.u32 $0xD0000000, s2;
	s6 =	simm.s32 $0x108;
	_ =	swait.ge @!p0 [sflag:s8], $0x0  }
0x24: {  	s3 =	sadd.s32 $0x88, s3;
	s6 =	simm.s32 @!p1 $0x1082;
	[sflag:s4] =	ssyncset.s32 $0xFFFFF086  }
0x25: {  	[simem:s6], [sflag:s4] =	dma.local [hbm:s3], $0xF7A  }
0x26: {  	[smem:$0x3F94] =	sst s1;
	(tag) =	ssettag s2;
	_ =	strace s9  }
0x27: {  	s1 =	sld [smem:$0x3FA4]  }
0x28: {  	s2 =	sld [smem:$0x3FA5]  }
0x29: {  	s4 =	sld [smem:$0x3FA7]  }
0x2a: {  	p0 =	seq.s32 s5, $0x0;
	s5 =	sld [smem:$0x3FA8]  }
0x2b: {  	s6 =	sld [smem:$0x3FA9]  }
0x2c: {  	s7 =	sld [smem:$0x3FAA]  }
0x2d: {  	s3 =	simm.s32 $0x108;
	s8 =	sld [smem:$0x3FAB]  }
0x2e: {  	s3 =	simm.s32 @!p0 $0x1082;
	s9 =	sld [smem:$0x3FAC]  }
0x2f: {  	lr =	sadd.s32 s0, s3;
	s0 =	sld [smem:$0x3FA3]  }
0x30: {  	s3 =	sld [smem:$0x3FA6]  }
0x31: {  	[smem:$0x3FAF] =	sst s10  }
0x32: {  	s10 =	sld [smem:$0x3FAD];
	_ =	sdelay $0x3  }
0x33: {  	p0 =	seq.s32 s10, $0x1;
	s10 =	sld [smem:$0x3FAF];
	_ =	sdelay $0x3  }
0x34: {  	[smem:$0x3FAF] =	sst s10  }
0x35: {  	s10 =	sld [smem:$0x3FAE];
	_ =	sdelay $0x3  }
0x36: {  	p1 =	seq.s32 s10, $0x1;
	s10 =	sld [smem:$0x3FAF];
	_ =	sdelay $0x3  }
0x37: {  	[smem:$0x3FAF] =	sst s10  }
0x38: {  	s10 =	sld [smem:$0x3FB0]  }
0x39: {  	_ = 	snop;
	(pc) =	sbr.ind lr, $3  }
0x3a: {  	_ = 	snop  }
0x3b: {  	_ = 	snop  }
0x3c: {  	p2 =	seq.s32 s10, $0x1;
	s10 =	sld [smem:$0x3FAF]  }
0x3d: {  	_ =	shalt  }
0x3e: {  	_ =	shalt  }
0x3f: {  	_ =	shalt  }
0x40: {  	_ =	shalt  }
0x41: {  	_ =	shalt  }
0x42: {  	_ =	shalt  }
0x43: {  	_ =	shalt  }
0x44: {  	_ =	shalt  }
0x45: {  	_ =	shalt  }
0x46: {  	_ =	shalt  }
0x47: {  	_ =	shalt  }
0x48: {  	_ =	shalt  }
0x49: {  	_ =	shalt  }
0x4a: {  	_ =	shalt  }
0x4b: {  	_ =	shalt  }
0x4c: {  	_ =	shalt  }
0x4d: {  	_ =	shalt  }
0x4e: {  	_ =	shalt  }
0x4f: {  	_ =	shalt  }
0x50: {  	_ =	shalt  }
0x51: {  	_ =	shalt  }
0x52: {  	_ =	shalt  }
0x53: {  	_ =	shalt  }
0x54: {  	_ =	shalt  }
0x55: {  	_ =	shalt  }
0x56: {  	_ =	shalt  }
0x57: {  	_ =	shalt  }
0x58: {  	_ =	shalt  }
0x59: {  	_ =	shalt  }
0x5a: {  	_ =	shalt  }
0x5b: {  	_ =	shalt  }
0x5c: {  	_ =	shalt  }
0x5d: {  	_ =	shalt  }
0x5e: {  	_ =	shalt  }
0x5f: {  	_ =	shalt  }
0x60: {  	_ =	shalt  }
0x61: {  	_ =	shalt  }
0x62: {  	_ =	shalt  }
0x63: {  	_ =	shalt  }
0x64: {  	_ =	shalt  }
0x65: {  	_ =	shalt  }
0x66: {  	_ =	shalt  }
0x67: {  	_ =	shalt  }
0x68: {  	_ =	shalt  }
0x69: {  	_ =	shalt  }
0x6a: {  	_ =	shalt  }
0x6b: {  	_ =	shalt  }
0x6c: {  	_ =	shalt  }
0x6d: {  	_ =	shalt  }
0x6e: {  	_ =	shalt  }
0x6f: {  	_ =	shalt  }
0x70: {  	_ =	shalt  }
0x71: {  	_ =	shalt  }
0x72: {  	_ =	shalt  }
0x73: {  	_ =	shalt  }
0x74: {  	_ =	shalt  }
0x75: {  	_ =	shalt  }
0x76: {  	_ =	shalt  }
0x77: {  	_ =	shalt  }
0x78: {  	_ =	shalt  }
0x79: {  	_ =	shalt  }
0x7a: {  	_ =	shalt  }
0x7b: {  	_ =	shalt  }
0x7c: {  	_ =	shalt  }
0x7d: {  	_ =	shalt  }
0x7e: {  	_ =	shalt  }
0x7f: {  	_ =	shalt  }
0x80: {  	_ =	shalt  }
0x81: {  	_ =	shalt  }
0x82: {  	_ =	shalt  }
0x83: {  	_ =	shalt  }
0x84: {  	_ =	shalt  }
0x85: {  	_ =	shalt  }
0x86: {  	_ =	shalt  }
0x87: {  	_ =	shalt  }
.Lfunc_end0:
.L_simem_size_0:
called_computation.4_lowered:
.L_overlay_start_0:
0x88: {  	s2 =	sld [smem:$0x3FD9]  }
0x89: {  	s3 =	sld [smem:$0x3FFE];
	_ =	sdelay $0x1  }
0x8a: {  	s1 =	srdreg.scid  }
0x8b: {  	s0 =	sand.u32 $0x1, s1  }
0x8c: {  	s17 =	sshll.u32 s0, $0xA;
	s2 =	sadd.s32 s3, s2  }
0x8d: {  	s2 =	sadd.s32 s2, s17  }
0x8e: {  	[smem:$0x3FBB] =	sst s2  }
0x8f: {  	_ = 	snop  }
0x90: {  	s2 =	sld [smem:$0x3FD0];
	(tm) =	ssettm $0x1  }
0x91: {  	s18 =	sld [smem:$0x3FFB];
	_ =	sdelay $0x3  }
0x92: {  	_ =	strace s18  }
0x93: {  	s3 =	sld [smem:$0x3FFC];
	_ =	sdelay $0x3  }
0x94: {  	_ =	strace s3  }
0x95: {  	s3 =	sld [smem:$0x3FFD];
	_ =	sdelay $0x3  }
0x96: {  	_ =	strace s3  }
0x97: {  	_ =	strace $0x8FFFFFFF  }
0x98: {  	s19 =	sld [smem:$0x3FDB];
	_ =	sdelay $0x1  }
0x99: {  	s4 =	simm.s32 $_scs_section_size  }
0x9a: {  	s5 =	simm.s32 $_size__tile_overlayer_lowered;
	s6 =	simm.s32 $_tile_overlayer_lowered  }
0x9b: {  	s22 =	simm.s32 $0x1BFF;
	s21 =	sshll.u32 s6, $0x1;
	s3 =	sadd.s32 s4, s19  }
0x9c: {  	s7 =	simm.s32 $0x0;
	s20 =	sshll.u32 s5, $0x1;
	s5 =	sadd.s32 s21, s3  }
0x9d: {  	[timem:s7], [sflag:s22] =	dma.local [hbm:s5], s20  }
0x9e: {  	_ =	swait.ge [sflag:s22], s20  }
0x9f: {  	s4 =	ssub.s32 $0x0, s20;
	[sflag:s22] =	ssyncset.done $0x0  }
0xa0: {  	[sflag:s22] =	ssyncadd.s32 s4;
	_ =	sdelay $0x1  }
0xa1: {  	s23 =	simm.s32 $0x1B8B  }
0xa2: {  	_ =	swait.ge [sflag:s23], $0x1  }
0xa3: {  	[sflag:s23] =	ssyncset.done $0x0  }
0xa4: {  	s25 =	simm.s32 $0x1B8E;
	s24 =	sld [smem:$0x3FFE];
	[sflag:s23] =	ssyncadd.s32 $0xFFFFFFFF  }
0xa5: {  	s26 =	simm.s32 $execute0_lowered;
	[smem:$0x3FD2] =	sst s25  }
0xa6: {  	s5 =	sshll.u32 s26, $0x1;
	_ =	strace $0x80000052;
	[dreg:$0x1] =	wrdreg $0xFFFFFFFF  }
0xa7: {  	s28 =	simm.s32 $_size_execute0_lowered;
	s3 =	sadd.s32 s3, s5;
	[dreg:$0x0] =	wrdreg $0x0  }
0xa8: {  	s5 =	sshll.u32 s28, $0x1;
	[dreg:$0x2] =	wrdreg s3  }
0xa9: {  	[dreg:$0x3] =	wrdreg s5  }
0xaa: {  	[dreg:$0x4] =	wrdreg $0xC0  }
0xab: {  	_ =	task [dreg:s7], $0x5FFFF  }
0xac: {  	[dreg:$0x1] =	wrdreg $0xFFFFFFFF  }
0xad: {  	[dreg:$0x0] =	wrdreg $0x60  }
0xae: {  	[dreg:$0x2] =	wrdreg s2  }
0xaf: {  	[dreg:$0x3] =	wrdreg s24  }
0xb0: {  	[dreg:$0x4] =	wrdreg $0xC4000  }
0xb1: {  	[dreg:$0x5] =	wrdreg $0x9  }
0xb2: {  	_ =	task.clear_ibuf [dreg:s7], $0x6FFFF;
	_ =	strace $0x90000052  }
0xb3: {  	s29 =	simm.s32 $0x9;
	_ =	strace $0x80000054  }
0xb4: {  	_ =	swait.ge [sflag:s29], $0x1  }
0xb5: {  	[sflag:s29] =	ssyncadd.s32 $0xFFFFFFFF  }
0xb6: {  	_ =	strace $0x90000054  }
0xb7: {  	_ =	sfence  }
0xb8: {  	s30 =	sld [smem:$0x0];
	_ =	sdelay $0x2  }
0xb9: {  	s31 =	sshll.u32 s1, $0xD;
	s1 =	sshrl.u32 s1, $0x2  }
0xba: {  	s3 =	sand.u32 $0x4000, s31;
	s1 =	sadd.s32 s1, s30  }
0xbb: {  	s0 =	sor.u32 s3, s0;
	s1 =	sshll.u32 s1, $0x11  }
0xbc: {  	s0 =	sor.u32 s1, s0  }
0xbd: {  	s0 =	sadd.s32 $0x8F2B, s0  }
0xbe: {  	[sflag:s0] =	ssyncadd.remote.s32 $0x1  }
0xbf: {  	_ =	sfence.sel $0xFFFF  }
0xc0: {  	[dreg:$0x0] =	wrdreg $0xFFFFFFFF;
	(pc) =	sbr.abs _section_cstart, $3  }
0xc1: {  	[dreg:$0x1] =	wrdreg $0xFFFFFFFF  }
0xc2: {  	_ =	task.clear_ibuf [dreg:s7], $0x2FFFF;
	_ =	strace $0x9FFFFFFF  }
0xc3: {  	(tm) =	ssettm $0x7FFFFFFF  }
tec
execute0_lowered:
.L_overlay_start_1:
0x0: {  	(tag) =	ssettag $0x1  }
0x1: {  	s1 =	rddreg [dreg:$0x0]  }
0x2: {  	s0 =	rddreg [dreg:$0x1]  }
0x3: {  	s2 =	rddreg [dreg:$0x2];
	s3 =	simm.s32 $0x0;
	s5 =	srdreg.scid  }
0x4: {  	s11 =	stileid.u32;
	s18 =	simm.s32 $0x4300;
	s19 =	simm.s32 $0x1  }
0x5: {  	s22 =	simm.s32 $0x180;
	s28 =	simm.s32 $0x0;
	s31 =	simm.s32 $0x0  }
0x6: {  	[smem:$0x7FF] =	sst s3;
	s4 =	sadd.s32 $0x93800, s0;
	s6 =	sadd.s32 $0x6E00, s0  }
0x7: {  	s7 =	sadd.s32 $0xA5E800, s0;
	s8 =	sand.u32 $0x1, s5;
	s9 =	smul.u32 $0x30000, s11  }
0x8: {  	s23 =	sadd.s32 $0x11800, s0;
	s10 =	sadd.s32 $0x11A00, s0;
	s14 =	smul.u32 $0xC000, s11  }
0x9: {  	s0 =	sadd.s32 $0x13E00, s0;
	_ =	strace $0x80000053;
	[dreg:$0x4] =	wrdreg s23  }
0xa: {  	s24 =	ssub.s32 $0x2, s8;
	[dreg:$0x5] =	wrdreg s10;
	s16 =	smul.u32 $0xC0000, s8  }
0xb: {  	s29 =	smul.u32 $0x1388, s8;
	s23 =	simm.s32 $0x200;
	s25 =	sshrl.u32 s24, $0x1  }
0xc: {  	s9 =	sshrl.u32 s9, $0x2;
	s26 =	sadd.s32 $0x4000, s14;
	s15 =	sadd.s32 $0x8000, s14  }
0xd: {  	s5 =	ssub.s32 s24, s25;
	s11 =	sadd.s32 s9, s2;
	s12 =	sadd.s32 s26, s2  }
.Ltmp0:
0xe: {  	s13 =	sadd.s32 s15, s2;
	s14 =	sadd.s32 s14, s16;
	(pc) =	sbr.rel .LBB2_1-.Ltmp0, $4  }
0xf: {  	v0 =	vlaneseq.u32;
	s10 =	sadd.s32 s16, s26;
	s16 =	sadd.s32 s16, s15;
	s24 =	simm.s32 $0x300  }
0x10: {  	v2 =	vimm.f32 $0.0e+00;
	v3 =	vor.u32 $0x10, v0;
	v4 =	vor.u32 $0x20, v0;
	s25 =	simm.s32 $0x80;
	s26 =	simm.s32 $0x8300;
	s14 =	sshrl.u32 s14, $0x3  }
0x11: {  	v5 =	vor.u32 $0x30, v0;
	v6 =	vor.u32 $0x40, v0;
	v7 =	vor.u32 $0x50, v0;
	s10 =	sshrl.u32 s10, $0x3;
	s30 =	sshrl.u32 s16, $0x3;
	s17 =	smax.u32 s5, $0x1  }
0x12: {  	v8 =	vor.u32 $0x60, v0;
	v9 =	vor.u32 $0x70, v0;
	v1 =	vmov s29;
	s14 =	sadd.s32 s0, s14;
	s15 =	sadd.s32 s0, s10;
	s16 =	sadd.s32 s0, s30  }
.LBB2_8:
0x13: {  	[bflag:$0x0] =	sbarrier.arrive $0xFFFF  }
0x14: {  	[tilespmem:s18], [sflag:$0x1] =	stream.linear.gather [spmem:s11], $0x4000, $0x38;
	[tilespmem:$0x18400] =	vst v63  }
0x15: {  	_ =	swait.ge [sflag:s19], $0x4000  }
0x16: {  	[sflag:s19] =	ssyncset.done $0x0  }
0x17: {  	[sflag:s19] =	ssyncadd.s32 $0xFFFFC000  }
0x18: {  	[hbm4b:s14+s3] =	stream.linear.scatter [tilespmem:s18], [sflag:$0x1], $0x4000, $0x38;
	[tilespmem:$0x18400] =	vst v63  }
0x19: {  	_ =	swait.ge [sflag:s19], $0x4000  }
0x1a: {  	[sflag:s19] =	ssyncset.done $0x0  }
0x1b: {  	[sflag:s19] =	ssyncadd.s32 $0xFFFFC000  }
0x1c: {  	[tilespmem:s18], [sflag:$0x1] =	stream.linear.gather [spmem:s12], $0x4000, $0x38;
	[tilespmem:$0x18400] =	vst v63  }
0x1d: {  	_ =	swait.ge [sflag:s19], $0x4000  }
0x1e: {  	[sflag:s19] =	ssyncset.done $0x0  }
0x1f: {  	[sflag:s19] =	ssyncadd.s32 $0xFFFFC000  }
0x20: {  	[hbm4b:s15+s3] =	stream.linear.scatter [tilespmem:s18], [sflag:$0x1], $0x4000, $0x38;
	[tilespmem:$0x18400] =	vst v63  }
0x21: {  	_ =	swait.ge [sflag:s19], $0x4000  }
0x22: {  	[sflag:s19] =	ssyncset.done $0x0  }
0x23: {  	[sflag:s19] =	ssyncadd.s32 $0xFFFFC000  }
0x24: {  	[tilespmem:s18], [sflag:$0x1] =	stream.linear.gather [spmem:s13], $0x4000, $0x38;
	[tilespmem:$0x18400] =	vst v63  }
0x25: {  	s28 =	sadd.s32 $0x1, s28;
	_ =	swait.ge [sflag:s19], $0x4000  }
0x26: {  	p0 =	sne.s32 s28, s17;
	[sflag:s19] =	ssyncset.done $0x0  }
.Ltmp1:
0x27: {  	[sflag:s19] =	ssyncadd.s32 $0xFFFFC000;
	(pc) =	sbr.rel @!p0 .LBB2_9-.Ltmp1, $4  }
0x28: {  	[hbm4b:s16+s3] =	stream.linear.scatter [tilespmem:s18], [sflag:$0x1], $0x4000, $0x38;
	[tilespmem:$0x18400] =	vst v63  }
0x29: {  	_ =	swait.ge [sflag:s19], $0x4000  }
0x2a: {  	[sflag:s19] =	ssyncset.done $0x0  }
0x2b: {  	[sflag:s19] =	ssyncadd.s32 $0xFFFFC000  }
.LBB2_1:
0x2c: {  	s0 =	simm.s32 $0x0;
	s5 =	simm.s32 $0x200  }
.LBB2_2:
0x2d: {  	p0 =	sne.s32 s5, $0xFE00;
	[tilespmem:s0+$0x4370] =	vst v2  }
0x2e: {  	[tilespmem:s0+$0x4300] =	vst v2  }
0x2f: {  	[tilespmem:s0+$0x4310] =	vst v2  }
.Ltmp2:
0x30: {  	[tilespmem:s0+$0x4320] =	vst v2;
	(pc) =	sbr.rel @p0 .LBB2_2-.Ltmp2, $4  }
0x31: {  	[tilespmem:s0+$0x4330] =	vst v2  }
0x32: {  	[tilespmem:s0+$0x4340] =	vst v2  }
0x33: {  	[tilespmem:s0+$0x4350] =	vst v2  }
0x34: {  	[tilespmem:s0+$0x4360] =	vst v2;
	s0 =	sshra.s32 s5, $0x2;
	s5 =	sadd.s32 $0x200, s5  }
0x35: {  	[tilespmem:s0+$0x4370] =	vst v2  }
0x36: {  	[tilespmem:s0+$0x4300] =	vst v2  }
0x37: {  	[tilespmem:s0+$0x4310] =	vst v2  }
0x38: {  	[tilespmem:s0+$0x4320] =	vst v2  }
0x39: {  	[tilespmem:s0+$0x4330] =	vst v2  }
0x3a: {  	[tilespmem:s0+$0x4340] =	vst v2  }
0x3b: {  	[tilespmem:s0+$0x4350] =	vst v2  }
0x3c: {  	[tilespmem:s0+$0x4360] =	vst v2  }
0x3d: {  	[spmem:s11] =	stream.linear.scatter [tilespmem:s18], [sflag:$0x1], $0x4000, $0x38;
	[tilespmem:$0x18400] =	vst v63  }
0x3e: {  	_ =	swait.ge [sflag:s19], $0x4000  }
0x3f: {  	[sflag:s19] =	ssyncset.done $0x0  }
0x40: {  	[sflag:s19] =	ssyncadd.s32 $0xFFFFC000  }
0x41: {  	[spmem:s12] =	stream.linear.scatter [tilespmem:s18], [sflag:$0x1], $0x4000, $0x38;
	[tilespmem:$0x18400] =	vst v63  }
0x42: {  	_ =	swait.ge [sflag:s19], $0x4000  }
0x43: {  	[sflag:s19] =	ssyncset.done $0x0  }
0x44: {  	[sflag:s19] =	ssyncadd.s32 $0xFFFFC000  }
0x45: {  	[spmem:s13] =	stream.linear.scatter [tilespmem:s18], [sflag:$0x1], $0x4000, $0x38;
	[tilespmem:$0x18400] =	vst v63  }
0x46: {  	_ =	swait.ge [sflag:s19], $0x4000  }
0x47: {  	[sflag:s19] =	ssyncset.done $0x0  }
0x48: {  	[sflag:s19] =	ssyncadd.s32 $0xFFFFC000  }
0x49: {  	[bflag:$0x0] =	sbarrier.arrive $0xFFFF  }
0x4a: {  	s5 =	simm.s32 $0xC300;
	s30 =	rddreg [dreg:$0x4]  }
0x4b: {  	[tilespmem:s5], [sflag:$0x1] =	stream.linear.gather [hbm4b:s30+s3], $0x80, $0x38;
	[tilespmem:$0x18400] =	vst v63  }
0x4c: {  	_ =	swait.ge [sflag:s19], $0x80  }
0x4d: {  	[sflag:s19] =	ssyncset.done $0x0  }
0x4e: {  	s10 =	simm.s32 $0xC380;
	s9 =	rddreg [dreg:$0x5];
	[sflag:s19] =	ssyncadd.s32 $0xFFFFFF80  }
0x4f: {  	[tilespmem:s10], [sflag:$0x1] =	stream.linear.gather [hbm4b:s9+s3], $0x80, $0x38;
	[tilespmem:$0x18400] =	vst v63  }
0x50: {  	_ =	swait.ge [sflag:s19], $0x80  }
0x51: {  	[sflag:s19] =	ssyncset.done $0x0  }
0x52: {  	[sflag:s19] =	ssyncadd.s32 $0xFFFFFF80  }
0x53: {  	v10 =	vld.msk [tilespmem:$0xC380], $0x1;
	_ =	sdelay $0x4  }
0x54: {  	(v2sf) =	vpush v10, $0x0;
	_ =	sdelay $0xe  }
0x55: {  	s20 =	spop (v2sf)  }
0x56: {  	s0 =	sadd.s32 $0xFFFFFFFF, s20  }
0x57: {  	s9 =	ssub.s32 $0x4E3, s20;
	p0 =	sgt.s32 s0, $0x0  }
0x58: {  	s9 =	smul.u32 s8, s9;
	s0 =	simm.s32 @!p0 $0x0  }
0x59: {  	s0 =	smul.u32 s8, s0  }
0x5a: {  	s10 =	stileid.u32  }
0x5b: {  	s5 =	sadd.s32 s9, s20;
	s0 =	sadd.s32 s10, s0  }
0x5c: {  	s5 =	ssub.s32 s5, s0  }
0x5d: {  	s5 =	sadd.s32 $0xF, s5  }
0x5e: {  	s21 =	sand.u32 $0xF, s5  }
0x5f: {  	s30 =	sshra.s32 s5, $0x1F;
	p1 =	slt.s32 s5, $0x1;
	p6 =	sne.s32 s21, $0x0  }
0x60: {  	s9 =	sshrl.u32 s30, $0x1C;
	p0 =	por !p1, !p6  }
0x61: {  	s5 =	sadd.s32 s9, s5;
	s9 =	simm.s32 $0x1;
	p0 =	por !p0, !p0  }
0x62: {  	s5 =	sshra.s32 s5, $0x4;
	s9 =	simm.s32 @!p0 $0x0  }
0x63: {  	s29 =	ssub.s32 s5, s9  }
0x64: {  	p0 =	slt.s32 s29, $0x1  }
.Ltmp3:
0x65: {  	_ = 	snop;
	(pc) =	sbr.rel @p0 .LBB2_8-.Ltmp3, $1  }
0x66: {  	_ =	sdelay $0x3  }
0x67: {  	s30 =	sshll.u32 s0, $0x7;
	s0 =	simm.s32 $0x0  }
.LBB2_5:
0x68: {  	s5 =	sshll.u32 s0, $0xB  }
0x69: {  	s5 =	sadd.s32 s30, s5  }
0x6a: {  	s9 =	sshrl.u32 s5, $0x3  }
0x6b: {  	s10 =	sadd.s32 s4, s9  }
0x6c: {  	[tilespmem:s31], [sflag:$0x1] =	stream.linear.gather [hbm4b:s10+s31], $0x80, $0x38;
	[tilespmem:$0x18400] =	vst v63  }
0x6d: {  	_ =	swait.ge [sflag:s19], $0x80  }
0x6e: {  	[sflag:s19] =	ssyncset.done $0x0  }
0x6f: {  	s21 =	sadd.s32 s1, s9;
	[sflag:s19] =	ssyncadd.s32 $0xFFFFFF80  }
0x70: {  	[tilespmem:s22], [sflag:$0x1] =	stream.linear.gather [hbm4b:s21+s31], $0x80, $0x38;
	[tilespmem:$0x18400] =	vst v63  }
0x71: {  	_ =	swait.ge [sflag:s19], $0x80  }
0x72: {  	[sflag:s19] =	ssyncset.done $0x0  }
0x73: {  	s9 =	sadd.s32 s6, s9;
	[sflag:s19] =	ssyncadd.s32 $0xFFFFFF80  }
0x74: {  	[tilespmem:s23], [sflag:$0x1] =	stream.linear.gather [hbm4b:s9+s31], $0x80, $0x38;
	[tilespmem:$0x18400] =	vst v63  }
0x75: {  	_ =	swait.ge [sflag:s19], $0x80  }
0x76: {  	s5 =	sshll.u32 s5, $0x4;
	[sflag:s19] =	ssyncset.done $0x0  }
0x77: {  	s5 =	sadd.s32 s7, s5;
	[sflag:s19] =	ssyncadd.s32 $0xFFFFFF80  }
0x78: {  	[tilespmem:s24], [sflag:$0x1] =	stream.linear.gather [hbm4b:s5+s31], $0x4000, $0x38;
	[tilespmem:$0x18400] =	vst v63  }
0x79: {  	_ =	swait.ge [sflag:s19], $0x4000  }
0x7a: {  	[sflag:s19] =	ssyncset.done $0x0  }
0x7b: {  	[sflag:s19] =	ssyncadd.s32 $0xFFFFC000  }
0x7c: {  	v10 =	vld [tilespmem:$0xC300]  }
0x7d: {  	v11 =	vld [tilespmem:$0x180]  }
0x7e: {  	v12 =	vld [tilespmem:$0x190]  }
0x7f: {  	v50 =	vld [tilespmem:$0x1A0]  }
0x80: {  	v13 =	vld [tilespmem:$0x200]  }
0x81: {  	v14 =	vld [tilespmem:$0x210]  }
0x82: {  	v15 =	vld [tilespmem:$0x10]  }
0x83: {  	v16 =	vld [tilespmem:$0x1B0]  }
0x84: {  	v19 =	vld [tilespmem:$0x1C0]  }
0x85: {  	v55 =	vld [tilespmem:$0x220];
	v11 =	vsub.f32 v11, v10  }
0x86: {  	v21 =	vld [tilespmem:$0x20]  }
0x87: {  	v24 =	vld [tilespmem:$0x1D0];
	v11 =	vmul.f32 $1.442695020e+00, v11  }
0x88: {  	v62 =	vld [tilespmem:$0x30];
	vm0 =	vlt.s32 v13, $0xC0;
	vm15 =	vlt.s32 v14, $0xC0;
	v20 =	vsub.s32 v15, v1  }
0x89: {  	v34 =	vld [tilespmem:$0x40];
	v16 =	vsub.f32 v16, v10;
	(erf) = vpow2.f32 v11;
	v11 =	vsub.f32 v12, v10  }
0x8a: {  	v22 =	vand.u32 $0x7F, v15;
	v19 =	vsub.f32 v19, v10;
	v15 =	vshll.u32 v15, $0x4  }
0x8b: {  	vm5 =	vlt.s32 v55, $0xC0;
	v60 =	vsub.s32 v21, v1;
	v11 =	vmul.f32 $1.442695020e+00, v11  }
0x8c: {  	v61 =	vand.u32 $0x7F, v21;
	v26 =	vsub.f32 v24, v10;
	v12 =	vsub.f32 v50, v10  }
0x8d: {  	v29 =	vshll.u32 v21, $0x4;
	v32 =	vsub.s32 v62, v1;
	(erf) = vpow2.f32 v11  }
0x8e: {  	v37 =	vshll.u32 v62, $0x4;
	v44 =	vshll.u32 v34, $0x4;
	v12 =	vmul.f32 $1.442695020e+00, v12  }
0x8f: {  	vm4 =	vlt.u32 v20, $0x1400;
	v23 =	vshrl.u32 v20, $0x3;
	v22 =	vor.u32 $0x1680, v22  }
0x90: {  	vm6 =	vlt.u32 v60, $0x1400;
	v63 =	vor.u32 $0x1680, v61;
	v11 =	vld [tilespmem:$0x0];
	(erf) = vpow2.f32 v12  }
0x91: {  	v25 =	vshrl.u32 v60, $0x3;
	v27 =	vand.u32 $0x70, v15;
	v31 =	vand.u32 $0x70, v29  }
0x92: {  	vm1 =	vlt.u32 v32, $0x1400;
	v35 =	vshrl.u32 v32, $0x3;
	v38 =	vand.u32 $0x70, v37;
	[tilespmem:$0x110] =	vst v27  }
0x93: {  	v46 =	vand.u32 $0x70, v44;
	v23 =	vadd.s32 $0x1400, v23;
	v16 =	vmul.f32 $1.442695020e+00, v16;
	[tilespmem:$0x120] =	vst v31  }
0x94: {  	v56 =	vsel vm4, v20, v22;
	v19 =	vmul.f32 $1.442695020e+00, v19;
	v28 =	vsel vm6, v60, v63;
	[tilespmem:$0x130] =	vst v38  }
0x95: {  	v15 =	vadd.s32 $0x1400, v35;
	[tilespmem:$0x140] =	vst v46;
	v57 =	vsel vm4, v23, v22;
	v23 =	vld [tilespmem:$0x1E0];
	v51 =	vpop (erf);
	v17 =	vsub.s32 v11, v1  }
0x96: {  	[tilespmem:$0x10] =	vst v56;
	v18 =	vand.u32 $0x7F, v11;
	v11 =	vshll.u32 v11, $0x4;
	v54 =	vpop (erf);
	(erf) = vpow2.f32 v16  }
0x97: {  	[tilespmem:$0x20] =	vst v28;
	v13 =	vnsel vm0, $0x0, v51;
	vm14 =	vlt.u32 v17, $0x1400;
	(erf) = vpow2.f32 v19  }
0x98: {  	v58 =	vld [tilespmem:$0x230];
	[tilespmem:$0x90] =	vst v57;
	v52 =	vor.u32 $0x1680, v18;
	v53 =	vshrl.u32 v17, $0x3;
	v11 =	vand.u32 $0x70, v11  }
0x99: {  	v33 =	vld [tilespmem:$0x1F0];
	v17 =	vsel vm14, v17, v52;
	v18 =	vadd.s32 $0x1400, v53;
	[tilespmem:$0x280] =	vst v13;
	v59 =	vpop (erf);
	v19 =	vmul.f32 $1.442695020e+00, v26  }
0x9a: {  	v30 =	vld [tilespmem:$0x240];
	[tilespmem:$0x100] =	vst v11;
	v12 =	vsel vm14, v18, v52;
	v18 =	vsub.f32 v23, v10;
	v11 =	vnsel vm5, $0x0, v59  }
0x9b: {  	v14 =	vnsel vm15, $0x0, v54;
	[tilespmem:$0x2A0] =	vst v11;
	v11 =	vand.u32 $0x7F, v62;
	(erf) = vpow2.f32 v19  }
0x9c: {  	v18 =	vmul.f32 $1.442695020e+00, v18;
	[tilespmem:$0x290] =	vst v14;
	v14 =	vadd.s32 $0x1400, v25;
	v11 =	vor.u32 $0x1680, v11  }
0x9d: {  	v39 =	vld [tilespmem:$0x250];
	[tilespmem:$0x80] =	vst v12;
	v12 =	vsel vm6, v14, v63;
	v14 =	vsel vm1, v32, v11;
	v11 =	vsel vm1, v15, v11  }
0x9e: {  	v42 =	vld [tilespmem:$0x50];
	vm7 =	vlt.s32 v58, $0xC0;
	[tilespmem:$0x0] =	vst v17;
	v10 =	vsub.f32 v33, v10  }
0x9f: {  	vm8 =	vlt.s32 v30, $0xC0;
	v40 =	vsub.s32 v34, v1;
	[tilespmem:$0xA0] =	vst v12;
	v36 =	vpop (erf);
	(erf) = vpow2.f32 v18  }
0xa0: {  	v41 =	vand.u32 $0x7F, v34;
	vm9 =	vlt.u32 v40, $0x1400;
	v10 =	vmul.f32 $1.442695020e+00, v10;
	[tilespmem:$0xB0] =	vst v11;
	v11 =	vpop (erf)  }
0xa1: {  	v45 =	vld [tilespmem:$0x260];
	v15 =	vor.u32 $0x1680, v41;
	[tilespmem:$0x30] =	vst v14;
	v14 =	vshrl.u32 v40, $0x3;
	v11 =	vnsel vm8, $0x0, v11  }
0xa2: {  	v47 =	vld [tilespmem:$0x60];
	vm10 =	vlt.s32 v39, $0xC0;
	v43 =	vsel vm9, v40, v15;
	[tilespmem:$0x2C0] =	vst v11;
	v11 =	vadd.s32 $0x1400, v14  }
0xa3: {  	v48 =	vand.u32 $0x7F, v42;
	[tilespmem:$0x40] =	vst v43;
	(erf) = vpow2.f32 v10;
	v11 =	vsel vm9, v11, v15  }
0xa4: {  	v49 =	vor.u32 $0x1680, v48;
	v12 =	vnsel vm7, $0x0, v36;
	v10 =	vpop (erf);
	[tilespmem:$0xC0] =	vst v11;
	v11 =	vsub.s32 v42, v1  }
0xa5: {  	v52 =	vld [tilespmem:$0x270];
	[tilespmem:$0x2B0] =	vst v12;
	v10 =	vnsel vm10, $0x0, v10;
	vm11 =	vlt.u32 v11, $0x1400;
	v50 =	vshrl.u32 v11, $0x3  }
0xa6: {  	vm12 =	vlt.s32 v45, $0xC0;
	v54 =	vld [tilespmem:$0x70];
	[tilespmem:$0x2D0] =	vst v10;
	v10 =	vsel vm11, v11, v49;
	v11 =	vadd.s32 $0x1400, v50  }
0xa7: {  	v55 =	vsub.s32 v47, v1;
	v51 =	vshll.u32 v42, $0x4;
	[tilespmem:$0x50] =	vst v10;
	v10 =	vsel vm11, v11, v49  }
0xa8: {  	vm13 =	vlt.u32 v55, $0x1400;
	v56 =	vand.u32 $0x7F, v47;
	v11 =	vand.u32 $0x70, v51;
	v53 =	vpop (erf);
	[tilespmem:$0xD0] =	vst v10  }
0xa9: {  	v57 =	vshrl.u32 v55, $0x3;
	[tilespmem:$0x150] =	vst v11;
	v11 =	vor.u32 $0x1680, v56;
	v10 =	vnsel vm12, $0x0, v53  }
0xaa: {  	v58 =	vadd.s32 $0x1400, v57;
	v13 =	vshll.u32 v47, $0x4;
	[tilespmem:$0x2E0] =	vst v10;
	v10 =	vsel vm13, v55, v11  }
0xab: {  	vm14 =	vlt.s32 v52, $0xC0;
	v60 =	vsub.s32 v54, v1;
	[tilespmem:$0x60] =	vst v10;
	v10 =	vsel vm13, v58, v11  }
0xac: {  	v61 =	vand.u32 $0x7F, v54;
	vm15 =	vlt.u32 v60, $0x1400;
	v59 =	vpop (erf);
	v11 =	vand.u32 $0x70, v13;
	[tilespmem:$0xE0] =	vst v10  }
0xad: {  	v62 =	vshrl.u32 v60, $0x3;
	v10 =	vnsel vm14, $0x0, v59;
	[tilespmem:$0x160] =	vst v11;
	v11 =	vor.u32 $0x1680, v61  }
0xae: {  	v63 =	vadd.s32 $0x1400, v62;
	[tilespmem:$0x2F0] =	vst v10;
	v10 =	vsel vm15, v60, v11  }
0xaf: {  	[tilespmem:$0x70] =	vst v10;
	v10 =	vsel vm15, v63, v11;
	v11 =	vshll.u32 v54, $0x4  }
0xb0: {  	[tilespmem:$0xF0] =	vst v10;
	v10 =	vand.u32 $0x70, v11  }
0xb1: {  	s5 =	simm.s32 $0x100;
	[tilespmem:$0x170] =	vst v10  }
0xb2: {  	s20 =	simm.s32 $0x0;
	s21 =	simm.s32 $0x280;
	s9 =	simm.s32 $0x200;
	v10 =	vld.msk [tilespmem:s5+$0x0], $0x1  }
.LBB2_6:
0xb3: {  	p0 =	sne.s32 s9, $0xFE00;
	v11 =	vld.msk [tilespmem:s21+$0x0], $0x1  }
0xb4: {  	s10 =	sshra.s32 s20, $0x2;
	s20 =	smov.u32 s9  }
0xb5: {  	v12 =	vld [tilespmem:s10+$0x300]  }
0xb6: {  	v13 =	vld [tilespmem:s10+$0x310]  }
0xb7: {  	v10 =	vbroadcast v10, $0x0;
	v14 =	vld [tilespmem:s10+$0x320]  }
0xb8: {  	v11 =	vbroadcast v11, $0x0;
	v15 =	vld [tilespmem:s10+$0x330]  }
0xb9: {  	vm0 =	veq.s32 v10, v0;
	vm1 =	veq.s32 v10, v3;
	vm2 =	veq.s32 v10, v4;
	v16 =	vld [tilespmem:s10+$0x340]  }
0xba: {  	v17 =	vnsel vm0, $0x0, v11;
	v18 =	vnsel vm1, $0x0, v11;
	v19 =	vnsel vm2, $0x0, v11;
	v20 =	vld [tilespmem:s10+$0x350]  }
0xbb: {  	vm0 =	veq.s32 v10, v5;
	vm1 =	veq.s32 v10, v6;
	vm2 =	veq.s32 v10, v7;
	[tilespmem:s10+$0x8310] =	vst v18;
	v18 =	vld [tilespmem:s10+$0x360]  }
0xbc: {  	v21 =	vnsel vm1, $0x0, v11;
	v22 =	vnsel vm2, $0x0, v11;
	[tilespmem:s10+$0x8300] =	vst v17;
	v17 =	vnsel vm0, $0x0, v11;
	v23 =	vld [tilespmem:s10+$0x370]  }
0xbd: {  	v12 =	vmul.f32 v12, v11;
	vm1 =	veq.s32 v10, v9;
	vm0 =	veq.s32 v10, v8;
	[tilespmem:s10+$0x8320] =	vst v19  }
0xbe: {  	v10 =	vmul.f32 v13, v11;
	v13 =	vnsel vm0, $0x0, v11;
	[tilespmem:s10+$0x8330] =	vst v17;
	v17 =	vnsel vm1, $0x0, v11  }
0xbf: {  	v14 =	vmul.f32 v14, v11;
	v15 =	vmul.f32 v15, v11;
	[tilespmem:s10+$0x8340] =	vst v21  }
0xc0: {  	v16 =	vmul.f32 v16, v11;
	v19 =	vmul.f32 v20, v11;
	[tilespmem:s10+$0x8350] =	vst v22  }
0xc1: {  	v18 =	vmul.f32 v18, v11;
	[tilespmem:s10+$0x8360] =	vst v13;
	v11 =	vmul.f32 v23, v11  }
0xc2: {  	[tilespmem:s10+$0x8370] =	vst v17  }
0xc3: {  	[tilespmem:s10+$0x4300] =	vst v12  }
0xc4: {  	[tilespmem:s10+$0x4310] =	vst v10  }
0xc5: {  	[tilespmem:s10+$0x4320] =	vst v14  }
0xc6: {  	[tilespmem:s10+$0x4330] =	vst v15  }
.Ltmp4:
0xc7: {  	[tilespmem:s10+$0x4340] =	vst v16;
	(pc) =	sbr.rel @p0 .LBB2_6-.Ltmp4, $4  }
0xc8: {  	[tilespmem:s10+$0x4350] =	vst v19  }
0xc9: {  	[tilespmem:s10+$0x4360] =	vst v18  }
0xca: {  	s5 =	sadd.s32 $0x1, s5;
	[tilespmem:s10+$0x4370] =	vst v11  }
0xcb: {  	s9 =	sadd.s32 $0x200, s9;
	s21 =	sadd.s32 $0x1, s21;
	v10 =	vld.msk [tilespmem:s5+$0x0], $0x1  }
0xcc: {  	v11 =	vld.msk [tilespmem:s21+$0x0], $0x1;
	_ =	sdelay $0x3  }
0xcd: {  	v10 =	vbroadcast v10, $0x0  }
0xce: {  	v11 =	vbroadcast v11, $0x0  }
0xcf: {  	vm0 =	veq.s32 v10, v3  }
0xd0: {  	s5 =	sshra.s32 s20, $0x2;
	vm1 =	veq.s32 v10, v0;
	v12 =	vnsel vm0, $0x0, v11  }
0xd1: {  	vm10 =	veq.s32 v10, v4;
	v13 =	vnsel vm1, $0x0, v11;
	[tilespmem:s5+$0x8310] =	vst v12  }
0xd2: {  	v57 =	vld [tilespmem:s5+$0x330];
	vm11 =	veq.s32 v10, v5;
	v14 =	vnsel vm10, $0x0, v11;
	[tilespmem:s5+$0x8300] =	vst v13  }
0xd3: {  	v58 =	vld [tilespmem:s5+$0x340];
	vm12 =	veq.s32 v10, v6;
	v15 =	vnsel vm11, $0x0, v11;
	[tilespmem:s5+$0x8320] =	vst v14  }
0xd4: {  	v59 =	vld [tilespmem:s5+$0x350];
	vm13 =	veq.s32 v10, v7;
	v16 =	vnsel vm12, $0x0, v11;
	[tilespmem:s5+$0x8330] =	vst v15  }
0xd5: {  	v54 =	vld [tilespmem:s5+$0x300];
	vm14 =	veq.s32 v10, v8;
	v17 =	vnsel vm13, $0x0, v11;
	[tilespmem:s5+$0x8340] =	vst v16  }
0xd6: {  	v55 =	vld [tilespmem:s5+$0x310];
	vm15 =	veq.s32 v10, v9;
	v10 =	vnsel vm14, $0x0, v11;
	[tilespmem:s5+$0x8350] =	vst v17  }
0xd7: {  	v56 =	vld [tilespmem:s5+$0x320];
	v18 =	vnsel vm15, $0x0, v11;
	v61 =	vmul.f32 v57, v11;
	[tilespmem:s5+$0x8360] =	vst v10  }
0xd8: {  	v62 =	vmul.f32 v58, v11;
	v10 =	vld [tilespmem:s5+$0x360];
	[tilespmem:s5+$0x8370] =	vst v18  }
0xd9: {  	v60 =	vld [tilespmem:s5+$0x370];
	v63 =	vmul.f32 v59, v11;
	[tilespmem:s5+$0x4330] =	vst v61  }
0xda: {  	v12 =	vmul.f32 v54, v11;
	[tilespmem:s5+$0x4340] =	vst v62  }
0xdb: {  	v13 =	vmul.f32 v55, v11;
	[tilespmem:s5+$0x4350] =	vst v63  }
0xdc: {  	v14 =	vmul.f32 v56, v11;
	[tilespmem:s5+$0x4300] =	vst v12  }
0xdd: {  	[tilespmem:s5+$0x4310] =	vst v13;
	v10 =	vmul.f32 v10, v11  }
0xde: {  	[tilespmem:s5+$0x4320] =	vst v14;
	v11 =	vmul.f32 v60, v11  }
0xdf: {  	[tilespmem:s5+$0x4360] =	vst v10  }
0xe0: {  	[tilespmem:s5+$0x4370] =	vst v11  }
0xe1: {  	[spmem:s2] =	stream.indirect.scatter.add.f32 [tilespmem:s18], [sflag:$0x1], $0x80, s3, s25, $0xb8;
	[tilespmem:$0x18400] =	vst v63  }
0xe2: {  	_ =	swait.ge [sflag:s19], $0x4000  }
0xe3: {  	s0 =	sadd.s32 $0x1, s0;
	[sflag:s19] =	ssyncset.done $0x0  }
0xe4: {  	p0 =	sne.s32 s0, s29;
	[sflag:s19] =	ssyncadd.s32 $0xFFFFC000  }
0xe5: {  	[spmem:s2] =	stream.indirect.scatter.add.f32 [tilespmem:s26], [sflag:$0x1], $0x80, s25, s25, $0xb8;
	[tilespmem:$0x18400] =	vst v63  }
.Ltmp5:
0xe6: {  	_ = 	snop;
	(pc) =	sbr.rel @p0 .LBB2_5-.Ltmp5, $4  }
.Ltmp6:
0xe7: {  	_ = 	snop;
	(pc) =	sbr.rel @!p0 .LBB2_8-.Ltmp6, $4  }
0xe8: {  	_ =	swait.ge [sflag:s19], $0x4000  }
0xe9: {  	[sflag:s19] =	ssyncset.done $0x0  }
0xea: {  	[sflag:s19] =	ssyncadd.s32 $0xFFFFC000  }
0xeb: {  	_ = 	snop  }
.LBB2_9:
0xec: {  	_ =	sfence.sel $0x180000  }
0xed: {  	[bflag:$0x0] =	sbarrier.arrive $0xFFFF  }
0xee: {  	_ =	strace $0x90000053  }
0xef: {  	s0 =	stileid.u32;
	[bflag:$0x2] =	sbarrier.arrive $0xFFFF  }
0xf0: {  	p0 =	sne.s32 s0, $0x0;
	s0 =	rddreg [dreg:$0x3]  }
0xf1: {  	s0 =	sadd.s32 @!p0 $0x100000, s0  }
0xf2: {  	[sflag:s0] =	ssyncadd.tile.s32 @!p0 $0x1;
	_ =	shalt  }
.Lfunc_end2:
_tile_overlayer_lowered:
.L_overlay_start_2:
0xf3: {  	(tag) =	ssettag $0x2  }
0xf4: {  	s0 =	rddreg [dreg:$0x0];
	s2 =	stileid.u32  }
0xf5: {  	s1 =	rddreg [dreg:$0x1];
	p0 =	sne.s32 s2, $0x0  }
0xf6: {  	s3 =	rddreg [dreg:$0x2];
	[bflag:$0x3] =	sbarrier.arrive $0xFFFF;
	s2 =	simm.s32 @!p0 $0x1C01  }
0xf7: {  	[timem:s3], [sflag:s2] =	dma.local @!p0 [hbm:s0], s1  }
0xf8: {  	s0 =	simm.s32 @!p0 $0x1  }
0xf9: {  	_ =	swait.ge @!p0 [sflag:s0], s1  }
0xfa: {  	s1 =	ssub.s32 @!p0 $0x0, s1;
	[sflag:s0] =	ssyncset.done @!p0 $0x0  }
0xfb: {  	[sflag:s0] =	ssyncadd.s32 @!p0 s1  }
0xfc: {  	[bflag:$0x3] =	sbarrier.arrive $0xFFFF  }
0xfd: {  	_ =	shalt  }

// kernel: kernel.7.cloned.1.call-start
scs
__scs_entry_jumppad:
0x0: {  	(pc) =	sbr.rel $0x88, $3  }
0x1: {  	(tag) =	ssettag $0x0;
	lr =	simm.s32 $0x1  }
0x2: {  	[smem:$0x3F94] =	sst lr;
	_ =	strace $0xD0000000  }
0x3: {  	_ = 	snop  }
0x4: {  	_ = 	snop  }
0x5: {  	_ = 	snop  }
0x6: {  	_ = 	snop  }
0x7: {  	_ = 	snop  }
__scs_overlays_trampoline_lowered:
0x8: {  	[smem:$0x3FA3] =	sst s0  }
0x9: {  	[smem:$0x3FA4] =	sst s1  }
0xa: {  	[smem:$0x3FA5] =	sst s2  }
0xb: {  	[smem:$0x3FA6] =	sst s3  }
0xc: {  	[smem:$0x3FA7] =	sst s4  }
0xd: {  	[smem:$0x3FA8] =	sst s5  }
0xe: {  	[smem:$0x3FA9] =	sst s6  }
0xf: {  	[smem:$0x3FAA] =	sst s7  }
0x10: {  	[smem:$0x3FAB] =	sst s8  }
0x11: {  	[smem:$0x3FAC] =	sst s9;
	s0 =	simm.s32 @!p0 $0x0  }
0x12: {  	s1 =	sld [smem:$0x3F92];
	s0 =	simm.s32 @p0 $0x1  }
0x13: {  	[smem:$0x3FAD] =	sst s0;
	s0 =	simm.s32 @!p1 $0x0  }
0x14: {  	s2 =	sld [smem:$0x3F91];
	s0 =	simm.s32 @p1 $0x1  }
0x15: {  	[smem:$0x3FAE] =	sst s0;
	s0 =	simm.s32 @!p2 $0x0  }
0x16: {  	s3 =	sld [smem:$0x3FDB];
	s0 =	simm.s32 @p2 $0x1  }
0x17: {  	s4 =	simm.s32 $0x1BF5;
	[smem:$0x3FB0] =	sst s0  }
0x18: {  	s0 =	sld [smem:$0x3F93];
	_ =	swait.ge [sflag:s4], $0x0  }
0x19: {  	s7 =	sld [smem:$0x3F94]  }
0x1a: {  	s8 =	sadd.s32 $0xFFFFE003, lr  }
0x1b: {  	s9 =	sadd.s32 $0xFFFFFEF7, lr;
	s5 =	simm.s32 $0xFFFFFFFF;
	p2 =	slt.u32 s8, $0xFFFFF086  }
0x1c: {  	p1 =	slt.u32 s9, $0xF7A;
	s5 =	simm.s32 @!p2 $0x0  }
0x1d: {  	s5 =	simm.s32 @p1 $0x1;
	p0 =	seq.s32 s7, s2  }
0x1e: {  	s7 =	smul.u32 @!p0 $0xF7A, s2;
	p2 =	seq.s32 @!p0 s5, $0x0  }
0x1f: {  	s9 =	smul.u32 $0xF7A, s1;
	s8 =	simm.s32 @!p0 $0x1BF5;
	p2 =	por !p2, p0  }
0x20: {  	[sflag:s8] =	ssyncset.s32 @!p0 $0xFFFFF086;
	s6 =	sadd.s32 @!p0 s3, s7;
	s7 =	simm.s32 @!p0 $0x108  }
0x21: {  	s3 =	sadd.s32 s3, s9;
	s6 =	sadd.s32 @!p0 $0x88, s6;
	s7 =	simm.s32 @p2 $0x1082  }
0x22: {  	[simem:s7], [sflag:s8] =	dma.local @!p0 [hbm:s6], $0xF7A  }
0x23: {  	s9 =	sor.u32 $0xD0000000, s2;
	s6 =	simm.s32 $0x108;
	_ =	swait.ge @!p0 [sflag:s8], $0x0  }
0x24: {  	s3 =	sadd.s32 $0x88, s3;
	s6 =	simm.s32 @!p1 $0x1082;
	[sflag:s4] =	ssyncset.s32 $0xFFFFF086  }
0x25: {  	[simem:s6], [sflag:s4] =	dma.local [hbm:s3], $0xF7A  }
0x26: {  	[smem:$0x3F94] =	sst s1;
	(tag) =	ssettag s2;
	_ =	strace s9  }
0x27: {  	s1 =	sld [smem:$0x3FA4]  }
0x28: {  	s2 =	sld [smem:$0x3FA5]  }
0x29: {  	s4 =	sld [smem:$0x3FA7]  }
0x2a: {  	p0 =	seq.s32 s5, $0x0;
	s5 =	sld [smem:$0x3FA8]  }
0x2b: {  	s6 =	sld [smem:$0x3FA9]  }
0x2c: {  	s7 =	sld [smem:$0x3FAA]  }
0x2d: {  	s3 =	simm.s32 $0x108;
	s8 =	sld [smem:$0x3FAB]  }
0x2e: {  	s3 =	simm.s32 @!p0 $0x1082;
	s9 =	sld [smem:$0x3FAC]  }
0x2f: {  	lr =	sadd.s32 s0, s3;
	s0 =	sld [smem:$0x3FA3]  }
0x30: {  	s3 =	sld [smem:$0x3FA6]  }
0x31: {  	[smem:$0x3FAF] =	sst s10  }
0x32: {  	s10 =	sld [smem:$0x3FAD];
	_ =	sdelay $0x3  }
0x33: {  	p0 =	seq.s32 s10, $0x1;
	s10 =	sld [smem:$0x3FAF];
	_ =	sdelay $0x3  }
0x34: {  	[smem:$0x3FAF] =	sst s10  }
0x35: {  	s10 =	sld [smem:$0x3FAE];
	_ =	sdelay $0x3  }
0x36: {  	p1 =	seq.s32 s10, $0x1;
	s10 =	sld [smem:$0x3FAF];
	_ =	sdelay $0x3  }
0x37: {  	[smem:$0x3FAF] =	sst s10  }
0x38: {  	s10 =	sld [smem:$0x3FB0]  }
0x39: {  	_ = 	snop;
	(pc) =	sbr.ind lr, $3  }
0x3a: {  	_ = 	snop  }
0x3b: {  	_ = 	snop  }
0x3c: {  	p2 =	seq.s32 s10, $0x1;
	s10 =	sld [smem:$0x3FAF]  }
0x3d: {  	_ =	shalt  }
0x3e: {  	_ =	shalt  }
0x3f: {  	_ =	shalt  }
0x40: {  	_ =	shalt  }
0x41: {  	_ =	shalt  }
0x42: {  	_ =	shalt  }
0x43: {  	_ =	shalt  }
0x44: {  	_ =	shalt  }
0x45: {  	_ =	shalt  }
0x46: {  	_ =	shalt  }
0x47: {  	_ =	shalt  }
0x48: {  	_ =	shalt  }
0x49: {  	_ =	shalt  }
0x4a: {  	_ =	shalt  }
0x4b: {  	_ =	shalt  }
0x4c: {  	_ =	shalt  }
0x4d: {  	_ =	shalt  }
0x4e: {  	_ =	shalt  }
0x4f: {  	_ =	shalt  }
0x50: {  	_ =	shalt  }
0x51: {  	_ =	shalt  }
0x52: {  	_ =	shalt  }
0x53: {  	_ =	shalt  }
0x54: {  	_ =	shalt  }
0x55: {  	_ =	shalt  }
0x56: {  	_ =	shalt  }
0x57: {  	_ =	shalt  }
0x58: {  	_ =	shalt  }
0x59: {  	_ =	shalt  }
0x5a: {  	_ =	shalt  }
0x5b: {  	_ =	shalt  }
0x5c: {  	_ =	shalt  }
0x5d: {  	_ =	shalt  }
0x5e: {  	_ =	shalt  }
0x5f: {  	_ =	shalt  }
0x60: {  	_ =	shalt  }
0x61: {  	_ =	shalt  }
0x62: {  	_ =	shalt  }
0x63: {  	_ =	shalt  }
0x64: {  	_ =	shalt  }
0x65: {  	_ =	shalt  }
0x66: {  	_ =	shalt  }
0x67: {  	_ =	shalt  }
0x68: {  	_ =	shalt  }
0x69: {  	_ =	shalt  }
0x6a: {  	_ =	shalt  }
0x6b: {  	_ =	shalt  }
0x6c: {  	_ =	shalt  }
0x6d: {  	_ =	shalt  }
0x6e: {  	_ =	shalt  }
0x6f: {  	_ =	shalt  }
0x70: {  	_ =	shalt  }
0x71: {  	_ =	shalt  }
0x72: {  	_ =	shalt  }
0x73: {  	_ =	shalt  }
0x74: {  	_ =	shalt  }
0x75: {  	_ =	shalt  }
0x76: {  	_ =	shalt  }
0x77: {  	_ =	shalt  }
0x78: {  	_ =	shalt  }
0x79: {  	_ =	shalt  }
0x7a: {  	_ =	shalt  }
0x7b: {  	_ =	shalt  }
0x7c: {  	_ =	shalt  }
0x7d: {  	_ =	shalt  }
0x7e: {  	_ =	shalt  }
0x7f: {  	_ =	shalt  }
0x80: {  	_ =	shalt  }
0x81: {  	_ =	shalt  }
0x82: {  	_ =	shalt  }
0x83: {  	_ =	shalt  }
0x84: {  	_ =	shalt  }
0x85: {  	_ =	shalt  }
0x86: {  	_ =	shalt  }
0x87: {  	_ =	shalt  }
.Lfunc_end0:
.L_simem_size_0:
called_computation.3_lowered:
.L_overlay_start_0:
0x88: {  	s2 =	sld [smem:$0x3FD9]  }
0x89: {  	s3 =	sld [smem:$0x3FFE];
	_ =	sdelay $0x1  }
0x8a: {  	s1 =	srdreg.scid  }
0x8b: {  	s0 =	sand.u32 $0x1, s1  }
0x8c: {  	s17 =	sshll.u32 s0, $0xA;
	s2 =	sadd.s32 s3, s2  }
0x8d: {  	s2 =	sadd.s32 s2, s17  }
0x8e: {  	[smem:$0x3FBB] =	sst s2  }
0x8f: {  	_ = 	snop  }
0x90: {  	(tm) =	ssettm $0x1  }
0x91: {  	s18 =	sld [smem:$0x3FFB];
	_ =	sdelay $0x3  }
0x92: {  	_ =	strace s18  }
0x93: {  	s2 =	sld [smem:$0x3FFC];
	_ =	sdelay $0x3  }
0x94: {  	_ =	strace s2  }
0x95: {  	s2 =	sld [smem:$0x3FFD];
	_ =	sdelay $0x3  }
0x96: {  	_ =	strace s2  }
0x97: {  	_ =	strace $0x8FFFFFFF  }
0x98: {  	s19 =	sld [smem:$0x3FDB];
	_ =	sdelay $0x1  }
0x99: {  	s20 =	simm.s32 $_scs_section_size  }
0x9a: {  	s4 =	simm.s32 $_size__tile_overlayer_lowered;
	s5 =	simm.s32 $_tile_overlayer_lowered  }
0x9b: {  	s6 =	simm.s32 $0x1BFF;
	s21 =	sshll.u32 s5, $0x1;
	s3 =	sadd.s32 s20, s19  }
0x9c: {  	s22 =	simm.s32 $0x0;
	s4 =	sshll.u32 s4, $0x1;
	s5 =	sadd.s32 s21, s3  }
0x9d: {  	[timem:s22], [sflag:s6] =	dma.local [hbm:s5], s4  }
0x9e: {  	_ =	swait.ge [sflag:s6], s4  }
0x9f: {  	s4 =	ssub.s32 $0x0, s4;
	[sflag:s6] =	ssyncset.done $0x0  }
0xa0: {  	[sflag:s6] =	ssyncadd.s32 s4;
	_ =	sdelay $0x1  }
0xa1: {  	s23 =	simm.s32 $0x1B8B  }
0xa2: {  	_ =	swait.ge [sflag:s23], $0x1  }
0xa3: {  	[sflag:s23] =	ssyncset.done $0x0  }
0xa4: {  	[sflag:s23] =	ssyncadd.s32 $0xFFFFFFFF  }
0xa5: {  	s4 =	sld [smem:$0x0]  }
0xa6: {  	s5 =	sand.u32 $0xFFFFFFFE, s1  }
0xa7: {  	p0 =	sne.s32 s1, s5  }
0xa8: {  	s5 =	sshll.u32 @p0 s5, $0xE  }
0xa9: {  	s5 =	sadd.s32 @p0 $0x11B8D, s5;
	s6 =	sshll.u32 @p0 s4, $0x11  }
0xaa: {  	s5 =	sor.u32 @p0 s6, s5  }
0xab: {  	[sflag:s5] =	ssyncadd.remote.s32 @p0 $0x1;
	_ =	sdelay $0x1  }
0xac: {  	s5 =	simm.s32 @p0 $0x1B8D  }
0xad: {  	_ =	swait.eq @p0 [sflag:s5], $0x1  }
0xae: {  	[sflag:s5] =	ssyncadd.s32 @p0 $0xFFFFFFFF  }
0xaf: {  	s6 =	sshll.u32 @!p0 s1, $0xE  }
0xb0: {  	s6 =	sor.u32 @!p0 $0x4000, s6;
	s5 =	simm.s32 @!p0 $0x1B8D  }
0xb1: {  	s4 =	sshll.u32 @!p0 s4, $0x11;
	s6 =	sadd.s32 @!p0 $0x11B8D, s6;
	_ =	swait.eq @!p0 [sflag:s5], $0x1  }
0xb2: {  	s4 =	sor.u32 @!p0 s4, s6;
	[sflag:s5] =	ssyncadd.s32 @!p0 $0xFFFFFFFF  }
0xb3: {  	s25 =	simm.s32 $0x1B8E;
	s24 =	sld [smem:$0x3FFE];
	[sflag:s4] =	ssyncadd.remote.s32 @!p0 $0x1  }
0xb4: {  	s26 =	simm.s32 $execute0_lowered;
	[smem:$0x3FD2] =	sst s25  }
0xb5: {  	s5 =	sshll.u32 s26, $0x1;
	_ =	strace $0x8000004F;
	[dreg:$0x1] =	wrdreg $0xFFFFFFFF  }
0xb6: {  	s28 =	simm.s32 $_size_execute0_lowered;
	s3 =	sadd.s32 s3, s5;
	[dreg:$0x0] =	wrdreg $0x0  }
0xb7: {  	s5 =	sshll.u32 s28, $0x1;
	[dreg:$0x2] =	wrdreg s3  }
0xb8: {  	[dreg:$0x3] =	wrdreg s5  }
0xb9: {  	[dreg:$0x4] =	wrdreg $0xC0  }
0xba: {  	_ =	task [dreg:s22], $0x5FFFF  }
0xbb: {  	[dreg:$0x1] =	wrdreg $0xFFFFFFFF  }
0xbc: {  	[dreg:$0x0] =	wrdreg $0x60  }
0xbd: {  	[dreg:$0x2] =	wrdreg s24  }
0xbe: {  	[dreg:$0x3] =	wrdreg $0xB  }
0xbf: {  	_ =	task.clear_ibuf [dreg:s22], $0x4FFFF;
	_ =	strace $0x9000004F  }
0xc0: {  	s29 =	simm.s32 $0xB;
	_ =	strace $0x80000051  }
0xc1: {  	_ =	swait.ge [sflag:s29], $0x1  }
0xc2: {  	[sflag:s29] =	ssyncadd.s32 $0xFFFFFFFF  }
0xc3: {  	_ =	strace $0x90000051  }
0xc4: {  	_ =	sfence  }
0xc5: {  	s30 =	sld [smem:$0x0];
	_ =	sdelay $0x2  }
0xc6: {  	s31 =	sshll.u32 s1, $0xD;
	s1 =	sshrl.u32 s1, $0x2  }
0xc7: {  	s4 =	sand.u32 $0x4000, s31;
	s1 =	sadd.s32 s1, s30  }
0xc8: {  	s0 =	sor.u32 s4, s0;
	s1 =	sshll.u32 s1, $0x11  }
0xc9: {  	s0 =	sor.u32 s1, s0  }
0xca: {  	s0 =	sadd.s32 $0x8F2B, s0  }
0xcb: {  	[sflag:s0] =	ssyncadd.remote.s32 $0x1  }
0xcc: {  	_ =	sfence.sel $0xFFFF  }
0xcd: {  	[dreg:$0x0] =	wrdreg $0xFFFFFFFF;
	(pc) =	sbr.abs _section_cstart, $3  }
0xce: {  	[dreg:$0x1] =	wrdreg $0xFFFFFFFF  }
0xcf: {  	_ =	task.clear_ibuf [dreg:s22], $0x2FFFF;
	_ =	strace $0x9FFFFFFF  }
0xd0: {  	(tm) =	ssettm $0x7FFFFFFF  }
0xd1: {  	_ =	shalt  }
tec
execute0_lowered:
.L_overlay_start_1:
0x0: {  	(tag) =	ssettag $0x1  }
0x1: {  	s0 =	rddreg [dreg:$0x0];
	s1 =	simm.s32 $0x0  }
0x2: {  	s3 =	srdreg.scid;
	[smem:$0x7FF] =	sst s1;
	s2 =	sadd.s32 $0x1E00, s0  }
0x3: {  	s11 =	sadd.s32 $0x98800, s0;
	_ =	strace $0x80000050;
	[dreg:$0x2] =	wrdreg s2  }
0x4: {  	s8 =	stileid.u32;
	s5 =	simm.s32 $0x880;
	[dreg:$0x3] =	wrdreg s11  }
0x5: {  	s13 =	simm.s32 $0xC80;
	s14 =	simm.s32 $0x1480;
	[dreg:$0x4] =	wrdreg s5  }
0x6: {  	s15 =	simm.s32 $0x1880;
	s16 =	simm.s32 $0x2080;
	[dreg:$0x5] =	wrdreg s13  }
0x7: {  	s18 =	simm.s32 $0x2480;
	s19 =	simm.s32 $0x2C80;
	[dreg:$0x6] =	wrdreg s14  }
0x8: {  	s21 =	simm.s32 $0x3080;
	s23 =	simm.s32 $0x3880;
	[dreg:$0x7] =	wrdreg s15  }
0x9: {  	s24 =	simm.s32 $0x3C80;
	s25 =	simm.s32 $0x4480;
	[dreg:$0x8] =	wrdreg s16  }
0xa: {  	s26 =	simm.s32 $0x4880;
	s9 =	simm.s32 $0x80;
	[dreg:$0x9] =	wrdreg s18  }
0xb: {  	s31 =	simm.s32 $0x5080;
	s10 =	simm.s32 $0x5480;
	[dreg:$0xa] =	wrdreg s19  }
0xc: {  	s28 =	simm.s32 $0xBC80;
	s29 =	simm.s32 $0x1;
	[dreg:$0xb] =	wrdreg s21  }
0xd: {  	s30 =	simm.s32 $0x0;
	s6 =	sand.u32 $0x1, s3;
	[dreg:$0xc] =	wrdreg s23  }
0xe: {  	s3 =	sadd.s32 $0x1E400, s0;
	s7 =	sshll.u32 s8, $0x1;
	[dreg:$0xd] =	wrdreg s24  }
0xf: {  	s22 =	sshll.u32 s8, $0x8;
	s8 =	simm.s32 $0x2;
	[dreg:$0xe] =	wrdreg s25  }
0x10: {  	s12 =	ssub.s32 $0x2, s6;
	s17 =	sor.u32 s7, s6;
	[dreg:$0xf] =	wrdreg s26  }
0x11: {  	s6 =	sshll.u32 s6, $0x7;
	[dreg:$0x10] =	wrdreg s31;
	s11 =	simm.s32 $0x5C80  }
0x12: {  	s13 =	simm.s32 $0x6880;
	s14 =	simm.s32 $0x6C80;
	s15 =	simm.s32 $0x7480  }
0x13: {  	s16 =	simm.s32 $0x7880;
	s18 =	simm.s32 $0x8480;
	s19 =	simm.s32 $0x8C80  }
0x14: {  	s21 =	simm.s32 $0x9880;
	s23 =	simm.s32 $0xA480;
	s4 =	sshrl.u32 s12, $0x1  }
0x15: {  	s24 =	simm.s32 $0xA880;
	s25 =	simm.s32 $0xB080;
	s2 =	ssub.s32 s12, s4  }
0x16: {  	s26 =	simm.s32 $0xB480;
	s7 =	sor.u32 s6, s22;
	s2 =	smax.u32 s2, $0x1  }
0x17: {  	v2 =	vlaneseq.u32;
	s22 =	simm.s32 $0x9C80;
	[dreg:$0x11] =	wrdreg s2;
	s2 =	ssub.s32 $0x502, s17  }
0x18: {  	vm0 =	vmmov $0xffff;
	vm1 =	vmmov $0xff;
	v1 =	vshrl.u32 v2, $0x3;
	s4 =	sadd.s32 $0x1E500, s0;
	s12 =	simm.s32 $0x6080;
	s20 =	sshrl.u32 s2, $0x5  }
0x19: {  	v0 =	vand.u32 $0x7, v2;
	v2 =	vor.u32 $0x8, v2;
	v1 =	vmul.u32 $0x8, v1;
	s17 =	simm.s32 $0x8080;
	[dreg:$0x12] =	wrdreg s20;
	s20 =	simm.s32 $0x9080  }
.LBB2_1:
0x1a: {  	s31 =	smov.u32 s7;
	s6 =	rddreg [dreg:$0x12]  }
.LBB2_2:
0x1b: {  	s5 =	rddreg [dreg:$0x2];
	s2 =	sshrl.u32 s31, $0x3  }
0x1c: {  	s5 =	sadd.s32 s5, s2  }
0x1d: {  	[tilespmem:s1], [sflag:$0x2] =	stream.linear.gather [hbm4b:s5+s1], $0x80, $0x38;
	[tilespmem:$0xC080] =	vst v63  }
0x1e: {  	_ =	swait.ge [sflag:s8], $0x80  }
0x1f: {  	[sflag:s8] =	ssyncset.done $0x0  }
0x20: {  	[sflag:s8] =	ssyncadd.s32 $0xFFFFFF80  }
0x21: {  	v3 =	vld [tilespmem:$0x0];
	_ =	sdelay $0x4  }
0x22: {  	v4 =	vshrl.u32 v3, $0x3  }
0x23: {  	v4 =	vmul.u32 $0x18, v4  }
0x24: {  	v3 =	vand.u32 $0x7, v3  }
0x25: {  	v3 =	vor.u32 v3, v4  }
0x26: {  	v4 =	vperm.xlane v3, v0;
	_ =	sdelay $0x1  }
0x27: {  	v4 =	vadd.s32 v1, v4;
	_ =	sdelay $0x1  }
0x28: {  	v3 =	vperm.xlane v3, v2;
	_ =	sdelay $0x1  }
0x29: {  	v3 =	vadd.s32 v1, v3  }
0x2a: {  	[tilespmem:s9], [sflag:$0x1] =	stream.indirect_vreg.gather [hbm4b:s3+s1], $0x80, v4, vm0, $0xb8;
	[tilespmem:$0xC080] =	vst v63  }
0x2b: {  	s5 =	rddreg [dreg:$0x4]  }
0x2c: {  	[tilespmem:s5], [sflag:$0x1] =	stream.indirect_vreg.gather [hbm4b:s4+s1], $0x80, v4, vm1, $0xb8;
	[tilespmem:$0xC080] =	vst v63  }
0x2d: {  	s0 =	rddreg [dreg:$0x5]  }
0x2e: {  	[tilespmem:s0], [sflag:$0x1] =	stream.indirect_vreg.gather [hbm4b:s3+s1], $0x80, v3, vm0, $0xb8;
	[tilespmem:$0xC080] =	vst v63  }
0x2f: {  	s5 =	rddreg [dreg:$0x6]  }
0x30: {  	[tilespmem:s5], [sflag:$0x1] =	stream.indirect_vreg.gather [hbm4b:s4+s1], $0x80, v3, vm1, $0xb8;
	[tilespmem:$0xC080] =	vst v63  }
0x31: {  	v3 =	vld [tilespmem:$0x10];
	_ =	sdelay $0x4  }
0x32: {  	v57 =	vshrl.u32 v3, $0x3  }
0x33: {  	v4 =	vmul.u32 $0x18, v57  }
0x34: {  	v3 =	vand.u32 $0x7, v3  }
0x35: {  	v3 =	vor.u32 v3, v4  }
0x36: {  	v4 =	vperm.xlane v3, v0;
	_ =	sdelay $0x1  }
0x37: {  	v4 =	vadd.s32 v1, v4;
	_ =	sdelay $0x1  }
0x38: {  	v3 =	vperm.xlane v3, v2;
	_ =	sdelay $0x1  }
0x39: {  	s0 =	rddreg [dreg:$0x7];
	v3 =	vadd.s32 v1, v3  }
0x3a: {  	[tilespmem:s0], [sflag:$0x1] =	stream.indirect_vreg.gather [hbm4b:s3+s1], $0x80, v4, vm0, $0xb8;
	[tilespmem:$0xC080] =	vst v63  }
0x3b: {  	s5 =	rddreg [dreg:$0x8]  }
0x3c: {  	[tilespmem:s5], [sflag:$0x1] =	stream.indirect_vreg.gather [hbm4b:s4+s1], $0x80, v4, vm1, $0xb8;
	[tilespmem:$0xC080] =	vst v63  }
0x3d: {  	s0 =	rddreg [dreg:$0x9]  }
0x3e: {  	[tilespmem:s0], [sflag:$0x1] =	stream.indirect_vreg.gather [hbm4b:s3+s1], $0x80, v3, vm0, $0xb8;
	[tilespmem:$0xC080] =	vst v63  }
0x3f: {  	s5 =	rddreg [dreg:$0xa]  }
0x40: {  	[tilespmem:s5], [sflag:$0x1] =	stream.indirect_vreg.gather [hbm4b:s4+s1], $0x80, v3, vm1, $0xb8;
	[tilespmem:$0xC080] =	vst v63  }
0x41: {  	v3 =	vld [tilespmem:$0x20];
	_ =	sdelay $0x4  }
0x42: {  	v58 =	vshrl.u32 v3, $0x3  }
0x43: {  	v4 =	vmul.u32 $0x18, v58  }
0x44: {  	v3 =	vand.u32 $0x7, v3  }
0x45: {  	v3 =	vor.u32 v3, v4  }
0x46: {  	v4 =	vperm.xlane v3, v0;
	_ =	sdelay $0x1  }
0x47: {  	v4 =	vadd.s32 v1, v4;
	_ =	sdelay $0x1  }
0x48: {  	v3 =	vperm.xlane v3, v2;
	_ =	sdelay $0x1  }
0x49: {  	s0 =	rddreg [dreg:$0xb];
	v3 =	vadd.s32 v1, v3  }
0x4a: {  	[tilespmem:s0], [sflag:$0x1] =	stream.indirect_vreg.gather [hbm4b:s3+s1], $0x80, v4, vm0, $0xb8;
	[tilespmem:$0xC080] =	vst v63  }
0x4b: {  	s5 =	rddreg [dreg:$0xc]  }
0x4c: {  	[tilespmem:s5], [sflag:$0x1] =	stream.indirect_vreg.gather [hbm4b:s4+s1], $0x80, v4, vm1, $0xb8;
	[tilespmem:$0xC080] =	vst v63  }
0x4d: {  	s0 =	rddreg [dreg:$0xd]  }
0x4e: {  	[tilespmem:s0], [sflag:$0x1] =	stream.indirect_vreg.gather [hbm4b:s3+s1], $0x80, v3, vm0, $0xb8;
	[tilespmem:$0xC080] =	vst v63  }
0x4f: {  	s5 =	rddreg [dreg:$0xe]  }
0x50: {  	[tilespmem:s5], [sflag:$0x1] =	stream.indirect_vreg.gather [hbm4b:s4+s1], $0x80, v3, vm1, $0xb8;
	[tilespmem:$0xC080] =	vst v63  }
0x51: {  	v3 =	vld [tilespmem:$0x30];
	_ =	sdelay $0x4  }
0x52: {  	v59 =	vshrl.u32 v3, $0x3  }
0x53: {  	v4 =	vmul.u32 $0x18, v59  }
0x54: {  	v3 =	vand.u32 $0x7, v3  }
0x55: {  	v3 =	vor.u32 v3, v4  }
0x56: {  	v4 =	vperm.xlane v3, v0;
	_ =	sdelay $0x1  }
0x57: {  	v4 =	vadd.s32 v1, v4;
	_ =	sdelay $0x1  }
0x58: {  	v3 =	vperm.xlane v3, v2;
	_ =	sdelay $0x1  }
0x59: {  	s0 =	rddreg [dreg:$0xf];
	v3 =	vadd.s32 v1, v3  }
0x5a: {  	[tilespmem:s0], [sflag:$0x1] =	stream.indirect_vreg.gather [hbm4b:s3+s1], $0x80, v4, vm0, $0xb8;
	[tilespmem:$0xC080] =	vst v63  }
0x5b: {  	s5 =	rddreg [dreg:$0x10]  }
0x5c: {  	[tilespmem:s5], [sflag:$0x1] =	stream.indirect_vreg.gather [hbm4b:s4+s1], $0x80, v4, vm1, $0xb8;
	[tilespmem:$0xC080] =	vst v63  }
0x5d: {  	_ = 	snop  }
0x5e: {  	[tilespmem:s10], [sflag:$0x1] =	stream.indirect_vreg.gather [hbm4b:s3+s1], $0x80, v3, vm0, $0xb8;
	[tilespmem:$0xC080] =	vst v63  }
0x5f: {  	_ = 	snop  }
0x60: {  	[tilespmem:s11], [sflag:$0x1] =	stream.indirect_vreg.gather [hbm4b:s4+s1], $0x80, v3, vm1, $0xb8;
	[tilespmem:$0xC080] =	vst v63  }
0x61: {  	v3 =	vld [tilespmem:$0x40];
	_ =	sdelay $0x4  }
0x62: {  	v60 =	vshrl.u32 v3, $0x3  }
0x63: {  	v4 =	vmul.u32 $0x18, v60  }
0x64: {  	v3 =	vand.u32 $0x7, v3  }
0x65: {  	v3 =	vor.u32 v3, v4  }
0x66: {  	v4 =	vperm.xlane v3, v0;
	_ =	sdelay $0x1  }
0x67: {  	v4 =	vadd.s32 v1, v4;
	_ =	sdelay $0x1  }
0x68: {  	v3 =	vperm.xlane v3, v2;
	_ =	sdelay $0x1  }
0x69: {  	v3 =	vadd.s32 v1, v3  }
0x6a: {  	[tilespmem:s12], [sflag:$0x1] =	stream.indirect_vreg.gather [hbm4b:s3+s1], $0x80, v4, vm0, $0xb8;
	[tilespmem:$0xC080] =	vst v63  }
0x6b: {  	_ = 	snop  }
0x6c: {  	[tilespmem:s13], [sflag:$0x1] =	stream.indirect_vreg.gather [hbm4b:s4+s1], $0x80, v4, vm1, $0xb8;
	[tilespmem:$0xC080] =	vst v63  }
0x6d: {  	_ = 	snop  }
0x6e: {  	[tilespmem:s14], [sflag:$0x1] =	stream.indirect_vreg.gather [hbm4b:s3+s1], $0x80, v3, vm0, $0xb8;
	[tilespmem:$0xC080] =	vst v63  }
0x6f: {  	_ = 	snop  }
0x70: {  	[tilespmem:s15], [sflag:$0x1] =	stream.indirect_vreg.gather [hbm4b:s4+s1], $0x80, v3, vm1, $0xb8;
	[tilespmem:$0xC080] =	vst v63  }
0x71: {  	v3 =	vld [tilespmem:$0x50];
	_ =	sdelay $0x4  }
0x72: {  	v61 =	vshrl.u32 v3, $0x3  }
0x73: {  	v4 =	vmul.u32 $0x18, v61  }
0x74: {  	v3 =	vand.u32 $0x7, v3  }
0x75: {  	v3 =	vor.u32 v3, v4  }
0x76: {  	v4 =	vperm.xlane v3, v0;
	_ =	sdelay $0x1  }
0x77: {  	v4 =	vadd.s32 v1, v4;
	_ =	sdelay $0x1  }
0x78: {  	v3 =	vperm.xlane v3, v2;
	_ =	sdelay $0x1  }
0x79: {  	v3 =	vadd.s32 v1, v3  }
0x7a: {  	[tilespmem:s16], [sflag:$0x1] =	stream.indirect_vreg.gather [hbm4b:s3+s1], $0x80, v4, vm0, $0xb8;
	[tilespmem:$0xC080] =	vst v63  }
0x7b: {  	_ = 	snop  }
0x7c: {  	[tilespmem:s17], [sflag:$0x1] =	stream.indirect_vreg.gather [hbm4b:s4+s1], $0x80, v4, vm1, $0xb8;
	[tilespmem:$0xC080] =	vst v63  }
0x7d: {  	_ = 	snop  }
0x7e: {  	[tilespmem:s18], [sflag:$0x1] =	stream.indirect_vreg.gather [hbm4b:s3+s1], $0x80, v3, vm0, $0xb8;
	[tilespmem:$0xC080] =	vst v63  }
0x7f: {  	_ = 	snop  }
0x80: {  	[tilespmem:s19], [sflag:$0x1] =	stream.indirect_vreg.gather [hbm4b:s4+s1], $0x80, v3, vm1, $0xb8;
	[tilespmem:$0xC080] =	vst v63  }
0x81: {  	v3 =	vld [tilespmem:$0x60];
	_ =	sdelay $0x4  }
0x82: {  	v62 =	vshrl.u32 v3, $0x3  }
0x83: {  	v4 =	vmul.u32 $0x18, v62  }
0x84: {  	v3 =	vand.u32 $0x7, v3  }
0x85: {  	v3 =	vor.u32 v3, v4  }
0x86: {  	v4 =	vperm.xlane v3, v0;
	_ =	sdelay $0x1  }
0x87: {  	v4 =	vadd.s32 v1, v4;
	_ =	sdelay $0x1  }
0x88: {  	v3 =	vperm.xlane v3, v2;
	_ =	sdelay $0x1  }
0x89: {  	v3 =	vadd.s32 v1, v3  }
0x8a: {  	[tilespmem:s20], [sflag:$0x1] =	stream.indirect_vreg.gather [hbm4b:s3+s1], $0x80, v4, vm0, $0xb8;
	[tilespmem:$0xC080] =	vst v63  }
0x8b: {  	_ = 	snop  }
0x8c: {  	[tilespmem:s21], [sflag:$0x1] =	stream.indirect_vreg.gather [hbm4b:s4+s1], $0x80, v4, vm1, $0xb8;
	[tilespmem:$0xC080] =	vst v63  }
0x8d: {  	_ = 	snop  }
0x8e: {  	[tilespmem:s22], [sflag:$0x1] =	stream.indirect_vreg.gather [hbm4b:s3+s1], $0x80, v3, vm0, $0xb8;
	[tilespmem:$0xC080] =	vst v63  }
0x8f: {  	_ = 	snop  }
0x90: {  	[tilespmem:s23], [sflag:$0x1] =	stream.indirect_vreg.gather [hbm4b:s4+s1], $0x80, v3, vm1, $0xb8;
	[tilespmem:$0xC080] =	vst v63  }
0x91: {  	v3 =	vld [tilespmem:$0x70];
	_ =	sdelay $0x4  }
0x92: {  	v63 =	vshrl.u32 v3, $0x3  }
0x93: {  	v4 =	vmul.u32 $0x18, v63  }
0x94: {  	v3 =	vand.u32 $0x7, v3  }
0x95: {  	v3 =	vor.u32 v3, v4  }
0x96: {  	v4 =	vperm.xlane v3, v0;
	_ =	sdelay $0x1  }
0x97: {  	v4 =	vadd.s32 v1, v4;
	_ =	sdelay $0x1  }
0x98: {  	v3 =	vperm.xlane v3, v2;
	_ =	sdelay $0x1  }
0x99: {  	v3 =	vadd.s32 v1, v3  }
0x9a: {  	[tilespmem:s24], [sflag:$0x1] =	stream.indirect_vreg.gather [hbm4b:s3+s1], $0x80, v4, vm0, $0xb8;
	[tilespmem:$0xC080] =	vst v63  }
0x9b: {  	_ = 	snop  }
0x9c: {  	[tilespmem:s25], [sflag:$0x1] =	stream.indirect_vreg.gather [hbm4b:s4+s1], $0x80, v4, vm1, $0xb8;
	[tilespmem:$0xC080] =	vst v63  }
0x9d: {  	_ = 	snop  }
0x9e: {  	[tilespmem:s26], [sflag:$0x1] =	stream.indirect_vreg.gather [hbm4b:s3+s1], $0x80, v3, vm0, $0xb8;
	[tilespmem:$0xC080] =	vst v63  }
0x9f: {  	_ = 	snop  }
0xa0: {  	[tilespmem:s28], [sflag:$0x1] =	stream.indirect_vreg.gather [hbm4b:s4+s1], $0x80, v3, vm1, $0xb8;
	[tilespmem:$0xC080] =	vst v63  }
0xa1: {  	s2 =	smul.u32 $0x180, s2;
	_ =	swait.ge [sflag:s29], $0xC000  }
0xa2: {  	p0 =	sne.s32 s6, $0x1;
	s5 =	rddreg [dreg:$0x3];
	[sflag:s29] =	ssyncset.done $0x0  }
.Ltmp0:
0xa3: {  	s0 =	sadd.s32 s5, s2;
	[sflag:s29] =	ssyncadd.s32 $0xFFFF4000;
	(pc) =	sbr.rel @p0 .LBB2_2-.Ltmp0, $4  }
0xa4: {  	[hbm4b:s0+s1] =	stream.linear.scatter [tilespmem:s9], [sflag:$0x2], $0xC000, $0x38;
	[tilespmem:$0xC080] =	vst v63  }
0xa5: {  	_ =	swait.ge [sflag:s8], $0xC000  }
0xa6: {  	[sflag:s8] =	ssyncset.done $0x0  }
0xa7: {  	s31 =	sadd.s32 $0x1000, s31;
	s6 =	sadd.s32 $0xFFFFFFFF, s6;
	[sflag:s8] =	ssyncadd.s32 $0xFFFF4000  }
0xa8: {  	s30 =	sadd.s32 $0x1, s30;
	s0 =	rddreg [dreg:$0x11]  }
0xa9: {  	p0 =	sne.s32 s30, s0  }
.Ltmp1:
0xaa: {  	_ = 	snop;
	(pc) =	sbr.rel @p0 .LBB2_1-.Ltmp1, $1  }
0xab: {  	_ =	sdelay $0x3  }
0xac: {  	_ =	sfence.sel $0x180000  }
0xad: {  	[bflag:$0x0] =	sbarrier.arrive $0xFFFF  }
0xae: {  	_ =	strace $0x90000050  }
0xaf: {  	s0 =	stileid.u32;
	[bflag:$0x2] =	sbarrier.arrive $0xFFFF  }
0xb0: {  	p0 =	sne.s32 s0, $0x0;
	s0 =	rddreg [dreg:$0x1]  }
0xb1: {  	s0 =	sadd.s32 @!p0 $0x100000, s0  }
0xb2: {  	[sflag:s0] =	ssyncadd.tile.s32 @!p0 $0x1;
	_ =	shalt  }
.Lfunc_end2:
_tile_overlayer_lowered:
.L_overlay_start_2:
0xb3: {  	(tag) =	ssettag $0x2  }
0xb4: {  	s0 =	rddreg [dreg:$0x0];
	s2 =	stileid.u32  }
0xb5: {  	s1 =	rddreg [dreg:$0x1];
	p0 =	sne.s32 s2, $0x0  }
0xb6: {  	s3 =	rddreg [dreg:$0x2];
	[bflag:$0x3] =	sbarrier.arrive $0xFFFF;
	s2 =	simm.s32 @!p0 $0x1C02  }
0xb7: {  	[timem:s3], [sflag:s2] =	dma.local @!p0 [hbm:s0], s1  }
0xb8: {  	s0 =	simm.s32 @!p0 $0x2  }
0xb9: {  	_ =	swait.ge @!p0 [sflag:s0], s1  }
0xba: {  	s1 =	ssub.s32 @!p0 $0x0, s1;
	[sflag:s0] =	ssyncset.done @!p0 $0x0  }
0xbb: {  	[sflag:s0] =	ssyncadd.s32 @!p0 s1  }
0xbc: {  	[bflag:$0x3] =	sbarrier.arrive $0xFFFF  }
0xbd: {  	_ =	shalt  }

// kernel: scatter_offload_async_start
scs
__scs_entry_jumppad:
0x0: {  	(pc) =	sbr.rel $0x88, $3  }
0x1: {  	(tag) =	ssettag $0x0;
	lr =	simm.s32 $0x1  }
0x2: {  	[smem:$0x3F94] =	sst lr;
	_ =	strace $0xD0000000  }
0x3: {  	_ = 	snop  }
0x4: {  	_ = 	snop  }
0x5: {  	_ = 	snop  }
0x6: {  	_ = 	snop  }
0x7: {  	_ = 	snop  }
__scs_overlays_trampoline_lowered:
0x8: {  	[smem:$0x3FA3] =	sst s0  }
0x9: {  	[smem:$0x3FA4] =	sst s1  }
0xa: {  	[smem:$0x3FA5] =	sst s2  }
0xb: {  	[smem:$0x3FA6] =	sst s3  }
0xc: {  	[smem:$0x3FA7] =	sst s4  }
0xd: {  	[smem:$0x3FA8] =	sst s5  }
0xe: {  	[smem:$0x3FA9] =	sst s6  }
0xf: {  	[smem:$0x3FAA] =	sst s7  }
0x10: {  	[smem:$0x3FAB] =	sst s8  }
0x11: {  	[smem:$0x3FAC] =	sst s9;
	s0 =	simm.s32 @!p0 $0x0  }
0x12: {  	s1 =	sld [smem:$0x3F92];
	s0 =	simm.s32 @p0 $0x1  }
0x13: {  	[smem:$0x3FAD] =	sst s0;
	s0 =	simm.s32 @!p1 $0x0  }
0x14: {  	s2 =	sld [smem:$0x3F91];
	s0 =	simm.s32 @p1 $0x1  }
0x15: {  	[smem:$0x3FAE] =	sst s0;
	s0 =	simm.s32 @!p2 $0x0  }
0x16: {  	s3 =	sld [smem:$0x3FDB];
	s0 =	simm.s32 @p2 $0x1  }
0x17: {  	s4 =	simm.s32 $0x1BF5;
	[smem:$0x3FB0] =	sst s0  }
0x18: {  	s0 =	sld [smem:$0x3F93];
	_ =	swait.ge [sflag:s4], $0x0  }
0x19: {  	s7 =	sld [smem:$0x3F94]  }
0x1a: {  	s8 =	sadd.s32 $0xFFFFE003, lr  }
0x1b: {  	s9 =	sadd.s32 $0xFFFFFEF7, lr;
	s5 =	simm.s32 $0xFFFFFFFF;
	p2 =	slt.u32 s8, $0xFFFFF086  }
0x1c: {  	p1 =	slt.u32 s9, $0xF7A;
	s5 =	simm.s32 @!p2 $0x0  }
0x1d: {  	s5 =	simm.s32 @p1 $0x1;
	p0 =	seq.s32 s7, s2  }
0x1e: {  	s7 =	smul.u32 @!p0 $0xF7A, s2;
	p2 =	seq.s32 @!p0 s5, $0x0  }
0x1f: {  	s9 =	smul.u32 $0xF7A, s1;
	s8 =	simm.s32 @!p0 $0x1BF5;
	p2 =	por !p2, p0  }
0x20: {  	[sflag:s8] =	ssyncset.s32 @!p0 $0xFFFFF086;
	s6 =	sadd.s32 @!p0 s3, s7;
	s7 =	simm.s32 @!p0 $0x108  }
0x21: {  	s3 =	sadd.s32 s3, s9;
	s6 =	sadd.s32 @!p0 $0x88, s6;
	s7 =	simm.s32 @p2 $0x1082  }
0x22: {  	[simem:s7], [sflag:s8] =	dma.local @!p0 [hbm:s6], $0xF7A  }
0x23: {  	s9 =	sor.u32 $0xD0000000, s2;
	s6 =	simm.s32 $0x108;
	_ =	swait.ge @!p0 [sflag:s8], $0x0  }
0x24: {  	s3 =	sadd.s32 $0x88, s3;
	s6 =	simm.s32 @!p1 $0x1082;
	[sflag:s4] =	ssyncset.s32 $0xFFFFF086  }
0x25: {  	[simem:s6], [sflag:s4] =	dma.local [hbm:s3], $0xF7A  }
0x26: {  	[smem:$0x3F94] =	sst s1;
	(tag) =	ssettag s2;
	_ =	strace s9  }
0x27: {  	s1 =	sld [smem:$0x3FA4]  }
0x28: {  	s2 =	sld [smem:$0x3FA5]  }
0x29: {  	s4 =	sld [smem:$0x3FA7]  }
0x2a: {  	p0 =	seq.s32 s5, $0x0;
	s5 =	sld [smem:$0x3FA8]  }
0x2b: {  	s6 =	sld [smem:$0x3FA9]  }
0x2c: {  	s7 =	sld [smem:$0x3FAA]  }
0x2d: {  	s3 =	simm.s32 $0x108;
	s8 =	sld [smem:$0x3FAB]  }
0x2e: {  	s3 =	simm.s32 @!p0 $0x1082;
	s9 =	sld [smem:$0x3FAC]  }
0x2f: {  	lr =	sadd.s32 s0, s3;
	s0 =	sld [smem:$0x3FA3]  }
0x30: {  	s3 =	sld [smem:$0x3FA6]  }
0x31: {  	[smem:$0x3FAF] =	sst s10  }
0x32: {  	s10 =	sld [smem:$0x3FAD];
	_ =	sdelay $0x3  }
0x33: {  	p0 =	seq.s32 s10, $0x1;
	s10 =	sld [smem:$0x3FAF];
	_ =	sdelay $0x3  }
0x34: {  	[smem:$0x3FAF] =	sst s10  }
0x35: {  	s10 =	sld [smem:$0x3FAE];
	_ =	sdelay $0x3  }
0x36: {  	p1 =	seq.s32 s10, $0x1;
	s10 =	sld [smem:$0x3FAF];
	_ =	sdelay $0x3  }
0x37: {  	[smem:$0x3FAF] =	sst s10  }
0x38: {  	s10 =	sld [smem:$0x3FB0]  }
0x39: {  	_ = 	snop;
	(pc) =	sbr.ind lr, $3  }
0x3a: {  	_ = 	snop  }
0x3b: {  	_ = 	snop  }
0x3c: {  	p2 =	seq.s32 s10, $0x1;
	s10 =	sld [smem:$0x3FAF]  }
0x3d: {  	_ =	shalt  }
0x3e: {  	_ =	shalt  }
0x3f: {  	_ =	shalt  }
0x40: {  	_ =	shalt  }
0x41: {  	_ =	shalt  }
0x42: {  	_ =	shalt  }
0x43: {  	_ =	shalt  }
0x44: {  	_ =	shalt  }
0x45: {  	_ =	shalt  }
0x46: {  	_ =	shalt  }
0x47: {  	_ =	shalt  }
0x48: {  	_ =	shalt  }
0x49: {  	_ =	shalt  }
0x4a: {  	_ =	shalt  }
0x4b: {  	_ =	shalt  }
0x4c: {  	_ =	shalt  }
0x4d: {  	_ =	shalt  }
0x4e: {  	_ =	shalt  }
0x4f: {  	_ =	shalt  }
0x50: {  	_ =	shalt  }
0x51: {  	_ =	shalt  }
0x52: {  	_ =	shalt  }
0x53: {  	_ =	shalt  }
0x54: {  	_ =	shalt  }
0x55: {  	_ =	shalt  }
0x56: {  	_ =	shalt  }
0x57: {  	_ =	shalt  }
0x58: {  	_ =	shalt  }
0x59: {  	_ =	shalt  }
0x5a: {  	_ =	shalt  }
0x5b: {  	_ =	shalt  }
0x5c: {  	_ =	shalt  }
0x5d: {  	_ =	shalt  }
0x5e: {  	_ =	shalt  }
0x5f: {  	_ =	shalt  }
0x60: {  	_ =	shalt  }
0x61: {  	_ =	shalt  }
0x62: {  	_ =	shalt  }
0x63: {  	_ =	shalt  }
0x64: {  	_ =	shalt  }
0x65: {  	_ =	shalt  }
0x66: {  	_ =	shalt  }
0x67: {  	_ =	shalt  }
0x68: {  	_ =	shalt  }
0x69: {  	_ =	shalt  }
0x6a: {  	_ =	shalt  }
0x6b: {  	_ =	shalt  }
0x6c: {  	_ =	shalt  }
0x6d: {  	_ =	shalt  }
0x6e: {  	_ =	shalt  }
0x6f: {  	_ =	shalt  }
0x70: {  	_ =	shalt  }
0x71: {  	_ =	shalt  }
0x72: {  	_ =	shalt  }
0x73: {  	_ =	shalt  }
0x74: {  	_ =	shalt  }
0x75: {  	_ =	shalt  }
0x76: {  	_ =	shalt  }
0x77: {  	_ =	shalt  }
0x78: {  	_ =	shalt  }
0x79: {  	_ =	shalt  }
0x7a: {  	_ =	shalt  }
0x7b: {  	_ =	shalt  }
0x7c: {  	_ =	shalt  }
0x7d: {  	_ =	shalt  }
0x7e: {  	_ =	shalt  }
0x7f: {  	_ =	shalt  }
0x80: {  	_ =	shalt  }
0x81: {  	_ =	shalt  }
0x82: {  	_ =	shalt  }
0x83: {  	_ =	shalt  }
0x84: {  	_ =	shalt  }
0x85: {  	_ =	shalt  }
0x86: {  	_ =	shalt  }
0x87: {  	_ =	shalt  }
.Lfunc_end0:
.L_simem_size_0:
called_computation_lowered:
.L_overlay_start_0:
0x88: {  	s0 =	sld [smem:$0x3FD9]  }
0x89: {  	s1 =	sld [smem:$0x3FFE];
	_ =	sdelay $0x3  }
0x8a: {  	s0 =	sadd.s32 s1, s0  }
0x8b: {  	[smem:$0x3FBB] =	sst s0  }
0x8c: {  	_ = 	snop  }
0x8d: {  	s0 =	sld [smem:$0x3FD0];
	(tm) =	ssettm $0x1  }
0x8e: {  	s16 =	sld [smem:$0x3FFB];
	_ =	sdelay $0x3  }
0x8f: {  	_ =	strace s16  }
0x90: {  	s1 =	sld [smem:$0x3FFC];
	_ =	sdelay $0x3  }
0x91: {  	_ =	strace s1  }
0x92: {  	s1 =	sld [smem:$0x3FFD];
	_ =	sdelay $0x3  }
0x93: {  	_ =	strace s1  }
0x94: {  	_ =	strace $0x8FFFFFFF  }
0x95: {  	s17 =	sld [smem:$0x3FDB];
	_ =	sdelay $0x1  }
0x96: {  	s2 =	simm.s32 $_scs_section_size  }
0x97: {  	s3 =	simm.s32 $_size__tile_overlayer_lowered;
	s4 =	simm.s32 $_tile_overlayer_lowered  }
0x98: {  	s20 =	simm.s32 $0x1BFF;
	s19 =	sshll.u32 s4, $0x1;
	s1 =	sadd.s32 s2, s17  }
0x99: {  	s5 =	simm.s32 $0x0;
	s18 =	sshll.u32 s3, $0x1;
	s3 =	sadd.s32 s19, s1  }
0x9a: {  	[timem:s5], [sflag:s20] =	dma.local [hbm:s3], s18  }
0x9b: {  	_ =	swait.ge [sflag:s20], s18  }
0x9c: {  	s2 =	ssub.s32 $0x0, s18;
	[sflag:s20] =	ssyncset.done $0x0  }
0x9d: {  	[sflag:s20] =	ssyncadd.s32 s2;
	_ =	sdelay $0x1  }
0x9e: {  	s21 =	simm.s32 $0x1B8B  }
0x9f: {  	_ =	swait.ge [sflag:s21], $0x1  }
0xa0: {  	[sflag:s21] =	ssyncset.done $0x0  }
0xa1: {  	s23 =	simm.s32 $0x1B8E;
	s22 =	sld [smem:$0x3FFE];
	[sflag:s21] =	ssyncadd.s32 $0xFFFFFFFF  }
0xa2: {  	s24 =	simm.s32 $execute0_lowered;
	[smem:$0x3FD2] =	sst s23  }
0xa3: {  	s3 =	sshll.u32 s24, $0x1;
	_ =	strace $0x80000049;
	[dreg:$0x1] =	wrdreg $0xFFFFFFFF  }
0xa4: {  	s25 =	simm.s32 $_size_execute0_lowered;
	s1 =	sadd.s32 s1, s3;
	[dreg:$0x0] =	wrdreg $0x0  }
0xa5: {  	s3 =	sshll.u32 s25, $0x1;
	[dreg:$0x2] =	wrdreg s1  }
0xa6: {  	[dreg:$0x3] =	wrdreg s3  }
0xa7: {  	[dreg:$0x4] =	wrdreg $0xC0  }
0xa8: {  	_ =	task [dreg:s5], $0x5FFFF  }
0xa9: {  	[dreg:$0x1] =	wrdreg $0xFFFFFFFF  }
0xaa: {  	[dreg:$0x0] =	wrdreg $0x60  }
0xab: {  	[dreg:$0x2] =	wrdreg s22  }
0xac: {  	[dreg:$0x3] =	wrdreg s0  }
0xad: {  	[dreg:$0x4] =	wrdreg $0x9  }
0xae: {  	_ =	task.clear_ibuf [dreg:s5], $0x5FFFF;
	_ =	strace $0x90000049  }
0xaf: {  	s26 =	simm.s32 $0x9;
	_ =	strace $0x8000004B  }
0xb0: {  	_ =	swait.ge [sflag:s26], $0x1  }
0xb1: {  	[sflag:s26] =	ssyncadd.s32 $0xFFFFFFFF  }
0xb2: {  	_ =	strace $0x9000004B  }
0xb3: {  	_ =	sfence  }
0xb4: {  	s28 =	sld [smem:$0x0];
	_ =	sdelay $0x1  }
0xb5: {  	s29 =	srdreg.scid  }
0xb6: {  	s30 =	sshll.u32 s29, $0xD;
	s31 =	sshrl.u32 s29, $0x2  }
0xb7: {  	s2 =	sand.u32 $0x4000, s30;
	s1 =	sand.u32 $0x1, s29;
	s0 =	sadd.s32 s31, s28  }
0xb8: {  	s1 =	sor.u32 s2, s1;
	s0 =	sshll.u32 s0, $0x11  }
0xb9: {  	s0 =	sor.u32 s0, s1  }
0xba: {  	s0 =	sadd.s32 $0x8F2B, s0  }
0xbb: {  	[sflag:s0] =	ssyncadd.remote.s32 $0x1  }
0xbc: {  	_ =	sfence.sel $0xFFFF  }
0xbd: {  	[dreg:$0x0] =	wrdreg $0xFFFFFFFF;
	(pc) =	sbr.abs _section_cstart, $3  }
0xbe: {  	[dreg:$0x1] =	wrdreg $0xFFFFFFFF  }
0xbf: {  	_ =	task.clear_ibuf [dreg:s5], $0x2FFFF;
	_ =	strace $0x9FFFFFFF  }
0xc0: {  	(tm) =	ssettm $0x7FFFFFFF  }
0xc1: {  	_ =	shalt  }
tec
execute0_lowered:
.L_overlay_start_1:
0x0: {  	(tag) =	ssettag $0x1  }
0x1: {  	s7 =	rddreg [dreg:$0x0]  }
0x2: {  	s2 =	rddreg [dreg:$0x1]  }
0x3: {  	s0 =	rddreg [dreg:$0x2]  }
0x4: {  	_ =	strace $0x8000004A;
	s4 =	stileid.u32;
	s5 =	simm.s32 $0x3E  }
0x5: {  	s1 =	sadd.s32 $0x18E00, s7;
	p0 =	sne.s32 s4, $0x0;
	[sflag:s5] =	ssyncpa.u1 $0x0  }
0x6: {  	s30 =	smin.u32 s4, $0x4;
	s3 =	simm.s32 @!p0 $0x1C3E;
	s6 =	simm.s32 @!p0 $0x0  }
0x7: {  	[spmem:s6], [sflag:s3] =	dma.local @!p0 [hbm:s1], $0x500  }
0x8: {  	s3 =	sadd.s32 s4, s30  }
0x9: {  	p1 =	slt.u32 s4, $0x4;
	s4 =	simm.s32 $0x3E80;
	s3 =	smul.u32 $0x1F40, s3  }
0xa: {  	s4 =	simm.s32 @!p1 $0x1F40  }
0xb: {  	s4 =	sadd.s32 s4, s3  }
0xc: {  	s4 =	smin.u32 s4, $0x27100  }
0xd: {  	s8 =	ssub.s32 s4, s3  }
0xe: {  	p1 =	sgt.s32 s8, $0x0  }
0xf: {  	s8 =	simm.s32 @!p1 $0x0  }
0x10: {  	s6 =	simm.s32 @!p0 $0x3E;
	s31 =	smulhi.u32 $0x10624DD3, s8  }
0x11: {  	_ =	swait.ge @!p0 [sflag:s6], $0x500  }
0x12: {  	[sflag:s6] =	ssyncset.done @!p0 $0x0;
	s9 =	sshrl.u32 s31, $0x9  }
0x13: {  	s11 =	simm.s32 $0x0;
	[sflag:s6] =	ssyncadd.s32 @!p0 $0xFFFFFB00;
	s10 =	smul.u32 $0x1F40, s9  }
.Ltmp0:
0x14: {  	s7 =	sadd.s32 $0x19400, s7;
	[bflag:$0x0] =	sbarrier.arrive $0xFFFF;
	(pc) =	sbr.rel .LBB2_1-.Ltmp0, $4  }
0x15: {  	s6 =	simm.s32 $0x2;
	[sflag:s5] =	ssyncpa.u1 $0x1;
	s5 =	simm.s32 $0x1  }
0x16: {  	[sflag:s5] =	ssyncpa.u1 $0x0;
	p1 =	sne.s32 s8, s10;
	s8 =	simm.s32 $0x1  }
0x17: {  	(ifvalue) =	ssetifvalue $0x2800;
	[sflag:s6] =	ssyncpa.u1 $0x0;
	s8 =	simm.s32 @!p1 $0x0  }
0x18: {  	vm0 =	vmmov $0xffff;
	s10 =	smov.u32 s3;
	s8 =	sadd.s32 s8, s9;
	s9 =	simm.s32 $0x0  }
.LBB2_5:
0x19: {  	p2 =	sne.s32 s11, s8  }
.Ltmp1:
0x1a: {  	_ = 	snop;
	(pc) =	sbr.rel @!p2 .LBB2_6-.Ltmp1, $4  }
0x1b: {  	_ = 	snop  }
0x1c: {  	s12 =	sadd.s32 $0x1F40, s10  }
0x1d: {  	s10 =	smov.u32 s3;
	s13 =	sadd.s32 $0x1, s11;
	p1 =	slt.s32 s12, s4  }
0x1e: {  	s11 =	smov.u32 s13;
	s10 =	smov.u32 @p1 s12  }
.LBB2_1:
0x1f: {  	p1 =	sge.u32 s11, s8  }
0x20: {  	s12 =	sxor.u32 @!p1 $0xFFFFFFFF, s11  }
0x21: {  	s12 =	sand.u32 @!p1 $0x1, s12  }
0x22: {  	s12 =	smul.u32 @!p1 $0x1F40, s12  }
0x23: {  	s13 =	sshrl.u32 @!p1 s10, $0x3  }
0x24: {  	s16 =	sand.u32 @!p1 $0x7, s10;
	s14 =	sadd.s32 @!p1 s2, s13;
	s15 =	sadd.s32 @!p1 $0x280, s12  }
0x25: {  	[tilespmem:s15], [sflag:$0x2] =	stream.linear.gather @!p1 [hbm4b:s14+s16], $0x1F40, $0x38;
	[tilespmem:$0x7F80] =	vst v63  }
0x26: {  	s13 =	sadd.s32 @!p1 s7, s13;
	s12 =	sadd.s32 @!p1 $0x4100, s12  }
0x27: {  	[tilespmem:s12], [sflag:$0x2] =	stream.linear.gather @!p1 [hbm4b:s13+s16], $0x1F40, $0x38;
	[tilespmem:$0x7F80] =	vst v63  }
0x28: {  	p1 =	seq.s32 s11, $0x0  }
.Ltmp2:
0x29: {  	_ = 	snop;
	(pc) =	sbr.rel @p1 .LBB2_5-.Ltmp2, $1  }
0x2a: {  	_ =	sdelay $0x3  }
0x2b: {  	s12 =	sand.u32 $0x1, s11  }
0x2c: {  	_ =	swait.ge [sflag:s6], $0x3E80;
	p1 =	seq.s32 s12, $0x1;
	s12 =	simm.s32 $0x1F40  }
0x2d: {  	[sflag:s6] =	ssyncset.done $0x0;
	s12 =	simm.s32 @!p1 $0x0  }
0x2e: {  	[sflag:s6] =	ssyncadd.s32 $0xFFFFC180;
	s14 =	sadd.s32 $0x280, s12  }
0x2f: {  	v0 =	vld.msk [tilespmem:s14+$0x0 ss:$0x1], $0xffff;
	_ =	sdelay $0x4  }
0x30: {  	v0 =	vmin.u32 v0, $0x2800;
	_ =	sdelay $0x3  }
0x31: {  	s13 =	simm.s32 $0x0;
	s12 =	sadd.s32 $0x4100, s12;
	s14 =	sadd.s32 $0x10, s14  }
0x32: {  	[spmem:s9] =	stream.indirect_vreg.scatter.add.s32 [tilespmem:s12], [sflag:$0x1], $0x1, v0, vm0, $0x4038;
	[tilespmem:$0x7F80] =	vst v63  }
.LBB2_3:
0x33: {  	v0 =	vld.msk [tilespmem:s14+$0x0 ss:$0x1], $0xffff;
	s13 =	sadd.s32 $0x10, s13  }
0x34: {  	p1 =	slt.u32 s13, $0x1F30;
	_ =	sdelay $0x4  }
0x35: {  	v0 =	vmin.u32 v0, $0x2800  }
.Ltmp3:
0x36: {  	(pc) =	sbr.rel @p1 .LBB2_3-.Ltmp3, $3  }
0x37: {  	_ =	sdelay $0x1  }
0x38: {  	s14 =	sadd.s32 $0x10, s14;
	s12 =	sadd.s32 $0x10, s12  }
0x39: {  	[spmem:s9] =	stream.indirect_vreg.scatter.add.s32 [tilespmem:s12], [sflag:$0x1], $0x1, v0, vm0, $0x4038;
	[tilespmem:$0x7F80] =	vst v63  }
.Ltmp4:
0x3a: {  	(pc) =	sbr.rel .LBB2_5-.Ltmp4, $4  }
0x3b: {  	_ = 	snop  }
0x3c: {  	_ =	swait.ge [sflag:s5], $0x1F40  }
0x3d: {  	[sflag:s5] =	ssyncset.done $0x0  }
0x3e: {  	[sflag:s5] =	ssyncadd.s32 $0xFFFFE0C0  }
.LBB2_6:
0x3f: {  	_ =	sfence.sel $0x180000  }
0x40: {  	s2 =	simm.s32 $0x2;
	[bflag:$0x0] =	sbarrier.arrive $0xFFFF  }
0x41: {  	s30 =	simm.s32 $0x1;
	[sflag:s2] =	ssyncpa.u1 $0x1  }
0x42: {  	[sflag:s30] =	ssyncpa.u1 $0x1  }
0x43: {  	_ =	sfence.stream.spmem  }
0x44: {  	s31 =	simm.s32 $0x3D;
	[bflag:$0x0] =	sbarrier.arrive $0xFFFF  }
0x45: {  	s2 =	simm.s32 @p0 $0x3D;
	[sflag:s31] =	ssyncpa.u1 $0x0  }
0x46: {  	[sflag:s2] =	ssyncpa.u1 @p0 $0x1  }
0x47: {  	[bflag:$0x0] =	sbarrier.arrive @p0 $0xFFFF  }
0x48: {  	_ =	strace @p0 $0x9000004A  }
0x49: {  	s3 =	simm.s32 @!p0 $0x1C3D;
	s2 =	simm.s32 @!p0 $0x0;
	[bflag:$0x2] =	sbarrier.arrive @p0 $0xFFFF  }
0x4a: {  	[hbm:s1], [sflag:s3] =	dma.local @!p0 [spmem:s2], $0x500  }
0x4b: {  	s1 =	simm.s32 @!p0 $0x3D  }
0x4c: {  	_ =	swait.ge @!p0 [sflag:s1], $0x500  }
0x4d: {  	[sflag:s1] =	ssyncset.done @!p0 $0x0  }
0x4e: {  	[sflag:s1] =	ssyncadd.s32 @!p0 $0xFFFFFB00  }
0x4f: {  	[sflag:s1] =	ssyncpa.u1 @!p0 $0x1  }
0x50: {  	[bflag:$0x0] =	sbarrier.arrive @!p0 $0xFFFF  }
0x51: {  	_ =	strace @!p0 $0x9000004A  }
0x52: {  	s0 =	sadd.s32 @!p0 $0x100000, s0;
	[bflag:$0x2] =	sbarrier.arrive @!p0 $0xFFFF  }
0x53: {  	[sflag:s0] =	ssyncadd.tile.s32 @!p0 $0x1;
	_ =	shalt  }
.Lfunc_end2:
_tile_overlayer_lowered:
.L_overlay_start_2:
0x54: {  	(tag) =	ssettag $0x2  }
0x55: {  	s0 =	rddreg [dreg:$0x0];
	s2 =	stileid.u32  }
0x56: {  	s1 =	rddreg [dreg:$0x1];
	p0 =	sne.s32 s2, $0x0  }
0x57: {  	s3 =	rddreg [dreg:$0x2];
	[bflag:$0x3] =	sbarrier.arrive $0xFFFF;
	s2 =	simm.s32 @!p0 $0x1C01  }
0x58: {  	[timem:s3], [sflag:s2] =	dma.local @!p0 [hbm:s0], s1  }
0x59: {  	s0 =	simm.s32 @!p0 $0x1  }
0x5a: {  	_ =	swait.ge @!p0 [sflag:s0], s1  }
0x5b: {  	s1 =	ssub.s32 @!p0 $0x0, s1;
	[sflag:s0] =	ssyncset.done @!p0 $0x0  }
0x5c: {  	[sflag:s0] =	ssyncadd.s32 @!p0 s1  }
0x5d: {  	[bflag:$0x3] =	sbarrier.arrive $0xFFFF  }
0x5e: {  	_ =	shalt  }

</sc_bundles>
